<compile_context>
chip_gen: v7x
topology: tpu7x:2x2x1
jax: 0.10.2.dev20260603
libtpu: 0.0.44.dev20260713+nightly
codegen_flags: <defaults>
</compile_context>

<pallas_src>
import functools

import numpy as np
import jax
import jax.numpy as jnp
from jax import lax
from jax.experimental import pallas as pl
from jax.experimental.pallas import tpu as pltpu
from jax.experimental.pallas import tpu_sc as plsc

_CODE = np.array(
    [[0, 0, 0, 0, 0, 0, 0], [1, 1, 1, 0, 0, 0, 0], [1, 0, 0, 1, 1, 0, 0],
     [0, 1, 1, 1, 1, 0, 0], [0, 1, 0, 1, 0, 1, 0], [1, 0, 1, 1, 0, 1, 0],
     [1, 1, 0, 0, 1, 1, 0], [0, 0, 1, 0, 1, 1, 0], [1, 1, 0, 1, 0, 0, 1],
     [0, 0, 1, 1, 0, 0, 1], [0, 1, 0, 0, 1, 0, 1], [1, 0, 1, 0, 1, 0, 1],
     [1, 0, 0, 0, 0, 1, 1], [0, 1, 1, 0, 0, 1, 1], [0, 0, 0, 1, 1, 1, 1],
     [1, 1, 1, 1, 1, 1, 1]], dtype=np.int32)
_P = np.arange(128)
_WORDS = ((_P[:, None] >> np.arange(7)[None, :]) & 1).astype(np.int32)
_NEAREST = _CODE[((_WORDS[:, None, :] != _CODE[None, :, :]).sum(2)).argmin(1)]
_LUT_FLAT = np.ascontiguousarray(_NEAREST.reshape(-1))

_NC, _NS, _L = 2, 16, 16
_NW = _NC * _NS


def _pack_kernel(B):
    nx = B // 128
    bx = 2048

    def body(*refs):
        ins, out = refs[:7], refs[7]
        acc = ins[0][0]
        for kk in range(1, 7):
            acc = acc + (ins[kk][0] << kk)
        out[...] = acc

    return pl.pallas_call(
        body,
        grid=(nx // bx,),
        in_specs=[pl.BlockSpec((1, bx, 128), lambda i, kk=kk: (kk, i, 0))
                  for kk in range(7)],
        out_specs=pl.BlockSpec((bx, 128), lambda i: (i, 0)),
        out_shape=jax.ShapeDtypeStruct((nx, 128), jnp.int32),
    )


def _decode_kernel(B):
    n = B // _NW
    mesh = plsc.VectorSubcoreMesh(core_axis_name="c", subcore_axis_name="s")

    @functools.partial(
        pl.kernel,
        mesh=mesh,
        out_type=jax.ShapeDtypeStruct((4 * B,), jnp.int32),
        compiler_params=pltpu.CompilerParams(
            needs_layout_passes=False, use_tc_tiling_on_sc=False),
        scratch_types=[
            pltpu.VMEM((128 * 7,), jnp.int32),
            pltpu.VMEM((4, 7), jnp.float32),
            pltpu.VMEM((512,), jnp.int32),
            pltpu.VMEM((128,), jnp.int32),
            pltpu.VMEM((n,), jnp.int32),
            pltpu.VMEM((4 * n,), jnp.int32),
            pltpu.SemaphoreType.DMA,
        ],
    )
    def k(idx_hbm, r_hbm, lut_hbm, out_hbm,
          lut_v, r_v, tbl_v, pk_v, idx_v, out_v, sem_in):
        wid = lax.axis_index("s") * _NC + lax.axis_index("c")
        lane = lax.iota(jnp.int32, _L)
        zero = lane * 0

        in_handles = [
            pltpu.async_copy(idx_hbm.at[pl.ds(wid * n, n)], idx_v, sem_in)
        ]
        pltpu.sync_copy(lut_hbm, lut_v)
        pltpu.sync_copy(r_hbm, r_v)

        for s in range(512 // _L):
            q = lane + s * _L
            c7 = (q >> 2) * 7
            j = q & 3
            acc = jnp.zeros((_L,), jnp.float32)
            for kk in range(7):
                bk = plsc.load_gather(lut_v, [c7 + kk])
                rv = plsc.load_gather(r_v, [j, zero + kk])
                acc = acc + bk.astype(jnp.float32) * rv
            tbl_v[pl.ds(s * _L, _L)] = acc.astype(jnp.int32)

        for s in range(8):
            c4 = (lane + s * _L) * 4
            p = plsc.load_gather(tbl_v, [c4])
            for j in range(1, 4):
                p = p + (plsc.load_gather(tbl_v, [c4 + j]) << (8 * j))
            pk_v[pl.ds(s * _L, _L)] = p

        for h in in_handles:
            h.wait()

        def body(i):
            base = i * _L
            idx = idx_v[pl.ds(base, _L)]
            p = plsc.load_gather(pk_v, [idx])
            ob = (i >> 3) * 512 + (i & 7) * _L
            for j in range(4):
                out_v[pl.ds(ob + j * 128, _L)] = (p >> (8 * j)) & 0xFF

        half = n // _L // 2
        plsc.parallel_loop(0, half, unroll=16)(body)
        h0 = pltpu.async_copy(out_v.at[pl.ds(0, 2 * n)],
                              out_hbm.at[pl.ds(wid * 4 * n, 2 * n)], sem_in)
        plsc.parallel_loop(half, 2 * half, unroll=16)(body)
        pltpu.sync_copy(out_v.at[pl.ds(2 * n, 2 * n)],
                        out_hbm.at[pl.ds(wid * 4 * n + 2 * n, 2 * n)])
        h0.wait()

    return k


def kernel(harddecision, r):
    B = harddecision.shape[0]
    planes = jnp.transpose(harddecision, (2, 1, 0)).reshape(7, B // 128, 128)
    idx = _pack_kernel(B)(*([planes] * 7)).reshape(B)
    out = _decode_kernel(B)(idx, r.reshape(4, 7), jnp.asarray(_LUT_FLAT))
    return out.reshape(B // 128, 4, 128).transpose(0, 2, 1).reshape(B, 4)

# --- scband reference (transcript-rebuilt; emitter-appended) ---
"""Pipeline reference for scband-hamming-decoder-3624952398346 (READ-ONLY COPY).

The authoritative reference and input builder live on the scoring server;
editing this copy changes nothing except your own understanding.
"""

import jax, jax.numpy as jnp
import numpy as np

C_np = np.array([[0, 0, 0, 0, 0, 0, 0], [1, 1, 1, 0, 0, 0, 0], [1, 0, 0, 1, 1, 0, 0], [0, 1, 1, 1, 1, 0, 0], [0, 1, 0, 1, 0, 1, 0], [1, 0, 1, 1, 0, 1, 0], [1, 1, 0, 0, 1, 1, 0], [0, 0, 1, 0, 1, 1, 0], [1, 1, 0, 1, 0, 0, 1], [0, 0, 1, 1, 0, 0, 1], [0, 1, 0, 0, 1, 0, 1], [1, 0, 1, 0, 1, 0, 1], [1, 0, 0, 0, 0, 1, 1], [0, 1, 1, 0, 0, 1, 1], [0, 0, 0, 1, 1, 1, 1], [1, 1, 1, 1, 1, 1, 1]], dtype=np.int32)
r_np = np.array([[0, 0, 1, 0, 0, 0, 0], [0, 0, 0, 0, 1, 0, 0], [0, 0, 0, 0, 0, 1, 0], [0, 0, 0, 0, 0, 0, 1]], dtype=np.float32)


def setup_inputs(seed: int = 0) -> dict:
    key = jax.random.key(seed)
    B = 262144
    harddecision = jax.random.randint(key, (B, 1, 7), 0, 2, dtype=jnp.int32)
    r = jnp.asarray(r_np)
    return {"harddecision": harddecision, "r": r}


def reference(harddecision, r):
    C = jnp.asarray(C_np)
    # distances: broadcast [B,1,7] != [16,7] -> [B,16,7], sum over bit dim
    distances = jnp.sum(harddecision != C[None, :, :], axis=2)
    min_distance = jnp.argmin(distances, axis=1)  # [B]
    hd = C[min_distance]  # gather nearest codeword, [B,7]
    result = jnp.matmul(hd.astype(jnp.float32), r.T).astype(jnp.int32)  # [B,4]
    return result

if __name__ == "__main__":
    import jax
    _d = setup_inputs()
    print(jax.jit(kernel)(*tuple(_d.values())))

</pallas_src>

<mosaic_0001>
#map = affine_map<(d0, d1) -> (0)>
#map1 = affine_map<(d0, d1) -> (0, 0)>
module attributes {stable_mosaic.version = 14 : i64} {
  func.func @k(%arg0: i32, %arg1: i32, %arg2: memref<262144xi32, #tpu.memory_space<hbm>>, %arg3: memref<4x7xf32, #tpu.memory_space<hbm>>, %arg4: memref<896xi32, #tpu.memory_space<hbm>>, %arg5: memref<1048576xi32, #tpu.memory_space<hbm>>, %arg6: memref<896xi32, #tpu.memory_space<vmem>>, %arg7: memref<4x7xf32, #tpu.memory_space<vmem>>, %arg8: memref<512xi32, #tpu.memory_space<vmem>>, %arg9: memref<128xi32, #tpu.memory_space<vmem>>, %arg10: memref<8192xi32, #tpu.memory_space<vmem>>, %arg11: memref<32768xi32, #tpu.memory_space<vmem>>, %arg12: memref<!tpu.dma_semaphore, #tpu.memory_space<semaphore_mem>>) attributes {dimension_semantics = [#tpu.dimension_semantics<core_parallel>, #tpu.dimension_semantics<subcore_parallel>], iteration_bounds = array<i64: 2, 16>, scalar_prefetch = 0 : i64, scratch_operands = 7 : i64, tpu.core_type = #tpu.core_type<sc_vector_subcore>, window_params = [{transform_indices = #map}, {transform_indices = #map1}, {transform_indices = #map}, {transform_indices = #map}]} {
    %mul3A = arith.constant 2 : i32
    %mul3A_0 = arith.muli %arg1, %mul3A : i32
    %add3A = arith.addi %mul3A_0, %arg0 : i32
    %iota3A = tpu.iota {dimensions = array<i32: 0>} : vector<16xi32>
    %mul3A_1 = arith.constant 0 : i32
    %mul3A_2 = vector.broadcast %mul3A_1 : i32 to vector<16xi32>
    %mul3A_3 = arith.muli %iota3A, %mul3A_2 : vector<16xi32>
    %mul3A_4 = arith.constant 8192 : i32
    %mul3A_5 = arith.muli %add3A, %mul3A_4 : i32
    %dma_start3A = tpu.memref_slice %arg2[%mul3A_5] : memref<262144xi32, #tpu.memory_space<hbm>> -> memref<8192xi32, #tpu.memory_space<hbm>>
    %dma_start3A_6 = tpu.memref_slice %arg2[%mul3A_5] : memref<262144xi32, #tpu.memory_space<hbm>> -> memref<8192xi32, #tpu.memory_space<hbm>>
    tpu.enqueue_dma source(%dma_start3A_6 : memref<8192xi32, #tpu.memory_space<hbm>>) target(%arg10 : memref<8192xi32, #tpu.memory_space<vmem>>) target_semaphore(%arg12 : memref<!tpu.dma_semaphore, #tpu.memory_space<semaphore_mem>>)
    "tpu.region"() ({
      %run_scoped3A = tpu.sem_alloc : memref<!tpu.dma_semaphore, #tpu.memory_space<semaphore_mem>>
      tpu.enqueue_dma source(%arg4 : memref<896xi32, #tpu.memory_space<hbm>>) target(%arg6 : memref<896xi32, #tpu.memory_space<vmem>>) target_semaphore(%run_scoped3A : memref<!tpu.dma_semaphore, #tpu.memory_space<semaphore_mem>>)
      tpu.wait_dma2 semaphore(%run_scoped3A : memref<!tpu.dma_semaphore, #tpu.memory_space<semaphore_mem>>) src(%arg4 : memref<896xi32, #tpu.memory_space<hbm>>) dst(%arg6 : memref<896xi32, #tpu.memory_space<vmem>>)
      tpu.yield
    }) : () -> ()
    "tpu.region"() ({
      %run_scoped3A = tpu.sem_alloc : memref<!tpu.dma_semaphore, #tpu.memory_space<semaphore_mem>>
      tpu.enqueue_dma source(%arg3 : memref<4x7xf32, #tpu.memory_space<hbm>>) target(%arg7 : memref<4x7xf32, #tpu.memory_space<vmem>>) target_semaphore(%run_scoped3A : memref<!tpu.dma_semaphore, #tpu.memory_space<semaphore_mem>>)
      tpu.wait_dma2 semaphore(%run_scoped3A : memref<!tpu.dma_semaphore, #tpu.memory_space<semaphore_mem>>) src(%arg3 : memref<4x7xf32, #tpu.memory_space<hbm>>) dst(%arg7 : memref<4x7xf32, #tpu.memory_space<vmem>>)
      tpu.yield
    }) : () -> ()
    %add3A_7 = arith.constant 0 : i32
    %add3A_8 = vector.broadcast %add3A_7 : i32 to vector<16xi32>
    %add3A_9 = arith.addi %iota3A, %add3A_8 : vector<16xi32>
    %shift_right_arithmetic3A = arith.constant 2 : i32
    %shift_right_arithmetic3A_10 = vector.broadcast %shift_right_arithmetic3A : i32 to vector<16xi32>
    %shift_right_arithmetic3A_11 = arith.shrsi %add3A_9, %shift_right_arithmetic3A_10 : vector<16xi32>
    %mul3A_12 = arith.constant 7 : i32
    %mul3A_13 = vector.broadcast %mul3A_12 : i32 to vector<16xi32>
    %mul3A_14 = arith.muli %shift_right_arithmetic3A_11, %mul3A_13 : vector<16xi32>
    %and3A = arith.constant 3 : i32
    %and3A_15 = vector.broadcast %and3A : i32 to vector<16xi32>
    %and3A_16 = arith.andi %add3A_9, %and3A_15 : vector<16xi32>
    %broadcast_in_dim3A = arith.constant 0.000000e+00 : f32
    %broadcast_in_dim3A_17 = vector.broadcast %broadcast_in_dim3A : f32 to vector<16xf32>
    %add3A_18 = arith.constant 0 : i32
    %add3A_19 = vector.broadcast %add3A_18 : i32 to vector<16xi32>
    %add3A_20 = arith.addi %mul3A_14, %add3A_19 : vector<16xi32>
    %gather3A = tpu.vector_load_idx %arg6[%add3A_20] : memref<896xi32, #tpu.memory_space<vmem>>[vector<16xi32>], vector<16xi32>,
    %add3A_21 = arith.constant 0 : i32
    %add3A_22 = vector.broadcast %add3A_21 : i32 to vector<16xi32>
    %add3A_23 = arith.addi %mul3A_3, %add3A_22 : vector<16xi32>
    %gather3A_24 = tpu.vector_load_idx %arg7[%and3A_16, %add3A_23] : memref<4x7xf32, #tpu.memory_space<vmem>>[vector<16xi32>, vector<16xi32>], vector<16xf32>,
    %convert_element_type3A = arith.sitofp %gather3A : vector<16xi32> to vector<16xf32>
    %mul3A_25 = arith.mulf %convert_element_type3A, %gather3A_24 : vector<16xf32>
    %add3A_26 = arith.addf %broadcast_in_dim3A_17, %mul3A_25 : vector<16xf32>
    %add3A_27 = arith.constant 1 : i32
    %add3A_28 = vector.broadcast %add3A_27 : i32 to vector<16xi32>
    %add3A_29 = arith.addi %mul3A_14, %add3A_28 : vector<16xi32>
    %gather3A_30 = tpu.vector_load_idx %arg6[%add3A_29] : memref<896xi32, #tpu.memory_space<vmem>>[vector<16xi32>], vector<16xi32>,
    %add3A_31 = arith.constant 1 : i32
    %add3A_32 = vector.broadcast %add3A_31 : i32 to vector<16xi32>
    %add3A_33 = arith.addi %mul3A_3, %add3A_32 : vector<16xi32>
    %gather3A_34 = tpu.vector_load_idx %arg7[%and3A_16, %add3A_33] : memref<4x7xf32, #tpu.memory_space<vmem>>[vector<16xi32>, vector<16xi32>], vector<16xf32>,
    %convert_element_type3A_35 = arith.sitofp %gather3A_30 : vector<16xi32> to vector<16xf32>
    %mul3A_36 = arith.mulf %convert_element_type3A_35, %gather3A_34 : vector<16xf32>
    %add3A_37 = arith.addf %add3A_26, %mul3A_36 : vector<16xf32>
    %add3A_38 = arith.constant 2 : i32
    %add3A_39 = vector.broadcast %add3A_38 : i32 to vector<16xi32>
    %add3A_40 = arith.addi %mul3A_14, %add3A_39 : vector<16xi32>
    %gather3A_41 = tpu.vector_load_idx %arg6[%add3A_40] : memref<896xi32, #tpu.memory_space<vmem>>[vector<16xi32>], vector<16xi32>,
    %add3A_42 = arith.constant 2 : i32
    %add3A_43 = vector.broadcast %add3A_42 : i32 to vector<16xi32>
    %add3A_44 = arith.addi %mul3A_3, %add3A_43 : vector<16xi32>
    %gather3A_45 = tpu.vector_load_idx %arg7[%and3A_16, %add3A_44] : memref<4x7xf32, #tpu.memory_space<vmem>>[vector<16xi32>, vector<16xi32>], vector<16xf32>,
    %convert_element_type3A_46 = arith.sitofp %gather3A_41 : vector<16xi32> to vector<16xf32>
    %mul3A_47 = arith.mulf %convert_element_type3A_46, %gather3A_45 : vector<16xf32>
    %add3A_48 = arith.addf %add3A_37, %mul3A_47 : vector<16xf32>
    %add3A_49 = arith.constant 3 : i32
    %add3A_50 = vector.broadcast %add3A_49 : i32 to vector<16xi32>
    %add3A_51 = arith.addi %mul3A_14, %add3A_50 : vector<16xi32>
    %gather3A_52 = tpu.vector_load_idx %arg6[%add3A_51] : memref<896xi32, #tpu.memory_space<vmem>>[vector<16xi32>], vector<16xi32>,
    %add3A_53 = arith.constant 3 : i32
    %add3A_54 = vector.broadcast %add3A_53 : i32 to vector<16xi32>
    %add3A_55 = arith.addi %mul3A_3, %add3A_54 : vector<16xi32>
    %gather3A_56 = tpu.vector_load_idx %arg7[%and3A_16, %add3A_55] : memref<4x7xf32, #tpu.memory_space<vmem>>[vector<16xi32>, vector<16xi32>], vector<16xf32>,
    %convert_element_type3A_57 = arith.sitofp %gather3A_52 : vector<16xi32> to vector<16xf32>
    %mul3A_58 = arith.mulf %convert_element_type3A_57, %gather3A_56 : vector<16xf32>
    %add3A_59 = arith.addf %add3A_48, %mul3A_58 : vector<16xf32>
    %add3A_60 = arith.constant 4 : i32
    %add3A_61 = vector.broadcast %add3A_60 : i32 to vector<16xi32>
    %add3A_62 = arith.addi %mul3A_14, %add3A_61 : vector<16xi32>
    %gather3A_63 = tpu.vector_load_idx %arg6[%add3A_62] : memref<896xi32, #tpu.memory_space<vmem>>[vector<16xi32>], vector<16xi32>,
    %add3A_64 = arith.constant 4 : i32
    %add3A_65 = vector.broadcast %add3A_64 : i32 to vector<16xi32>
    %add3A_66 = arith.addi %mul3A_3, %add3A_65 : vector<16xi32>
    %gather3A_67 = tpu.vector_load_idx %arg7[%and3A_16, %add3A_66] : memref<4x7xf32, #tpu.memory_space<vmem>>[vector<16xi32>, vector<16xi32>], vector<16xf32>,
    %convert_element_type3A_68 = arith.sitofp %gather3A_63 : vector<16xi32> to vector<16xf32>
    %mul3A_69 = arith.mulf %convert_element_type3A_68, %gather3A_67 : vector<16xf32>
    %add3A_70 = arith.addf %add3A_59, %mul3A_69 : vector<16xf32>
    %add3A_71 = arith.constant 5 : i32
    %add3A_72 = vector.broadcast %add3A_71 : i32 to vector<16xi32>
    %add3A_73 = arith.addi %mul3A_14, %add3A_72 : vector<16xi32>
    %gather3A_74 = tpu.vector_load_idx %arg6[%add3A_73] : memref<896xi32, #tpu.memory_space<vmem>>[vector<16xi32>], vector<16xi32>,
    %add3A_75 = arith.constant 5 : i32
    %add3A_76 = vector.broadcast %add3A_75 : i32 to vector<16xi32>
    %add3A_77 = arith.addi %mul3A_3, %add3A_76 : vector<16xi32>
    %gather3A_78 = tpu.vector_load_idx %arg7[%and3A_16, %add3A_77] : memref<4x7xf32, #tpu.memory_space<vmem>>[vector<16xi32>, vector<16xi32>], vector<16xf32>,
    %convert_element_type3A_79 = arith.sitofp %gather3A_74 : vector<16xi32> to vector<16xf32>
    %mul3A_80 = arith.mulf %convert_element_type3A_79, %gather3A_78 : vector<16xf32>
    %add3A_81 = arith.addf %add3A_70, %mul3A_80 : vector<16xf32>
    %add3A_82 = arith.constant 6 : i32
    %add3A_83 = vector.broadcast %add3A_82 : i32 to vector<16xi32>
    %add3A_84 = arith.addi %mul3A_14, %add3A_83 : vector<16xi32>
    %gather3A_85 = tpu.vector_load_idx %arg6[%add3A_84] : memref<896xi32, #tpu.memory_space<vmem>>[vector<16xi32>], vector<16xi32>,
    %add3A_86 = arith.constant 6 : i32
    %add3A_87 = vector.broadcast %add3A_86 : i32 to vector<16xi32>
    %add3A_88 = arith.addi %mul3A_3, %add3A_87 : vector<16xi32>
    %gather3A_89 = tpu.vector_load_idx %arg7[%and3A_16, %add3A_88] : memref<4x7xf32, #tpu.memory_space<vmem>>[vector<16xi32>, vector<16xi32>], vector<16xf32>,
    %convert_element_type3A_90 = arith.sitofp %gather3A_85 : vector<16xi32> to vector<16xf32>
    %mul3A_91 = arith.mulf %convert_element_type3A_90, %gather3A_89 : vector<16xf32>
    %add3A_92 = arith.addf %add3A_81, %mul3A_91 : vector<16xf32>
    %convert_element_type3A_93 = arith.fptosi %add3A_92 : vector<16xf32> to vector<16xi32>
    %swap3A = arith.constant 0 : index
    %swap3A_94 = tpu.vector_load %arg8[%swap3A] {strides = array<i32>} : memref<512xi32, #tpu.memory_space<vmem>>, vector<16xi32>,
    tpu.vector_store %arg8[%swap3A], %convert_element_type3A_93 {strides = array<i32>} : memref<512xi32, #tpu.memory_space<vmem>>, vector<16xi32>,
    %add3A_95 = arith.constant 16 : i32
    %add3A_96 = vector.broadcast %add3A_95 : i32 to vector<16xi32>
    %add3A_97 = arith.addi %iota3A, %add3A_96 : vector<16xi32>
    %shift_right_arithmetic3A_98 = arith.constant 2 : i32
    %shift_right_arithmetic3A_99 = vector.broadcast %shift_right_arithmetic3A_98 : i32 to vector<16xi32>
    %shift_right_arithmetic3A_100 = arith.shrsi %add3A_97, %shift_right_arithmetic3A_99 : vector<16xi32>
    %mul3A_101 = arith.constant 7 : i32
    %mul3A_102 = vector.broadcast %mul3A_101 : i32 to vector<16xi32>
    %mul3A_103 = arith.muli %shift_right_arithmetic3A_100, %mul3A_102 : vector<16xi32>
    %and3A_104 = arith.constant 3 : i32
    %and3A_105 = vector.broadcast %and3A_104 : i32 to vector<16xi32>
    %and3A_106 = arith.andi %add3A_97, %and3A_105 : vector<16xi32>
    %broadcast_in_dim3A_107 = arith.constant 0.000000e+00 : f32
    %broadcast_in_dim3A_108 = vector.broadcast %broadcast_in_dim3A_107 : f32 to vector<16xf32>
    %add3A_109 = arith.constant 0 : i32
    %add3A_110 = vector.broadcast %add3A_109 : i32 to vector<16xi32>
    %add3A_111 = arith.addi %mul3A_103, %add3A_110 : vector<16xi32>
    %gather3A_112 = tpu.vector_load_idx %arg6[%add3A_111] : memref<896xi32, #tpu.memory_space<vmem>>[vector<16xi32>], vector<16xi32>,
    %add3A_113 = arith.constant 0 : i32
    %add3A_114 = vector.broadcast %add3A_113 : i32 to vector<16xi32>
    %add3A_115 = arith.addi %mul3A_3, %add3A_114 : vector<16xi32>
    %gather3A_116 = tpu.vector_load_idx %arg7[%and3A_106, %add3A_115] : memref<4x7xf32, #tpu.memory_space<vmem>>[vector<16xi32>, vector<16xi32>], vector<16xf32>,
    %convert_element_type3A_117 = arith.sitofp %gather3A_112 : vector<16xi32> to vector<16xf32>
    %mul3A_118 = arith.mulf %convert_element_type3A_117, %gather3A_116 : vector<16xf32>
    %add3A_119 = arith.addf %broadcast_in_dim3A_108, %mul3A_118 : vector<16xf32>
    %add3A_120 = arith.constant 1 : i32
    %add3A_121 = vector.broadcast %add3A_120 : i32 to vector<16xi32>
    %add3A_122 = arith.addi %mul3A_103, %add3A_121 : vector<16xi32>
    %gather3A_123 = tpu.vector_load_idx %arg6[%add3A_122] : memref<896xi32, #tpu.memory_space<vmem>>[vector<16xi32>], vector<16xi32>,
    %add3A_124 = arith.constant 1 : i32
    %add3A_125 = vector.broadcast %add3A_124 : i32 to vector<16xi32>
    %add3A_126 = arith.addi %mul3A_3, %add3A_125 : vector<16xi32>
    %gather3A_127 = tpu.vector_load_idx %arg7[%and3A_106, %add3A_126] : memref<4x7xf32, #tpu.memory_space<vmem>>[vector<16xi32>, vector<16xi32>], vector<16xf32>,
    %convert_element_type3A_128 = arith.sitofp %gather3A_123 : vector<16xi32> to vector<16xf32>
    %mul3A_129 = arith.mulf %convert_element_type3A_128, %gather3A_127 : vector<16xf32>
    %add3A_130 = arith.addf %add3A_119, %mul3A_129 : vector<16xf32>
    %add3A_131 = arith.constant 2 : i32
    %add3A_132 = vector.broadcast %add3A_131 : i32 to vector<16xi32>
    %add3A_133 = arith.addi %mul3A_103, %add3A_132 : vector<16xi32>
    %gather3A_134 = tpu.vector_load_idx %arg6[%add3A_133] : memref<896xi32, #tpu.memory_space<vmem>>[vector<16xi32>], vector<16xi32>,
    %add3A_135 = arith.constant 2 : i32
    %add3A_136 = vector.broadcast %add3A_135 : i32 to vector<16xi32>
    %add3A_137 = arith.addi %mul3A_3, %add3A_136 : vector<16xi32>
    %gather3A_138 = tpu.vector_load_idx %arg7[%and3A_106, %add3A_137] : memref<4x7xf32, #tpu.memory_space<vmem>>[vector<16xi32>, vector<16xi32>], vector<16xf32>,
    %convert_element_type3A_139 = arith.sitofp %gather3A_134 : vector<16xi32> to vector<16xf32>
    %mul3A_140 = arith.mulf %convert_element_type3A_139, %gather3A_138 : vector<16xf32>
    %add3A_141 = arith.addf %add3A_130, %mul3A_140 : vector<16xf32>
    %add3A_142 = arith.constant 3 : i32
    %add3A_143 = vector.broadcast %add3A_142 : i32 to vector<16xi32>
    %add3A_144 = arith.addi %mul3A_103, %add3A_143 : vector<16xi32>
    %gather3A_145 = tpu.vector_load_idx %arg6[%add3A_144] : memref<896xi32, #tpu.memory_space<vmem>>[vector<16xi32>], vector<16xi32>,
    %add3A_146 = arith.constant 3 : i32
    %add3A_147 = vector.broadcast %add3A_146 : i32 to vector<16xi32>
    %add3A_148 = arith.addi %mul3A_3, %add3A_147 : vector<16xi32>
    %gather3A_149 = tpu.vector_load_idx %arg7[%and3A_106, %add3A_148] : memref<4x7xf32, #tpu.memory_space<vmem>>[vector<16xi32>, vector<16xi32>], vector<16xf32>,
    %convert_element_type3A_150 = arith.sitofp %gather3A_145 : vector<16xi32> to vector<16xf32>
    %mul3A_151 = arith.mulf %convert_element_type3A_150, %gather3A_149 : vector<16xf32>
    %add3A_152 = arith.addf %add3A_141, %mul3A_151 : vector<16xf32>
    %add3A_153 = arith.constant 4 : i32
    %add3A_154 = vector.broadcast %add3A_153 : i32 to vector<16xi32>
    %add3A_155 = arith.addi %mul3A_103, %add3A_154 : vector<16xi32>
    %gather3A_156 = tpu.vector_load_idx %arg6[%add3A_155] : memref<896xi32, #tpu.memory_space<vmem>>[vector<16xi32>], vector<16xi32>,
    %add3A_157 = arith.constant 4 : i32
    %add3A_158 = vector.broadcast %add3A_157 : i32 to vector<16xi32>
    %add3A_159 = arith.addi %mul3A_3, %add3A_158 : vector<16xi32>
    %gather3A_160 = tpu.vector_load_idx %arg7[%and3A_106, %add3A_159] : memref<4x7xf32, #tpu.memory_space<vmem>>[vector<16xi32>, vector<16xi32>], vector<16xf32>,
    %convert_element_type3A_161 = arith.sitofp %gather3A_156 : vector<16xi32> to vector<16xf32>
    %mul3A_162 = arith.mulf %convert_element_type3A_161, %gather3A_160 : vector<16xf32>
    %add3A_163 = arith.addf %add3A_152, %mul3A_162 : vector<16xf32>
    %add3A_164 = arith.constant 5 : i32
    %add3A_165 = vector.broadcast %add3A_164 : i32 to vector<16xi32>
    %add3A_166 = arith.addi %mul3A_103, %add3A_165 : vector<16xi32>
    %gather3A_167 = tpu.vector_load_idx %arg6[%add3A_166] : memref<896xi32, #tpu.memory_space<vmem>>[vector<16xi32>], vector<16xi32>,
    %add3A_168 = arith.constant 5 : i32
    %add3A_169 = vector.broadcast %add3A_168 : i32 to vector<16xi32>
    %add3A_170 = arith.addi %mul3A_3, %add3A_169 : vector<16xi32>
    %gather3A_171 = tpu.vector_load_idx %arg7[%and3A_106, %add3A_170] : memref<4x7xf32, #tpu.memory_space<vmem>>[vector<16xi32>, vector<16xi32>], vector<16xf32>,
    %convert_element_type3A_172 = arith.sitofp %gather3A_167 : vector<16xi32> to vector<16xf32>
    %mul3A_173 = arith.mulf %convert_element_type3A_172, %gather3A_171 : vector<16xf32>
    %add3A_174 = arith.addf %add3A_163, %mul3A_173 : vector<16xf32>
    %add3A_175 = arith.constant 6 : i32
    %add3A_176 = vector.broadcast %add3A_175 : i32 to vector<16xi32>
    %add3A_177 = arith.addi %mul3A_103, %add3A_176 : vector<16xi32>
    %gather3A_178 = tpu.vector_load_idx %arg6[%add3A_177] : memref<896xi32, #tpu.memory_space<vmem>>[vector<16xi32>], vector<16xi32>,
    %add3A_179 = arith.constant 6 : i32
    %add3A_180 = vector.broadcast %add3A_179 : i32 to vector<16xi32>
    %add3A_181 = arith.addi %mul3A_3, %add3A_180 : vector<16xi32>
    %gather3A_182 = tpu.vector_load_idx %arg7[%and3A_106, %add3A_181] : memref<4x7xf32, #tpu.memory_space<vmem>>[vector<16xi32>, vector<16xi32>], vector<16xf32>,
    %convert_element_type3A_183 = arith.sitofp %gather3A_178 : vector<16xi32> to vector<16xf32>
    %mul3A_184 = arith.mulf %convert_element_type3A_183, %gather3A_182 : vector<16xf32>
    %add3A_185 = arith.addf %add3A_174, %mul3A_184 : vector<16xf32>
    %convert_element_type3A_186 = arith.fptosi %add3A_185 : vector<16xf32> to vector<16xi32>
    %swap3A_187 = arith.constant 16 : index
    %swap3A_188 = tpu.vector_load %arg8[%swap3A_187] {strides = array<i32>} : memref<512xi32, #tpu.memory_space<vmem>>, vector<16xi32>,
    tpu.vector_store %arg8[%swap3A_187], %convert_element_type3A_186 {strides = array<i32>} : memref<512xi32, #tpu.memory_space<vmem>>, vector<16xi32>,
    %add3A_189 = arith.constant 32 : i32
    %add3A_190 = vector.broadcast %add3A_189 : i32 to vector<16xi32>
    %add3A_191 = arith.addi %iota3A, %add3A_190 : vector<16xi32>
    %shift_right_arithmetic3A_192 = arith.constant 2 : i32
    %shift_right_arithmetic3A_193 = vector.broadcast %shift_right_arithmetic3A_192 : i32 to vector<16xi32>
    %shift_right_arithmetic3A_194 = arith.shrsi %add3A_191, %shift_right_arithmetic3A_193 : vector<16xi32>
    %mul3A_195 = arith.constant 7 : i32
    %mul3A_196 = vector.broadcast %mul3A_195 : i32 to vector<16xi32>
    %mul3A_197 = arith.muli %shift_right_arithmetic3A_194, %mul3A_196 : vector<16xi32>
    %and3A_198 = arith.constant 3 : i32
    %and3A_199 = vector.broadcast %and3A_198 : i32 to vector<16xi32>
    %and3A_200 = arith.andi %add3A_191, %and3A_199 : vector<16xi32>
    %broadcast_in_dim3A_201 = arith.constant 0.000000e+00 : f32
    %broadcast_in_dim3A_202 = vector.broadcast %broadcast_in_dim3A_201 : f32 to vector<16xf32>
    %add3A_203 = arith.constant 0 : i32
    %add3A_204 = vector.broadcast %add3A_203 : i32 to vector<16xi32>
    %add3A_205 = arith.addi %mul3A_197, %add3A_204 : vector<16xi32>
    %gather3A_206 = tpu.vector_load_idx %arg6[%add3A_205] : memref<896xi32, #tpu.memory_space<vmem>>[vector<16xi32>], vector<16xi32>,
    %add3A_207 = arith.constant 0 : i32
    %add3A_208 = vector.broadcast %add3A_207 : i32 to vector<16xi32>
    %add3A_209 = arith.addi %mul3A_3, %add3A_208 : vector<16xi32>
    %gather3A_210 = tpu.vector_load_idx %arg7[%and3A_200, %add3A_209] : memref<4x7xf32, #tpu.memory_space<vmem>>[vector<16xi32>, vector<16xi32>], vector<16xf32>,
    %convert_element_type3A_211 = arith.sitofp %gather3A_206 : vector<16xi32> to vector<16xf32>
    %mul3A_212 = arith.mulf %convert_element_type3A_211, %gather3A_210 : vector<16xf32>
    %add3A_213 = arith.addf %broadcast_in_dim3A_202, %mul3A_212 : vector<16xf32>
    %add3A_214 = arith.constant 1 : i32
    %add3A_215 = vector.broadcast %add3A_214 : i32 to vector<16xi32>
    %add3A_216 = arith.addi %mul3A_197, %add3A_215 : vector<16xi32>
    %gather3A_217 = tpu.vector_load_idx %arg6[%add3A_216] : memref<896xi32, #tpu.memory_space<vmem>>[vector<16xi32>], vector<16xi32>,
    %add3A_218 = arith.constant 1 : i32
    %add3A_219 = vector.broadcast %add3A_218 : i32 to vector<16xi32>
    %add3A_220 = arith.addi %mul3A_3, %add3A_219 : vector<16xi32>
    %gather3A_221 = tpu.vector_load_idx %arg7[%and3A_200, %add3A_220] : memref<4x7xf32, #tpu.memory_space<vmem>>[vector<16xi32>, vector<16xi32>], vector<16xf32>,
    %convert_element_type3A_222 = arith.sitofp %gather3A_217 : vector<16xi32> to vector<16xf32>
    %mul3A_223 = arith.mulf %convert_element_type3A_222, %gather3A_221 : vector<16xf32>
    %add3A_224 = arith.addf %add3A_213, %mul3A_223 : vector<16xf32>
    %add3A_225 = arith.constant 2 : i32
    %add3A_226 = vector.broadcast %add3A_225 : i32 to vector<16xi32>
    %add3A_227 = arith.addi %mul3A_197, %add3A_226 : vector<16xi32>
    %gather3A_228 = tpu.vector_load_idx %arg6[%add3A_227] : memref<896xi32, #tpu.memory_space<vmem>>[vector<16xi32>], vector<16xi32>,
    %add3A_229 = arith.constant 2 : i32
    %add3A_230 = vector.broadcast %add3A_229 : i32 to vector<16xi32>
    %add3A_231 = arith.addi %mul3A_3, %add3A_230 : vector<16xi32>
    %gather3A_232 = tpu.vector_load_idx %arg7[%and3A_200, %add3A_231] : memref<4x7xf32, #tpu.memory_space<vmem>>[vector<16xi32>, vector<16xi32>], vector<16xf32>,
    %convert_element_type3A_233 = arith.sitofp %gather3A_228 : vector<16xi32> to vector<16xf32>
    %mul3A_234 = arith.mulf %convert_element_type3A_233, %gather3A_232 : vector<16xf32>
    %add3A_235 = arith.addf %add3A_224, %mul3A_234 : vector<16xf32>
    %add3A_236 = arith.constant 3 : i32
    %add3A_237 = vector.broadcast %add3A_236 : i32 to vector<16xi32>
    %add3A_238 = arith.addi %mul3A_197, %add3A_237 : vector<16xi32>
    %gather3A_239 = tpu.vector_load_idx %arg6[%add3A_238] : memref<896xi32, #tpu.memory_space<vmem>>[vector<16xi32>], vector<16xi32>,
    %add3A_240 = arith.constant 3 : i32
    %add3A_241 = vector.broadcast %add3A_240 : i32 to vector<16xi32>
    %add3A_242 = arith.addi %mul3A_3, %add3A_241 : vector<16xi32>
    %gather3A_243 = tpu.vector_load_idx %arg7[%and3A_200, %add3A_242] : memref<4x7xf32, #tpu.memory_space<vmem>>[vector<16xi32>, vector<16xi32>], vector<16xf32>,
    %convert_element_type3A_244 = arith.sitofp %gather3A_239 : vector<16xi32> to vector<16xf32>
    %mul3A_245 = arith.mulf %convert_element_type3A_244, %gather3A_243 : vector<16xf32>
    %add3A_246 = arith.addf %add3A_235, %mul3A_245 : vector<16xf32>
    %add3A_247 = arith.constant 4 : i32
    %add3A_248 = vector.broadcast %add3A_247 : i32 to vector<16xi32>
    %add3A_249 = arith.addi %mul3A_197, %add3A_248 : vector<16xi32>
    %gather3A_250 = tpu.vector_load_idx %arg6[%add3A_249] : memref<896xi32, #tpu.memory_space<vmem>>[vector<16xi32>], vector<16xi32>,
    %add3A_251 = arith.constant 4 : i32
    %add3A_252 = vector.broadcast %add3A_251 : i32 to vector<16xi32>
    %add3A_253 = arith.addi %mul3A_3, %add3A_252 : vector<16xi32>
    %gather3A_254 = tpu.vector_load_idx %arg7[%and3A_200, %add3A_253] : memref<4x7xf32, #tpu.memory_space<vmem>>[vector<16xi32>, vector<16xi32>], vector<16xf32>,
    %convert_element_type3A_255 = arith.sitofp %gather3A_250 : vector<16xi32> to vector<16xf32>
    %mul3A_256 = arith.mulf %convert_element_type3A_255, %gather3A_254 : vector<16xf32>
    %add3A_257 = arith.addf %add3A_246, %mul3A_256 : vector<16xf32>
    %add3A_258 = arith.constant 5 : i32
    %add3A_259 = vector.broadcast %add3A_258 : i32 to vector<16xi32>
    %add3A_260 = arith.addi %mul3A_197, %add3A_259 : vector<16xi32>
    %gather3A_261 = tpu.vector_load_idx %arg6[%add3A_260] : memref<896xi32, #tpu.memory_space<vmem>>[vector<16xi32>], vector<16xi32>,
    %add3A_262 = arith.constant 5 : i32
    %add3A_263 = vector.broadcast %add3A_262 : i32 to vector<16xi32>
    %add3A_264 = arith.addi %mul3A_3, %add3A_263 : vector<16xi32>
    %gather3A_265 = tpu.vector_load_idx %arg7[%and3A_200, %add3A_264] : memref<4x7xf32, #tpu.memory_space<vmem>>[vector<16xi32>, vector<16xi32>], vector<16xf32>,
    %convert_element_type3A_266 = arith.sitofp %gather3A_261 : vector<16xi32> to vector<16xf32>
    %mul3A_267 = arith.mulf %convert_element_type3A_266, %gather3A_265 : vector<16xf32>
    %add3A_268 = arith.addf %add3A_257, %mul3A_267 : vector<16xf32>
    %add3A_269 = arith.constant 6 : i32
    %add3A_270 = vector.broadcast %add3A_269 : i32 to vector<16xi32>
    %add3A_271 = arith.addi %mul3A_197, %add3A_270 : vector<16xi32>
    %gather3A_272 = tpu.vector_load_idx %arg6[%add3A_271] : memref<896xi32, #tpu.memory_space<vmem>>[vector<16xi32>], vector<16xi32>,
    %add3A_273 = arith.constant 6 : i32
    %add3A_274 = vector.broadcast %add3A_273 : i32 to vector<16xi32>
    %add3A_275 = arith.addi %mul3A_3, %add3A_274 : vector<16xi32>
    %gather3A_276 = tpu.vector_load_idx %arg7[%and3A_200, %add3A_275] : memref<4x7xf32, #tpu.memory_space<vmem>>[vector<16xi32>, vector<16xi32>], vector<16xf32>,
    %convert_element_type3A_277 = arith.sitofp %gather3A_272 : vector<16xi32> to vector<16xf32>
    %mul3A_278 = arith.mulf %convert_element_type3A_277, %gather3A_276 : vector<16xf32>
    %add3A_279 = arith.addf %add3A_268, %mul3A_278 : vector<16xf32>
    %convert_element_type3A_280 = arith.fptosi %add3A_279 : vector<16xf32> to vector<16xi32>
    %swap3A_281 = arith.constant 32 : index
    %swap3A_282 = tpu.vector_load %arg8[%swap3A_281] {strides = array<i32>} : memref<512xi32, #tpu.memory_space<vmem>>, vector<16xi32>,
    tpu.vector_store %arg8[%swap3A_281], %convert_element_type3A_280 {strides = array<i32>} : memref<512xi32, #tpu.memory_space<vmem>>, vector<16xi32>,
    %add3A_283 = arith.constant 48 : i32
    %add3A_284 = vector.broadcast %add3A_283 : i32 to vector<16xi32>
    %add3A_285 = arith.addi %iota3A, %add3A_284 : vector<16xi32>
    %shift_right_arithmetic3A_286 = arith.constant 2 : i32
    %shift_right_arithmetic3A_287 = vector.broadcast %shift_right_arithmetic3A_286 : i32 to vector<16xi32>
    %shift_right_arithmetic3A_288 = arith.shrsi %add3A_285, %shift_right_arithmetic3A_287 : vector<16xi32>
    %mul3A_289 = arith.constant 7 : i32
    %mul3A_290 = vector.broadcast %mul3A_289 : i32 to vector<16xi32>
    %mul3A_291 = arith.muli %shift_right_arithmetic3A_288, %mul3A_290 : vector<16xi32>
    %and3A_292 = arith.constant 3 : i32
    %and3A_293 = vector.broadcast %and3A_292 : i32 to vector<16xi32>
    %and3A_294 = arith.andi %add3A_285, %and3A_293 : vector<16xi32>
    %broadcast_in_dim3A_295 = arith.constant 0.000000e+00 : f32
    %broadcast_in_dim3A_296 = vector.broadcast %broadcast_in_dim3A_295 : f32 to vector<16xf32>
    %add3A_297 = arith.constant 0 : i32
    %add3A_298 = vector.broadcast %add3A_297 : i32 to vector<16xi32>
    %add3A_299 = arith.addi %mul3A_291, %add3A_298 : vector<16xi32>
    %gather3A_300 = tpu.vector_load_idx %arg6[%add3A_299] : memref<896xi32, #tpu.memory_space<vmem>>[vector<16xi32>], vector<16xi32>,
    %add3A_301 = arith.constant 0 : i32
    %add3A_302 = vector.broadcast %add3A_301 : i32 to vector<16xi32>
    %add3A_303 = arith.addi %mul3A_3, %add3A_302 : vector<16xi32>
    %gather3A_304 = tpu.vector_load_idx %arg7[%and3A_294, %add3A_303] : memref<4x7xf32, #tpu.memory_space<vmem>>[vector<16xi32>, vector<16xi32>], vector<16xf32>,
    %convert_element_type3A_305 = arith.sitofp %gather3A_300 : vector<16xi32> to vector<16xf32>
    %mul3A_306 = arith.mulf %convert_element_type3A_305, %gather3A_304 : vector<16xf32>
    %add3A_307 = arith.addf %broadcast_in_dim3A_296, %mul3A_306 : vector<16xf32>
    %add3A_308 = arith.constant 1 : i32
    %add3A_309 = vector.broadcast %add3A_308 : i32 to vector<16xi32>
    %add3A_310 = arith.addi %mul3A_291, %add3A_309 : vector<16xi32>
    %gather3A_311 = tpu.vector_load_idx %arg6[%add3A_310] : memref<896xi32, #tpu.memory_space<vmem>>[vector<16xi32>], vector<16xi32>,
    %add3A_312 = arith.constant 1 : i32
    %add3A_313 = vector.broadcast %add3A_312 : i32 to vector<16xi32>
    %add3A_314 = arith.addi %mul3A_3, %add3A_313 : vector<16xi32>
    %gather3A_315 = tpu.vector_load_idx %arg7[%and3A_294, %add3A_314] : memref<4x7xf32, #tpu.memory_space<vmem>>[vector<16xi32>, vector<16xi32>], vector<16xf32>,
    %convert_element_type3A_316 = arith.sitofp %gather3A_311 : vector<16xi32> to vector<16xf32>
    %mul3A_317 = arith.mulf %convert_element_type3A_316, %gather3A_315 : vector<16xf32>
    %add3A_318 = arith.addf %add3A_307, %mul3A_317 : vector<16xf32>
    %add3A_319 = arith.constant 2 : i32
    %add3A_320 = vector.broadcast %add3A_319 : i32 to vector<16xi32>
    %add3A_321 = arith.addi %mul3A_291, %add3A_320 : vector<16xi32>
    %gather3A_322 = tpu.vector_load_idx %arg6[%add3A_321] : memref<896xi32, #tpu.memory_space<vmem>>[vector<16xi32>], vector<16xi32>,
    %add3A_323 = arith.constant 2 : i32
    %add3A_324 = vector.broadcast %add3A_323 : i32 to vector<16xi32>
    %add3A_325 = arith.addi %mul3A_3, %add3A_324 : vector<16xi32>
    %gather3A_326 = tpu.vector_load_idx %arg7[%and3A_294, %add3A_325] : memref<4x7xf32, #tpu.memory_space<vmem>>[vector<16xi32>, vector<16xi32>], vector<16xf32>,
    %convert_element_type3A_327 = arith.sitofp %gather3A_322 : vector<16xi32> to vector<16xf32>
    %mul3A_328 = arith.mulf %convert_element_type3A_327, %gather3A_326 : vector<16xf32>
    %add3A_329 = arith.addf %add3A_318, %mul3A_328 : vector<16xf32>
    %add3A_330 = arith.constant 3 : i32
    %add3A_331 = vector.broadcast %add3A_330 : i32 to vector<16xi32>
    %add3A_332 = arith.addi %mul3A_291, %add3A_331 : vector<16xi32>
    %gather3A_333 = tpu.vector_load_idx %arg6[%add3A_332] : memref<896xi32, #tpu.memory_space<vmem>>[vector<16xi32>], vector<16xi32>,
    %add3A_334 = arith.constant 3 : i32
    %add3A_335 = vector.broadcast %add3A_334 : i32 to vector<16xi32>
    %add3A_336 = arith.addi %mul3A_3, %add3A_335 : vector<16xi32>
    %gather3A_337 = tpu.vector_load_idx %arg7[%and3A_294, %add3A_336] : memref<4x7xf32, #tpu.memory_space<vmem>>[vector<16xi32>, vector<16xi32>], vector<16xf32>,
    %convert_element_type3A_338 = arith.sitofp %gather3A_333 : vector<16xi32> to vector<16xf32>
    %mul3A_339 = arith.mulf %convert_element_type3A_338, %gather3A_337 : vector<16xf32>
    %add3A_340 = arith.addf %add3A_329, %mul3A_339 : vector<16xf32>
    %add3A_341 = arith.constant 4 : i32
    %add3A_342 = vector.broadcast %add3A_341 : i32 to vector<16xi32>
    %add3A_343 = arith.addi %mul3A_291, %add3A_342 : vector<16xi32>
    %gather3A_344 = tpu.vector_load_idx %arg6[%add3A_343] : memref<896xi32, #tpu.memory_space<vmem>>[vector<16xi32>], vector<16xi32>,
    %add3A_345 = arith.constant 4 : i32
    %add3A_346 = vector.broadcast %add3A_345 : i32 to vector<16xi32>
    %add3A_347 = arith.addi %mul3A_3, %add3A_346 : vector<16xi32>
    %gather3A_348 = tpu.vector_load_idx %arg7[%and3A_294, %add3A_347] : memref<4x7xf32, #tpu.memory_space<vmem>>[vector<16xi32>, vector<16xi32>], vector<16xf32>,
    %convert_element_type3A_349 = arith.sitofp %gather3A_344 : vector<16xi32> to vector<16xf32>
    %mul3A_350 = arith.mulf %convert_element_type3A_349, %gather3A_348 : vector<16xf32>
    %add3A_351 = arith.addf %add3A_340, %mul3A_350 : vector<16xf32>
    %add3A_352 = arith.constant 5 : i32
    %add3A_353 = vector.broadcast %add3A_352 : i32 to vector<16xi32>
    %add3A_354 = arith.addi %mul3A_291, %add3A_353 : vector<16xi32>
    %gather3A_355 = tpu.vector_load_idx %arg6[%add3A_354] : memref<896xi32, #tpu.memory_space<vmem>>[vector<16xi32>], vector<16xi32>,
    %add3A_356 = arith.constant 5 : i32
    %add3A_357 = vector.broadcast %add3A_356 : i32 to vector<16xi32>
    %add3A_358 = arith.addi %mul3A_3, %add3A_357 : vector<16xi32>
    %gather3A_359 = tpu.vector_load_idx %arg7[%and3A_294, %add3A_358] : memref<4x7xf32, #tpu.memory_space<vmem>>[vector<16xi32>, vector<16xi32>], vector<16xf32>,
    %convert_element_type3A_360 = arith.sitofp %gather3A_355 : vector<16xi32> to vector<16xf32>
    %mul3A_361 = arith.mulf %convert_element_type3A_360, %gather3A_359 : vector<16xf32>
    %add3A_362 = arith.addf %add3A_351, %mul3A_361 : vector<16xf32>
    %add3A_363 = arith.constant 6 : i32
    %add3A_364 = vector.broadcast %add3A_363 : i32 to vector<16xi32>
    %add3A_365 = arith.addi %mul3A_291, %add3A_364 : vector<16xi32>
    %gather3A_366 = tpu.vector_load_idx %arg6[%add3A_365] : memref<896xi32, #tpu.memory_space<vmem>>[vector<16xi32>], vector<16xi32>,
    %add3A_367 = arith.constant 6 : i32
    %add3A_368 = vector.broadcast %add3A_367 : i32 to vector<16xi32>
    %add3A_369 = arith.addi %mul3A_3, %add3A_368 : vector<16xi32>
    %gather3A_370 = tpu.vector_load_idx %arg7[%and3A_294, %add3A_369] : memref<4x7xf32, #tpu.memory_space<vmem>>[vector<16xi32>, vector<16xi32>], vector<16xf32>,
    %convert_element_type3A_371 = arith.sitofp %gather3A_366 : vector<16xi32> to vector<16xf32>
    %mul3A_372 = arith.mulf %convert_element_type3A_371, %gather3A_370 : vector<16xf32>
    %add3A_373 = arith.addf %add3A_362, %mul3A_372 : vector<16xf32>
    %convert_element_type3A_374 = arith.fptosi %add3A_373 : vector<16xf32> to vector<16xi32>
    %swap3A_375 = arith.constant 48 : index
    %swap3A_376 = tpu.vector_load %arg8[%swap3A_375] {strides = array<i32>} : memref<512xi32, #tpu.memory_space<vmem>>, vector<16xi32>,
    tpu.vector_store %arg8[%swap3A_375], %convert_element_type3A_374 {strides = array<i32>} : memref<512xi32, #tpu.memory_space<vmem>>, vector<16xi32>,
    %add3A_377 = arith.constant 64 : i32
    %add3A_378 = vector.broadcast %add3A_377 : i32 to vector<16xi32>
    %add3A_379 = arith.addi %iota3A, %add3A_378 : vector<16xi32>
    %shift_right_arithmetic3A_380 = arith.constant 2 : i32
    %shift_right_arithmetic3A_381 = vector.broadcast %shift_right_arithmetic3A_380 : i32 to vector<16xi32>
    %shift_right_arithmetic3A_382 = arith.shrsi %add3A_379, %shift_right_arithmetic3A_381 : vector<16xi32>
    %mul3A_383 = arith.constant 7 : i32
    %mul3A_384 = vector.broadcast %mul3A_383 : i32 to vector<16xi32>
    %mul3A_385 = arith.muli %shift_right_arithmetic3A_382, %mul3A_384 : vector<16xi32>
    %and3A_386 = arith.constant 3 : i32
    %and3A_387 = vector.broadcast %and3A_386 : i32 to vector<16xi32>
    %and3A_388 = arith.andi %add3A_379, %and3A_387 : vector<16xi32>
    %broadcast_in_dim3A_389 = arith.constant 0.000000e+00 : f32
    %broadcast_in_dim3A_390 = vector.broadcast %broadcast_in_dim3A_389 : f32 to vector<16xf32>
    %add3A_391 = arith.constant 0 : i32
    %add3A_392 = vector.broadcast %add3A_391 : i32 to vector<16xi32>
    %add3A_393 = arith.addi %mul3A_385, %add3A_392 : vector<16xi32>
    %gather3A_394 = tpu.vector_load_idx %arg6[%add3A_393] : memref<896xi32, #tpu.memory_space<vmem>>[vector<16xi32>], vector<16xi32>,
    %add3A_395 = arith.constant 0 : i32
    %add3A_396 = vector.broadcast %add3A_395 : i32 to vector<16xi32>
    %add3A_397 = arith.addi %mul3A_3, %add3A_396 : vector<16xi32>
    %gather3A_398 = tpu.vector_load_idx %arg7[%and3A_388, %add3A_397] : memref<4x7xf32, #tpu.memory_space<vmem>>[vector<16xi32>, vector<16xi32>], vector<16xf32>,
    %convert_element_type3A_399 = arith.sitofp %gather3A_394 : vector<16xi32> to vector<16xf32>
    %mul3A_400 = arith.mulf %convert_element_type3A_399, %gather3A_398 : vector<16xf32>
    %add3A_401 = arith.addf %broadcast_in_dim3A_390, %mul3A_400 : vector<16xf32>
    %add3A_402 = arith.constant 1 : i32
    %add3A_403 = vector.broadcast %add3A_402 : i32 to vector<16xi32>
    %add3A_404 = arith.addi %mul3A_385, %add3A_403 : vector<16xi32>
    %gather3A_405 = tpu.vector_load_idx %arg6[%add3A_404] : memref<896xi32, #tpu.memory_space<vmem>>[vector<16xi32>], vector<16xi32>,
    %add3A_406 = arith.constant 1 : i32
    %add3A_407 = vector.broadcast %add3A_406 : i32 to vector<16xi32>
    %add3A_408 = arith.addi %mul3A_3, %add3A_407 : vector<16xi32>
    %gather3A_409 = tpu.vector_load_idx %arg7[%and3A_388, %add3A_408] : memref<4x7xf32, #tpu.memory_space<vmem>>[vector<16xi32>, vector<16xi32>], vector<16xf32>,
    %convert_element_type3A_410 = arith.sitofp %gather3A_405 : vector<16xi32> to vector<16xf32>
    %mul3A_411 = arith.mulf %convert_element_type3A_410, %gather3A_409 : vector<16xf32>
    %add3A_412 = arith.addf %add3A_401, %mul3A_411 : vector<16xf32>
    %add3A_413 = arith.constant 2 : i32
    %add3A_414 = vector.broadcast %add3A_413 : i32 to vector<16xi32>
    %add3A_415 = arith.addi %mul3A_385, %add3A_414 : vector<16xi32>
    %gather3A_416 = tpu.vector_load_idx %arg6[%add3A_415] : memref<896xi32, #tpu.memory_space<vmem>>[vector<16xi32>], vector<16xi32>,
    %add3A_417 = arith.constant 2 : i32
    %add3A_418 = vector.broadcast %add3A_417 : i32 to vector<16xi32>
    %add3A_419 = arith.addi %mul3A_3, %add3A_418 : vector<16xi32>
    %gather3A_420 = tpu.vector_load_idx %arg7[%and3A_388, %add3A_419] : memref<4x7xf32, #tpu.memory_space<vmem>>[vector<16xi32>, vector<16xi32>], vector<16xf32>,
    %convert_element_type3A_421 = arith.sitofp %gather3A_416 : vector<16xi32> to vector<16xf32>
    %mul3A_422 = arith.mulf %convert_element_type3A_421, %gather3A_420 : vector<16xf32>
    %add3A_423 = arith.addf %add3A_412, %mul3A_422 : vector<16xf32>
    %add3A_424 = arith.constant 3 : i32
    %add3A_425 = vector.broadcast %add3A_424 : i32 to vector<16xi32>
    %add3A_426 = arith.addi %mul3A_385, %add3A_425 : vector<16xi32>
    %gather3A_427 = tpu.vector_load_idx %arg6[%add3A_426] : memref<896xi32, #tpu.memory_space<vmem>>[vector<16xi32>], vector<16xi32>,
    %add3A_428 = arith.constant 3 : i32
    %add3A_429 = vector.broadcast %add3A_428 : i32 to vector<16xi32>
    %add3A_430 = arith.addi %mul3A_3, %add3A_429 : vector<16xi32>
    %gather3A_431 = tpu.vector_load_idx %arg7[%and3A_388, %add3A_430] : memref<4x7xf32, #tpu.memory_space<vmem>>[vector<16xi32>, vector<16xi32>], vector<16xf32>,
    %convert_element_type3A_432 = arith.sitofp %gather3A_427 : vector<16xi32> to vector<16xf32>
    %mul3A_433 = arith.mulf %convert_element_type3A_432, %gather3A_431 : vector<16xf32>
    %add3A_434 = arith.addf %add3A_423, %mul3A_433 : vector<16xf32>
    %add3A_435 = arith.constant 4 : i32
    %add3A_436 = vector.broadcast %add3A_435 : i32 to vector<16xi32>
    %add3A_437 = arith.addi %mul3A_385, %add3A_436 : vector<16xi32>
    %gather3A_438 = tpu.vector_load_idx %arg6[%add3A_437] : memref<896xi32, #tpu.memory_space<vmem>>[vector<16xi32>], vector<16xi32>,
    %add3A_439 = arith.constant 4 : i32
    %add3A_440 = vector.broadcast %add3A_439 : i32 to vector<16xi32>
    %add3A_441 = arith.addi %mul3A_3, %add3A_440 : vector<16xi32>
    %gather3A_442 = tpu.vector_load_idx %arg7[%and3A_388, %add3A_441] : memref<4x7xf32, #tpu.memory_space<vmem>>[vector<16xi32>, vector<16xi32>], vector<16xf32>,
    %convert_element_type3A_443 = arith.sitofp %gather3A_438 : vector<16xi32> to vector<16xf32>
    %mul3A_444 = arith.mulf %convert_element_type3A_443, %gather3A_442 : vector<16xf32>
    %add3A_445 = arith.addf %add3A_434, %mul3A_444 : vector<16xf32>
    %add3A_446 = arith.constant 5 : i32
    %add3A_447 = vector.broadcast %add3A_446 : i32 to vector<16xi32>
    %add3A_448 = arith.addi %mul3A_385, %add3A_447 : vector<16xi32>
    %gather3A_449 = tpu.vector_load_idx %arg6[%add3A_448] : memref<896xi32, #tpu.memory_space<vmem>>[vector<16xi32>], vector<16xi32>,
    %add3A_450 = arith.constant 5 : i32
    %add3A_451 = vector.broadcast %add3A_450 : i32 to vector<16xi32>
    %add3A_452 = arith.addi %mul3A_3, %add3A_451 : vector<16xi32>
    %gather3A_453 = tpu.vector_load_idx %arg7[%and3A_388, %add3A_452] : memref<4x7xf32, #tpu.memory_space<vmem>>[vector<16xi32>, vector<16xi32>], vector<16xf32>,
    %convert_element_type3A_454 = arith.sitofp %gather3A_449 : vector<16xi32> to vector<16xf32>
    %mul3A_455 = arith.mulf %convert_element_type3A_454, %gather3A_453 : vector<16xf32>
    %add3A_456 = arith.addf %add3A_445, %mul3A_455 : vector<16xf32>
    %add3A_457 = arith.constant 6 : i32
    %add3A_458 = vector.broadcast %add3A_457 : i32 to vector<16xi32>
    %add3A_459 = arith.addi %mul3A_385, %add3A_458 : vector<16xi32>
    %gather3A_460 = tpu.vector_load_idx %arg6[%add3A_459] : memref<896xi32, #tpu.memory_space<vmem>>[vector<16xi32>], vector<16xi32>,
    %add3A_461 = arith.constant 6 : i32
    %add3A_462 = vector.broadcast %add3A_461 : i32 to vector<16xi32>
    %add3A_463 = arith.addi %mul3A_3, %add3A_462 : vector<16xi32>
    %gather3A_464 = tpu.vector_load_idx %arg7[%and3A_388, %add3A_463] : memref<4x7xf32, #tpu.memory_space<vmem>>[vector<16xi32>, vector<16xi32>], vector<16xf32>,
    %convert_element_type3A_465 = arith.sitofp %gather3A_460 : vector<16xi32> to vector<16xf32>
    %mul3A_466 = arith.mulf %convert_element_type3A_465, %gather3A_464 : vector<16xf32>
    %add3A_467 = arith.addf %add3A_456, %mul3A_466 : vector<16xf32>
    %convert_element_type3A_468 = arith.fptosi %add3A_467 : vector<16xf32> to vector<16xi32>
    %swap3A_469 = arith.constant 64 : index
    %swap3A_470 = tpu.vector_load %arg8[%swap3A_469] {strides = array<i32>} : memref<512xi32, #tpu.memory_space<vmem>>, vector<16xi32>,
    tpu.vector_store %arg8[%swap3A_469], %convert_element_type3A_468 {strides = array<i32>} : memref<512xi32, #tpu.memory_space<vmem>>, vector<16xi32>,
    %add3A_471 = arith.constant 80 : i32
    %add3A_472 = vector.broadcast %add3A_471 : i32 to vector<16xi32>
    %add3A_473 = arith.addi %iota3A, %add3A_472 : vector<16xi32>
    %shift_right_arithmetic3A_474 = arith.constant 2 : i32
    %shift_right_arithmetic3A_475 = vector.broadcast %shift_right_arithmetic3A_474 : i32 to vector<16xi32>
    %shift_right_arithmetic3A_476 = arith.shrsi %add3A_473, %shift_right_arithmetic3A_475 : vector<16xi32>
    %mul3A_477 = arith.constant 7 : i32
    %mul3A_478 = vector.broadcast %mul3A_477 : i32 to vector<16xi32>
    %mul3A_479 = arith.muli %shift_right_arithmetic3A_476, %mul3A_478 : vector<16xi32>
    %and3A_480 = arith.constant 3 : i32
    %and3A_481 = vector.broadcast %and3A_480 : i32 to vector<16xi32>
    %and3A_482 = arith.andi %add3A_473, %and3A_481 : vector<16xi32>
    %broadcast_in_dim3A_483 = arith.constant 0.000000e+00 : f32
    %broadcast_in_dim3A_484 = vector.broadcast %broadcast_in_dim3A_483 : f32 to vector<16xf32>
    %add3A_485 = arith.constant 0 : i32
    %add3A_486 = vector.broadcast %add3A_485 : i32 to vector<16xi32>
    %add3A_487 = arith.addi %mul3A_479, %add3A_486 : vector<16xi32>
    %gather3A_488 = tpu.vector_load_idx %arg6[%add3A_487] : memref<896xi32, #tpu.memory_space<vmem>>[vector<16xi32>], vector<16xi32>,
    %add3A_489 = arith.constant 0 : i32
    %add3A_490 = vector.broadcast %add3A_489 : i32 to vector<16xi32>
    %add3A_491 = arith.addi %mul3A_3, %add3A_490 : vector<16xi32>
    %gather3A_492 = tpu.vector_load_idx %arg7[%and3A_482, %add3A_491] : memref<4x7xf32, #tpu.memory_space<vmem>>[vector<16xi32>, vector<16xi32>], vector<16xf32>,
    %convert_element_type3A_493 = arith.sitofp %gather3A_488 : vector<16xi32> to vector<16xf32>
    %mul3A_494 = arith.mulf %convert_element_type3A_493, %gather3A_492 : vector<16xf32>
    %add3A_495 = arith.addf %broadcast_in_dim3A_484, %mul3A_494 : vector<16xf32>
    %add3A_496 = arith.constant 1 : i32
    %add3A_497 = vector.broadcast %add3A_496 : i32 to vector<16xi32>
    %add3A_498 = arith.addi %mul3A_479, %add3A_497 : vector<16xi32>
    %gather3A_499 = tpu.vector_load_idx %arg6[%add3A_498] : memref<896xi32, #tpu.memory_space<vmem>>[vector<16xi32>], vector<16xi32>,
    %add3A_500 = arith.constant 1 : i32
    %add3A_501 = vector.broadcast %add3A_500 : i32 to vector<16xi32>
    %add3A_502 = arith.addi %mul3A_3, %add3A_501 : vector<16xi32>
    %gather3A_503 = tpu.vector_load_idx %arg7[%and3A_482, %add3A_502] : memref<4x7xf32, #tpu.memory_space<vmem>>[vector<16xi32>, vector<16xi32>], vector<16xf32>,
    %convert_element_type3A_504 = arith.sitofp %gather3A_499 : vector<16xi32> to vector<16xf32>
    %mul3A_505 = arith.mulf %convert_element_type3A_504, %gather3A_503 : vector<16xf32>
    %add3A_506 = arith.addf %add3A_495, %mul3A_505 : vector<16xf32>
    %add3A_507 = arith.constant 2 : i32
    %add3A_508 = vector.broadcast %add3A_507 : i32 to vector<16xi32>
    %add3A_509 = arith.addi %mul3A_479, %add3A_508 : vector<16xi32>
    %gather3A_510 = tpu.vector_load_idx %arg6[%add3A_509] : memref<896xi32, #tpu.memory_space<vmem>>[vector<16xi32>], vector<16xi32>,
    %add3A_511 = arith.constant 2 : i32
    %add3A_512 = vector.broadcast %add3A_511 : i32 to vector<16xi32>
    %add3A_513 = arith.addi %mul3A_3, %add3A_512 : vector<16xi32>
    %gather3A_514 = tpu.vector_load_idx %arg7[%and3A_482, %add3A_513] : memref<4x7xf32, #tpu.memory_space<vmem>>[vector<16xi32>, vector<16xi32>], vector<16xf32>,
    %convert_element_type3A_515 = arith.sitofp %gather3A_510 : vector<16xi32> to vector<16xf32>
    %mul3A_516 = arith.mulf %convert_element_type3A_515, %gather3A_514 : vector<16xf32>
    %add3A_517 = arith.addf %add3A_506, %mul3A_516 : vector<16xf32>
    %add3A_518 = arith.constant 3 : i32
    %add3A_519 = vector.broadcast %add3A_518 : i32 to vector<16xi32>
    %add3A_520 = arith.addi %mul3A_479, %add3A_519 : vector<16xi32>
    %gather3A_521 = tpu.vector_load_idx %arg6[%add3A_520] : memref<896xi32, #tpu.memory_space<vmem>>[vector<16xi32>], vector<16xi32>,
    %add3A_522 = arith.constant 3 : i32
    %add3A_523 = vector.broadcast %add3A_522 : i32 to vector<16xi32>
    %add3A_524 = arith.addi %mul3A_3, %add3A_523 : vector<16xi32>
    %gather3A_525 = tpu.vector_load_idx %arg7[%and3A_482, %add3A_524] : memref<4x7xf32, #tpu.memory_space<vmem>>[vector<16xi32>, vector<16xi32>], vector<16xf32>,
    %convert_element_type3A_526 = arith.sitofp %gather3A_521 : vector<16xi32> to vector<16xf32>
    %mul3A_527 = arith.mulf %convert_element_type3A_526, %gather3A_525 : vector<16xf32>
    %add3A_528 = arith.addf %add3A_517, %mul3A_527 : vector<16xf32>
    %add3A_529 = arith.constant 4 : i32
    %add3A_530 = vector.broadcast %add3A_529 : i32 to vector<16xi32>
    %add3A_531 = arith.addi %mul3A_479, %add3A_530 : vector<16xi32>
    %gather3A_532 = tpu.vector_load_idx %arg6[%add3A_531] : memref<896xi32, #tpu.memory_space<vmem>>[vector<16xi32>], vector<16xi32>,
    %add3A_533 = arith.constant 4 : i32
    %add3A_534 = vector.broadcast %add3A_533 : i32 to vector<16xi32>
    %add3A_535 = arith.addi %mul3A_3, %add3A_534 : vector<16xi32>
    %gather3A_536 = tpu.vector_load_idx %arg7[%and3A_482, %add3A_535] : memref<4x7xf32, #tpu.memory_space<vmem>>[vector<16xi32>, vector<16xi32>], vector<16xf32>,
    %convert_element_type3A_537 = arith.sitofp %gather3A_532 : vector<16xi32> to vector<16xf32>
    %mul3A_538 = arith.mulf %convert_element_type3A_537, %gather3A_536 : vector<16xf32>
    %add3A_539 = arith.addf %add3A_528, %mul3A_538 : vector<16xf32>
    %add3A_540 = arith.constant 5 : i32
    %add3A_541 = vector.broadcast %add3A_540 : i32 to vector<16xi32>
    %add3A_542 = arith.addi %mul3A_479, %add3A_541 : vector<16xi32>
    %gather3A_543 = tpu.vector_load_idx %arg6[%add3A_542] : memref<896xi32, #tpu.memory_space<vmem>>[vector<16xi32>], vector<16xi32>,
    %add3A_544 = arith.constant 5 : i32
    %add3A_545 = vector.broadcast %add3A_544 : i32 to vector<16xi32>
    %add3A_546 = arith.addi %mul3A_3, %add3A_545 : vector<16xi32>
    %gather3A_547 = tpu.vector_load_idx %arg7[%and3A_482, %add3A_546] : memref<4x7xf32, #tpu.memory_space<vmem>>[vector<16xi32>, vector<16xi32>], vector<16xf32>,
    %convert_element_type3A_548 = arith.sitofp %gather3A_543 : vector<16xi32> to vector<16xf32>
    %mul3A_549 = arith.mulf %convert_element_type3A_548, %gather3A_547 : vector<16xf32>
    %add3A_550 = arith.addf %add3A_539, %mul3A_549 : vector<16xf32>
    %add3A_551 = arith.constant 6 : i32
    %add3A_552 = vector.broadcast %add3A_551 : i32 to vector<16xi32>
    %add3A_553 = arith.addi %mul3A_479, %add3A_552 : vector<16xi32>
    %gather3A_554 = tpu.vector_load_idx %arg6[%add3A_553] : memref<896xi32, #tpu.memory_space<vmem>>[vector<16xi32>], vector<16xi32>,
    %add3A_555 = arith.constant 6 : i32
    %add3A_556 = vector.broadcast %add3A_555 : i32 to vector<16xi32>
    %add3A_557 = arith.addi %mul3A_3, %add3A_556 : vector<16xi32>
    %gather3A_558 = tpu.vector_load_idx %arg7[%and3A_482, %add3A_557] : memref<4x7xf32, #tpu.memory_space<vmem>>[vector<16xi32>, vector<16xi32>], vector<16xf32>,
    %convert_element_type3A_559 = arith.sitofp %gather3A_554 : vector<16xi32> to vector<16xf32>
    %mul3A_560 = arith.mulf %convert_element_type3A_559, %gather3A_558 : vector<16xf32>
    %add3A_561 = arith.addf %add3A_550, %mul3A_560 : vector<16xf32>
    %convert_element_type3A_562 = arith.fptosi %add3A_561 : vector<16xf32> to vector<16xi32>
    %swap3A_563 = arith.constant 80 : index
    %swap3A_564 = tpu.vector_load %arg8[%swap3A_563] {strides = array<i32>} : memref<512xi32, #tpu.memory_space<vmem>>, vector<16xi32>,
    tpu.vector_store %arg8[%swap3A_563], %convert_element_type3A_562 {strides = array<i32>} : memref<512xi32, #tpu.memory_space<vmem>>, vector<16xi32>,
    %add3A_565 = arith.constant 96 : i32
    %add3A_566 = vector.broadcast %add3A_565 : i32 to vector<16xi32>
    %add3A_567 = arith.addi %iota3A, %add3A_566 : vector<16xi32>
    %shift_right_arithmetic3A_568 = arith.constant 2 : i32
    %shift_right_arithmetic3A_569 = vector.broadcast %shift_right_arithmetic3A_568 : i32 to vector<16xi32>
    %shift_right_arithmetic3A_570 = arith.shrsi %add3A_567, %shift_right_arithmetic3A_569 : vector<16xi32>
    %mul3A_571 = arith.constant 7 : i32
    %mul3A_572 = vector.broadcast %mul3A_571 : i32 to vector<16xi32>
    %mul3A_573 = arith.muli %shift_right_arithmetic3A_570, %mul3A_572 : vector<16xi32>
    %and3A_574 = arith.constant 3 : i32
    %and3A_575 = vector.broadcast %and3A_574 : i32 to vector<16xi32>
    %and3A_576 = arith.andi %add3A_567, %and3A_575 : vector<16xi32>
    %broadcast_in_dim3A_577 = arith.constant 0.000000e+00 : f32
    %broadcast_in_dim3A_578 = vector.broadcast %broadcast_in_dim3A_577 : f32 to vector<16xf32>
    %add3A_579 = arith.constant 0 : i32
    %add3A_580 = vector.broadcast %add3A_579 : i32 to vector<16xi32>
    %add3A_581 = arith.addi %mul3A_573, %add3A_580 : vector<16xi32>
    %gather3A_582 = tpu.vector_load_idx %arg6[%add3A_581] : memref<896xi32, #tpu.memory_space<vmem>>[vector<16xi32>], vector<16xi32>,
    %add3A_583 = arith.constant 0 : i32
    %add3A_584 = vector.broadcast %add3A_583 : i32 to vector<16xi32>
    %add3A_585 = arith.addi %mul3A_3, %add3A_584 : vector<16xi32>
    %gather3A_586 = tpu.vector_load_idx %arg7[%and3A_576, %add3A_585] : memref<4x7xf32, #tpu.memory_space<vmem>>[vector<16xi32>, vector<16xi32>], vector<16xf32>,
    %convert_element_type3A_587 = arith.sitofp %gather3A_582 : vector<16xi32> to vector<16xf32>
    %mul3A_588 = arith.mulf %convert_element_type3A_587, %gather3A_586 : vector<16xf32>
    %add3A_589 = arith.addf %broadcast_in_dim3A_578, %mul3A_588 : vector<16xf32>
    %add3A_590 = arith.constant 1 : i32
    %add3A_591 = vector.broadcast %add3A_590 : i32 to vector<16xi32>
    %add3A_592 = arith.addi %mul3A_573, %add3A_591 : vector<16xi32>
    %gather3A_593 = tpu.vector_load_idx %arg6[%add3A_592] : memref<896xi32, #tpu.memory_space<vmem>>[vector<16xi32>], vector<16xi32>,
    %add3A_594 = arith.constant 1 : i32
    %add3A_595 = vector.broadcast %add3A_594 : i32 to vector<16xi32>
    %add3A_596 = arith.addi %mul3A_3, %add3A_595 : vector<16xi32>
    %gather3A_597 = tpu.vector_load_idx %arg7[%and3A_576, %add3A_596] : memref<4x7xf32, #tpu.memory_space<vmem>>[vector<16xi32>, vector<16xi32>], vector<16xf32>,
    %convert_element_type3A_598 = arith.sitofp %gather3A_593 : vector<16xi32> to vector<16xf32>
    %mul3A_599 = arith.mulf %convert_element_type3A_598, %gather3A_597 : vector<16xf32>
    %add3A_600 = arith.addf %add3A_589, %mul3A_599 : vector<16xf32>
    %add3A_601 = arith.constant 2 : i32
    %add3A_602 = vector.broadcast %add3A_601 : i32 to vector<16xi32>
    %add3A_603 = arith.addi %mul3A_573, %add3A_602 : vector<16xi32>
    %gather3A_604 = tpu.vector_load_idx %arg6[%add3A_603] : memref<896xi32, #tpu.memory_space<vmem>>[vector<16xi32>], vector<16xi32>,
    %add3A_605 = arith.constant 2 : i32
    %add3A_606 = vector.broadcast %add3A_605 : i32 to vector<16xi32>
    %add3A_607 = arith.addi %mul3A_3, %add3A_606 : vector<16xi32>
    %gather3A_608 = tpu.vector_load_idx %arg7[%and3A_576, %add3A_607] : memref<4x7xf32, #tpu.memory_space<vmem>>[vector<16xi32>, vector<16xi32>], vector<16xf32>,
    %convert_element_type3A_609 = arith.sitofp %gather3A_604 : vector<16xi32> to vector<16xf32>
    %mul3A_610 = arith.mulf %convert_element_type3A_609, %gather3A_608 : vector<16xf32>
    %add3A_611 = arith.addf %add3A_600, %mul3A_610 : vector<16xf32>
    %add3A_612 = arith.constant 3 : i32
    %add3A_613 = vector.broadcast %add3A_612 : i32 to vector<16xi32>
    %add3A_614 = arith.addi %mul3A_573, %add3A_613 : vector<16xi32>
    %gather3A_615 = tpu.vector_load_idx %arg6[%add3A_614] : memref<896xi32, #tpu.memory_space<vmem>>[vector<16xi32>], vector<16xi32>,
    %add3A_616 = arith.constant 3 : i32
    %add3A_617 = vector.broadcast %add3A_616 : i32 to vector<16xi32>
    %add3A_618 = arith.addi %mul3A_3, %add3A_617 : vector<16xi32>
    %gather3A_619 = tpu.vector_load_idx %arg7[%and3A_576, %add3A_618] : memref<4x7xf32, #tpu.memory_space<vmem>>[vector<16xi32>, vector<16xi32>], vector<16xf32>,
    %convert_element_type3A_620 = arith.sitofp %gather3A_615 : vector<16xi32> to vector<16xf32>
    %mul3A_621 = arith.mulf %convert_element_type3A_620, %gather3A_619 : vector<16xf32>
    %add3A_622 = arith.addf %add3A_611, %mul3A_621 : vector<16xf32>
    %add3A_623 = arith.constant 4 : i32
    %add3A_624 = vector.broadcast %add3A_623 : i32 to vector<16xi32>
    %add3A_625 = arith.addi %mul3A_573, %add3A_624 : vector<16xi32>
    %gather3A_626 = tpu.vector_load_idx %arg6[%add3A_625] : memref<896xi32, #tpu.memory_space<vmem>>[vector<16xi32>], vector<16xi32>,
    %add3A_627 = arith.constant 4 : i32
    %add3A_628 = vector.broadcast %add3A_627 : i32 to vector<16xi32>
    %add3A_629 = arith.addi %mul3A_3, %add3A_628 : vector<16xi32>
    %gather3A_630 = tpu.vector_load_idx %arg7[%and3A_576, %add3A_629] : memref<4x7xf32, #tpu.memory_space<vmem>>[vector<16xi32>, vector<16xi32>], vector<16xf32>,
    %convert_element_type3A_631 = arith.sitofp %gather3A_626 : vector<16xi32> to vector<16xf32>
    %mul3A_632 = arith.mulf %convert_element_type3A_631, %gather3A_630 : vector<16xf32>
    %add3A_633 = arith.addf %add3A_622, %mul3A_632 : vector<16xf32>
    %add3A_634 = arith.constant 5 : i32
    %add3A_635 = vector.broadcast %add3A_634 : i32 to vector<16xi32>
    %add3A_636 = arith.addi %mul3A_573, %add3A_635 : vector<16xi32>
    %gather3A_637 = tpu.vector_load_idx %arg6[%add3A_636] : memref<896xi32, #tpu.memory_space<vmem>>[vector<16xi32>], vector<16xi32>,
    %add3A_638 = arith.constant 5 : i32
    %add3A_639 = vector.broadcast %add3A_638 : i32 to vector<16xi32>
    %add3A_640 = arith.addi %mul3A_3, %add3A_639 : vector<16xi32>
    %gather3A_641 = tpu.vector_load_idx %arg7[%and3A_576, %add3A_640] : memref<4x7xf32, #tpu.memory_space<vmem>>[vector<16xi32>, vector<16xi32>], vector<16xf32>,
    %convert_element_type3A_642 = arith.sitofp %gather3A_637 : vector<16xi32> to vector<16xf32>
    %mul3A_643 = arith.mulf %convert_element_type3A_642, %gather3A_641 : vector<16xf32>
    %add3A_644 = arith.addf %add3A_633, %mul3A_643 : vector<16xf32>
    %add3A_645 = arith.constant 6 : i32
    %add3A_646 = vector.broadcast %add3A_645 : i32 to vector<16xi32>
    %add3A_647 = arith.addi %mul3A_573, %add3A_646 : vector<16xi32>
    %gather3A_648 = tpu.vector_load_idx %arg6[%add3A_647] : memref<896xi32, #tpu.memory_space<vmem>>[vector<16xi32>], vector<16xi32>,
    %add3A_649 = arith.constant 6 : i32
    %add3A_650 = vector.broadcast %add3A_649 : i32 to vector<16xi32>
    %add3A_651 = arith.addi %mul3A_3, %add3A_650 : vector<16xi32>
    %gather3A_652 = tpu.vector_load_idx %arg7[%and3A_576, %add3A_651] : memref<4x7xf32, #tpu.memory_space<vmem>>[vector<16xi32>, vector<16xi32>], vector<16xf32>,
    %convert_element_type3A_653 = arith.sitofp %gather3A_648 : vector<16xi32> to vector<16xf32>
    %mul3A_654 = arith.mulf %convert_element_type3A_653, %gather3A_652 : vector<16xf32>
    %add3A_655 = arith.addf %add3A_644, %mul3A_654 : vector<16xf32>
    %convert_element_type3A_656 = arith.fptosi %add3A_655 : vector<16xf32> to vector<16xi32>
    %swap3A_657 = arith.constant 96 : index
    %swap3A_658 = tpu.vector_load %arg8[%swap3A_657] {strides = array<i32>} : memref<512xi32, #tpu.memory_space<vmem>>, vector<16xi32>,
    tpu.vector_store %arg8[%swap3A_657], %convert_element_type3A_656 {strides = array<i32>} : memref<512xi32, #tpu.memory_space<vmem>>, vector<16xi32>,
    %add3A_659 = arith.constant 112 : i32
    %add3A_660 = vector.broadcast %add3A_659 : i32 to vector<16xi32>
    %add3A_661 = arith.addi %iota3A, %add3A_660 : vector<16xi32>
    %shift_right_arithmetic3A_662 = arith.constant 2 : i32
    %shift_right_arithmetic3A_663 = vector.broadcast %shift_right_arithmetic3A_662 : i32 to vector<16xi32>
    %shift_right_arithmetic3A_664 = arith.shrsi %add3A_661, %shift_right_arithmetic3A_663 : vector<16xi32>
    %mul3A_665 = arith.constant 7 : i32
    %mul3A_666 = vector.broadcast %mul3A_665 : i32 to vector<16xi32>
    %mul3A_667 = arith.muli %shift_right_arithmetic3A_664, %mul3A_666 : vector<16xi32>
    %and3A_668 = arith.constant 3 : i32
    %and3A_669 = vector.broadcast %and3A_668 : i32 to vector<16xi32>
    %and3A_670 = arith.andi %add3A_661, %and3A_669 : vector<16xi32>
    %broadcast_in_dim3A_671 = arith.constant 0.000000e+00 : f32
    %broadcast_in_dim3A_672 = vector.broadcast %broadcast_in_dim3A_671 : f32 to vector<16xf32>
    %add3A_673 = arith.constant 0 : i32
    %add3A_674 = vector.broadcast %add3A_673 : i32 to vector<16xi32>
    %add3A_675 = arith.addi %mul3A_667, %add3A_674 : vector<16xi32>
    %gather3A_676 = tpu.vector_load_idx %arg6[%add3A_675] : memref<896xi32, #tpu.memory_space<vmem>>[vector<16xi32>], vector<16xi32>,
    %add3A_677 = arith.constant 0 : i32
    %add3A_678 = vector.broadcast %add3A_677 : i32 to vector<16xi32>
    %add3A_679 = arith.addi %mul3A_3, %add3A_678 : vector<16xi32>
    %gather3A_680 = tpu.vector_load_idx %arg7[%and3A_670, %add3A_679] : memref<4x7xf32, #tpu.memory_space<vmem>>[vector<16xi32>, vector<16xi32>], vector<16xf32>,
    %convert_element_type3A_681 = arith.sitofp %gather3A_676 : vector<16xi32> to vector<16xf32>
    %mul3A_682 = arith.mulf %convert_element_type3A_681, %gather3A_680 : vector<16xf32>
    %add3A_683 = arith.addf %broadcast_in_dim3A_672, %mul3A_682 : vector<16xf32>
    %add3A_684 = arith.constant 1 : i32
    %add3A_685 = vector.broadcast %add3A_684 : i32 to vector<16xi32>
    %add3A_686 = arith.addi %mul3A_667, %add3A_685 : vector<16xi32>
    %gather3A_687 = tpu.vector_load_idx %arg6[%add3A_686] : memref<896xi32, #tpu.memory_space<vmem>>[vector<16xi32>], vector<16xi32>,
    %add3A_688 = arith.constant 1 : i32
    %add3A_689 = vector.broadcast %add3A_688 : i32 to vector<16xi32>
    %add3A_690 = arith.addi %mul3A_3, %add3A_689 : vector<16xi32>
    %gather3A_691 = tpu.vector_load_idx %arg7[%and3A_670, %add3A_690] : memref<4x7xf32, #tpu.memory_space<vmem>>[vector<16xi32>, vector<16xi32>], vector<16xf32>,
    %convert_element_type3A_692 = arith.sitofp %gather3A_687 : vector<16xi32> to vector<16xf32>
    %mul3A_693 = arith.mulf %convert_element_type3A_692, %gather3A_691 : vector<16xf32>
    %add3A_694 = arith.addf %add3A_683, %mul3A_693 : vector<16xf32>
    %add3A_695 = arith.constant 2 : i32
    %add3A_696 = vector.broadcast %add3A_695 : i32 to vector<16xi32>
    %add3A_697 = arith.addi %mul3A_667, %add3A_696 : vector<16xi32>
    %gather3A_698 = tpu.vector_load_idx %arg6[%add3A_697] : memref<896xi32, #tpu.memory_space<vmem>>[vector<16xi32>], vector<16xi32>,
    %add3A_699 = arith.constant 2 : i32
    %add3A_700 = vector.broadcast %add3A_699 : i32 to vector<16xi32>
    %add3A_701 = arith.addi %mul3A_3, %add3A_700 : vector<16xi32>
    %gather3A_702 = tpu.vector_load_idx %arg7[%and3A_670, %add3A_701] : memref<4x7xf32, #tpu.memory_space<vmem>>[vector<16xi32>, vector<16xi32>], vector<16xf32>,
    %convert_element_type3A_703 = arith.sitofp %gather3A_698 : vector<16xi32> to vector<16xf32>
    %mul3A_704 = arith.mulf %convert_element_type3A_703, %gather3A_702 : vector<16xf32>
    %add3A_705 = arith.addf %add3A_694, %mul3A_704 : vector<16xf32>
    %add3A_706 = arith.constant 3 : i32
    %add3A_707 = vector.broadcast %add3A_706 : i32 to vector<16xi32>
    %add3A_708 = arith.addi %mul3A_667, %add3A_707 : vector<16xi32>
    %gather3A_709 = tpu.vector_load_idx %arg6[%add3A_708] : memref<896xi32, #tpu.memory_space<vmem>>[vector<16xi32>], vector<16xi32>,
    %add3A_710 = arith.constant 3 : i32
    %add3A_711 = vector.broadcast %add3A_710 : i32 to vector<16xi32>
    %add3A_712 = arith.addi %mul3A_3, %add3A_711 : vector<16xi32>
    %gather3A_713 = tpu.vector_load_idx %arg7[%and3A_670, %add3A_712] : memref<4x7xf32, #tpu.memory_space<vmem>>[vector<16xi32>, vector<16xi32>], vector<16xf32>,
    %convert_element_type3A_714 = arith.sitofp %gather3A_709 : vector<16xi32> to vector<16xf32>
    %mul3A_715 = arith.mulf %convert_element_type3A_714, %gather3A_713 : vector<16xf32>
    %add3A_716 = arith.addf %add3A_705, %mul3A_715 : vector<16xf32>
    %add3A_717 = arith.constant 4 : i32
    %add3A_718 = vector.broadcast %add3A_717 : i32 to vector<16xi32>
    %add3A_719 = arith.addi %mul3A_667, %add3A_718 : vector<16xi32>
    %gather3A_720 = tpu.vector_load_idx %arg6[%add3A_719] : memref<896xi32, #tpu.memory_space<vmem>>[vector<16xi32>], vector<16xi32>,
    %add3A_721 = arith.constant 4 : i32
    %add3A_722 = vector.broadcast %add3A_721 : i32 to vector<16xi32>
    %add3A_723 = arith.addi %mul3A_3, %add3A_722 : vector<16xi32>
    %gather3A_724 = tpu.vector_load_idx %arg7[%and3A_670, %add3A_723] : memref<4x7xf32, #tpu.memory_space<vmem>>[vector<16xi32>, vector<16xi32>], vector<16xf32>,
    %convert_element_type3A_725 = arith.sitofp %gather3A_720 : vector<16xi32> to vector<16xf32>
    %mul3A_726 = arith.mulf %convert_element_type3A_725, %gather3A_724 : vector<16xf32>
    %add3A_727 = arith.addf %add3A_716, %mul3A_726 : vector<16xf32>
    %add3A_728 = arith.constant 5 : i32
    %add3A_729 = vector.broadcast %add3A_728 : i32 to vector<16xi32>
    %add3A_730 = arith.addi %mul3A_667, %add3A_729 : vector<16xi32>
    %gather3A_731 = tpu.vector_load_idx %arg6[%add3A_730] : memref<896xi32, #tpu.memory_space<vmem>>[vector<16xi32>], vector<16xi32>,
    %add3A_732 = arith.constant 5 : i32
    %add3A_733 = vector.broadcast %add3A_732 : i32 to vector<16xi32>
    %add3A_734 = arith.addi %mul3A_3, %add3A_733 : vector<16xi32>
    %gather3A_735 = tpu.vector_load_idx %arg7[%and3A_670, %add3A_734] : memref<4x7xf32, #tpu.memory_space<vmem>>[vector<16xi32>, vector<16xi32>], vector<16xf32>,
    %convert_element_type3A_736 = arith.sitofp %gather3A_731 : vector<16xi32> to vector<16xf32>
    %mul3A_737 = arith.mulf %convert_element_type3A_736, %gather3A_735 : vector<16xf32>
    %add3A_738 = arith.addf %add3A_727, %mul3A_737 : vector<16xf32>
    %add3A_739 = arith.constant 6 : i32
    %add3A_740 = vector.broadcast %add3A_739 : i32 to vector<16xi32>
    %add3A_741 = arith.addi %mul3A_667, %add3A_740 : vector<16xi32>
    %gather3A_742 = tpu.vector_load_idx %arg6[%add3A_741] : memref<896xi32, #tpu.memory_space<vmem>>[vector<16xi32>], vector<16xi32>,
    %add3A_743 = arith.constant 6 : i32
    %add3A_744 = vector.broadcast %add3A_743 : i32 to vector<16xi32>
    %add3A_745 = arith.addi %mul3A_3, %add3A_744 : vector<16xi32>
    %gather3A_746 = tpu.vector_load_idx %arg7[%and3A_670, %add3A_745] : memref<4x7xf32, #tpu.memory_space<vmem>>[vector<16xi32>, vector<16xi32>], vector<16xf32>,
    %convert_element_type3A_747 = arith.sitofp %gather3A_742 : vector<16xi32> to vector<16xf32>
    %mul3A_748 = arith.mulf %convert_element_type3A_747, %gather3A_746 : vector<16xf32>
    %add3A_749 = arith.addf %add3A_738, %mul3A_748 : vector<16xf32>
    %convert_element_type3A_750 = arith.fptosi %add3A_749 : vector<16xf32> to vector<16xi32>
    %swap3A_751 = arith.constant 112 : index
    %swap3A_752 = tpu.vector_load %arg8[%swap3A_751] {strides = array<i32>} : memref<512xi32, #tpu.memory_space<vmem>>, vector<16xi32>,
    tpu.vector_store %arg8[%swap3A_751], %convert_element_type3A_750 {strides = array<i32>} : memref<512xi32, #tpu.memory_space<vmem>>, vector<16xi32>,
    %add3A_753 = arith.constant 128 : i32
    %add3A_754 = vector.broadcast %add3A_753 : i32 to vector<16xi32>
    %add3A_755 = arith.addi %iota3A, %add3A_754 : vector<16xi32>
    %shift_right_arithmetic3A_756 = arith.constant 2 : i32
    %shift_right_arithmetic3A_757 = vector.broadcast %shift_right_arithmetic3A_756 : i32 to vector<16xi32>
    %shift_right_arithmetic3A_758 = arith.shrsi %add3A_755, %shift_right_arithmetic3A_757 : vector<16xi32>
    %mul3A_759 = arith.constant 7 : i32
    %mul3A_760 = vector.broadcast %mul3A_759 : i32 to vector<16xi32>
    %mul3A_761 = arith.muli %shift_right_arithmetic3A_758, %mul3A_760 : vector<16xi32>
    %and3A_762 = arith.constant 3 : i32
    %and3A_763 = vector.broadcast %and3A_762 : i32 to vector<16xi32>
    %and3A_764 = arith.andi %add3A_755, %and3A_763 : vector<16xi32>
    %broadcast_in_dim3A_765 = arith.constant 0.000000e+00 : f32
    %broadcast_in_dim3A_766 = vector.broadcast %broadcast_in_dim3A_765 : f32 to vector<16xf32>
    %add3A_767 = arith.constant 0 : i32
    %add3A_768 = vector.broadcast %add3A_767 : i32 to vector<16xi32>
    %add3A_769 = arith.addi %mul3A_761, %add3A_768 : vector<16xi32>
    %gather3A_770 = tpu.vector_load_idx %arg6[%add3A_769] : memref<896xi32, #tpu.memory_space<vmem>>[vector<16xi32>], vector<16xi32>,
    %add3A_771 = arith.constant 0 : i32
    %add3A_772 = vector.broadcast %add3A_771 : i32 to vector<16xi32>
    %add3A_773 = arith.addi %mul3A_3, %add3A_772 : vector<16xi32>
    %gather3A_774 = tpu.vector_load_idx %arg7[%and3A_764, %add3A_773] : memref<4x7xf32, #tpu.memory_space<vmem>>[vector<16xi32>, vector<16xi32>], vector<16xf32>,
    %convert_element_type3A_775 = arith.sitofp %gather3A_770 : vector<16xi32> to vector<16xf32>
    %mul3A_776 = arith.mulf %convert_element_type3A_775, %gather3A_774 : vector<16xf32>
    %add3A_777 = arith.addf %broadcast_in_dim3A_766, %mul3A_776 : vector<16xf32>
    %add3A_778 = arith.constant 1 : i32
    %add3A_779 = vector.broadcast %add3A_778 : i32 to vector<16xi32>
    %add3A_780 = arith.addi %mul3A_761, %add3A_779 : vector<16xi32>
    %gather3A_781 = tpu.vector_load_idx %arg6[%add3A_780] : memref<896xi32, #tpu.memory_space<vmem>>[vector<16xi32>], vector<16xi32>,
    %add3A_782 = arith.constant 1 : i32
    %add3A_783 = vector.broadcast %add3A_782 : i32 to vector<16xi32>
    %add3A_784 = arith.addi %mul3A_3, %add3A_783 : vector<16xi32>
    %gather3A_785 = tpu.vector_load_idx %arg7[%and3A_764, %add3A_784] : memref<4x7xf32, #tpu.memory_space<vmem>>[vector<16xi32>, vector<16xi32>], vector<16xf32>,
    %convert_element_type3A_786 = arith.sitofp %gather3A_781 : vector<16xi32> to vector<16xf32>
    %mul3A_787 = arith.mulf %convert_element_type3A_786, %gather3A_785 : vector<16xf32>
    %add3A_788 = arith.addf %add3A_777, %mul3A_787 : vector<16xf32>
    %add3A_789 = arith.constant 2 : i32
    %add3A_790 = vector.broadcast %add3A_789 : i32 to vector<16xi32>
    %add3A_791 = arith.addi %mul3A_761, %add3A_790 : vector<16xi32>
    %gather3A_792 = tpu.vector_load_idx %arg6[%add3A_791] : memref<896xi32, #tpu.memory_space<vmem>>[vector<16xi32>], vector<16xi32>,
    %add3A_793 = arith.constant 2 : i32
    %add3A_794 = vector.broadcast %add3A_793 : i32 to vector<16xi32>
    %add3A_795 = arith.addi %mul3A_3, %add3A_794 : vector<16xi32>
    %gather3A_796 = tpu.vector_load_idx %arg7[%and3A_764, %add3A_795] : memref<4x7xf32, #tpu.memory_space<vmem>>[vector<16xi32>, vector<16xi32>], vector<16xf32>,
    %convert_element_type3A_797 = arith.sitofp %gather3A_792 : vector<16xi32> to vector<16xf32>
    %mul3A_798 = arith.mulf %convert_element_type3A_797, %gather3A_796 : vector<16xf32>
    %add3A_799 = arith.addf %add3A_788, %mul3A_798 : vector<16xf32>
    %add3A_800 = arith.constant 3 : i32
    %add3A_801 = vector.broadcast %add3A_800 : i32 to vector<16xi32>
    %add3A_802 = arith.addi %mul3A_761, %add3A_801 : vector<16xi32>
    %gather3A_803 = tpu.vector_load_idx %arg6[%add3A_802] : memref<896xi32, #tpu.memory_space<vmem>>[vector<16xi32>], vector<16xi32>,
    %add3A_804 = arith.constant 3 : i32
    %add3A_805 = vector.broadcast %add3A_804 : i32 to vector<16xi32>
    %add3A_806 = arith.addi %mul3A_3, %add3A_805 : vector<16xi32>
    %gather3A_807 = tpu.vector_load_idx %arg7[%and3A_764, %add3A_806] : memref<4x7xf32, #tpu.memory_space<vmem>>[vector<16xi32>, vector<16xi32>], vector<16xf32>,
    %convert_element_type3A_808 = arith.sitofp %gather3A_803 : vector<16xi32> to vector<16xf32>
    %mul3A_809 = arith.mulf %convert_element_type3A_808, %gather3A_807 : vector<16xf32>
    %add3A_810 = arith.addf %add3A_799, %mul3A_809 : vector<16xf32>
    %add3A_811 = arith.constant 4 : i32
    %add3A_812 = vector.broadcast %add3A_811 : i32 to vector<16xi32>
    %add3A_813 = arith.addi %mul3A_761, %add3A_812 : vector<16xi32>
    %gather3A_814 = tpu.vector_load_idx %arg6[%add3A_813] : memref<896xi32, #tpu.memory_space<vmem>>[vector<16xi32>], vector<16xi32>,
    %add3A_815 = arith.constant 4 : i32
    %add3A_816 = vector.broadcast %add3A_815 : i32 to vector<16xi32>
    %add3A_817 = arith.addi %mul3A_3, %add3A_816 : vector<16xi32>
    %gather3A_818 = tpu.vector_load_idx %arg7[%and3A_764, %add3A_817] : memref<4x7xf32, #tpu.memory_space<vmem>>[vector<16xi32>, vector<16xi32>], vector<16xf32>,
    %convert_element_type3A_819 = arith.sitofp %gather3A_814 : vector<16xi32> to vector<16xf32>
    %mul3A_820 = arith.mulf %convert_element_type3A_819, %gather3A_818 : vector<16xf32>
    %add3A_821 = arith.addf %add3A_810, %mul3A_820 : vector<16xf32>
    %add3A_822 = arith.constant 5 : i32
    %add3A_823 = vector.broadcast %add3A_822 : i32 to vector<16xi32>
    %add3A_824 = arith.addi %mul3A_761, %add3A_823 : vector<16xi32>
    %gather3A_825 = tpu.vector_load_idx %arg6[%add3A_824] : memref<896xi32, #tpu.memory_space<vmem>>[vector<16xi32>], vector<16xi32>,
    %add3A_826 = arith.constant 5 : i32
    %add3A_827 = vector.broadcast %add3A_826 : i32 to vector<16xi32>
    %add3A_828 = arith.addi %mul3A_3, %add3A_827 : vector<16xi32>
    %gather3A_829 = tpu.vector_load_idx %arg7[%and3A_764, %add3A_828] : memref<4x7xf32, #tpu.memory_space<vmem>>[vector<16xi32>, vector<16xi32>], vector<16xf32>,
    %convert_element_type3A_830 = arith.sitofp %gather3A_825 : vector<16xi32> to vector<16xf32>
    %mul3A_831 = arith.mulf %convert_element_type3A_830, %gather3A_829 : vector<16xf32>
    %add3A_832 = arith.addf %add3A_821, %mul3A_831 : vector<16xf32>
    %add3A_833 = arith.constant 6 : i32
    %add3A_834 = vector.broadcast %add3A_833 : i32 to vector<16xi32>
    %add3A_835 = arith.addi %mul3A_761, %add3A_834 : vector<16xi32>
    %gather3A_836 = tpu.vector_load_idx %arg6[%add3A_835] : memref<896xi32, #tpu.memory_space<vmem>>[vector<16xi32>], vector<16xi32>,
    %add3A_837 = arith.constant 6 : i32
    %add3A_838 = vector.broadcast %add3A_837 : i32 to vector<16xi32>
    %add3A_839 = arith.addi %mul3A_3, %add3A_838 : vector<16xi32>
    %gather3A_840 = tpu.vector_load_idx %arg7[%and3A_764, %add3A_839] : memref<4x7xf32, #tpu.memory_space<vmem>>[vector<16xi32>, vector<16xi32>], vector<16xf32>,
    %convert_element_type3A_841 = arith.sitofp %gather3A_836 : vector<16xi32> to vector<16xf32>
    %mul3A_842 = arith.mulf %convert_element_type3A_841, %gather3A_840 : vector<16xf32>
    %add3A_843 = arith.addf %add3A_832, %mul3A_842 : vector<16xf32>
    %convert_element_type3A_844 = arith.fptosi %add3A_843 : vector<16xf32> to vector<16xi32>
    %swap3A_845 = arith.constant 128 : index
    %swap3A_846 = tpu.vector_load %arg8[%swap3A_845] {strides = array<i32>} : memref<512xi32, #tpu.memory_space<vmem>>, vector<16xi32>,
    tpu.vector_store %arg8[%swap3A_845], %convert_element_type3A_844 {strides = array<i32>} : memref<512xi32, #tpu.memory_space<vmem>>, vector<16xi32>,
    %add3A_847 = arith.constant 144 : i32
    %add3A_848 = vector.broadcast %add3A_847 : i32 to vector<16xi32>
    %add3A_849 = arith.addi %iota3A, %add3A_848 : vector<16xi32>
    %shift_right_arithmetic3A_850 = arith.constant 2 : i32
    %shift_right_arithmetic3A_851 = vector.broadcast %shift_right_arithmetic3A_850 : i32 to vector<16xi32>
    %shift_right_arithmetic3A_852 = arith.shrsi %add3A_849, %shift_right_arithmetic3A_851 : vector<16xi32>
    %mul3A_853 = arith.constant 7 : i32
    %mul3A_854 = vector.broadcast %mul3A_853 : i32 to vector<16xi32>
    %mul3A_855 = arith.muli %shift_right_arithmetic3A_852, %mul3A_854 : vector<16xi32>
    %and3A_856 = arith.constant 3 : i32
    %and3A_857 = vector.broadcast %and3A_856 : i32 to vector<16xi32>
    %and3A_858 = arith.andi %add3A_849, %and3A_857 : vector<16xi32>
    %broadcast_in_dim3A_859 = arith.constant 0.000000e+00 : f32
    %broadcast_in_dim3A_860 = vector.broadcast %broadcast_in_dim3A_859 : f32 to vector<16xf32>
    %add3A_861 = arith.constant 0 : i32
    %add3A_862 = vector.broadcast %add3A_861 : i32 to vector<16xi32>
    %add3A_863 = arith.addi %mul3A_855, %add3A_862 : vector<16xi32>
    %gather3A_864 = tpu.vector_load_idx %arg6[%add3A_863] : memref<896xi32, #tpu.memory_space<vmem>>[vector<16xi32>], vector<16xi32>,
    %add3A_865 = arith.constant 0 : i32
    %add3A_866 = vector.broadcast %add3A_865 : i32 to vector<16xi32>
    %add3A_867 = arith.addi %mul3A_3, %add3A_866 : vector<16xi32>
    %gather3A_868 = tpu.vector_load_idx %arg7[%and3A_858, %add3A_867] : memref<4x7xf32, #tpu.memory_space<vmem>>[vector<16xi32>, vector<16xi32>], vector<16xf32>,
    %convert_element_type3A_869 = arith.sitofp %gather3A_864 : vector<16xi32> to vector<16xf32>
    %mul3A_870 = arith.mulf %convert_element_type3A_869, %gather3A_868 : vector<16xf32>
    %add3A_871 = arith.addf %broadcast_in_dim3A_860, %mul3A_870 : vector<16xf32>
    %add3A_872 = arith.constant 1 : i32
    %add3A_873 = vector.broadcast %add3A_872 : i32 to vector<16xi32>
    %add3A_874 = arith.addi %mul3A_855, %add3A_873 : vector<16xi32>
    %gather3A_875 = tpu.vector_load_idx %arg6[%add3A_874] : memref<896xi32, #tpu.memory_space<vmem>>[vector<16xi32>], vector<16xi32>,
    %add3A_876 = arith.constant 1 : i32
    %add3A_877 = vector.broadcast %add3A_876 : i32 to vector<16xi32>
    %add3A_878 = arith.addi %mul3A_3, %add3A_877 : vector<16xi32>
    %gather3A_879 = tpu.vector_load_idx %arg7[%and3A_858, %add3A_878] : memref<4x7xf32, #tpu.memory_space<vmem>>[vector<16xi32>, vector<16xi32>], vector<16xf32>,
    %convert_element_type3A_880 = arith.sitofp %gather3A_875 : vector<16xi32> to vector<16xf32>
    %mul3A_881 = arith.mulf %convert_element_type3A_880, %gather3A_879 : vector<16xf32>
    %add3A_882 = arith.addf %add3A_871, %mul3A_881 : vector<16xf32>
    %add3A_883 = arith.constant 2 : i32
    %add3A_884 = vector.broadcast %add3A_883 : i32 to vector<16xi32>
    %add3A_885 = arith.addi %mul3A_855, %add3A_884 : vector<16xi32>
    %gather3A_886 = tpu.vector_load_idx %arg6[%add3A_885] : memref<896xi32, #tpu.memory_space<vmem>>[vector<16xi32>], vector<16xi32>,
    %add3A_887 = arith.constant 2 : i32
    %add3A_888 = vector.broadcast %add3A_887 : i32 to vector<16xi32>
    %add3A_889 = arith.addi %mul3A_3, %add3A_888 : vector<16xi32>
    %gather3A_890 = tpu.vector_load_idx %arg7[%and3A_858, %add3A_889] : memref<4x7xf32, #tpu.memory_space<vmem>>[vector<16xi32>, vector<16xi32>], vector<16xf32>,
    %convert_element_type3A_891 = arith.sitofp %gather3A_886 : vector<16xi32> to vector<16xf32>
    %mul3A_892 = arith.mulf %convert_element_type3A_891, %gather3A_890 : vector<16xf32>
    %add3A_893 = arith.addf %add3A_882, %mul3A_892 : vector<16xf32>
    %add3A_894 = arith.constant 3 : i32
    %add3A_895 = vector.broadcast %add3A_894 : i32 to vector<16xi32>
    %add3A_896 = arith.addi %mul3A_855, %add3A_895 : vector<16xi32>
    %gather3A_897 = tpu.vector_load_idx %arg6[%add3A_896] : memref<896xi32, #tpu.memory_space<vmem>>[vector<16xi32>], vector<16xi32>,
    %add3A_898 = arith.constant 3 : i32
    %add3A_899 = vector.broadcast %add3A_898 : i32 to vector<16xi32>
    %add3A_900 = arith.addi %mul3A_3, %add3A_899 : vector<16xi32>
    %gather3A_901 = tpu.vector_load_idx %arg7[%and3A_858, %add3A_900] : memref<4x7xf32, #tpu.memory_space<vmem>>[vector<16xi32>, vector<16xi32>], vector<16xf32>,
    %convert_element_type3A_902 = arith.sitofp %gather3A_897 : vector<16xi32> to vector<16xf32>
    %mul3A_903 = arith.mulf %convert_element_type3A_902, %gather3A_901 : vector<16xf32>
    %add3A_904 = arith.addf %add3A_893, %mul3A_903 : vector<16xf32>
    %add3A_905 = arith.constant 4 : i32
    %add3A_906 = vector.broadcast %add3A_905 : i32 to vector<16xi32>
    %add3A_907 = arith.addi %mul3A_855, %add3A_906 : vector<16xi32>
    %gather3A_908 = tpu.vector_load_idx %arg6[%add3A_907] : memref<896xi32, #tpu.memory_space<vmem>>[vector<16xi32>], vector<16xi32>,
    %add3A_909 = arith.constant 4 : i32
    %add3A_910 = vector.broadcast %add3A_909 : i32 to vector<16xi32>
    %add3A_911 = arith.addi %mul3A_3, %add3A_910 : vector<16xi32>
    %gather3A_912 = tpu.vector_load_idx %arg7[%and3A_858, %add3A_911] : memref<4x7xf32, #tpu.memory_space<vmem>>[vector<16xi32>, vector<16xi32>], vector<16xf32>,
    %convert_element_type3A_913 = arith.sitofp %gather3A_908 : vector<16xi32> to vector<16xf32>
    %mul3A_914 = arith.mulf %convert_element_type3A_913, %gather3A_912 : vector<16xf32>
    %add3A_915 = arith.addf %add3A_904, %mul3A_914 : vector<16xf32>
    %add3A_916 = arith.constant 5 : i32
    %add3A_917 = vector.broadcast %add3A_916 : i32 to vector<16xi32>
    %add3A_918 = arith.addi %mul3A_855, %add3A_917 : vector<16xi32>
    %gather3A_919 = tpu.vector_load_idx %arg6[%add3A_918] : memref<896xi32, #tpu.memory_space<vmem>>[vector<16xi32>], vector<16xi32>,
    %add3A_920 = arith.constant 5 : i32
    %add3A_921 = vector.broadcast %add3A_920 : i32 to vector<16xi32>
    %add3A_922 = arith.addi %mul3A_3, %add3A_921 : vector<16xi32>
    %gather3A_923 = tpu.vector_load_idx %arg7[%and3A_858, %add3A_922] : memref<4x7xf32, #tpu.memory_space<vmem>>[vector<16xi32>, vector<16xi32>], vector<16xf32>,
    %convert_element_type3A_924 = arith.sitofp %gather3A_919 : vector<16xi32> to vector<16xf32>
    %mul3A_925 = arith.mulf %convert_element_type3A_924, %gather3A_923 : vector<16xf32>
    %add3A_926 = arith.addf %add3A_915, %mul3A_925 : vector<16xf32>
    %add3A_927 = arith.constant 6 : i32
    %add3A_928 = vector.broadcast %add3A_927 : i32 to vector<16xi32>
    %add3A_929 = arith.addi %mul3A_855, %add3A_928 : vector<16xi32>
    %gather3A_930 = tpu.vector_load_idx %arg6[%add3A_929] : memref<896xi32, #tpu.memory_space<vmem>>[vector<16xi32>], vector<16xi32>,
    %add3A_931 = arith.constant 6 : i32
    %add3A_932 = vector.broadcast %add3A_931 : i32 to vector<16xi32>
    %add3A_933 = arith.addi %mul3A_3, %add3A_932 : vector<16xi32>
    %gather3A_934 = tpu.vector_load_idx %arg7[%and3A_858, %add3A_933] : memref<4x7xf32, #tpu.memory_space<vmem>>[vector<16xi32>, vector<16xi32>], vector<16xf32>,
    %convert_element_type3A_935 = arith.sitofp %gather3A_930 : vector<16xi32> to vector<16xf32>
    %mul3A_936 = arith.mulf %convert_element_type3A_935, %gather3A_934 : vector<16xf32>
    %add3A_937 = arith.addf %add3A_926, %mul3A_936 : vector<16xf32>
    %convert_element_type3A_938 = arith.fptosi %add3A_937 : vector<16xf32> to vector<16xi32>
    %swap3A_939 = arith.constant 144 : index
    %swap3A_940 = tpu.vector_load %arg8[%swap3A_939] {strides = array<i32>} : memref<512xi32, #tpu.memory_space<vmem>>, vector<16xi32>,
    tpu.vector_store %arg8[%swap3A_939], %convert_element_type3A_938 {strides = array<i32>} : memref<512xi32, #tpu.memory_space<vmem>>, vector<16xi32>,
    %add3A_941 = arith.constant 160 : i32
    %add3A_942 = vector.broadcast %add3A_941 : i32 to vector<16xi32>
    %add3A_943 = arith.addi %iota3A, %add3A_942 : vector<16xi32>
    %shift_right_arithmetic3A_944 = arith.constant 2 : i32
    %shift_right_arithmetic3A_945 = vector.broadcast %shift_right_arithmetic3A_944 : i32 to vector<16xi32>
    %shift_right_arithmetic3A_946 = arith.shrsi %add3A_943, %shift_right_arithmetic3A_945 : vector<16xi32>
    %mul3A_947 = arith.constant 7 : i32
    %mul3A_948 = vector.broadcast %mul3A_947 : i32 to vector<16xi32>
    %mul3A_949 = arith.muli %shift_right_arithmetic3A_946, %mul3A_948 : vector<16xi32>
    %and3A_950 = arith.constant 3 : i32
    %and3A_951 = vector.broadcast %and3A_950 : i32 to vector<16xi32>
    %and3A_952 = arith.andi %add3A_943, %and3A_951 : vector<16xi32>
    %broadcast_in_dim3A_953 = arith.constant 0.000000e+00 : f32
    %broadcast_in_dim3A_954 = vector.broadcast %broadcast_in_dim3A_953 : f32 to vector<16xf32>
    %add3A_955 = arith.constant 0 : i32
    %add3A_956 = vector.broadcast %add3A_955 : i32 to vector<16xi32>
    %add3A_957 = arith.addi %mul3A_949, %add3A_956 : vector<16xi32>
    %gather3A_958 = tpu.vector_load_idx %arg6[%add3A_957] : memref<896xi32, #tpu.memory_space<vmem>>[vector<16xi32>], vector<16xi32>,
    %add3A_959 = arith.constant 0 : i32
    %add3A_960 = vector.broadcast %add3A_959 : i32 to vector<16xi32>
    %add3A_961 = arith.addi %mul3A_3, %add3A_960 : vector<16xi32>
    %gather3A_962 = tpu.vector_load_idx %arg7[%and3A_952, %add3A_961] : memref<4x7xf32, #tpu.memory_space<vmem>>[vector<16xi32>, vector<16xi32>], vector<16xf32>,
    %convert_element_type3A_963 = arith.sitofp %gather3A_958 : vector<16xi32> to vector<16xf32>
    %mul3A_964 = arith.mulf %convert_element_type3A_963, %gather3A_962 : vector<16xf32>
    %add3A_965 = arith.addf %broadcast_in_dim3A_954, %mul3A_964 : vector<16xf32>
    %add3A_966 = arith.constant 1 : i32
    %add3A_967 = vector.broadcast %add3A_966 : i32 to vector<16xi32>
    %add3A_968 = arith.addi %mul3A_949, %add3A_967 : vector<16xi32>
    %gather3A_969 = tpu.vector_load_idx %arg6[%add3A_968] : memref<896xi32, #tpu.memory_space<vmem>>[vector<16xi32>], vector<16xi32>,
    %add3A_970 = arith.constant 1 : i32
    %add3A_971 = vector.broadcast %add3A_970 : i32 to vector<16xi32>
    %add3A_972 = arith.addi %mul3A_3, %add3A_971 : vector<16xi32>
    %gather3A_973 = tpu.vector_load_idx %arg7[%and3A_952, %add3A_972] : memref<4x7xf32, #tpu.memory_space<vmem>>[vector<16xi32>, vector<16xi32>], vector<16xf32>,
    %convert_element_type3A_974 = arith.sitofp %gather3A_969 : vector<16xi32> to vector<16xf32>
    %mul3A_975 = arith.mulf %convert_element_type3A_974, %gather3A_973 : vector<16xf32>
    %add3A_976 = arith.addf %add3A_965, %mul3A_975 : vector<16xf32>
    %add3A_977 = arith.constant 2 : i32
    %add3A_978 = vector.broadcast %add3A_977 : i32 to vector<16xi32>
    %add3A_979 = arith.addi %mul3A_949, %add3A_978 : vector<16xi32>
    %gather3A_980 = tpu.vector_load_idx %arg6[%add3A_979] : memref<896xi32, #tpu.memory_space<vmem>>[vector<16xi32>], vector<16xi32>,
    %add3A_981 = arith.constant 2 : i32
    %add3A_982 = vector.broadcast %add3A_981 : i32 to vector<16xi32>
    %add3A_983 = arith.addi %mul3A_3, %add3A_982 : vector<16xi32>
    %gather3A_984 = tpu.vector_load_idx %arg7[%and3A_952, %add3A_983] : memref<4x7xf32, #tpu.memory_space<vmem>>[vector<16xi32>, vector<16xi32>], vector<16xf32>,
    %convert_element_type3A_985 = arith.sitofp %gather3A_980 : vector<16xi32> to vector<16xf32>
    %mul3A_986 = arith.mulf %convert_element_type3A_985, %gather3A_984 : vector<16xf32>
    %add3A_987 = arith.addf %add3A_976, %mul3A_986 : vector<16xf32>
    %add3A_988 = arith.constant 3 : i32
    %add3A_989 = vector.broadcast %add3A_988 : i32 to vector<16xi32>
    %add3A_990 = arith.addi %mul3A_949, %add3A_989 : vector<16xi32>
    %gather3A_991 = tpu.vector_load_idx %arg6[%add3A_990] : memref<896xi32, #tpu.memory_space<vmem>>[vector<16xi32>], vector<16xi32>,
    %add3A_992 = arith.constant 3 : i32
    %add3A_993 = vector.broadcast %add3A_992 : i32 to vector<16xi32>
    %add3A_994 = arith.addi %mul3A_3, %add3A_993 : vector<16xi32>
    %gather3A_995 = tpu.vector_load_idx %arg7[%and3A_952, %add3A_994] : memref<4x7xf32, #tpu.memory_space<vmem>>[vector<16xi32>, vector<16xi32>], vector<16xf32>,
    %convert_element_type3A_996 = arith.sitofp %gather3A_991 : vector<16xi32> to vector<16xf32>
    %mul3A_997 = arith.mulf %convert_element_type3A_996, %gather3A_995 : vector<16xf32>
    %add3A_998 = arith.addf %add3A_987, %mul3A_997 : vector<16xf32>
    %add3A_999 = arith.constant 4 : i32
    %add3A_1000 = vector.broadcast %add3A_999 : i32 to vector<16xi32>
    %add3A_1001 = arith.addi %mul3A_949, %add3A_1000 : vector<16xi32>
    %gather3A_1002 = tpu.vector_load_idx %arg6[%add3A_1001] : memref<896xi32, #tpu.memory_space<vmem>>[vector<16xi32>], vector<16xi32>,
    %add3A_1003 = arith.constant 4 : i32
    %add3A_1004 = vector.broadcast %add3A_1003 : i32 to vector<16xi32>
    %add3A_1005 = arith.addi %mul3A_3, %add3A_1004 : vector<16xi32>
    %gather3A_1006 = tpu.vector_load_idx %arg7[%and3A_952, %add3A_1005] : memref<4x7xf32, #tpu.memory_space<vmem>>[vector<16xi32>, vector<16xi32>], vector<16xf32>,
    %convert_element_type3A_1007 = arith.sitofp %gather3A_1002 : vector<16xi32> to vector<16xf32>
    %mul3A_1008 = arith.mulf %convert_element_type3A_1007, %gather3A_1006 : vector<16xf32>
    %add3A_1009 = arith.addf %add3A_998, %mul3A_1008 : vector<16xf32>
    %add3A_1010 = arith.constant 5 : i32
    %add3A_1011 = vector.broadcast %add3A_1010 : i32 to vector<16xi32>
    %add3A_1012 = arith.addi %mul3A_949, %add3A_1011 : vector<16xi32>
    %gather3A_1013 = tpu.vector_load_idx %arg6[%add3A_1012] : memref<896xi32, #tpu.memory_space<vmem>>[vector<16xi32>], vector<16xi32>,
    %add3A_1014 = arith.constant 5 : i32
    %add3A_1015 = vector.broadcast %add3A_1014 : i32 to vector<16xi32>
    %add3A_1016 = arith.addi %mul3A_3, %add3A_1015 : vector<16xi32>
    %gather3A_1017 = tpu.vector_load_idx %arg7[%and3A_952, %add3A_1016] : memref<4x7xf32, #tpu.memory_space<vmem>>[vector<16xi32>, vector<16xi32>], vector<16xf32>,
    %convert_element_type3A_1018 = arith.sitofp %gather3A_1013 : vector<16xi32> to vector<16xf32>
    %mul3A_1019 = arith.mulf %convert_element_type3A_1018, %gather3A_1017 : vector<16xf32>
    %add3A_1020 = arith.addf %add3A_1009, %mul3A_1019 : vector<16xf32>
    %add3A_1021 = arith.constant 6 : i32
    %add3A_1022 = vector.broadcast %add3A_1021 : i32 to vector<16xi32>
    %add3A_1023 = arith.addi %mul3A_949, %add3A_1022 : vector<16xi32>
    %gather3A_1024 = tpu.vector_load_idx %arg6[%add3A_1023] : memref<896xi32, #tpu.memory_space<vmem>>[vector<16xi32>], vector<16xi32>,
    %add3A_1025 = arith.constant 6 : i32
    %add3A_1026 = vector.broadcast %add3A_1025 : i32 to vector<16xi32>
    %add3A_1027 = arith.addi %mul3A_3, %add3A_1026 : vector<16xi32>
    %gather3A_1028 = tpu.vector_load_idx %arg7[%and3A_952, %add3A_1027] : memref<4x7xf32, #tpu.memory_space<vmem>>[vector<16xi32>, vector<16xi32>], vector<16xf32>,
    %convert_element_type3A_1029 = arith.sitofp %gather3A_1024 : vector<16xi32> to vector<16xf32>
    %mul3A_1030 = arith.mulf %convert_element_type3A_1029, %gather3A_1028 : vector<16xf32>
    %add3A_1031 = arith.addf %add3A_1020, %mul3A_1030 : vector<16xf32>
    %convert_element_type3A_1032 = arith.fptosi %add3A_1031 : vector<16xf32> to vector<16xi32>
    %swap3A_1033 = arith.constant 160 : index
    %swap3A_1034 = tpu.vector_load %arg8[%swap3A_1033] {strides = array<i32>} : memref<512xi32, #tpu.memory_space<vmem>>, vector<16xi32>,
    tpu.vector_store %arg8[%swap3A_1033], %convert_element_type3A_1032 {strides = array<i32>} : memref<512xi32, #tpu.memory_space<vmem>>, vector<16xi32>,
    %add3A_1035 = arith.constant 176 : i32
    %add3A_1036 = vector.broadcast %add3A_1035 : i32 to vector<16xi32>
    %add3A_1037 = arith.addi %iota3A, %add3A_1036 : vector<16xi32>
    %shift_right_arithmetic3A_1038 = arith.constant 2 : i32
    %shift_right_arithmetic3A_1039 = vector.broadcast %shift_right_arithmetic3A_1038 : i32 to vector<16xi32>
    %shift_right_arithmetic3A_1040 = arith.shrsi %add3A_1037, %shift_right_arithmetic3A_1039 : vector<16xi32>
    %mul3A_1041 = arith.constant 7 : i32
    %mul3A_1042 = vector.broadcast %mul3A_1041 : i32 to vector<16xi32>
    %mul3A_1043 = arith.muli %shift_right_arithmetic3A_1040, %mul3A_1042 : vector<16xi32>
    %and3A_1044 = arith.constant 3 : i32
    %and3A_1045 = vector.broadcast %and3A_1044 : i32 to vector<16xi32>
    %and3A_1046 = arith.andi %add3A_1037, %and3A_1045 : vector<16xi32>
    %broadcast_in_dim3A_1047 = arith.constant 0.000000e+00 : f32
    %broadcast_in_dim3A_1048 = vector.broadcast %broadcast_in_dim3A_1047 : f32 to vector<16xf32>
    %add3A_1049 = arith.constant 0 : i32
    %add3A_1050 = vector.broadcast %add3A_1049 : i32 to vector<16xi32>
    %add3A_1051 = arith.addi %mul3A_1043, %add3A_1050 : vector<16xi32>
    %gather3A_1052 = tpu.vector_load_idx %arg6[%add3A_1051] : memref<896xi32, #tpu.memory_space<vmem>>[vector<16xi32>], vector<16xi32>,
    %add3A_1053 = arith.constant 0 : i32
    %add3A_1054 = vector.broadcast %add3A_1053 : i32 to vector<16xi32>
    %add3A_1055 = arith.addi %mul3A_3, %add3A_1054 : vector<16xi32>
    %gather3A_1056 = tpu.vector_load_idx %arg7[%and3A_1046, %add3A_1055] : memref<4x7xf32, #tpu.memory_space<vmem>>[vector<16xi32>, vector<16xi32>], vector<16xf32>,
    %convert_element_type3A_1057 = arith.sitofp %gather3A_1052 : vector<16xi32> to vector<16xf32>
    %mul3A_1058 = arith.mulf %convert_element_type3A_1057, %gather3A_1056 : vector<16xf32>
    %add3A_1059 = arith.addf %broadcast_in_dim3A_1048, %mul3A_1058 : vector<16xf32>
    %add3A_1060 = arith.constant 1 : i32
    %add3A_1061 = vector.broadcast %add3A_1060 : i32 to vector<16xi32>
    %add3A_1062 = arith.addi %mul3A_1043, %add3A_1061 : vector<16xi32>
    %gather3A_1063 = tpu.vector_load_idx %arg6[%add3A_1062] : memref<896xi32, #tpu.memory_space<vmem>>[vector<16xi32>], vector<16xi32>,
    %add3A_1064 = arith.constant 1 : i32
    %add3A_1065 = vector.broadcast %add3A_1064 : i32 to vector<16xi32>
    %add3A_1066 = arith.addi %mul3A_3, %add3A_1065 : vector<16xi32>
    %gather3A_1067 = tpu.vector_load_idx %arg7[%and3A_1046, %add3A_1066] : memref<4x7xf32, #tpu.memory_space<vmem>>[vector<16xi32>, vector<16xi32>], vector<16xf32>,
    %convert_element_type3A_1068 = arith.sitofp %gather3A_1063 : vector<16xi32> to vector<16xf32>
    %mul3A_1069 = arith.mulf %convert_element_type3A_1068, %gather3A_1067 : vector<16xf32>
    %add3A_1070 = arith.addf %add3A_1059, %mul3A_1069 : vector<16xf32>
    %add3A_1071 = arith.constant 2 : i32
    %add3A_1072 = vector.broadcast %add3A_1071 : i32 to vector<16xi32>
    %add3A_1073 = arith.addi %mul3A_1043, %add3A_1072 : vector<16xi32>
    %gather3A_1074 = tpu.vector_load_idx %arg6[%add3A_1073] : memref<896xi32, #tpu.memory_space<vmem>>[vector<16xi32>], vector<16xi32>,
    %add3A_1075 = arith.constant 2 : i32
    %add3A_1076 = vector.broadcast %add3A_1075 : i32 to vector<16xi32>
    %add3A_1077 = arith.addi %mul3A_3, %add3A_1076 : vector<16xi32>
    %gather3A_1078 = tpu.vector_load_idx %arg7[%and3A_1046, %add3A_1077] : memref<4x7xf32, #tpu.memory_space<vmem>>[vector<16xi32>, vector<16xi32>], vector<16xf32>,
    %convert_element_type3A_1079 = arith.sitofp %gather3A_1074 : vector<16xi32> to vector<16xf32>
    %mul3A_1080 = arith.mulf %convert_element_type3A_1079, %gather3A_1078 : vector<16xf32>
    %add3A_1081 = arith.addf %add3A_1070, %mul3A_1080 : vector<16xf32>
    %add3A_1082 = arith.constant 3 : i32
    %add3A_1083 = vector.broadcast %add3A_1082 : i32 to vector<16xi32>
    %add3A_1084 = arith.addi %mul3A_1043, %add3A_1083 : vector<16xi32>
    %gather3A_1085 = tpu.vector_load_idx %arg6[%add3A_1084] : memref<896xi32, #tpu.memory_space<vmem>>[vector<16xi32>], vector<16xi32>,
    %add3A_1086 = arith.constant 3 : i32
    %add3A_1087 = vector.broadcast %add3A_1086 : i32 to vector<16xi32>
    %add3A_1088 = arith.addi %mul3A_3, %add3A_1087 : vector<16xi32>
    %gather3A_1089 = tpu.vector_load_idx %arg7[%and3A_1046, %add3A_1088] : memref<4x7xf32, #tpu.memory_space<vmem>>[vector<16xi32>, vector<16xi32>], vector<16xf32>,
    %convert_element_type3A_1090 = arith.sitofp %gather3A_1085 : vector<16xi32> to vector<16xf32>
    %mul3A_1091 = arith.mulf %convert_element_type3A_1090, %gather3A_1089 : vector<16xf32>
    %add3A_1092 = arith.addf %add3A_1081, %mul3A_1091 : vector<16xf32>
    %add3A_1093 = arith.constant 4 : i32
    %add3A_1094 = vector.broadcast %add3A_1093 : i32 to vector<16xi32>
    %add3A_1095 = arith.addi %mul3A_1043, %add3A_1094 : vector<16xi32>
    %gather3A_1096 = tpu.vector_load_idx %arg6[%add3A_1095] : memref<896xi32, #tpu.memory_space<vmem>>[vector<16xi32>], vector<16xi32>,
    %add3A_1097 = arith.constant 4 : i32
    %add3A_1098 = vector.broadcast %add3A_1097 : i32 to vector<16xi32>
    %add3A_1099 = arith.addi %mul3A_3, %add3A_1098 : vector<16xi32>
    %gather3A_1100 = tpu.vector_load_idx %arg7[%and3A_1046, %add3A_1099] : memref<4x7xf32, #tpu.memory_space<vmem>>[vector<16xi32>, vector<16xi32>], vector<16xf32>,
    %convert_element_type3A_1101 = arith.sitofp %gather3A_1096 : vector<16xi32> to vector<16xf32>
    %mul3A_1102 = arith.mulf %convert_element_type3A_1101, %gather3A_1100 : vector<16xf32>
    %add3A_1103 = arith.addf %add3A_1092, %mul3A_1102 : vector<16xf32>
    %add3A_1104 = arith.constant 5 : i32
    %add3A_1105 = vector.broadcast %add3A_1104 : i32 to vector<16xi32>
    %add3A_1106 = arith.addi %mul3A_1043, %add3A_1105 : vector<16xi32>
    %gather3A_1107 = tpu.vector_load_idx %arg6[%add3A_1106] : memref<896xi32, #tpu.memory_space<vmem>>[vector<16xi32>], vector<16xi32>,
    %add3A_1108 = arith.constant 5 : i32
    %add3A_1109 = vector.broadcast %add3A_1108 : i32 to vector<16xi32>
    %add3A_1110 = arith.addi %mul3A_3, %add3A_1109 : vector<16xi32>
    %gather3A_1111 = tpu.vector_load_idx %arg7[%and3A_1046, %add3A_1110] : memref<4x7xf32, #tpu.memory_space<vmem>>[vector<16xi32>, vector<16xi32>], vector<16xf32>,
    %convert_element_type3A_1112 = arith.sitofp %gather3A_1107 : vector<16xi32> to vector<16xf32>
    %mul3A_1113 = arith.mulf %convert_element_type3A_1112, %gather3A_1111 : vector<16xf32>
    %add3A_1114 = arith.addf %add3A_1103, %mul3A_1113 : vector<16xf32>
    %add3A_1115 = arith.constant 6 : i32
    %add3A_1116 = vector.broadcast %add3A_1115 : i32 to vector<16xi32>
    %add3A_1117 = arith.addi %mul3A_1043, %add3A_1116 : vector<16xi32>
    %gather3A_1118 = tpu.vector_load_idx %arg6[%add3A_1117] : memref<896xi32, #tpu.memory_space<vmem>>[vector<16xi32>], vector<16xi32>,
    %add3A_1119 = arith.constant 6 : i32
    %add3A_1120 = vector.broadcast %add3A_1119 : i32 to vector<16xi32>
    %add3A_1121 = arith.addi %mul3A_3, %add3A_1120 : vector<16xi32>
    %gather3A_1122 = tpu.vector_load_idx %arg7[%and3A_1046, %add3A_1121] : memref<4x7xf32, #tpu.memory_space<vmem>>[vector<16xi32>, vector<16xi32>], vector<16xf32>,
    %convert_element_type3A_1123 = arith.sitofp %gather3A_1118 : vector<16xi32> to vector<16xf32>
    %mul3A_1124 = arith.mulf %convert_element_type3A_1123, %gather3A_1122 : vector<16xf32>
    %add3A_1125 = arith.addf %add3A_1114, %mul3A_1124 : vector<16xf32>
    %convert_element_type3A_1126 = arith.fptosi %add3A_1125 : vector<16xf32> to vector<16xi32>
    %swap3A_1127 = arith.constant 176 : index
    %swap3A_1128 = tpu.vector_load %arg8[%swap3A_1127] {strides = array<i32>} : memref<512xi32, #tpu.memory_space<vmem>>, vector<16xi32>,
    tpu.vector_store %arg8[%swap3A_1127], %convert_element_type3A_1126 {strides = array<i32>} : memref<512xi32, #tpu.memory_space<vmem>>, vector<16xi32>,
    %add3A_1129 = arith.constant 192 : i32
    %add3A_1130 = vector.broadcast %add3A_1129 : i32 to vector<16xi32>
    %add3A_1131 = arith.addi %iota3A, %add3A_1130 : vector<16xi32>
    %shift_right_arithmetic3A_1132 = arith.constant 2 : i32
    %shift_right_arithmetic3A_1133 = vector.broadcast %shift_right_arithmetic3A_1132 : i32 to vector<16xi32>
    %shift_right_arithmetic3A_1134 = arith.shrsi %add3A_1131, %shift_right_arithmetic3A_1133 : vector<16xi32>
    %mul3A_1135 = arith.constant 7 : i32
    %mul3A_1136 = vector.broadcast %mul3A_1135 : i32 to vector<16xi32>
    %mul3A_1137 = arith.muli %shift_right_arithmetic3A_1134, %mul3A_1136 : vector<16xi32>
    %and3A_1138 = arith.constant 3 : i32
    %and3A_1139 = vector.broadcast %and3A_1138 : i32 to vector<16xi32>
    %and3A_1140 = arith.andi %add3A_1131, %and3A_1139 : vector<16xi32>
    %broadcast_in_dim3A_1141 = arith.constant 0.000000e+00 : f32
    %broadcast_in_dim3A_1142 = vector.broadcast %broadcast_in_dim3A_1141 : f32 to vector<16xf32>
    %add3A_1143 = arith.constant 0 : i32
    %add3A_1144 = vector.broadcast %add3A_1143 : i32 to vector<16xi32>
    %add3A_1145 = arith.addi %mul3A_1137, %add3A_1144 : vector<16xi32>
    %gather3A_1146 = tpu.vector_load_idx %arg6[%add3A_1145] : memref<896xi32, #tpu.memory_space<vmem>>[vector<16xi32>], vector<16xi32>,
    %add3A_1147 = arith.constant 0 : i32
    %add3A_1148 = vector.broadcast %add3A_1147 : i32 to vector<16xi32>
    %add3A_1149 = arith.addi %mul3A_3, %add3A_1148 : vector<16xi32>
    %gather3A_1150 = tpu.vector_load_idx %arg7[%and3A_1140, %add3A_1149] : memref<4x7xf32, #tpu.memory_space<vmem>>[vector<16xi32>, vector<16xi32>], vector<16xf32>,
    %convert_element_type3A_1151 = arith.sitofp %gather3A_1146 : vector<16xi32> to vector<16xf32>
    %mul3A_1152 = arith.mulf %convert_element_type3A_1151, %gather3A_1150 : vector<16xf32>
    %add3A_1153 = arith.addf %broadcast_in_dim3A_1142, %mul3A_1152 : vector<16xf32>
    %add3A_1154 = arith.constant 1 : i32
    %add3A_1155 = vector.broadcast %add3A_1154 : i32 to vector<16xi32>
    %add3A_1156 = arith.addi %mul3A_1137, %add3A_1155 : vector<16xi32>
    %gather3A_1157 = tpu.vector_load_idx %arg6[%add3A_1156] : memref<896xi32, #tpu.memory_space<vmem>>[vector<16xi32>], vector<16xi32>,
    %add3A_1158 = arith.constant 1 : i32
    %add3A_1159 = vector.broadcast %add3A_1158 : i32 to vector<16xi32>
    %add3A_1160 = arith.addi %mul3A_3, %add3A_1159 : vector<16xi32>
    %gather3A_1161 = tpu.vector_load_idx %arg7[%and3A_1140, %add3A_1160] : memref<4x7xf32, #tpu.memory_space<vmem>>[vector<16xi32>, vector<16xi32>], vector<16xf32>,
    %convert_element_type3A_1162 = arith.sitofp %gather3A_1157 : vector<16xi32> to vector<16xf32>
    %mul3A_1163 = arith.mulf %convert_element_type3A_1162, %gather3A_1161 : vector<16xf32>
    %add3A_1164 = arith.addf %add3A_1153, %mul3A_1163 : vector<16xf32>
    %add3A_1165 = arith.constant 2 : i32
    %add3A_1166 = vector.broadcast %add3A_1165 : i32 to vector<16xi32>
    %add3A_1167 = arith.addi %mul3A_1137, %add3A_1166 : vector<16xi32>
    %gather3A_1168 = tpu.vector_load_idx %arg6[%add3A_1167] : memref<896xi32, #tpu.memory_space<vmem>>[vector<16xi32>], vector<16xi32>,
    %add3A_1169 = arith.constant 2 : i32
    %add3A_1170 = vector.broadcast %add3A_1169 : i32 to vector<16xi32>
    %add3A_1171 = arith.addi %mul3A_3, %add3A_1170 : vector<16xi32>
    %gather3A_1172 = tpu.vector_load_idx %arg7[%and3A_1140, %add3A_1171] : memref<4x7xf32, #tpu.memory_space<vmem>>[vector<16xi32>, vector<16xi32>], vector<16xf32>,
    %convert_element_type3A_1173 = arith.sitofp %gather3A_1168 : vector<16xi32> to vector<16xf32>
    %mul3A_1174 = arith.mulf %convert_element_type3A_1173, %gather3A_1172 : vector<16xf32>
    %add3A_1175 = arith.addf %add3A_1164, %mul3A_1174 : vector<16xf32>
    %add3A_1176 = arith.constant 3 : i32
    %add3A_1177 = vector.broadcast %add3A_1176 : i32 to vector<16xi32>
    %add3A_1178 = arith.addi %mul3A_1137, %add3A_1177 : vector<16xi32>
    %gather3A_1179 = tpu.vector_load_idx %arg6[%add3A_1178] : memref<896xi32, #tpu.memory_space<vmem>>[vector<16xi32>], vector<16xi32>,
    %add3A_1180 = arith.constant 3 : i32
    %add3A_1181 = vector.broadcast %add3A_1180 : i32 to vector<16xi32>
    %add3A_1182 = arith.addi %mul3A_3, %add3A_1181 : vector<16xi32>
    %gather3A_1183 = tpu.vector_load_idx %arg7[%and3A_1140, %add3A_1182] : memref<4x7xf32, #tpu.memory_space<vmem>>[vector<16xi32>, vector<16xi32>], vector<16xf32>,
    %convert_element_type3A_1184 = arith.sitofp %gather3A_1179 : vector<16xi32> to vector<16xf32>
    %mul3A_1185 = arith.mulf %convert_element_type3A_1184, %gather3A_1183 : vector<16xf32>
    %add3A_1186 = arith.addf %add3A_1175, %mul3A_1185 : vector<16xf32>
    %add3A_1187 = arith.constant 4 : i32
    %add3A_1188 = vector.broadcast %add3A_1187 : i32 to vector<16xi32>
    %add3A_1189 = arith.addi %mul3A_1137, %add3A_1188 : vector<16xi32>
    %gather3A_1190 = tpu.vector_load_idx %arg6[%add3A_1189] : memref<896xi32, #tpu.memory_space<vmem>>[vector<16xi32>], vector<16xi32>,
    %add3A_1191 = arith.constant 4 : i32
    %add3A_1192 = vector.broadcast %add3A_1191 : i32 to vector<16xi32>
    %add3A_1193 = arith.addi %mul3A_3, %add3A_1192 : vector<16xi32>
    %gather3A_1194 = tpu.vector_load_idx %arg7[%and3A_1140, %add3A_1193] : memref<4x7xf32, #tpu.memory_space<vmem>>[vector<16xi32>, vector<16xi32>], vector<16xf32>,
    %convert_element_type3A_1195 = arith.sitofp %gather3A_1190 : vector<16xi32> to vector<16xf32>
    %mul3A_1196 = arith.mulf %convert_element_type3A_1195, %gather3A_1194 : vector<16xf32>
    %add3A_1197 = arith.addf %add3A_1186, %mul3A_1196 : vector<16xf32>
    %add3A_1198 = arith.constant 5 : i32
    %add3A_1199 = vector.broadcast %add3A_1198 : i32 to vector<16xi32>
    %add3A_1200 = arith.addi %mul3A_1137, %add3A_1199 : vector<16xi32>
    %gather3A_1201 = tpu.vector_load_idx %arg6[%add3A_1200] : memref<896xi32, #tpu.memory_space<vmem>>[vector<16xi32>], vector<16xi32>,
    %add3A_1202 = arith.constant 5 : i32
    %add3A_1203 = vector.broadcast %add3A_1202 : i32 to vector<16xi32>
    %add3A_1204 = arith.addi %mul3A_3, %add3A_1203 : vector<16xi32>
    %gather3A_1205 = tpu.vector_load_idx %arg7[%and3A_1140, %add3A_1204] : memref<4x7xf32, #tpu.memory_space<vmem>>[vector<16xi32>, vector<16xi32>], vector<16xf32>,
    %convert_element_type3A_1206 = arith.sitofp %gather3A_1201 : vector<16xi32> to vector<16xf32>
    %mul3A_1207 = arith.mulf %convert_element_type3A_1206, %gather3A_1205 : vector<16xf32>
    %add3A_1208 = arith.addf %add3A_1197, %mul3A_1207 : vector<16xf32>
    %add3A_1209 = arith.constant 6 : i32
    %add3A_1210 = vector.broadcast %add3A_1209 : i32 to vector<16xi32>
    %add3A_1211 = arith.addi %mul3A_1137, %add3A_1210 : vector<16xi32>
    %gather3A_1212 = tpu.vector_load_idx %arg6[%add3A_1211] : memref<896xi32, #tpu.memory_space<vmem>>[vector<16xi32>], vector<16xi32>,
    %add3A_1213 = arith.constant 6 : i32
    %add3A_1214 = vector.broadcast %add3A_1213 : i32 to vector<16xi32>
    %add3A_1215 = arith.addi %mul3A_3, %add3A_1214 : vector<16xi32>
    %gather3A_1216 = tpu.vector_load_idx %arg7[%and3A_1140, %add3A_1215] : memref<4x7xf32, #tpu.memory_space<vmem>>[vector<16xi32>, vector<16xi32>], vector<16xf32>,
    %convert_element_type3A_1217 = arith.sitofp %gather3A_1212 : vector<16xi32> to vector<16xf32>
    %mul3A_1218 = arith.mulf %convert_element_type3A_1217, %gather3A_1216 : vector<16xf32>
    %add3A_1219 = arith.addf %add3A_1208, %mul3A_1218 : vector<16xf32>
    %convert_element_type3A_1220 = arith.fptosi %add3A_1219 : vector<16xf32> to vector<16xi32>
    %swap3A_1221 = arith.constant 192 : index
    %swap3A_1222 = tpu.vector_load %arg8[%swap3A_1221] {strides = array<i32>} : memref<512xi32, #tpu.memory_space<vmem>>, vector<16xi32>,
    tpu.vector_store %arg8[%swap3A_1221], %convert_element_type3A_1220 {strides = array<i32>} : memref<512xi32, #tpu.memory_space<vmem>>, vector<16xi32>,
    %add3A_1223 = arith.constant 208 : i32
    %add3A_1224 = vector.broadcast %add3A_1223 : i32 to vector<16xi32>
    %add3A_1225 = arith.addi %iota3A, %add3A_1224 : vector<16xi32>
    %shift_right_arithmetic3A_1226 = arith.constant 2 : i32
    %shift_right_arithmetic3A_1227 = vector.broadcast %shift_right_arithmetic3A_1226 : i32 to vector<16xi32>
    %shift_right_arithmetic3A_1228 = arith.shrsi %add3A_1225, %shift_right_arithmetic3A_1227 : vector<16xi32>
    %mul3A_1229 = arith.constant 7 : i32
    %mul3A_1230 = vector.broadcast %mul3A_1229 : i32 to vector<16xi32>
    %mul3A_1231 = arith.muli %shift_right_arithmetic3A_1228, %mul3A_1230 : vector<16xi32>
    %and3A_1232 = arith.constant 3 : i32
    %and3A_1233 = vector.broadcast %and3A_1232 : i32 to vector<16xi32>
    %and3A_1234 = arith.andi %add3A_1225, %and3A_1233 : vector<16xi32>
    %broadcast_in_dim3A_1235 = arith.constant 0.000000e+00 : f32
    %broadcast_in_dim3A_1236 = vector.broadcast %broadcast_in_dim3A_1235 : f32 to vector<16xf32>
    %add3A_1237 = arith.constant 0 : i32
    %add3A_1238 = vector.broadcast %add3A_1237 : i32 to vector<16xi32>
    %add3A_1239 = arith.addi %mul3A_1231, %add3A_1238 : vector<16xi32>
    %gather3A_1240 = tpu.vector_load_idx %arg6[%add3A_1239] : memref<896xi32, #tpu.memory_space<vmem>>[vector<16xi32>], vector<16xi32>,
    %add3A_1241 = arith.constant 0 : i32
    %add3A_1242 = vector.broadcast %add3A_1241 : i32 to vector<16xi32>
    %add3A_1243 = arith.addi %mul3A_3, %add3A_1242 : vector<16xi32>
    %gather3A_1244 = tpu.vector_load_idx %arg7[%and3A_1234, %add3A_1243] : memref<4x7xf32, #tpu.memory_space<vmem>>[vector<16xi32>, vector<16xi32>], vector<16xf32>,
    %convert_element_type3A_1245 = arith.sitofp %gather3A_1240 : vector<16xi32> to vector<16xf32>
    %mul3A_1246 = arith.mulf %convert_element_type3A_1245, %gather3A_1244 : vector<16xf32>
    %add3A_1247 = arith.addf %broadcast_in_dim3A_1236, %mul3A_1246 : vector<16xf32>
    %add3A_1248 = arith.constant 1 : i32
    %add3A_1249 = vector.broadcast %add3A_1248 : i32 to vector<16xi32>
    %add3A_1250 = arith.addi %mul3A_1231, %add3A_1249 : vector<16xi32>
    %gather3A_1251 = tpu.vector_load_idx %arg6[%add3A_1250] : memref<896xi32, #tpu.memory_space<vmem>>[vector<16xi32>], vector<16xi32>,
    %add3A_1252 = arith.constant 1 : i32
    %add3A_1253 = vector.broadcast %add3A_1252 : i32 to vector<16xi32>
    %add3A_1254 = arith.addi %mul3A_3, %add3A_1253 : vector<16xi32>
    %gather3A_1255 = tpu.vector_load_idx %arg7[%and3A_1234, %add3A_1254] : memref<4x7xf32, #tpu.memory_space<vmem>>[vector<16xi32>, vector<16xi32>], vector<16xf32>,
    %convert_element_type3A_1256 = arith.sitofp %gather3A_1251 : vector<16xi32> to vector<16xf32>
    %mul3A_1257 = arith.mulf %convert_element_type3A_1256, %gather3A_1255 : vector<16xf32>
    %add3A_1258 = arith.addf %add3A_1247, %mul3A_1257 : vector<16xf32>
    %add3A_1259 = arith.constant 2 : i32
    %add3A_1260 = vector.broadcast %add3A_1259 : i32 to vector<16xi32>
    %add3A_1261 = arith.addi %mul3A_1231, %add3A_1260 : vector<16xi32>
    %gather3A_1262 = tpu.vector_load_idx %arg6[%add3A_1261] : memref<896xi32, #tpu.memory_space<vmem>>[vector<16xi32>], vector<16xi32>,
    %add3A_1263 = arith.constant 2 : i32
    %add3A_1264 = vector.broadcast %add3A_1263 : i32 to vector<16xi32>
    %add3A_1265 = arith.addi %mul3A_3, %add3A_1264 : vector<16xi32>
    %gather3A_1266 = tpu.vector_load_idx %arg7[%and3A_1234, %add3A_1265] : memref<4x7xf32, #tpu.memory_space<vmem>>[vector<16xi32>, vector<16xi32>], vector<16xf32>,
    %convert_element_type3A_1267 = arith.sitofp %gather3A_1262 : vector<16xi32> to vector<16xf32>
    %mul3A_1268 = arith.mulf %convert_element_type3A_1267, %gather3A_1266 : vector<16xf32>
    %add3A_1269 = arith.addf %add3A_1258, %mul3A_1268 : vector<16xf32>
    %add3A_1270 = arith.constant 3 : i32
    %add3A_1271 = vector.broadcast %add3A_1270 : i32 to vector<16xi32>
    %add3A_1272 = arith.addi %mul3A_1231, %add3A_1271 : vector<16xi32>
    %gather3A_1273 = tpu.vector_load_idx %arg6[%add3A_1272] : memref<896xi32, #tpu.memory_space<vmem>>[vector<16xi32>], vector<16xi32>,
    %add3A_1274 = arith.constant 3 : i32
    %add3A_1275 = vector.broadcast %add3A_1274 : i32 to vector<16xi32>
    %add3A_1276 = arith.addi %mul3A_3, %add3A_1275 : vector<16xi32>
    %gather3A_1277 = tpu.vector_load_idx %arg7[%and3A_1234, %add3A_1276] : memref<4x7xf32, #tpu.memory_space<vmem>>[vector<16xi32>, vector<16xi32>], vector<16xf32>,
    %convert_element_type3A_1278 = arith.sitofp %gather3A_1273 : vector<16xi32> to vector<16xf32>
    %mul3A_1279 = arith.mulf %convert_element_type3A_1278, %gather3A_1277 : vector<16xf32>
    %add3A_1280 = arith.addf %add3A_1269, %mul3A_1279 : vector<16xf32>
    %add3A_1281 = arith.constant 4 : i32
    %add3A_1282 = vector.broadcast %add3A_1281 : i32 to vector<16xi32>
    %add3A_1283 = arith.addi %mul3A_1231, %add3A_1282 : vector<16xi32>
    %gather3A_1284 = tpu.vector_load_idx %arg6[%add3A_1283] : memref<896xi32, #tpu.memory_space<vmem>>[vector<16xi32>], vector<16xi32>,
    %add3A_1285 = arith.constant 4 : i32
    %add3A_1286 = vector.broadcast %add3A_1285 : i32 to vector<16xi32>
    %add3A_1287 = arith.addi %mul3A_3, %add3A_1286 : vector<16xi32>
    %gather3A_1288 = tpu.vector_load_idx %arg7[%and3A_1234, %add3A_1287] : memref<4x7xf32, #tpu.memory_space<vmem>>[vector<16xi32>, vector<16xi32>], vector<16xf32>,
    %convert_element_type3A_1289 = arith.sitofp %gather3A_1284 : vector<16xi32> to vector<16xf32>
    %mul3A_1290 = arith.mulf %convert_element_type3A_1289, %gather3A_1288 : vector<16xf32>
    %add3A_1291 = arith.addf %add3A_1280, %mul3A_1290 : vector<16xf32>
    %add3A_1292 = arith.constant 5 : i32
    %add3A_1293 = vector.broadcast %add3A_1292 : i32 to vector<16xi32>
    %add3A_1294 = arith.addi %mul3A_1231, %add3A_1293 : vector<16xi32>
    %gather3A_1295 = tpu.vector_load_idx %arg6[%add3A_1294] : memref<896xi32, #tpu.memory_space<vmem>>[vector<16xi32>], vector<16xi32>,
    %add3A_1296 = arith.constant 5 : i32
    %add3A_1297 = vector.broadcast %add3A_1296 : i32 to vector<16xi32>
    %add3A_1298 = arith.addi %mul3A_3, %add3A_1297 : vector<16xi32>
    %gather3A_1299 = tpu.vector_load_idx %arg7[%and3A_1234, %add3A_1298] : memref<4x7xf32, #tpu.memory_space<vmem>>[vector<16xi32>, vector<16xi32>], vector<16xf32>,
    %convert_element_type3A_1300 = arith.sitofp %gather3A_1295 : vector<16xi32> to vector<16xf32>
    %mul3A_1301 = arith.mulf %convert_element_type3A_1300, %gather3A_1299 : vector<16xf32>
    %add3A_1302 = arith.addf %add3A_1291, %mul3A_1301 : vector<16xf32>
    %add3A_1303 = arith.constant 6 : i32
    %add3A_1304 = vector.broadcast %add3A_1303 : i32 to vector<16xi32>
    %add3A_1305 = arith.addi %mul3A_1231, %add3A_1304 : vector<16xi32>
    %gather3A_1306 = tpu.vector_load_idx %arg6[%add3A_1305] : memref<896xi32, #tpu.memory_space<vmem>>[vector<16xi32>], vector<16xi32>,
    %add3A_1307 = arith.constant 6 : i32
    %add3A_1308 = vector.broadcast %add3A_1307 : i32 to vector<16xi32>
    %add3A_1309 = arith.addi %mul3A_3, %add3A_1308 : vector<16xi32>
    %gather3A_1310 = tpu.vector_load_idx %arg7[%and3A_1234, %add3A_1309] : memref<4x7xf32, #tpu.memory_space<vmem>>[vector<16xi32>, vector<16xi32>], vector<16xf32>,
    %convert_element_type3A_1311 = arith.sitofp %gather3A_1306 : vector<16xi32> to vector<16xf32>
    %mul3A_1312 = arith.mulf %convert_element_type3A_1311, %gather3A_1310 : vector<16xf32>
    %add3A_1313 = arith.addf %add3A_1302, %mul3A_1312 : vector<16xf32>
    %convert_element_type3A_1314 = arith.fptosi %add3A_1313 : vector<16xf32> to vector<16xi32>
    %swap3A_1315 = arith.constant 208 : index
    %swap3A_1316 = tpu.vector_load %arg8[%swap3A_1315] {strides = array<i32>} : memref<512xi32, #tpu.memory_space<vmem>>, vector<16xi32>,
    tpu.vector_store %arg8[%swap3A_1315], %convert_element_type3A_1314 {strides = array<i32>} : memref<512xi32, #tpu.memory_space<vmem>>, vector<16xi32>,
    %add3A_1317 = arith.constant 224 : i32
    %add3A_1318 = vector.broadcast %add3A_1317 : i32 to vector<16xi32>
    %add3A_1319 = arith.addi %iota3A, %add3A_1318 : vector<16xi32>
    %shift_right_arithmetic3A_1320 = arith.constant 2 : i32
    %shift_right_arithmetic3A_1321 = vector.broadcast %shift_right_arithmetic3A_1320 : i32 to vector<16xi32>
    %shift_right_arithmetic3A_1322 = arith.shrsi %add3A_1319, %shift_right_arithmetic3A_1321 : vector<16xi32>
    %mul3A_1323 = arith.constant 7 : i32
    %mul3A_1324 = vector.broadcast %mul3A_1323 : i32 to vector<16xi32>
    %mul3A_1325 = arith.muli %shift_right_arithmetic3A_1322, %mul3A_1324 : vector<16xi32>
    %and3A_1326 = arith.constant 3 : i32
    %and3A_1327 = vector.broadcast %and3A_1326 : i32 to vector<16xi32>
    %and3A_1328 = arith.andi %add3A_1319, %and3A_1327 : vector<16xi32>
    %broadcast_in_dim3A_1329 = arith.constant 0.000000e+00 : f32
    %broadcast_in_dim3A_1330 = vector.broadcast %broadcast_in_dim3A_1329 : f32 to vector<16xf32>
    %add3A_1331 = arith.constant 0 : i32
    %add3A_1332 = vector.broadcast %add3A_1331 : i32 to vector<16xi32>
    %add3A_1333 = arith.addi %mul3A_1325, %add3A_1332 : vector<16xi32>
    %gather3A_1334 = tpu.vector_load_idx %arg6[%add3A_1333] : memref<896xi32, #tpu.memory_space<vmem>>[vector<16xi32>], vector<16xi32>,
    %add3A_1335 = arith.constant 0 : i32
    %add3A_1336 = vector.broadcast %add3A_1335 : i32 to vector<16xi32>
    %add3A_1337 = arith.addi %mul3A_3, %add3A_1336 : vector<16xi32>
    %gather3A_1338 = tpu.vector_load_idx %arg7[%and3A_1328, %add3A_1337] : memref<4x7xf32, #tpu.memory_space<vmem>>[vector<16xi32>, vector<16xi32>], vector<16xf32>,
    %convert_element_type3A_1339 = arith.sitofp %gather3A_1334 : vector<16xi32> to vector<16xf32>
    %mul3A_1340 = arith.mulf %convert_element_type3A_1339, %gather3A_1338 : vector<16xf32>
    %add3A_1341 = arith.addf %broadcast_in_dim3A_1330, %mul3A_1340 : vector<16xf32>
    %add3A_1342 = arith.constant 1 : i32
    %add3A_1343 = vector.broadcast %add3A_1342 : i32 to vector<16xi32>
    %add3A_1344 = arith.addi %mul3A_1325, %add3A_1343 : vector<16xi32>
    %gather3A_1345 = tpu.vector_load_idx %arg6[%add3A_1344] : memref<896xi32, #tpu.memory_space<vmem>>[vector<16xi32>], vector<16xi32>,
    %add3A_1346 = arith.constant 1 : i32
    %add3A_1347 = vector.broadcast %add3A_1346 : i32 to vector<16xi32>
    %add3A_1348 = arith.addi %mul3A_3, %add3A_1347 : vector<16xi32>
    %gather3A_1349 = tpu.vector_load_idx %arg7[%and3A_1328, %add3A_1348] : memref<4x7xf32, #tpu.memory_space<vmem>>[vector<16xi32>, vector<16xi32>], vector<16xf32>,
    %convert_element_type3A_1350 = arith.sitofp %gather3A_1345 : vector<16xi32> to vector<16xf32>
    %mul3A_1351 = arith.mulf %convert_element_type3A_1350, %gather3A_1349 : vector<16xf32>
    %add3A_1352 = arith.addf %add3A_1341, %mul3A_1351 : vector<16xf32>
    %add3A_1353 = arith.constant 2 : i32
    %add3A_1354 = vector.broadcast %add3A_1353 : i32 to vector<16xi32>
    %add3A_1355 = arith.addi %mul3A_1325, %add3A_1354 : vector<16xi32>
    %gather3A_1356 = tpu.vector_load_idx %arg6[%add3A_1355] : memref<896xi32, #tpu.memory_space<vmem>>[vector<16xi32>], vector<16xi32>,
    %add3A_1357 = arith.constant 2 : i32
    %add3A_1358 = vector.broadcast %add3A_1357 : i32 to vector<16xi32>
    %add3A_1359 = arith.addi %mul3A_3, %add3A_1358 : vector<16xi32>
    %gather3A_1360 = tpu.vector_load_idx %arg7[%and3A_1328, %add3A_1359] : memref<4x7xf32, #tpu.memory_space<vmem>>[vector<16xi32>, vector<16xi32>], vector<16xf32>,
    %convert_element_type3A_1361 = arith.sitofp %gather3A_1356 : vector<16xi32> to vector<16xf32>
    %mul3A_1362 = arith.mulf %convert_element_type3A_1361, %gather3A_1360 : vector<16xf32>
    %add3A_1363 = arith.addf %add3A_1352, %mul3A_1362 : vector<16xf32>
    %add3A_1364 = arith.constant 3 : i32
    %add3A_1365 = vector.broadcast %add3A_1364 : i32 to vector<16xi32>
    %add3A_1366 = arith.addi %mul3A_1325, %add3A_1365 : vector<16xi32>
    %gather3A_1367 = tpu.vector_load_idx %arg6[%add3A_1366] : memref<896xi32, #tpu.memory_space<vmem>>[vector<16xi32>], vector<16xi32>,
    %add3A_1368 = arith.constant 3 : i32
    %add3A_1369 = vector.broadcast %add3A_1368 : i32 to vector<16xi32>
    %add3A_1370 = arith.addi %mul3A_3, %add3A_1369 : vector<16xi32>
    %gather3A_1371 = tpu.vector_load_idx %arg7[%and3A_1328, %add3A_1370] : memref<4x7xf32, #tpu.memory_space<vmem>>[vector<16xi32>, vector<16xi32>], vector<16xf32>,
    %convert_element_type3A_1372 = arith.sitofp %gather3A_1367 : vector<16xi32> to vector<16xf32>
    %mul3A_1373 = arith.mulf %convert_element_type3A_1372, %gather3A_1371 : vector<16xf32>
    %add3A_1374 = arith.addf %add3A_1363, %mul3A_1373 : vector<16xf32>
    %add3A_1375 = arith.constant 4 : i32
    %add3A_1376 = vector.broadcast %add3A_1375 : i32 to vector<16xi32>
    %add3A_1377 = arith.addi %mul3A_1325, %add3A_1376 : vector<16xi32>
    %gather3A_1378 = tpu.vector_load_idx %arg6[%add3A_1377] : memref<896xi32, #tpu.memory_space<vmem>>[vector<16xi32>], vector<16xi32>,
    %add3A_1379 = arith.constant 4 : i32
    %add3A_1380 = vector.broadcast %add3A_1379 : i32 to vector<16xi32>
    %add3A_1381 = arith.addi %mul3A_3, %add3A_1380 : vector<16xi32>
    %gather3A_1382 = tpu.vector_load_idx %arg7[%and3A_1328, %add3A_1381] : memref<4x7xf32, #tpu.memory_space<vmem>>[vector<16xi32>, vector<16xi32>], vector<16xf32>,
    %convert_element_type3A_1383 = arith.sitofp %gather3A_1378 : vector<16xi32> to vector<16xf32>
    %mul3A_1384 = arith.mulf %convert_element_type3A_1383, %gather3A_1382 : vector<16xf32>
    %add3A_1385 = arith.addf %add3A_1374, %mul3A_1384 : vector<16xf32>
    %add3A_1386 = arith.constant 5 : i32
    %add3A_1387 = vector.broadcast %add3A_1386 : i32 to vector<16xi32>
    %add3A_1388 = arith.addi %mul3A_1325, %add3A_1387 : vector<16xi32>
    %gather3A_1389 = tpu.vector_load_idx %arg6[%add3A_1388] : memref<896xi32, #tpu.memory_space<vmem>>[vector<16xi32>], vector<16xi32>,
    %add3A_1390 = arith.constant 5 : i32
    %add3A_1391 = vector.broadcast %add3A_1390 : i32 to vector<16xi32>
    %add3A_1392 = arith.addi %mul3A_3, %add3A_1391 : vector<16xi32>
    %gather3A_1393 = tpu.vector_load_idx %arg7[%and3A_1328, %add3A_1392] : memref<4x7xf32, #tpu.memory_space<vmem>>[vector<16xi32>, vector<16xi32>], vector<16xf32>,
    %convert_element_type3A_1394 = arith.sitofp %gather3A_1389 : vector<16xi32> to vector<16xf32>
    %mul3A_1395 = arith.mulf %convert_element_type3A_1394, %gather3A_1393 : vector<16xf32>
    %add3A_1396 = arith.addf %add3A_1385, %mul3A_1395 : vector<16xf32>
    %add3A_1397 = arith.constant 6 : i32
    %add3A_1398 = vector.broadcast %add3A_1397 : i32 to vector<16xi32>
    %add3A_1399 = arith.addi %mul3A_1325, %add3A_1398 : vector<16xi32>
    %gather3A_1400 = tpu.vector_load_idx %arg6[%add3A_1399] : memref<896xi32, #tpu.memory_space<vmem>>[vector<16xi32>], vector<16xi32>,
    %add3A_1401 = arith.constant 6 : i32
    %add3A_1402 = vector.broadcast %add3A_1401 : i32 to vector<16xi32>
    %add3A_1403 = arith.addi %mul3A_3, %add3A_1402 : vector<16xi32>
    %gather3A_1404 = tpu.vector_load_idx %arg7[%and3A_1328, %add3A_1403] : memref<4x7xf32, #tpu.memory_space<vmem>>[vector<16xi32>, vector<16xi32>], vector<16xf32>,
    %convert_element_type3A_1405 = arith.sitofp %gather3A_1400 : vector<16xi32> to vector<16xf32>
    %mul3A_1406 = arith.mulf %convert_element_type3A_1405, %gather3A_1404 : vector<16xf32>
    %add3A_1407 = arith.addf %add3A_1396, %mul3A_1406 : vector<16xf32>
    %convert_element_type3A_1408 = arith.fptosi %add3A_1407 : vector<16xf32> to vector<16xi32>
    %swap3A_1409 = arith.constant 224 : index
    %swap3A_1410 = tpu.vector_load %arg8[%swap3A_1409] {strides = array<i32>} : memref<512xi32, #tpu.memory_space<vmem>>, vector<16xi32>,
    tpu.vector_store %arg8[%swap3A_1409], %convert_element_type3A_1408 {strides = array<i32>} : memref<512xi32, #tpu.memory_space<vmem>>, vector<16xi32>,
    %add3A_1411 = arith.constant 240 : i32
    %add3A_1412 = vector.broadcast %add3A_1411 : i32 to vector<16xi32>
    %add3A_1413 = arith.addi %iota3A, %add3A_1412 : vector<16xi32>
    %shift_right_arithmetic3A_1414 = arith.constant 2 : i32
    %shift_right_arithmetic3A_1415 = vector.broadcast %shift_right_arithmetic3A_1414 : i32 to vector<16xi32>
    %shift_right_arithmetic3A_1416 = arith.shrsi %add3A_1413, %shift_right_arithmetic3A_1415 : vector<16xi32>
    %mul3A_1417 = arith.constant 7 : i32
    %mul3A_1418 = vector.broadcast %mul3A_1417 : i32 to vector<16xi32>
    %mul3A_1419 = arith.muli %shift_right_arithmetic3A_1416, %mul3A_1418 : vector<16xi32>
    %and3A_1420 = arith.constant 3 : i32
    %and3A_1421 = vector.broadcast %and3A_1420 : i32 to vector<16xi32>
    %and3A_1422 = arith.andi %add3A_1413, %and3A_1421 : vector<16xi32>
    %broadcast_in_dim3A_1423 = arith.constant 0.000000e+00 : f32
    %broadcast_in_dim3A_1424 = vector.broadcast %broadcast_in_dim3A_1423 : f32 to vector<16xf32>
    %add3A_1425 = arith.constant 0 : i32
    %add3A_1426 = vector.broadcast %add3A_1425 : i32 to vector<16xi32>
    %add3A_1427 = arith.addi %mul3A_1419, %add3A_1426 : vector<16xi32>
    %gather3A_1428 = tpu.vector_load_idx %arg6[%add3A_1427] : memref<896xi32, #tpu.memory_space<vmem>>[vector<16xi32>], vector<16xi32>,
    %add3A_1429 = arith.constant 0 : i32
    %add3A_1430 = vector.broadcast %add3A_1429 : i32 to vector<16xi32>
    %add3A_1431 = arith.addi %mul3A_3, %add3A_1430 : vector<16xi32>
    %gather3A_1432 = tpu.vector_load_idx %arg7[%and3A_1422, %add3A_1431] : memref<4x7xf32, #tpu.memory_space<vmem>>[vector<16xi32>, vector<16xi32>], vector<16xf32>,
    %convert_element_type3A_1433 = arith.sitofp %gather3A_1428 : vector<16xi32> to vector<16xf32>
    %mul3A_1434 = arith.mulf %convert_element_type3A_1433, %gather3A_1432 : vector<16xf32>
    %add3A_1435 = arith.addf %broadcast_in_dim3A_1424, %mul3A_1434 : vector<16xf32>
    %add3A_1436 = arith.constant 1 : i32
    %add3A_1437 = vector.broadcast %add3A_1436 : i32 to vector<16xi32>
    %add3A_1438 = arith.addi %mul3A_1419, %add3A_1437 : vector<16xi32>
    %gather3A_1439 = tpu.vector_load_idx %arg6[%add3A_1438] : memref<896xi32, #tpu.memory_space<vmem>>[vector<16xi32>], vector<16xi32>,
    %add3A_1440 = arith.constant 1 : i32
    %add3A_1441 = vector.broadcast %add3A_1440 : i32 to vector<16xi32>
    %add3A_1442 = arith.addi %mul3A_3, %add3A_1441 : vector<16xi32>
    %gather3A_1443 = tpu.vector_load_idx %arg7[%and3A_1422, %add3A_1442] : memref<4x7xf32, #tpu.memory_space<vmem>>[vector<16xi32>, vector<16xi32>], vector<16xf32>,
    %convert_element_type3A_1444 = arith.sitofp %gather3A_1439 : vector<16xi32> to vector<16xf32>
    %mul3A_1445 = arith.mulf %convert_element_type3A_1444, %gather3A_1443 : vector<16xf32>
    %add3A_1446 = arith.addf %add3A_1435, %mul3A_1445 : vector<16xf32>
    %add3A_1447 = arith.constant 2 : i32
    %add3A_1448 = vector.broadcast %add3A_1447 : i32 to vector<16xi32>
    %add3A_1449 = arith.addi %mul3A_1419, %add3A_1448 : vector<16xi32>
    %gather3A_1450 = tpu.vector_load_idx %arg6[%add3A_1449] : memref<896xi32, #tpu.memory_space<vmem>>[vector<16xi32>], vector<16xi32>,
    %add3A_1451 = arith.constant 2 : i32
    %add3A_1452 = vector.broadcast %add3A_1451 : i32 to vector<16xi32>
    %add3A_1453 = arith.addi %mul3A_3, %add3A_1452 : vector<16xi32>
    %gather3A_1454 = tpu.vector_load_idx %arg7[%and3A_1422, %add3A_1453] : memref<4x7xf32, #tpu.memory_space<vmem>>[vector<16xi32>, vector<16xi32>], vector<16xf32>,
    %convert_element_type3A_1455 = arith.sitofp %gather3A_1450 : vector<16xi32> to vector<16xf32>
    %mul3A_1456 = arith.mulf %convert_element_type3A_1455, %gather3A_1454 : vector<16xf32>
    %add3A_1457 = arith.addf %add3A_1446, %mul3A_1456 : vector<16xf32>
    %add3A_1458 = arith.constant 3 : i32
    %add3A_1459 = vector.broadcast %add3A_1458 : i32 to vector<16xi32>
    %add3A_1460 = arith.addi %mul3A_1419, %add3A_1459 : vector<16xi32>
    %gather3A_1461 = tpu.vector_load_idx %arg6[%add3A_1460] : memref<896xi32, #tpu.memory_space<vmem>>[vector<16xi32>], vector<16xi32>,
    %add3A_1462 = arith.constant 3 : i32
    %add3A_1463 = vector.broadcast %add3A_1462 : i32 to vector<16xi32>
    %add3A_1464 = arith.addi %mul3A_3, %add3A_1463 : vector<16xi32>
    %gather3A_1465 = tpu.vector_load_idx %arg7[%and3A_1422, %add3A_1464] : memref<4x7xf32, #tpu.memory_space<vmem>>[vector<16xi32>, vector<16xi32>], vector<16xf32>,
    %convert_element_type3A_1466 = arith.sitofp %gather3A_1461 : vector<16xi32> to vector<16xf32>
    %mul3A_1467 = arith.mulf %convert_element_type3A_1466, %gather3A_1465 : vector<16xf32>
    %add3A_1468 = arith.addf %add3A_1457, %mul3A_1467 : vector<16xf32>
    %add3A_1469 = arith.constant 4 : i32
    %add3A_1470 = vector.broadcast %add3A_1469 : i32 to vector<16xi32>
    %add3A_1471 = arith.addi %mul3A_1419, %add3A_1470 : vector<16xi32>
    %gather3A_1472 = tpu.vector_load_idx %arg6[%add3A_1471] : memref<896xi32, #tpu.memory_space<vmem>>[vector<16xi32>], vector<16xi32>,
    %add3A_1473 = arith.constant 4 : i32
    %add3A_1474 = vector.broadcast %add3A_1473 : i32 to vector<16xi32>
    %add3A_1475 = arith.addi %mul3A_3, %add3A_1474 : vector<16xi32>
    %gather3A_1476 = tpu.vector_load_idx %arg7[%and3A_1422, %add3A_1475] : memref<4x7xf32, #tpu.memory_space<vmem>>[vector<16xi32>, vector<16xi32>], vector<16xf32>,
    %convert_element_type3A_1477 = arith.sitofp %gather3A_1472 : vector<16xi32> to vector<16xf32>
    %mul3A_1478 = arith.mulf %convert_element_type3A_1477, %gather3A_1476 : vector<16xf32>
    %add3A_1479 = arith.addf %add3A_1468, %mul3A_1478 : vector<16xf32>
    %add3A_1480 = arith.constant 5 : i32
    %add3A_1481 = vector.broadcast %add3A_1480 : i32 to vector<16xi32>
    %add3A_1482 = arith.addi %mul3A_1419, %add3A_1481 : vector<16xi32>
    %gather3A_1483 = tpu.vector_load_idx %arg6[%add3A_1482] : memref<896xi32, #tpu.memory_space<vmem>>[vector<16xi32>], vector<16xi32>,
    %add3A_1484 = arith.constant 5 : i32
    %add3A_1485 = vector.broadcast %add3A_1484 : i32 to vector<16xi32>
    %add3A_1486 = arith.addi %mul3A_3, %add3A_1485 : vector<16xi32>
    %gather3A_1487 = tpu.vector_load_idx %arg7[%and3A_1422, %add3A_1486] : memref<4x7xf32, #tpu.memory_space<vmem>>[vector<16xi32>, vector<16xi32>], vector<16xf32>,
    %convert_element_type3A_1488 = arith.sitofp %gather3A_1483 : vector<16xi32> to vector<16xf32>
    %mul3A_1489 = arith.mulf %convert_element_type3A_1488, %gather3A_1487 : vector<16xf32>
    %add3A_1490 = arith.addf %add3A_1479, %mul3A_1489 : vector<16xf32>
    %add3A_1491 = arith.constant 6 : i32
    %add3A_1492 = vector.broadcast %add3A_1491 : i32 to vector<16xi32>
    %add3A_1493 = arith.addi %mul3A_1419, %add3A_1492 : vector<16xi32>
    %gather3A_1494 = tpu.vector_load_idx %arg6[%add3A_1493] : memref<896xi32, #tpu.memory_space<vmem>>[vector<16xi32>], vector<16xi32>,
    %add3A_1495 = arith.constant 6 : i32
    %add3A_1496 = vector.broadcast %add3A_1495 : i32 to vector<16xi32>
    %add3A_1497 = arith.addi %mul3A_3, %add3A_1496 : vector<16xi32>
    %gather3A_1498 = tpu.vector_load_idx %arg7[%and3A_1422, %add3A_1497] : memref<4x7xf32, #tpu.memory_space<vmem>>[vector<16xi32>, vector<16xi32>], vector<16xf32>,
    %convert_element_type3A_1499 = arith.sitofp %gather3A_1494 : vector<16xi32> to vector<16xf32>
    %mul3A_1500 = arith.mulf %convert_element_type3A_1499, %gather3A_1498 : vector<16xf32>
    %add3A_1501 = arith.addf %add3A_1490, %mul3A_1500 : vector<16xf32>
    %convert_element_type3A_1502 = arith.fptosi %add3A_1501 : vector<16xf32> to vector<16xi32>
    %swap3A_1503 = arith.constant 240 : index
    %swap3A_1504 = tpu.vector_load %arg8[%swap3A_1503] {strides = array<i32>} : memref<512xi32, #tpu.memory_space<vmem>>, vector<16xi32>,
    tpu.vector_store %arg8[%swap3A_1503], %convert_element_type3A_1502 {strides = array<i32>} : memref<512xi32, #tpu.memory_space<vmem>>, vector<16xi32>,
    %add3A_1505 = arith.constant 256 : i32
    %add3A_1506 = vector.broadcast %add3A_1505 : i32 to vector<16xi32>
    %add3A_1507 = arith.addi %iota3A, %add3A_1506 : vector<16xi32>
    %shift_right_arithmetic3A_1508 = arith.constant 2 : i32
    %shift_right_arithmetic3A_1509 = vector.broadcast %shift_right_arithmetic3A_1508 : i32 to vector<16xi32>
    %shift_right_arithmetic3A_1510 = arith.shrsi %add3A_1507, %shift_right_arithmetic3A_1509 : vector<16xi32>
    %mul3A_1511 = arith.constant 7 : i32
    %mul3A_1512 = vector.broadcast %mul3A_1511 : i32 to vector<16xi32>
    %mul3A_1513 = arith.muli %shift_right_arithmetic3A_1510, %mul3A_1512 : vector<16xi32>
    %and3A_1514 = arith.constant 3 : i32
    %and3A_1515 = vector.broadcast %and3A_1514 : i32 to vector<16xi32>
    %and3A_1516 = arith.andi %add3A_1507, %and3A_1515 : vector<16xi32>
    %broadcast_in_dim3A_1517 = arith.constant 0.000000e+00 : f32
    %broadcast_in_dim3A_1518 = vector.broadcast %broadcast_in_dim3A_1517 : f32 to vector<16xf32>
    %add3A_1519 = arith.constant 0 : i32
    %add3A_1520 = vector.broadcast %add3A_1519 : i32 to vector<16xi32>
    %add3A_1521 = arith.addi %mul3A_1513, %add3A_1520 : vector<16xi32>
    %gather3A_1522 = tpu.vector_load_idx %arg6[%add3A_1521] : memref<896xi32, #tpu.memory_space<vmem>>[vector<16xi32>], vector<16xi32>,
    %add3A_1523 = arith.constant 0 : i32
    %add3A_1524 = vector.broadcast %add3A_1523 : i32 to vector<16xi32>
    %add3A_1525 = arith.addi %mul3A_3, %add3A_1524 : vector<16xi32>
    %gather3A_1526 = tpu.vector_load_idx %arg7[%and3A_1516, %add3A_1525] : memref<4x7xf32, #tpu.memory_space<vmem>>[vector<16xi32>, vector<16xi32>], vector<16xf32>,
    %convert_element_type3A_1527 = arith.sitofp %gather3A_1522 : vector<16xi32> to vector<16xf32>
    %mul3A_1528 = arith.mulf %convert_element_type3A_1527, %gather3A_1526 : vector<16xf32>
    %add3A_1529 = arith.addf %broadcast_in_dim3A_1518, %mul3A_1528 : vector<16xf32>
    %add3A_1530 = arith.constant 1 : i32
    %add3A_1531 = vector.broadcast %add3A_1530 : i32 to vector<16xi32>
    %add3A_1532 = arith.addi %mul3A_1513, %add3A_1531 : vector<16xi32>
    %gather3A_1533 = tpu.vector_load_idx %arg6[%add3A_1532] : memref<896xi32, #tpu.memory_space<vmem>>[vector<16xi32>], vector<16xi32>,
    %add3A_1534 = arith.constant 1 : i32
    %add3A_1535 = vector.broadcast %add3A_1534 : i32 to vector<16xi32>
    %add3A_1536 = arith.addi %mul3A_3, %add3A_1535 : vector<16xi32>
    %gather3A_1537 = tpu.vector_load_idx %arg7[%and3A_1516, %add3A_1536] : memref<4x7xf32, #tpu.memory_space<vmem>>[vector<16xi32>, vector<16xi32>], vector<16xf32>,
    %convert_element_type3A_1538 = arith.sitofp %gather3A_1533 : vector<16xi32> to vector<16xf32>
    %mul3A_1539 = arith.mulf %convert_element_type3A_1538, %gather3A_1537 : vector<16xf32>
    %add3A_1540 = arith.addf %add3A_1529, %mul3A_1539 : vector<16xf32>
    %add3A_1541 = arith.constant 2 : i32
    %add3A_1542 = vector.broadcast %add3A_1541 : i32 to vector<16xi32>
    %add3A_1543 = arith.addi %mul3A_1513, %add3A_1542 : vector<16xi32>
    %gather3A_1544 = tpu.vector_load_idx %arg6[%add3A_1543] : memref<896xi32, #tpu.memory_space<vmem>>[vector<16xi32>], vector<16xi32>,
    %add3A_1545 = arith.constant 2 : i32
    %add3A_1546 = vector.broadcast %add3A_1545 : i32 to vector<16xi32>
    %add3A_1547 = arith.addi %mul3A_3, %add3A_1546 : vector<16xi32>
    %gather3A_1548 = tpu.vector_load_idx %arg7[%and3A_1516, %add3A_1547] : memref<4x7xf32, #tpu.memory_space<vmem>>[vector<16xi32>, vector<16xi32>], vector<16xf32>,
    %convert_element_type3A_1549 = arith.sitofp %gather3A_1544 : vector<16xi32> to vector<16xf32>
    %mul3A_1550 = arith.mulf %convert_element_type3A_1549, %gather3A_1548 : vector<16xf32>
    %add3A_1551 = arith.addf %add3A_1540, %mul3A_1550 : vector<16xf32>
    %add3A_1552 = arith.constant 3 : i32
    %add3A_1553 = vector.broadcast %add3A_1552 : i32 to vector<16xi32>
    %add3A_1554 = arith.addi %mul3A_1513, %add3A_1553 : vector<16xi32>
    %gather3A_1555 = tpu.vector_load_idx %arg6[%add3A_1554] : memref<896xi32, #tpu.memory_space<vmem>>[vector<16xi32>], vector<16xi32>,
    %add3A_1556 = arith.constant 3 : i32
    %add3A_1557 = vector.broadcast %add3A_1556 : i32 to vector<16xi32>
    %add3A_1558 = arith.addi %mul3A_3, %add3A_1557 : vector<16xi32>
    %gather3A_1559 = tpu.vector_load_idx %arg7[%and3A_1516, %add3A_1558] : memref<4x7xf32, #tpu.memory_space<vmem>>[vector<16xi32>, vector<16xi32>], vector<16xf32>,
    %convert_element_type3A_1560 = arith.sitofp %gather3A_1555 : vector<16xi32> to vector<16xf32>
    %mul3A_1561 = arith.mulf %convert_element_type3A_1560, %gather3A_1559 : vector<16xf32>
    %add3A_1562 = arith.addf %add3A_1551, %mul3A_1561 : vector<16xf32>
    %add3A_1563 = arith.constant 4 : i32
    %add3A_1564 = vector.broadcast %add3A_1563 : i32 to vector<16xi32>
    %add3A_1565 = arith.addi %mul3A_1513, %add3A_1564 : vector<16xi32>
    %gather3A_1566 = tpu.vector_load_idx %arg6[%add3A_1565] : memref<896xi32, #tpu.memory_space<vmem>>[vector<16xi32>], vector<16xi32>,
    %add3A_1567 = arith.constant 4 : i32
    %add3A_1568 = vector.broadcast %add3A_1567 : i32 to vector<16xi32>
    %add3A_1569 = arith.addi %mul3A_3, %add3A_1568 : vector<16xi32>
    %gather3A_1570 = tpu.vector_load_idx %arg7[%and3A_1516, %add3A_1569] : memref<4x7xf32, #tpu.memory_space<vmem>>[vector<16xi32>, vector<16xi32>], vector<16xf32>,
    %convert_element_type3A_1571 = arith.sitofp %gather3A_1566 : vector<16xi32> to vector<16xf32>
    %mul3A_1572 = arith.mulf %convert_element_type3A_1571, %gather3A_1570 : vector<16xf32>
    %add3A_1573 = arith.addf %add3A_1562, %mul3A_1572 : vector<16xf32>
    %add3A_1574 = arith.constant 5 : i32
    %add3A_1575 = vector.broadcast %add3A_1574 : i32 to vector<16xi32>
    %add3A_1576 = arith.addi %mul3A_1513, %add3A_1575 : vector<16xi32>
    %gather3A_1577 = tpu.vector_load_idx %arg6[%add3A_1576] : memref<896xi32, #tpu.memory_space<vmem>>[vector<16xi32>], vector<16xi32>,
    %add3A_1578 = arith.constant 5 : i32
    %add3A_1579 = vector.broadcast %add3A_1578 : i32 to vector<16xi32>
    %add3A_1580 = arith.addi %mul3A_3, %add3A_1579 : vector<16xi32>
    %gather3A_1581 = tpu.vector_load_idx %arg7[%and3A_1516, %add3A_1580] : memref<4x7xf32, #tpu.memory_space<vmem>>[vector<16xi32>, vector<16xi32>], vector<16xf32>,
    %convert_element_type3A_1582 = arith.sitofp %gather3A_1577 : vector<16xi32> to vector<16xf32>
    %mul3A_1583 = arith.mulf %convert_element_type3A_1582, %gather3A_1581 : vector<16xf32>
    %add3A_1584 = arith.addf %add3A_1573, %mul3A_1583 : vector<16xf32>
    %add3A_1585 = arith.constant 6 : i32
    %add3A_1586 = vector.broadcast %add3A_1585 : i32 to vector<16xi32>
    %add3A_1587 = arith.addi %mul3A_1513, %add3A_1586 : vector<16xi32>
    %gather3A_1588 = tpu.vector_load_idx %arg6[%add3A_1587] : memref<896xi32, #tpu.memory_space<vmem>>[vector<16xi32>], vector<16xi32>,
    %add3A_1589 = arith.constant 6 : i32
    %add3A_1590 = vector.broadcast %add3A_1589 : i32 to vector<16xi32>
    %add3A_1591 = arith.addi %mul3A_3, %add3A_1590 : vector<16xi32>
    %gather3A_1592 = tpu.vector_load_idx %arg7[%and3A_1516, %add3A_1591] : memref<4x7xf32, #tpu.memory_space<vmem>>[vector<16xi32>, vector<16xi32>], vector<16xf32>,
    %convert_element_type3A_1593 = arith.sitofp %gather3A_1588 : vector<16xi32> to vector<16xf32>
    %mul3A_1594 = arith.mulf %convert_element_type3A_1593, %gather3A_1592 : vector<16xf32>
    %add3A_1595 = arith.addf %add3A_1584, %mul3A_1594 : vector<16xf32>
    %convert_element_type3A_1596 = arith.fptosi %add3A_1595 : vector<16xf32> to vector<16xi32>
    %swap3A_1597 = arith.constant 256 : index
    %swap3A_1598 = tpu.vector_load %arg8[%swap3A_1597] {strides = array<i32>} : memref<512xi32, #tpu.memory_space<vmem>>, vector<16xi32>,
    tpu.vector_store %arg8[%swap3A_1597], %convert_element_type3A_1596 {strides = array<i32>} : memref<512xi32, #tpu.memory_space<vmem>>, vector<16xi32>,
    %add3A_1599 = arith.constant 272 : i32
    %add3A_1600 = vector.broadcast %add3A_1599 : i32 to vector<16xi32>
    %add3A_1601 = arith.addi %iota3A, %add3A_1600 : vector<16xi32>
    %shift_right_arithmetic3A_1602 = arith.constant 2 : i32
    %shift_right_arithmetic3A_1603 = vector.broadcast %shift_right_arithmetic3A_1602 : i32 to vector<16xi32>
    %shift_right_arithmetic3A_1604 = arith.shrsi %add3A_1601, %shift_right_arithmetic3A_1603 : vector<16xi32>
    %mul3A_1605 = arith.constant 7 : i32
    %mul3A_1606 = vector.broadcast %mul3A_1605 : i32 to vector<16xi32>
    %mul3A_1607 = arith.muli %shift_right_arithmetic3A_1604, %mul3A_1606 : vector<16xi32>
    %and3A_1608 = arith.constant 3 : i32
    %and3A_1609 = vector.broadcast %and3A_1608 : i32 to vector<16xi32>
    %and3A_1610 = arith.andi %add3A_1601, %and3A_1609 : vector<16xi32>
    %broadcast_in_dim3A_1611 = arith.constant 0.000000e+00 : f32
    %broadcast_in_dim3A_1612 = vector.broadcast %broadcast_in_dim3A_1611 : f32 to vector<16xf32>
    %add3A_1613 = arith.constant 0 : i32
    %add3A_1614 = vector.broadcast %add3A_1613 : i32 to vector<16xi32>
    %add3A_1615 = arith.addi %mul3A_1607, %add3A_1614 : vector<16xi32>
    %gather3A_1616 = tpu.vector_load_idx %arg6[%add3A_1615] : memref<896xi32, #tpu.memory_space<vmem>>[vector<16xi32>], vector<16xi32>,
    %add3A_1617 = arith.constant 0 : i32
    %add3A_1618 = vector.broadcast %add3A_1617 : i32 to vector<16xi32>
    %add3A_1619 = arith.addi %mul3A_3, %add3A_1618 : vector<16xi32>
    %gather3A_1620 = tpu.vector_load_idx %arg7[%and3A_1610, %add3A_1619] : memref<4x7xf32, #tpu.memory_space<vmem>>[vector<16xi32>, vector<16xi32>], vector<16xf32>,
    %convert_element_type3A_1621 = arith.sitofp %gather3A_1616 : vector<16xi32> to vector<16xf32>
    %mul3A_1622 = arith.mulf %convert_element_type3A_1621, %gather3A_1620 : vector<16xf32>
    %add3A_1623 = arith.addf %broadcast_in_dim3A_1612, %mul3A_1622 : vector<16xf32>
    %add3A_1624 = arith.constant 1 : i32
    %add3A_1625 = vector.broadcast %add3A_1624 : i32 to vector<16xi32>
    %add3A_1626 = arith.addi %mul3A_1607, %add3A_1625 : vector<16xi32>
    %gather3A_1627 = tpu.vector_load_idx %arg6[%add3A_1626] : memref<896xi32, #tpu.memory_space<vmem>>[vector<16xi32>], vector<16xi32>,
    %add3A_1628 = arith.constant 1 : i32
    %add3A_1629 = vector.broadcast %add3A_1628 : i32 to vector<16xi32>
    %add3A_1630 = arith.addi %mul3A_3, %add3A_1629 : vector<16xi32>
    %gather3A_1631 = tpu.vector_load_idx %arg7[%and3A_1610, %add3A_1630] : memref<4x7xf32, #tpu.memory_space<vmem>>[vector<16xi32>, vector<16xi32>], vector<16xf32>,
    %convert_element_type3A_1632 = arith.sitofp %gather3A_1627 : vector<16xi32> to vector<16xf32>
    %mul3A_1633 = arith.mulf %convert_element_type3A_1632, %gather3A_1631 : vector<16xf32>
    %add3A_1634 = arith.addf %add3A_1623, %mul3A_1633 : vector<16xf32>
    %add3A_1635 = arith.constant 2 : i32
    %add3A_1636 = vector.broadcast %add3A_1635 : i32 to vector<16xi32>
    %add3A_1637 = arith.addi %mul3A_1607, %add3A_1636 : vector<16xi32>
    %gather3A_1638 = tpu.vector_load_idx %arg6[%add3A_1637] : memref<896xi32, #tpu.memory_space<vmem>>[vector<16xi32>], vector<16xi32>,
    %add3A_1639 = arith.constant 2 : i32
    %add3A_1640 = vector.broadcast %add3A_1639 : i32 to vector<16xi32>
    %add3A_1641 = arith.addi %mul3A_3, %add3A_1640 : vector<16xi32>
    %gather3A_1642 = tpu.vector_load_idx %arg7[%and3A_1610, %add3A_1641] : memref<4x7xf32, #tpu.memory_space<vmem>>[vector<16xi32>, vector<16xi32>], vector<16xf32>,
    %convert_element_type3A_1643 = arith.sitofp %gather3A_1638 : vector<16xi32> to vector<16xf32>
    %mul3A_1644 = arith.mulf %convert_element_type3A_1643, %gather3A_1642 : vector<16xf32>
    %add3A_1645 = arith.addf %add3A_1634, %mul3A_1644 : vector<16xf32>
    %add3A_1646 = arith.constant 3 : i32
    %add3A_1647 = vector.broadcast %add3A_1646 : i32 to vector<16xi32>
    %add3A_1648 = arith.addi %mul3A_1607, %add3A_1647 : vector<16xi32>
    %gather3A_1649 = tpu.vector_load_idx %arg6[%add3A_1648] : memref<896xi32, #tpu.memory_space<vmem>>[vector<16xi32>], vector<16xi32>,
    %add3A_1650 = arith.constant 3 : i32
    %add3A_1651 = vector.broadcast %add3A_1650 : i32 to vector<16xi32>
    %add3A_1652 = arith.addi %mul3A_3, %add3A_1651 : vector<16xi32>
    %gather3A_1653 = tpu.vector_load_idx %arg7[%and3A_1610, %add3A_1652] : memref<4x7xf32, #tpu.memory_space<vmem>>[vector<16xi32>, vector<16xi32>], vector<16xf32>,
    %convert_element_type3A_1654 = arith.sitofp %gather3A_1649 : vector<16xi32> to vector<16xf32>
    %mul3A_1655 = arith.mulf %convert_element_type3A_1654, %gather3A_1653 : vector<16xf32>
    %add3A_1656 = arith.addf %add3A_1645, %mul3A_1655 : vector<16xf32>
    %add3A_1657 = arith.constant 4 : i32
    %add3A_1658 = vector.broadcast %add3A_1657 : i32 to vector<16xi32>
    %add3A_1659 = arith.addi %mul3A_1607, %add3A_1658 : vector<16xi32>
    %gather3A_1660 = tpu.vector_load_idx %arg6[%add3A_1659] : memref<896xi32, #tpu.memory_space<vmem>>[vector<16xi32>], vector<16xi32>,
    %add3A_1661 = arith.constant 4 : i32
    %add3A_1662 = vector.broadcast %add3A_1661 : i32 to vector<16xi32>
    %add3A_1663 = arith.addi %mul3A_3, %add3A_1662 : vector<16xi32>
    %gather3A_1664 = tpu.vector_load_idx %arg7[%and3A_1610, %add3A_1663] : memref<4x7xf32, #tpu.memory_space<vmem>>[vector<16xi32>, vector<16xi32>], vector<16xf32>,
    %convert_element_type3A_1665 = arith.sitofp %gather3A_1660 : vector<16xi32> to vector<16xf32>
    %mul3A_1666 = arith.mulf %convert_element_type3A_1665, %gather3A_1664 : vector<16xf32>
    %add3A_1667 = arith.addf %add3A_1656, %mul3A_1666 : vector<16xf32>
    %add3A_1668 = arith.constant 5 : i32
    %add3A_1669 = vector.broadcast %add3A_1668 : i32 to vector<16xi32>
    %add3A_1670 = arith.addi %mul3A_1607, %add3A_1669 : vector<16xi32>
    %gather3A_1671 = tpu.vector_load_idx %arg6[%add3A_1670] : memref<896xi32, #tpu.memory_space<vmem>>[vector<16xi32>], vector<16xi32>,
    %add3A_1672 = arith.constant 5 : i32
    %add3A_1673 = vector.broadcast %add3A_1672 : i32 to vector<16xi32>
    %add3A_1674 = arith.addi %mul3A_3, %add3A_1673 : vector<16xi32>
    %gather3A_1675 = tpu.vector_load_idx %arg7[%and3A_1610, %add3A_1674] : memref<4x7xf32, #tpu.memory_space<vmem>>[vector<16xi32>, vector<16xi32>], vector<16xf32>,
    %convert_element_type3A_1676 = arith.sitofp %gather3A_1671 : vector<16xi32> to vector<16xf32>
    %mul3A_1677 = arith.mulf %convert_element_type3A_1676, %gather3A_1675 : vector<16xf32>
    %add3A_1678 = arith.addf %add3A_1667, %mul3A_1677 : vector<16xf32>
    %add3A_1679 = arith.constant 6 : i32
    %add3A_1680 = vector.broadcast %add3A_1679 : i32 to vector<16xi32>
    %add3A_1681 = arith.addi %mul3A_1607, %add3A_1680 : vector<16xi32>
    %gather3A_1682 = tpu.vector_load_idx %arg6[%add3A_1681] : memref<896xi32, #tpu.memory_space<vmem>>[vector<16xi32>], vector<16xi32>,
    %add3A_1683 = arith.constant 6 : i32
    %add3A_1684 = vector.broadcast %add3A_1683 : i32 to vector<16xi32>
    %add3A_1685 = arith.addi %mul3A_3, %add3A_1684 : vector<16xi32>
    %gather3A_1686 = tpu.vector_load_idx %arg7[%and3A_1610, %add3A_1685] : memref<4x7xf32, #tpu.memory_space<vmem>>[vector<16xi32>, vector<16xi32>], vector<16xf32>,
    %convert_element_type3A_1687 = arith.sitofp %gather3A_1682 : vector<16xi32> to vector<16xf32>
    %mul3A_1688 = arith.mulf %convert_element_type3A_1687, %gather3A_1686 : vector<16xf32>
    %add3A_1689 = arith.addf %add3A_1678, %mul3A_1688 : vector<16xf32>
    %convert_element_type3A_1690 = arith.fptosi %add3A_1689 : vector<16xf32> to vector<16xi32>
    %swap3A_1691 = arith.constant 272 : index
    %swap3A_1692 = tpu.vector_load %arg8[%swap3A_1691] {strides = array<i32>} : memref<512xi32, #tpu.memory_space<vmem>>, vector<16xi32>,
    tpu.vector_store %arg8[%swap3A_1691], %convert_element_type3A_1690 {strides = array<i32>} : memref<512xi32, #tpu.memory_space<vmem>>, vector<16xi32>,
    %add3A_1693 = arith.constant 288 : i32
    %add3A_1694 = vector.broadcast %add3A_1693 : i32 to vector<16xi32>
    %add3A_1695 = arith.addi %iota3A, %add3A_1694 : vector<16xi32>
    %shift_right_arithmetic3A_1696 = arith.constant 2 : i32
    %shift_right_arithmetic3A_1697 = vector.broadcast %shift_right_arithmetic3A_1696 : i32 to vector<16xi32>
    %shift_right_arithmetic3A_1698 = arith.shrsi %add3A_1695, %shift_right_arithmetic3A_1697 : vector<16xi32>
    %mul3A_1699 = arith.constant 7 : i32
    %mul3A_1700 = vector.broadcast %mul3A_1699 : i32 to vector<16xi32>
    %mul3A_1701 = arith.muli %shift_right_arithmetic3A_1698, %mul3A_1700 : vector<16xi32>
    %and3A_1702 = arith.constant 3 : i32
    %and3A_1703 = vector.broadcast %and3A_1702 : i32 to vector<16xi32>
    %and3A_1704 = arith.andi %add3A_1695, %and3A_1703 : vector<16xi32>
    %broadcast_in_dim3A_1705 = arith.constant 0.000000e+00 : f32
    %broadcast_in_dim3A_1706 = vector.broadcast %broadcast_in_dim3A_1705 : f32 to vector<16xf32>
    %add3A_1707 = arith.constant 0 : i32
    %add3A_1708 = vector.broadcast %add3A_1707 : i32 to vector<16xi32>
    %add3A_1709 = arith.addi %mul3A_1701, %add3A_1708 : vector<16xi32>
    %gather3A_1710 = tpu.vector_load_idx %arg6[%add3A_1709] : memref<896xi32, #tpu.memory_space<vmem>>[vector<16xi32>], vector<16xi32>,
    %add3A_1711 = arith.constant 0 : i32
    %add3A_1712 = vector.broadcast %add3A_1711 : i32 to vector<16xi32>
    %add3A_1713 = arith.addi %mul3A_3, %add3A_1712 : vector<16xi32>
    %gather3A_1714 = tpu.vector_load_idx %arg7[%and3A_1704, %add3A_1713] : memref<4x7xf32, #tpu.memory_space<vmem>>[vector<16xi32>, vector<16xi32>], vector<16xf32>,
    %convert_element_type3A_1715 = arith.sitofp %gather3A_1710 : vector<16xi32> to vector<16xf32>
    %mul3A_1716 = arith.mulf %convert_element_type3A_1715, %gather3A_1714 : vector<16xf32>
    %add3A_1717 = arith.addf %broadcast_in_dim3A_1706, %mul3A_1716 : vector<16xf32>
    %add3A_1718 = arith.constant 1 : i32
    %add3A_1719 = vector.broadcast %add3A_1718 : i32 to vector<16xi32>
    %add3A_1720 = arith.addi %mul3A_1701, %add3A_1719 : vector<16xi32>
    %gather3A_1721 = tpu.vector_load_idx %arg6[%add3A_1720] : memref<896xi32, #tpu.memory_space<vmem>>[vector<16xi32>], vector<16xi32>,
    %add3A_1722 = arith.constant 1 : i32
    %add3A_1723 = vector.broadcast %add3A_1722 : i32 to vector<16xi32>
    %add3A_1724 = arith.addi %mul3A_3, %add3A_1723 : vector<16xi32>
    %gather3A_1725 = tpu.vector_load_idx %arg7[%and3A_1704, %add3A_1724] : memref<4x7xf32, #tpu.memory_space<vmem>>[vector<16xi32>, vector<16xi32>], vector<16xf32>,
    %convert_element_type3A_1726 = arith.sitofp %gather3A_1721 : vector<16xi32> to vector<16xf32>
    %mul3A_1727 = arith.mulf %convert_element_type3A_1726, %gather3A_1725 : vector<16xf32>
    %add3A_1728 = arith.addf %add3A_1717, %mul3A_1727 : vector<16xf32>
    %add3A_1729 = arith.constant 2 : i32
    %add3A_1730 = vector.broadcast %add3A_1729 : i32 to vector<16xi32>
    %add3A_1731 = arith.addi %mul3A_1701, %add3A_1730 : vector<16xi32>
    %gather3A_1732 = tpu.vector_load_idx %arg6[%add3A_1731] : memref<896xi32, #tpu.memory_space<vmem>>[vector<16xi32>], vector<16xi32>,
    %add3A_1733 = arith.constant 2 : i32
    %add3A_1734 = vector.broadcast %add3A_1733 : i32 to vector<16xi32>
    %add3A_1735 = arith.addi %mul3A_3, %add3A_1734 : vector<16xi32>
    %gather3A_1736 = tpu.vector_load_idx %arg7[%and3A_1704, %add3A_1735] : memref<4x7xf32, #tpu.memory_space<vmem>>[vector<16xi32>, vector<16xi32>], vector<16xf32>,
    %convert_element_type3A_1737 = arith.sitofp %gather3A_1732 : vector<16xi32> to vector<16xf32>
    %mul3A_1738 = arith.mulf %convert_element_type3A_1737, %gather3A_1736 : vector<16xf32>
    %add3A_1739 = arith.addf %add3A_1728, %mul3A_1738 : vector<16xf32>
    %add3A_1740 = arith.constant 3 : i32
    %add3A_1741 = vector.broadcast %add3A_1740 : i32 to vector<16xi32>
    %add3A_1742 = arith.addi %mul3A_1701, %add3A_1741 : vector<16xi32>
    %gather3A_1743 = tpu.vector_load_idx %arg6[%add3A_1742] : memref<896xi32, #tpu.memory_space<vmem>>[vector<16xi32>], vector<16xi32>,
    %add3A_1744 = arith.constant 3 : i32
    %add3A_1745 = vector.broadcast %add3A_1744 : i32 to vector<16xi32>
    %add3A_1746 = arith.addi %mul3A_3, %add3A_1745 : vector<16xi32>
    %gather3A_1747 = tpu.vector_load_idx %arg7[%and3A_1704, %add3A_1746] : memref<4x7xf32, #tpu.memory_space<vmem>>[vector<16xi32>, vector<16xi32>], vector<16xf32>,
    %convert_element_type3A_1748 = arith.sitofp %gather3A_1743 : vector<16xi32> to vector<16xf32>
    %mul3A_1749 = arith.mulf %convert_element_type3A_1748, %gather3A_1747 : vector<16xf32>
    %add3A_1750 = arith.addf %add3A_1739, %mul3A_1749 : vector<16xf32>
    %add3A_1751 = arith.constant 4 : i32
    %add3A_1752 = vector.broadcast %add3A_1751 : i32 to vector<16xi32>
    %add3A_1753 = arith.addi %mul3A_1701, %add3A_1752 : vector<16xi32>
    %gather3A_1754 = tpu.vector_load_idx %arg6[%add3A_1753] : memref<896xi32, #tpu.memory_space<vmem>>[vector<16xi32>], vector<16xi32>,
    %add3A_1755 = arith.constant 4 : i32
    %add3A_1756 = vector.broadcast %add3A_1755 : i32 to vector<16xi32>
    %add3A_1757 = arith.addi %mul3A_3, %add3A_1756 : vector<16xi32>
    %gather3A_1758 = tpu.vector_load_idx %arg7[%and3A_1704, %add3A_1757] : memref<4x7xf32, #tpu.memory_space<vmem>>[vector<16xi32>, vector<16xi32>], vector<16xf32>,
    %convert_element_type3A_1759 = arith.sitofp %gather3A_1754 : vector<16xi32> to vector<16xf32>
    %mul3A_1760 = arith.mulf %convert_element_type3A_1759, %gather3A_1758 : vector<16xf32>
    %add3A_1761 = arith.addf %add3A_1750, %mul3A_1760 : vector<16xf32>
    %add3A_1762 = arith.constant 5 : i32
    %add3A_1763 = vector.broadcast %add3A_1762 : i32 to vector<16xi32>
    %add3A_1764 = arith.addi %mul3A_1701, %add3A_1763 : vector<16xi32>
    %gather3A_1765 = tpu.vector_load_idx %arg6[%add3A_1764] : memref<896xi32, #tpu.memory_space<vmem>>[vector<16xi32>], vector<16xi32>,
    %add3A_1766 = arith.constant 5 : i32
    %add3A_1767 = vector.broadcast %add3A_1766 : i32 to vector<16xi32>
    %add3A_1768 = arith.addi %mul3A_3, %add3A_1767 : vector<16xi32>
    %gather3A_1769 = tpu.vector_load_idx %arg7[%and3A_1704, %add3A_1768] : memref<4x7xf32, #tpu.memory_space<vmem>>[vector<16xi32>, vector<16xi32>], vector<16xf32>,
    %convert_element_type3A_1770 = arith.sitofp %gather3A_1765 : vector<16xi32> to vector<16xf32>
    %mul3A_1771 = arith.mulf %convert_element_type3A_1770, %gather3A_1769 : vector<16xf32>
    %add3A_1772 = arith.addf %add3A_1761, %mul3A_1771 : vector<16xf32>
    %add3A_1773 = arith.constant 6 : i32
    %add3A_1774 = vector.broadcast %add3A_1773 : i32 to vector<16xi32>
    %add3A_1775 = arith.addi %mul3A_1701, %add3A_1774 : vector<16xi32>
    %gather3A_1776 = tpu.vector_load_idx %arg6[%add3A_1775] : memref<896xi32, #tpu.memory_space<vmem>>[vector<16xi32>], vector<16xi32>,
    %add3A_1777 = arith.constant 6 : i32
    %add3A_1778 = vector.broadcast %add3A_1777 : i32 to vector<16xi32>
    %add3A_1779 = arith.addi %mul3A_3, %add3A_1778 : vector<16xi32>
    %gather3A_1780 = tpu.vector_load_idx %arg7[%and3A_1704, %add3A_1779] : memref<4x7xf32, #tpu.memory_space<vmem>>[vector<16xi32>, vector<16xi32>], vector<16xf32>,
    %convert_element_type3A_1781 = arith.sitofp %gather3A_1776 : vector<16xi32> to vector<16xf32>
    %mul3A_1782 = arith.mulf %convert_element_type3A_1781, %gather3A_1780 : vector<16xf32>
    %add3A_1783 = arith.addf %add3A_1772, %mul3A_1782 : vector<16xf32>
    %convert_element_type3A_1784 = arith.fptosi %add3A_1783 : vector<16xf32> to vector<16xi32>
    %swap3A_1785 = arith.constant 288 : index
    %swap3A_1786 = tpu.vector_load %arg8[%swap3A_1785] {strides = array<i32>} : memref<512xi32, #tpu.memory_space<vmem>>, vector<16xi32>,
    tpu.vector_store %arg8[%swap3A_1785], %convert_element_type3A_1784 {strides = array<i32>} : memref<512xi32, #tpu.memory_space<vmem>>, vector<16xi32>,
    %add3A_1787 = arith.constant 304 : i32
    %add3A_1788 = vector.broadcast %add3A_1787 : i32 to vector<16xi32>
    %add3A_1789 = arith.addi %iota3A, %add3A_1788 : vector<16xi32>
    %shift_right_arithmetic3A_1790 = arith.constant 2 : i32
    %shift_right_arithmetic3A_1791 = vector.broadcast %shift_right_arithmetic3A_1790 : i32 to vector<16xi32>
    %shift_right_arithmetic3A_1792 = arith.shrsi %add3A_1789, %shift_right_arithmetic3A_1791 : vector<16xi32>
    %mul3A_1793 = arith.constant 7 : i32
    %mul3A_1794 = vector.broadcast %mul3A_1793 : i32 to vector<16xi32>
    %mul3A_1795 = arith.muli %shift_right_arithmetic3A_1792, %mul3A_1794 : vector<16xi32>
    %and3A_1796 = arith.constant 3 : i32
    %and3A_1797 = vector.broadcast %and3A_1796 : i32 to vector<16xi32>
    %and3A_1798 = arith.andi %add3A_1789, %and3A_1797 : vector<16xi32>
    %broadcast_in_dim3A_1799 = arith.constant 0.000000e+00 : f32
    %broadcast_in_dim3A_1800 = vector.broadcast %broadcast_in_dim3A_1799 : f32 to vector<16xf32>
    %add3A_1801 = arith.constant 0 : i32
    %add3A_1802 = vector.broadcast %add3A_1801 : i32 to vector<16xi32>
    %add3A_1803 = arith.addi %mul3A_1795, %add3A_1802 : vector<16xi32>
    %gather3A_1804 = tpu.vector_load_idx %arg6[%add3A_1803] : memref<896xi32, #tpu.memory_space<vmem>>[vector<16xi32>], vector<16xi32>,
    %add3A_1805 = arith.constant 0 : i32
    %add3A_1806 = vector.broadcast %add3A_1805 : i32 to vector<16xi32>
    %add3A_1807 = arith.addi %mul3A_3, %add3A_1806 : vector<16xi32>
    %gather3A_1808 = tpu.vector_load_idx %arg7[%and3A_1798, %add3A_1807] : memref<4x7xf32, #tpu.memory_space<vmem>>[vector<16xi32>, vector<16xi32>], vector<16xf32>,
    %convert_element_type3A_1809 = arith.sitofp %gather3A_1804 : vector<16xi32> to vector<16xf32>
    %mul3A_1810 = arith.mulf %convert_element_type3A_1809, %gather3A_1808 : vector<16xf32>
    %add3A_1811 = arith.addf %broadcast_in_dim3A_1800, %mul3A_1810 : vector<16xf32>
    %add3A_1812 = arith.constant 1 : i32
    %add3A_1813 = vector.broadcast %add3A_1812 : i32 to vector<16xi32>
    %add3A_1814 = arith.addi %mul3A_1795, %add3A_1813 : vector<16xi32>
    %gather3A_1815 = tpu.vector_load_idx %arg6[%add3A_1814] : memref<896xi32, #tpu.memory_space<vmem>>[vector<16xi32>], vector<16xi32>,
    %add3A_1816 = arith.constant 1 : i32
    %add3A_1817 = vector.broadcast %add3A_1816 : i32 to vector<16xi32>
    %add3A_1818 = arith.addi %mul3A_3, %add3A_1817 : vector<16xi32>
    %gather3A_1819 = tpu.vector_load_idx %arg7[%and3A_1798, %add3A_1818] : memref<4x7xf32, #tpu.memory_space<vmem>>[vector<16xi32>, vector<16xi32>], vector<16xf32>,
    %convert_element_type3A_1820 = arith.sitofp %gather3A_1815 : vector<16xi32> to vector<16xf32>
    %mul3A_1821 = arith.mulf %convert_element_type3A_1820, %gather3A_1819 : vector<16xf32>
    %add3A_1822 = arith.addf %add3A_1811, %mul3A_1821 : vector<16xf32>
    %add3A_1823 = arith.constant 2 : i32
    %add3A_1824 = vector.broadcast %add3A_1823 : i32 to vector<16xi32>
    %add3A_1825 = arith.addi %mul3A_1795, %add3A_1824 : vector<16xi32>
    %gather3A_1826 = tpu.vector_load_idx %arg6[%add3A_1825] : memref<896xi32, #tpu.memory_space<vmem>>[vector<16xi32>], vector<16xi32>,
    %add3A_1827 = arith.constant 2 : i32
    %add3A_1828 = vector.broadcast %add3A_1827 : i32 to vector<16xi32>
    %add3A_1829 = arith.addi %mul3A_3, %add3A_1828 : vector<16xi32>
    %gather3A_1830 = tpu.vector_load_idx %arg7[%and3A_1798, %add3A_1829] : memref<4x7xf32, #tpu.memory_space<vmem>>[vector<16xi32>, vector<16xi32>], vector<16xf32>,
    %convert_element_type3A_1831 = arith.sitofp %gather3A_1826 : vector<16xi32> to vector<16xf32>
    %mul3A_1832 = arith.mulf %convert_element_type3A_1831, %gather3A_1830 : vector<16xf32>
    %add3A_1833 = arith.addf %add3A_1822, %mul3A_1832 : vector<16xf32>
    %add3A_1834 = arith.constant 3 : i32
    %add3A_1835 = vector.broadcast %add3A_1834 : i32 to vector<16xi32>
    %add3A_1836 = arith.addi %mul3A_1795, %add3A_1835 : vector<16xi32>
    %gather3A_1837 = tpu.vector_load_idx %arg6[%add3A_1836] : memref<896xi32, #tpu.memory_space<vmem>>[vector<16xi32>], vector<16xi32>,
    %add3A_1838 = arith.constant 3 : i32
    %add3A_1839 = vector.broadcast %add3A_1838 : i32 to vector<16xi32>
    %add3A_1840 = arith.addi %mul3A_3, %add3A_1839 : vector<16xi32>
    %gather3A_1841 = tpu.vector_load_idx %arg7[%and3A_1798, %add3A_1840] : memref<4x7xf32, #tpu.memory_space<vmem>>[vector<16xi32>, vector<16xi32>], vector<16xf32>,
    %convert_element_type3A_1842 = arith.sitofp %gather3A_1837 : vector<16xi32> to vector<16xf32>
    %mul3A_1843 = arith.mulf %convert_element_type3A_1842, %gather3A_1841 : vector<16xf32>
    %add3A_1844 = arith.addf %add3A_1833, %mul3A_1843 : vector<16xf32>
    %add3A_1845 = arith.constant 4 : i32
    %add3A_1846 = vector.broadcast %add3A_1845 : i32 to vector<16xi32>
    %add3A_1847 = arith.addi %mul3A_1795, %add3A_1846 : vector<16xi32>
    %gather3A_1848 = tpu.vector_load_idx %arg6[%add3A_1847] : memref<896xi32, #tpu.memory_space<vmem>>[vector<16xi32>], vector<16xi32>,
    %add3A_1849 = arith.constant 4 : i32
    %add3A_1850 = vector.broadcast %add3A_1849 : i32 to vector<16xi32>
    %add3A_1851 = arith.addi %mul3A_3, %add3A_1850 : vector<16xi32>
    %gather3A_1852 = tpu.vector_load_idx %arg7[%and3A_1798, %add3A_1851] : memref<4x7xf32, #tpu.memory_space<vmem>>[vector<16xi32>, vector<16xi32>], vector<16xf32>,
    %convert_element_type3A_1853 = arith.sitofp %gather3A_1848 : vector<16xi32> to vector<16xf32>
    %mul3A_1854 = arith.mulf %convert_element_type3A_1853, %gather3A_1852 : vector<16xf32>
    %add3A_1855 = arith.addf %add3A_1844, %mul3A_1854 : vector<16xf32>
    %add3A_1856 = arith.constant 5 : i32
    %add3A_1857 = vector.broadcast %add3A_1856 : i32 to vector<16xi32>
    %add3A_1858 = arith.addi %mul3A_1795, %add3A_1857 : vector<16xi32>
    %gather3A_1859 = tpu.vector_load_idx %arg6[%add3A_1858] : memref<896xi32, #tpu.memory_space<vmem>>[vector<16xi32>], vector<16xi32>,
    %add3A_1860 = arith.constant 5 : i32
    %add3A_1861 = vector.broadcast %add3A_1860 : i32 to vector<16xi32>
    %add3A_1862 = arith.addi %mul3A_3, %add3A_1861 : vector<16xi32>
    %gather3A_1863 = tpu.vector_load_idx %arg7[%and3A_1798, %add3A_1862] : memref<4x7xf32, #tpu.memory_space<vmem>>[vector<16xi32>, vector<16xi32>], vector<16xf32>,
    %convert_element_type3A_1864 = arith.sitofp %gather3A_1859 : vector<16xi32> to vector<16xf32>
    %mul3A_1865 = arith.mulf %convert_element_type3A_1864, %gather3A_1863 : vector<16xf32>
    %add3A_1866 = arith.addf %add3A_1855, %mul3A_1865 : vector<16xf32>
    %add3A_1867 = arith.constant 6 : i32
    %add3A_1868 = vector.broadcast %add3A_1867 : i32 to vector<16xi32>
    %add3A_1869 = arith.addi %mul3A_1795, %add3A_1868 : vector<16xi32>
    %gather3A_1870 = tpu.vector_load_idx %arg6[%add3A_1869] : memref<896xi32, #tpu.memory_space<vmem>>[vector<16xi32>], vector<16xi32>,
    %add3A_1871 = arith.constant 6 : i32
    %add3A_1872 = vector.broadcast %add3A_1871 : i32 to vector<16xi32>
    %add3A_1873 = arith.addi %mul3A_3, %add3A_1872 : vector<16xi32>
    %gather3A_1874 = tpu.vector_load_idx %arg7[%and3A_1798, %add3A_1873] : memref<4x7xf32, #tpu.memory_space<vmem>>[vector<16xi32>, vector<16xi32>], vector<16xf32>,
    %convert_element_type3A_1875 = arith.sitofp %gather3A_1870 : vector<16xi32> to vector<16xf32>
    %mul3A_1876 = arith.mulf %convert_element_type3A_1875, %gather3A_1874 : vector<16xf32>
    %add3A_1877 = arith.addf %add3A_1866, %mul3A_1876 : vector<16xf32>
    %convert_element_type3A_1878 = arith.fptosi %add3A_1877 : vector<16xf32> to vector<16xi32>
    %swap3A_1879 = arith.constant 304 : index
    %swap3A_1880 = tpu.vector_load %arg8[%swap3A_1879] {strides = array<i32>} : memref<512xi32, #tpu.memory_space<vmem>>, vector<16xi32>,
    tpu.vector_store %arg8[%swap3A_1879], %convert_element_type3A_1878 {strides = array<i32>} : memref<512xi32, #tpu.memory_space<vmem>>, vector<16xi32>,
    %add3A_1881 = arith.constant 320 : i32
    %add3A_1882 = vector.broadcast %add3A_1881 : i32 to vector<16xi32>
    %add3A_1883 = arith.addi %iota3A, %add3A_1882 : vector<16xi32>
    %shift_right_arithmetic3A_1884 = arith.constant 2 : i32
    %shift_right_arithmetic3A_1885 = vector.broadcast %shift_right_arithmetic3A_1884 : i32 to vector<16xi32>
    %shift_right_arithmetic3A_1886 = arith.shrsi %add3A_1883, %shift_right_arithmetic3A_1885 : vector<16xi32>
    %mul3A_1887 = arith.constant 7 : i32
    %mul3A_1888 = vector.broadcast %mul3A_1887 : i32 to vector<16xi32>
    %mul3A_1889 = arith.muli %shift_right_arithmetic3A_1886, %mul3A_1888 : vector<16xi32>
    %and3A_1890 = arith.constant 3 : i32
    %and3A_1891 = vector.broadcast %and3A_1890 : i32 to vector<16xi32>
    %and3A_1892 = arith.andi %add3A_1883, %and3A_1891 : vector<16xi32>
    %broadcast_in_dim3A_1893 = arith.constant 0.000000e+00 : f32
    %broadcast_in_dim3A_1894 = vector.broadcast %broadcast_in_dim3A_1893 : f32 to vector<16xf32>
    %add3A_1895 = arith.constant 0 : i32
    %add3A_1896 = vector.broadcast %add3A_1895 : i32 to vector<16xi32>
    %add3A_1897 = arith.addi %mul3A_1889, %add3A_1896 : vector<16xi32>
    %gather3A_1898 = tpu.vector_load_idx %arg6[%add3A_1897] : memref<896xi32, #tpu.memory_space<vmem>>[vector<16xi32>], vector<16xi32>,
    %add3A_1899 = arith.constant 0 : i32
    %add3A_1900 = vector.broadcast %add3A_1899 : i32 to vector<16xi32>
    %add3A_1901 = arith.addi %mul3A_3, %add3A_1900 : vector<16xi32>
    %gather3A_1902 = tpu.vector_load_idx %arg7[%and3A_1892, %add3A_1901] : memref<4x7xf32, #tpu.memory_space<vmem>>[vector<16xi32>, vector<16xi32>], vector<16xf32>,
    %convert_element_type3A_1903 = arith.sitofp %gather3A_1898 : vector<16xi32> to vector<16xf32>
    %mul3A_1904 = arith.mulf %convert_element_type3A_1903, %gather3A_1902 : vector<16xf32>
    %add3A_1905 = arith.addf %broadcast_in_dim3A_1894, %mul3A_1904 : vector<16xf32>
    %add3A_1906 = arith.constant 1 : i32
    %add3A_1907 = vector.broadcast %add3A_1906 : i32 to vector<16xi32>
    %add3A_1908 = arith.addi %mul3A_1889, %add3A_1907 : vector<16xi32>
    %gather3A_1909 = tpu.vector_load_idx %arg6[%add3A_1908] : memref<896xi32, #tpu.memory_space<vmem>>[vector<16xi32>], vector<16xi32>,
    %add3A_1910 = arith.constant 1 : i32
    %add3A_1911 = vector.broadcast %add3A_1910 : i32 to vector<16xi32>
    %add3A_1912 = arith.addi %mul3A_3, %add3A_1911 : vector<16xi32>
    %gather3A_1913 = tpu.vector_load_idx %arg7[%and3A_1892, %add3A_1912] : memref<4x7xf32, #tpu.memory_space<vmem>>[vector<16xi32>, vector<16xi32>], vector<16xf32>,
    %convert_element_type3A_1914 = arith.sitofp %gather3A_1909 : vector<16xi32> to vector<16xf32>
    %mul3A_1915 = arith.mulf %convert_element_type3A_1914, %gather3A_1913 : vector<16xf32>
    %add3A_1916 = arith.addf %add3A_1905, %mul3A_1915 : vector<16xf32>
    %add3A_1917 = arith.constant 2 : i32
    %add3A_1918 = vector.broadcast %add3A_1917 : i32 to vector<16xi32>
    %add3A_1919 = arith.addi %mul3A_1889, %add3A_1918 : vector<16xi32>
    %gather3A_1920 = tpu.vector_load_idx %arg6[%add3A_1919] : memref<896xi32, #tpu.memory_space<vmem>>[vector<16xi32>], vector<16xi32>,
    %add3A_1921 = arith.constant 2 : i32
    %add3A_1922 = vector.broadcast %add3A_1921 : i32 to vector<16xi32>
    %add3A_1923 = arith.addi %mul3A_3, %add3A_1922 : vector<16xi32>
    %gather3A_1924 = tpu.vector_load_idx %arg7[%and3A_1892, %add3A_1923] : memref<4x7xf32, #tpu.memory_space<vmem>>[vector<16xi32>, vector<16xi32>], vector<16xf32>,
    %convert_element_type3A_1925 = arith.sitofp %gather3A_1920 : vector<16xi32> to vector<16xf32>
    %mul3A_1926 = arith.mulf %convert_element_type3A_1925, %gather3A_1924 : vector<16xf32>
    %add3A_1927 = arith.addf %add3A_1916, %mul3A_1926 : vector<16xf32>
    %add3A_1928 = arith.constant 3 : i32
    %add3A_1929 = vector.broadcast %add3A_1928 : i32 to vector<16xi32>
    %add3A_1930 = arith.addi %mul3A_1889, %add3A_1929 : vector<16xi32>
    %gather3A_1931 = tpu.vector_load_idx %arg6[%add3A_1930] : memref<896xi32, #tpu.memory_space<vmem>>[vector<16xi32>], vector<16xi32>,
    %add3A_1932 = arith.constant 3 : i32
    %add3A_1933 = vector.broadcast %add3A_1932 : i32 to vector<16xi32>
    %add3A_1934 = arith.addi %mul3A_3, %add3A_1933 : vector<16xi32>
    %gather3A_1935 = tpu.vector_load_idx %arg7[%and3A_1892, %add3A_1934] : memref<4x7xf32, #tpu.memory_space<vmem>>[vector<16xi32>, vector<16xi32>], vector<16xf32>,
    %convert_element_type3A_1936 = arith.sitofp %gather3A_1931 : vector<16xi32> to vector<16xf32>
    %mul3A_1937 = arith.mulf %convert_element_type3A_1936, %gather3A_1935 : vector<16xf32>
    %add3A_1938 = arith.addf %add3A_1927, %mul3A_1937 : vector<16xf32>
    %add3A_1939 = arith.constant 4 : i32
    %add3A_1940 = vector.broadcast %add3A_1939 : i32 to vector<16xi32>
    %add3A_1941 = arith.addi %mul3A_1889, %add3A_1940 : vector<16xi32>
    %gather3A_1942 = tpu.vector_load_idx %arg6[%add3A_1941] : memref<896xi32, #tpu.memory_space<vmem>>[vector<16xi32>], vector<16xi32>,
    %add3A_1943 = arith.constant 4 : i32
    %add3A_1944 = vector.broadcast %add3A_1943 : i32 to vector<16xi32>
    %add3A_1945 = arith.addi %mul3A_3, %add3A_1944 : vector<16xi32>
    %gather3A_1946 = tpu.vector_load_idx %arg7[%and3A_1892, %add3A_1945] : memref<4x7xf32, #tpu.memory_space<vmem>>[vector<16xi32>, vector<16xi32>], vector<16xf32>,
    %convert_element_type3A_1947 = arith.sitofp %gather3A_1942 : vector<16xi32> to vector<16xf32>
    %mul3A_1948 = arith.mulf %convert_element_type3A_1947, %gather3A_1946 : vector<16xf32>
    %add3A_1949 = arith.addf %add3A_1938, %mul3A_1948 : vector<16xf32>
    %add3A_1950 = arith.constant 5 : i32
    %add3A_1951 = vector.broadcast %add3A_1950 : i32 to vector<16xi32>
    %add3A_1952 = arith.addi %mul3A_1889, %add3A_1951 : vector<16xi32>
    %gather3A_1953 = tpu.vector_load_idx %arg6[%add3A_1952] : memref<896xi32, #tpu.memory_space<vmem>>[vector<16xi32>], vector<16xi32>,
    %add3A_1954 = arith.constant 5 : i32
    %add3A_1955 = vector.broadcast %add3A_1954 : i32 to vector<16xi32>
    %add3A_1956 = arith.addi %mul3A_3, %add3A_1955 : vector<16xi32>
    %gather3A_1957 = tpu.vector_load_idx %arg7[%and3A_1892, %add3A_1956] : memref<4x7xf32, #tpu.memory_space<vmem>>[vector<16xi32>, vector<16xi32>], vector<16xf32>,
    %convert_element_type3A_1958 = arith.sitofp %gather3A_1953 : vector<16xi32> to vector<16xf32>
    %mul3A_1959 = arith.mulf %convert_element_type3A_1958, %gather3A_1957 : vector<16xf32>
    %add3A_1960 = arith.addf %add3A_1949, %mul3A_1959 : vector<16xf32>
    %add3A_1961 = arith.constant 6 : i32
    %add3A_1962 = vector.broadcast %add3A_1961 : i32 to vector<16xi32>
    %add3A_1963 = arith.addi %mul3A_1889, %add3A_1962 : vector<16xi32>
    %gather3A_1964 = tpu.vector_load_idx %arg6[%add3A_1963] : memref<896xi32, #tpu.memory_space<vmem>>[vector<16xi32>], vector<16xi32>,
    %add3A_1965 = arith.constant 6 : i32
    %add3A_1966 = vector.broadcast %add3A_1965 : i32 to vector<16xi32>
    %add3A_1967 = arith.addi %mul3A_3, %add3A_1966 : vector<16xi32>
    %gather3A_1968 = tpu.vector_load_idx %arg7[%and3A_1892, %add3A_1967] : memref<4x7xf32, #tpu.memory_space<vmem>>[vector<16xi32>, vector<16xi32>], vector<16xf32>,
    %convert_element_type3A_1969 = arith.sitofp %gather3A_1964 : vector<16xi32> to vector<16xf32>
    %mul3A_1970 = arith.mulf %convert_element_type3A_1969, %gather3A_1968 : vector<16xf32>
    %add3A_1971 = arith.addf %add3A_1960, %mul3A_1970 : vector<16xf32>
    %convert_element_type3A_1972 = arith.fptosi %add3A_1971 : vector<16xf32> to vector<16xi32>
    %swap3A_1973 = arith.constant 320 : index
    %swap3A_1974 = tpu.vector_load %arg8[%swap3A_1973] {strides = array<i32>} : memref<512xi32, #tpu.memory_space<vmem>>, vector<16xi32>,
    tpu.vector_store %arg8[%swap3A_1973], %convert_element_type3A_1972 {strides = array<i32>} : memref<512xi32, #tpu.memory_space<vmem>>, vector<16xi32>,
    %add3A_1975 = arith.constant 336 : i32
    %add3A_1976 = vector.broadcast %add3A_1975 : i32 to vector<16xi32>
    %add3A_1977 = arith.addi %iota3A, %add3A_1976 : vector<16xi32>
    %shift_right_arithmetic3A_1978 = arith.constant 2 : i32
    %shift_right_arithmetic3A_1979 = vector.broadcast %shift_right_arithmetic3A_1978 : i32 to vector<16xi32>
    %shift_right_arithmetic3A_1980 = arith.shrsi %add3A_1977, %shift_right_arithmetic3A_1979 : vector<16xi32>
    %mul3A_1981 = arith.constant 7 : i32
    %mul3A_1982 = vector.broadcast %mul3A_1981 : i32 to vector<16xi32>
    %mul3A_1983 = arith.muli %shift_right_arithmetic3A_1980, %mul3A_1982 : vector<16xi32>
    %and3A_1984 = arith.constant 3 : i32
    %and3A_1985 = vector.broadcast %and3A_1984 : i32 to vector<16xi32>
    %and3A_1986 = arith.andi %add3A_1977, %and3A_1985 : vector<16xi32>
    %broadcast_in_dim3A_1987 = arith.constant 0.000000e+00 : f32
    %broadcast_in_dim3A_1988 = vector.broadcast %broadcast_in_dim3A_1987 : f32 to vector<16xf32>
    %add3A_1989 = arith.constant 0 : i32
    %add3A_1990 = vector.broadcast %add3A_1989 : i32 to vector<16xi32>
    %add3A_1991 = arith.addi %mul3A_1983, %add3A_1990 : vector<16xi32>
    %gather3A_1992 = tpu.vector_load_idx %arg6[%add3A_1991] : memref<896xi32, #tpu.memory_space<vmem>>[vector<16xi32>], vector<16xi32>,
    %add3A_1993 = arith.constant 0 : i32
    %add3A_1994 = vector.broadcast %add3A_1993 : i32 to vector<16xi32>
    %add3A_1995 = arith.addi %mul3A_3, %add3A_1994 : vector<16xi32>
    %gather3A_1996 = tpu.vector_load_idx %arg7[%and3A_1986, %add3A_1995] : memref<4x7xf32, #tpu.memory_space<vmem>>[vector<16xi32>, vector<16xi32>], vector<16xf32>,
    %convert_element_type3A_1997 = arith.sitofp %gather3A_1992 : vector<16xi32> to vector<16xf32>
    %mul3A_1998 = arith.mulf %convert_element_type3A_1997, %gather3A_1996 : vector<16xf32>
    %add3A_1999 = arith.addf %broadcast_in_dim3A_1988, %mul3A_1998 : vector<16xf32>
    %add3A_2000 = arith.constant 1 : i32
    %add3A_2001 = vector.broadcast %add3A_2000 : i32 to vector<16xi32>
    %add3A_2002 = arith.addi %mul3A_1983, %add3A_2001 : vector<16xi32>
    %gather3A_2003 = tpu.vector_load_idx %arg6[%add3A_2002] : memref<896xi32, #tpu.memory_space<vmem>>[vector<16xi32>], vector<16xi32>,
    %add3A_2004 = arith.constant 1 : i32
    %add3A_2005 = vector.broadcast %add3A_2004 : i32 to vector<16xi32>
    %add3A_2006 = arith.addi %mul3A_3, %add3A_2005 : vector<16xi32>
    %gather3A_2007 = tpu.vector_load_idx %arg7[%and3A_1986, %add3A_2006] : memref<4x7xf32, #tpu.memory_space<vmem>>[vector<16xi32>, vector<16xi32>], vector<16xf32>,
    %convert_element_type3A_2008 = arith.sitofp %gather3A_2003 : vector<16xi32> to vector<16xf32>
    %mul3A_2009 = arith.mulf %convert_element_type3A_2008, %gather3A_2007 : vector<16xf32>
    %add3A_2010 = arith.addf %add3A_1999, %mul3A_2009 : vector<16xf32>
    %add3A_2011 = arith.constant 2 : i32
    %add3A_2012 = vector.broadcast %add3A_2011 : i32 to vector<16xi32>
    %add3A_2013 = arith.addi %mul3A_1983, %add3A_2012 : vector<16xi32>
    %gather3A_2014 = tpu.vector_load_idx %arg6[%add3A_2013] : memref<896xi32, #tpu.memory_space<vmem>>[vector<16xi32>], vector<16xi32>,
    %add3A_2015 = arith.constant 2 : i32
    %add3A_2016 = vector.broadcast %add3A_2015 : i32 to vector<16xi32>
    %add3A_2017 = arith.addi %mul3A_3, %add3A_2016 : vector<16xi32>
    %gather3A_2018 = tpu.vector_load_idx %arg7[%and3A_1986, %add3A_2017] : memref<4x7xf32, #tpu.memory_space<vmem>>[vector<16xi32>, vector<16xi32>], vector<16xf32>,
    %convert_element_type3A_2019 = arith.sitofp %gather3A_2014 : vector<16xi32> to vector<16xf32>
    %mul3A_2020 = arith.mulf %convert_element_type3A_2019, %gather3A_2018 : vector<16xf32>
    %add3A_2021 = arith.addf %add3A_2010, %mul3A_2020 : vector<16xf32>
    %add3A_2022 = arith.constant 3 : i32
    %add3A_2023 = vector.broadcast %add3A_2022 : i32 to vector<16xi32>
    %add3A_2024 = arith.addi %mul3A_1983, %add3A_2023 : vector<16xi32>
    %gather3A_2025 = tpu.vector_load_idx %arg6[%add3A_2024] : memref<896xi32, #tpu.memory_space<vmem>>[vector<16xi32>], vector<16xi32>,
    %add3A_2026 = arith.constant 3 : i32
    %add3A_2027 = vector.broadcast %add3A_2026 : i32 to vector<16xi32>
    %add3A_2028 = arith.addi %mul3A_3, %add3A_2027 : vector<16xi32>
    %gather3A_2029 = tpu.vector_load_idx %arg7[%and3A_1986, %add3A_2028] : memref<4x7xf32, #tpu.memory_space<vmem>>[vector<16xi32>, vector<16xi32>], vector<16xf32>,
    %convert_element_type3A_2030 = arith.sitofp %gather3A_2025 : vector<16xi32> to vector<16xf32>
    %mul3A_2031 = arith.mulf %convert_element_type3A_2030, %gather3A_2029 : vector<16xf32>
    %add3A_2032 = arith.addf %add3A_2021, %mul3A_2031 : vector<16xf32>
    %add3A_2033 = arith.constant 4 : i32
    %add3A_2034 = vector.broadcast %add3A_2033 : i32 to vector<16xi32>
    %add3A_2035 = arith.addi %mul3A_1983, %add3A_2034 : vector<16xi32>
    %gather3A_2036 = tpu.vector_load_idx %arg6[%add3A_2035] : memref<896xi32, #tpu.memory_space<vmem>>[vector<16xi32>], vector<16xi32>,
    %add3A_2037 = arith.constant 4 : i32
    %add3A_2038 = vector.broadcast %add3A_2037 : i32 to vector<16xi32>
    %add3A_2039 = arith.addi %mul3A_3, %add3A_2038 : vector<16xi32>
    %gather3A_2040 = tpu.vector_load_idx %arg7[%and3A_1986, %add3A_2039] : memref<4x7xf32, #tpu.memory_space<vmem>>[vector<16xi32>, vector<16xi32>], vector<16xf32>,
    %convert_element_type3A_2041 = arith.sitofp %gather3A_2036 : vector<16xi32> to vector<16xf32>
    %mul3A_2042 = arith.mulf %convert_element_type3A_2041, %gather3A_2040 : vector<16xf32>
    %add3A_2043 = arith.addf %add3A_2032, %mul3A_2042 : vector<16xf32>
    %add3A_2044 = arith.constant 5 : i32
    %add3A_2045 = vector.broadcast %add3A_2044 : i32 to vector<16xi32>
    %add3A_2046 = arith.addi %mul3A_1983, %add3A_2045 : vector<16xi32>
    %gather3A_2047 = tpu.vector_load_idx %arg6[%add3A_2046] : memref<896xi32, #tpu.memory_space<vmem>>[vector<16xi32>], vector<16xi32>,
    %add3A_2048 = arith.constant 5 : i32
    %add3A_2049 = vector.broadcast %add3A_2048 : i32 to vector<16xi32>
    %add3A_2050 = arith.addi %mul3A_3, %add3A_2049 : vector<16xi32>
    %gather3A_2051 = tpu.vector_load_idx %arg7[%and3A_1986, %add3A_2050] : memref<4x7xf32, #tpu.memory_space<vmem>>[vector<16xi32>, vector<16xi32>], vector<16xf32>,
    %convert_element_type3A_2052 = arith.sitofp %gather3A_2047 : vector<16xi32> to vector<16xf32>
    %mul3A_2053 = arith.mulf %convert_element_type3A_2052, %gather3A_2051 : vector<16xf32>
    %add3A_2054 = arith.addf %add3A_2043, %mul3A_2053 : vector<16xf32>
    %add3A_2055 = arith.constant 6 : i32
    %add3A_2056 = vector.broadcast %add3A_2055 : i32 to vector<16xi32>
    %add3A_2057 = arith.addi %mul3A_1983, %add3A_2056 : vector<16xi32>
    %gather3A_2058 = tpu.vector_load_idx %arg6[%add3A_2057] : memref<896xi32, #tpu.memory_space<vmem>>[vector<16xi32>], vector<16xi32>,
    %add3A_2059 = arith.constant 6 : i32
    %add3A_2060 = vector.broadcast %add3A_2059 : i32 to vector<16xi32>
    %add3A_2061 = arith.addi %mul3A_3, %add3A_2060 : vector<16xi32>
    %gather3A_2062 = tpu.vector_load_idx %arg7[%and3A_1986, %add3A_2061] : memref<4x7xf32, #tpu.memory_space<vmem>>[vector<16xi32>, vector<16xi32>], vector<16xf32>,
    %convert_element_type3A_2063 = arith.sitofp %gather3A_2058 : vector<16xi32> to vector<16xf32>
    %mul3A_2064 = arith.mulf %convert_element_type3A_2063, %gather3A_2062 : vector<16xf32>
    %add3A_2065 = arith.addf %add3A_2054, %mul3A_2064 : vector<16xf32>
    %convert_element_type3A_2066 = arith.fptosi %add3A_2065 : vector<16xf32> to vector<16xi32>
    %swap3A_2067 = arith.constant 336 : index
    %swap3A_2068 = tpu.vector_load %arg8[%swap3A_2067] {strides = array<i32>} : memref<512xi32, #tpu.memory_space<vmem>>, vector<16xi32>,
    tpu.vector_store %arg8[%swap3A_2067], %convert_element_type3A_2066 {strides = array<i32>} : memref<512xi32, #tpu.memory_space<vmem>>, vector<16xi32>,
    %add3A_2069 = arith.constant 352 : i32
    %add3A_2070 = vector.broadcast %add3A_2069 : i32 to vector<16xi32>
    %add3A_2071 = arith.addi %iota3A, %add3A_2070 : vector<16xi32>
    %shift_right_arithmetic3A_2072 = arith.constant 2 : i32
    %shift_right_arithmetic3A_2073 = vector.broadcast %shift_right_arithmetic3A_2072 : i32 to vector<16xi32>
    %shift_right_arithmetic3A_2074 = arith.shrsi %add3A_2071, %shift_right_arithmetic3A_2073 : vector<16xi32>
    %mul3A_2075 = arith.constant 7 : i32
    %mul3A_2076 = vector.broadcast %mul3A_2075 : i32 to vector<16xi32>
    %mul3A_2077 = arith.muli %shift_right_arithmetic3A_2074, %mul3A_2076 : vector<16xi32>
    %and3A_2078 = arith.constant 3 : i32
    %and3A_2079 = vector.broadcast %and3A_2078 : i32 to vector<16xi32>
    %and3A_2080 = arith.andi %add3A_2071, %and3A_2079 : vector<16xi32>
    %broadcast_in_dim3A_2081 = arith.constant 0.000000e+00 : f32
    %broadcast_in_dim3A_2082 = vector.broadcast %broadcast_in_dim3A_2081 : f32 to vector<16xf32>
    %add3A_2083 = arith.constant 0 : i32
    %add3A_2084 = vector.broadcast %add3A_2083 : i32 to vector<16xi32>
    %add3A_2085 = arith.addi %mul3A_2077, %add3A_2084 : vector<16xi32>
    %gather3A_2086 = tpu.vector_load_idx %arg6[%add3A_2085] : memref<896xi32, #tpu.memory_space<vmem>>[vector<16xi32>], vector<16xi32>,
    %add3A_2087 = arith.constant 0 : i32
    %add3A_2088 = vector.broadcast %add3A_2087 : i32 to vector<16xi32>
    %add3A_2089 = arith.addi %mul3A_3, %add3A_2088 : vector<16xi32>
    %gather3A_2090 = tpu.vector_load_idx %arg7[%and3A_2080, %add3A_2089] : memref<4x7xf32, #tpu.memory_space<vmem>>[vector<16xi32>, vector<16xi32>], vector<16xf32>,
    %convert_element_type3A_2091 = arith.sitofp %gather3A_2086 : vector<16xi32> to vector<16xf32>
    %mul3A_2092 = arith.mulf %convert_element_type3A_2091, %gather3A_2090 : vector<16xf32>
    %add3A_2093 = arith.addf %broadcast_in_dim3A_2082, %mul3A_2092 : vector<16xf32>
    %add3A_2094 = arith.constant 1 : i32
    %add3A_2095 = vector.broadcast %add3A_2094 : i32 to vector<16xi32>
    %add3A_2096 = arith.addi %mul3A_2077, %add3A_2095 : vector<16xi32>
    %gather3A_2097 = tpu.vector_load_idx %arg6[%add3A_2096] : memref<896xi32, #tpu.memory_space<vmem>>[vector<16xi32>], vector<16xi32>,
    %add3A_2098 = arith.constant 1 : i32
    %add3A_2099 = vector.broadcast %add3A_2098 : i32 to vector<16xi32>
    %add3A_2100 = arith.addi %mul3A_3, %add3A_2099 : vector<16xi32>
    %gather3A_2101 = tpu.vector_load_idx %arg7[%and3A_2080, %add3A_2100] : memref<4x7xf32, #tpu.memory_space<vmem>>[vector<16xi32>, vector<16xi32>], vector<16xf32>,
    %convert_element_type3A_2102 = arith.sitofp %gather3A_2097 : vector<16xi32> to vector<16xf32>
    %mul3A_2103 = arith.mulf %convert_element_type3A_2102, %gather3A_2101 : vector<16xf32>
    %add3A_2104 = arith.addf %add3A_2093, %mul3A_2103 : vector<16xf32>
    %add3A_2105 = arith.constant 2 : i32
    %add3A_2106 = vector.broadcast %add3A_2105 : i32 to vector<16xi32>
    %add3A_2107 = arith.addi %mul3A_2077, %add3A_2106 : vector<16xi32>
    %gather3A_2108 = tpu.vector_load_idx %arg6[%add3A_2107] : memref<896xi32, #tpu.memory_space<vmem>>[vector<16xi32>], vector<16xi32>,
    %add3A_2109 = arith.constant 2 : i32
    %add3A_2110 = vector.broadcast %add3A_2109 : i32 to vector<16xi32>
    %add3A_2111 = arith.addi %mul3A_3, %add3A_2110 : vector<16xi32>
    %gather3A_2112 = tpu.vector_load_idx %arg7[%and3A_2080, %add3A_2111] : memref<4x7xf32, #tpu.memory_space<vmem>>[vector<16xi32>, vector<16xi32>], vector<16xf32>,
    %convert_element_type3A_2113 = arith.sitofp %gather3A_2108 : vector<16xi32> to vector<16xf32>
    %mul3A_2114 = arith.mulf %convert_element_type3A_2113, %gather3A_2112 : vector<16xf32>
    %add3A_2115 = arith.addf %add3A_2104, %mul3A_2114 : vector<16xf32>
    %add3A_2116 = arith.constant 3 : i32
    %add3A_2117 = vector.broadcast %add3A_2116 : i32 to vector<16xi32>
    %add3A_2118 = arith.addi %mul3A_2077, %add3A_2117 : vector<16xi32>
    %gather3A_2119 = tpu.vector_load_idx %arg6[%add3A_2118] : memref<896xi32, #tpu.memory_space<vmem>>[vector<16xi32>], vector<16xi32>,
    %add3A_2120 = arith.constant 3 : i32
    %add3A_2121 = vector.broadcast %add3A_2120 : i32 to vector<16xi32>
    %add3A_2122 = arith.addi %mul3A_3, %add3A_2121 : vector<16xi32>
    %gather3A_2123 = tpu.vector_load_idx %arg7[%and3A_2080, %add3A_2122] : memref<4x7xf32, #tpu.memory_space<vmem>>[vector<16xi32>, vector<16xi32>], vector<16xf32>,
    %convert_element_type3A_2124 = arith.sitofp %gather3A_2119 : vector<16xi32> to vector<16xf32>
    %mul3A_2125 = arith.mulf %convert_element_type3A_2124, %gather3A_2123 : vector<16xf32>
    %add3A_2126 = arith.addf %add3A_2115, %mul3A_2125 : vector<16xf32>
    %add3A_2127 = arith.constant 4 : i32
    %add3A_2128 = vector.broadcast %add3A_2127 : i32 to vector<16xi32>
    %add3A_2129 = arith.addi %mul3A_2077, %add3A_2128 : vector<16xi32>
    %gather3A_2130 = tpu.vector_load_idx %arg6[%add3A_2129] : memref<896xi32, #tpu.memory_space<vmem>>[vector<16xi32>], vector<16xi32>,
    %add3A_2131 = arith.constant 4 : i32
    %add3A_2132 = vector.broadcast %add3A_2131 : i32 to vector<16xi32>
    %add3A_2133 = arith.addi %mul3A_3, %add3A_2132 : vector<16xi32>
    %gather3A_2134 = tpu.vector_load_idx %arg7[%and3A_2080, %add3A_2133] : memref<4x7xf32, #tpu.memory_space<vmem>>[vector<16xi32>, vector<16xi32>], vector<16xf32>,
    %convert_element_type3A_2135 = arith.sitofp %gather3A_2130 : vector<16xi32> to vector<16xf32>
    %mul3A_2136 = arith.mulf %convert_element_type3A_2135, %gather3A_2134 : vector<16xf32>
    %add3A_2137 = arith.addf %add3A_2126, %mul3A_2136 : vector<16xf32>
    %add3A_2138 = arith.constant 5 : i32
    %add3A_2139 = vector.broadcast %add3A_2138 : i32 to vector<16xi32>
    %add3A_2140 = arith.addi %mul3A_2077, %add3A_2139 : vector<16xi32>
    %gather3A_2141 = tpu.vector_load_idx %arg6[%add3A_2140] : memref<896xi32, #tpu.memory_space<vmem>>[vector<16xi32>], vector<16xi32>,
    %add3A_2142 = arith.constant 5 : i32
    %add3A_2143 = vector.broadcast %add3A_2142 : i32 to vector<16xi32>
    %add3A_2144 = arith.addi %mul3A_3, %add3A_2143 : vector<16xi32>
    %gather3A_2145 = tpu.vector_load_idx %arg7[%and3A_2080, %add3A_2144] : memref<4x7xf32, #tpu.memory_space<vmem>>[vector<16xi32>, vector<16xi32>], vector<16xf32>,
    %convert_element_type3A_2146 = arith.sitofp %gather3A_2141 : vector<16xi32> to vector<16xf32>
    %mul3A_2147 = arith.mulf %convert_element_type3A_2146, %gather3A_2145 : vector<16xf32>
    %add3A_2148 = arith.addf %add3A_2137, %mul3A_2147 : vector<16xf32>
    %add3A_2149 = arith.constant 6 : i32
    %add3A_2150 = vector.broadcast %add3A_2149 : i32 to vector<16xi32>
    %add3A_2151 = arith.addi %mul3A_2077, %add3A_2150 : vector<16xi32>
    %gather3A_2152 = tpu.vector_load_idx %arg6[%add3A_2151] : memref<896xi32, #tpu.memory_space<vmem>>[vector<16xi32>], vector<16xi32>,
    %add3A_2153 = arith.constant 6 : i32
    %add3A_2154 = vector.broadcast %add3A_2153 : i32 to vector<16xi32>
    %add3A_2155 = arith.addi %mul3A_3, %add3A_2154 : vector<16xi32>
    %gather3A_2156 = tpu.vector_load_idx %arg7[%and3A_2080, %add3A_2155] : memref<4x7xf32, #tpu.memory_space<vmem>>[vector<16xi32>, vector<16xi32>], vector<16xf32>,
    %convert_element_type3A_2157 = arith.sitofp %gather3A_2152 : vector<16xi32> to vector<16xf32>
    %mul3A_2158 = arith.mulf %convert_element_type3A_2157, %gather3A_2156 : vector<16xf32>
    %add3A_2159 = arith.addf %add3A_2148, %mul3A_2158 : vector<16xf32>
    %convert_element_type3A_2160 = arith.fptosi %add3A_2159 : vector<16xf32> to vector<16xi32>
    %swap3A_2161 = arith.constant 352 : index
    %swap3A_2162 = tpu.vector_load %arg8[%swap3A_2161] {strides = array<i32>} : memref<512xi32, #tpu.memory_space<vmem>>, vector<16xi32>,
    tpu.vector_store %arg8[%swap3A_2161], %convert_element_type3A_2160 {strides = array<i32>} : memref<512xi32, #tpu.memory_space<vmem>>, vector<16xi32>,
    %add3A_2163 = arith.constant 368 : i32
    %add3A_2164 = vector.broadcast %add3A_2163 : i32 to vector<16xi32>
    %add3A_2165 = arith.addi %iota3A, %add3A_2164 : vector<16xi32>
    %shift_right_arithmetic3A_2166 = arith.constant 2 : i32
    %shift_right_arithmetic3A_2167 = vector.broadcast %shift_right_arithmetic3A_2166 : i32 to vector<16xi32>
    %shift_right_arithmetic3A_2168 = arith.shrsi %add3A_2165, %shift_right_arithmetic3A_2167 : vector<16xi32>
    %mul3A_2169 = arith.constant 7 : i32
    %mul3A_2170 = vector.broadcast %mul3A_2169 : i32 to vector<16xi32>
    %mul3A_2171 = arith.muli %shift_right_arithmetic3A_2168, %mul3A_2170 : vector<16xi32>
    %and3A_2172 = arith.constant 3 : i32
    %and3A_2173 = vector.broadcast %and3A_2172 : i32 to vector<16xi32>
    %and3A_2174 = arith.andi %add3A_2165, %and3A_2173 : vector<16xi32>
    %broadcast_in_dim3A_2175 = arith.constant 0.000000e+00 : f32
    %broadcast_in_dim3A_2176 = vector.broadcast %broadcast_in_dim3A_2175 : f32 to vector<16xf32>
    %add3A_2177 = arith.constant 0 : i32
    %add3A_2178 = vector.broadcast %add3A_2177 : i32 to vector<16xi32>
    %add3A_2179 = arith.addi %mul3A_2171, %add3A_2178 : vector<16xi32>
    %gather3A_2180 = tpu.vector_load_idx %arg6[%add3A_2179] : memref<896xi32, #tpu.memory_space<vmem>>[vector<16xi32>], vector<16xi32>,
    %add3A_2181 = arith.constant 0 : i32
    %add3A_2182 = vector.broadcast %add3A_2181 : i32 to vector<16xi32>
    %add3A_2183 = arith.addi %mul3A_3, %add3A_2182 : vector<16xi32>
    %gather3A_2184 = tpu.vector_load_idx %arg7[%and3A_2174, %add3A_2183] : memref<4x7xf32, #tpu.memory_space<vmem>>[vector<16xi32>, vector<16xi32>], vector<16xf32>,
    %convert_element_type3A_2185 = arith.sitofp %gather3A_2180 : vector<16xi32> to vector<16xf32>
    %mul3A_2186 = arith.mulf %convert_element_type3A_2185, %gather3A_2184 : vector<16xf32>
    %add3A_2187 = arith.addf %broadcast_in_dim3A_2176, %mul3A_2186 : vector<16xf32>
    %add3A_2188 = arith.constant 1 : i32
    %add3A_2189 = vector.broadcast %add3A_2188 : i32 to vector<16xi32>
    %add3A_2190 = arith.addi %mul3A_2171, %add3A_2189 : vector<16xi32>
    %gather3A_2191 = tpu.vector_load_idx %arg6[%add3A_2190] : memref<896xi32, #tpu.memory_space<vmem>>[vector<16xi32>], vector<16xi32>,
    %add3A_2192 = arith.constant 1 : i32
    %add3A_2193 = vector.broadcast %add3A_2192 : i32 to vector<16xi32>
    %add3A_2194 = arith.addi %mul3A_3, %add3A_2193 : vector<16xi32>
    %gather3A_2195 = tpu.vector_load_idx %arg7[%and3A_2174, %add3A_2194] : memref<4x7xf32, #tpu.memory_space<vmem>>[vector<16xi32>, vector<16xi32>], vector<16xf32>,
    %convert_element_type3A_2196 = arith.sitofp %gather3A_2191 : vector<16xi32> to vector<16xf32>
    %mul3A_2197 = arith.mulf %convert_element_type3A_2196, %gather3A_2195 : vector<16xf32>
    %add3A_2198 = arith.addf %add3A_2187, %mul3A_2197 : vector<16xf32>
    %add3A_2199 = arith.constant 2 : i32
    %add3A_2200 = vector.broadcast %add3A_2199 : i32 to vector<16xi32>
    %add3A_2201 = arith.addi %mul3A_2171, %add3A_2200 : vector<16xi32>
    %gather3A_2202 = tpu.vector_load_idx %arg6[%add3A_2201] : memref<896xi32, #tpu.memory_space<vmem>>[vector<16xi32>], vector<16xi32>,
    %add3A_2203 = arith.constant 2 : i32
    %add3A_2204 = vector.broadcast %add3A_2203 : i32 to vector<16xi32>
    %add3A_2205 = arith.addi %mul3A_3, %add3A_2204 : vector<16xi32>
    %gather3A_2206 = tpu.vector_load_idx %arg7[%and3A_2174, %add3A_2205] : memref<4x7xf32, #tpu.memory_space<vmem>>[vector<16xi32>, vector<16xi32>], vector<16xf32>,
    %convert_element_type3A_2207 = arith.sitofp %gather3A_2202 : vector<16xi32> to vector<16xf32>
    %mul3A_2208 = arith.mulf %convert_element_type3A_2207, %gather3A_2206 : vector<16xf32>
    %add3A_2209 = arith.addf %add3A_2198, %mul3A_2208 : vector<16xf32>
    %add3A_2210 = arith.constant 3 : i32
    %add3A_2211 = vector.broadcast %add3A_2210 : i32 to vector<16xi32>
    %add3A_2212 = arith.addi %mul3A_2171, %add3A_2211 : vector<16xi32>
    %gather3A_2213 = tpu.vector_load_idx %arg6[%add3A_2212] : memref<896xi32, #tpu.memory_space<vmem>>[vector<16xi32>], vector<16xi32>,
    %add3A_2214 = arith.constant 3 : i32
    %add3A_2215 = vector.broadcast %add3A_2214 : i32 to vector<16xi32>
    %add3A_2216 = arith.addi %mul3A_3, %add3A_2215 : vector<16xi32>
    %gather3A_2217 = tpu.vector_load_idx %arg7[%and3A_2174, %add3A_2216] : memref<4x7xf32, #tpu.memory_space<vmem>>[vector<16xi32>, vector<16xi32>], vector<16xf32>,
    %convert_element_type3A_2218 = arith.sitofp %gather3A_2213 : vector<16xi32> to vector<16xf32>
    %mul3A_2219 = arith.mulf %convert_element_type3A_2218, %gather3A_2217 : vector<16xf32>
    %add3A_2220 = arith.addf %add3A_2209, %mul3A_2219 : vector<16xf32>
    %add3A_2221 = arith.constant 4 : i32
    %add3A_2222 = vector.broadcast %add3A_2221 : i32 to vector<16xi32>
    %add3A_2223 = arith.addi %mul3A_2171, %add3A_2222 : vector<16xi32>
    %gather3A_2224 = tpu.vector_load_idx %arg6[%add3A_2223] : memref<896xi32, #tpu.memory_space<vmem>>[vector<16xi32>], vector<16xi32>,
    %add3A_2225 = arith.constant 4 : i32
    %add3A_2226 = vector.broadcast %add3A_2225 : i32 to vector<16xi32>
    %add3A_2227 = arith.addi %mul3A_3, %add3A_2226 : vector<16xi32>
    %gather3A_2228 = tpu.vector_load_idx %arg7[%and3A_2174, %add3A_2227] : memref<4x7xf32, #tpu.memory_space<vmem>>[vector<16xi32>, vector<16xi32>], vector<16xf32>,
    %convert_element_type3A_2229 = arith.sitofp %gather3A_2224 : vector<16xi32> to vector<16xf32>
    %mul3A_2230 = arith.mulf %convert_element_type3A_2229, %gather3A_2228 : vector<16xf32>
    %add3A_2231 = arith.addf %add3A_2220, %mul3A_2230 : vector<16xf32>
    %add3A_2232 = arith.constant 5 : i32
    %add3A_2233 = vector.broadcast %add3A_2232 : i32 to vector<16xi32>
    %add3A_2234 = arith.addi %mul3A_2171, %add3A_2233 : vector<16xi32>
    %gather3A_2235 = tpu.vector_load_idx %arg6[%add3A_2234] : memref<896xi32, #tpu.memory_space<vmem>>[vector<16xi32>], vector<16xi32>,
    %add3A_2236 = arith.constant 5 : i32
    %add3A_2237 = vector.broadcast %add3A_2236 : i32 to vector<16xi32>
    %add3A_2238 = arith.addi %mul3A_3, %add3A_2237 : vector<16xi32>
    %gather3A_2239 = tpu.vector_load_idx %arg7[%and3A_2174, %add3A_2238] : memref<4x7xf32, #tpu.memory_space<vmem>>[vector<16xi32>, vector<16xi32>], vector<16xf32>,
    %convert_element_type3A_2240 = arith.sitofp %gather3A_2235 : vector<16xi32> to vector<16xf32>
    %mul3A_2241 = arith.mulf %convert_element_type3A_2240, %gather3A_2239 : vector<16xf32>
    %add3A_2242 = arith.addf %add3A_2231, %mul3A_2241 : vector<16xf32>
    %add3A_2243 = arith.constant 6 : i32
    %add3A_2244 = vector.broadcast %add3A_2243 : i32 to vector<16xi32>
    %add3A_2245 = arith.addi %mul3A_2171, %add3A_2244 : vector<16xi32>
    %gather3A_2246 = tpu.vector_load_idx %arg6[%add3A_2245] : memref<896xi32, #tpu.memory_space<vmem>>[vector<16xi32>], vector<16xi32>,
    %add3A_2247 = arith.constant 6 : i32
    %add3A_2248 = vector.broadcast %add3A_2247 : i32 to vector<16xi32>
    %add3A_2249 = arith.addi %mul3A_3, %add3A_2248 : vector<16xi32>
    %gather3A_2250 = tpu.vector_load_idx %arg7[%and3A_2174, %add3A_2249] : memref<4x7xf32, #tpu.memory_space<vmem>>[vector<16xi32>, vector<16xi32>], vector<16xf32>,
    %convert_element_type3A_2251 = arith.sitofp %gather3A_2246 : vector<16xi32> to vector<16xf32>
    %mul3A_2252 = arith.mulf %convert_element_type3A_2251, %gather3A_2250 : vector<16xf32>
    %add3A_2253 = arith.addf %add3A_2242, %mul3A_2252 : vector<16xf32>
    %convert_element_type3A_2254 = arith.fptosi %add3A_2253 : vector<16xf32> to vector<16xi32>
    %swap3A_2255 = arith.constant 368 : index
    %swap3A_2256 = tpu.vector_load %arg8[%swap3A_2255] {strides = array<i32>} : memref<512xi32, #tpu.memory_space<vmem>>, vector<16xi32>,
    tpu.vector_store %arg8[%swap3A_2255], %convert_element_type3A_2254 {strides = array<i32>} : memref<512xi32, #tpu.memory_space<vmem>>, vector<16xi32>,
    %add3A_2257 = arith.constant 384 : i32
    %add3A_2258 = vector.broadcast %add3A_2257 : i32 to vector<16xi32>
    %add3A_2259 = arith.addi %iota3A, %add3A_2258 : vector<16xi32>
    %shift_right_arithmetic3A_2260 = arith.constant 2 : i32
    %shift_right_arithmetic3A_2261 = vector.broadcast %shift_right_arithmetic3A_2260 : i32 to vector<16xi32>
    %shift_right_arithmetic3A_2262 = arith.shrsi %add3A_2259, %shift_right_arithmetic3A_2261 : vector<16xi32>
    %mul3A_2263 = arith.constant 7 : i32
    %mul3A_2264 = vector.broadcast %mul3A_2263 : i32 to vector<16xi32>
    %mul3A_2265 = arith.muli %shift_right_arithmetic3A_2262, %mul3A_2264 : vector<16xi32>
    %and3A_2266 = arith.constant 3 : i32
    %and3A_2267 = vector.broadcast %and3A_2266 : i32 to vector<16xi32>
    %and3A_2268 = arith.andi %add3A_2259, %and3A_2267 : vector<16xi32>
    %broadcast_in_dim3A_2269 = arith.constant 0.000000e+00 : f32
    %broadcast_in_dim3A_2270 = vector.broadcast %broadcast_in_dim3A_2269 : f32 to vector<16xf32>
    %add3A_2271 = arith.constant 0 : i32
    %add3A_2272 = vector.broadcast %add3A_2271 : i32 to vector<16xi32>
    %add3A_2273 = arith.addi %mul3A_2265, %add3A_2272 : vector<16xi32>
    %gather3A_2274 = tpu.vector_load_idx %arg6[%add3A_2273] : memref<896xi32, #tpu.memory_space<vmem>>[vector<16xi32>], vector<16xi32>,
    %add3A_2275 = arith.constant 0 : i32
    %add3A_2276 = vector.broadcast %add3A_2275 : i32 to vector<16xi32>
    %add3A_2277 = arith.addi %mul3A_3, %add3A_2276 : vector<16xi32>
    %gather3A_2278 = tpu.vector_load_idx %arg7[%and3A_2268, %add3A_2277] : memref<4x7xf32, #tpu.memory_space<vmem>>[vector<16xi32>, vector<16xi32>], vector<16xf32>,
    %convert_element_type3A_2279 = arith.sitofp %gather3A_2274 : vector<16xi32> to vector<16xf32>
    %mul3A_2280 = arith.mulf %convert_element_type3A_2279, %gather3A_2278 : vector<16xf32>
    %add3A_2281 = arith.addf %broadcast_in_dim3A_2270, %mul3A_2280 : vector<16xf32>
    %add3A_2282 = arith.constant 1 : i32
    %add3A_2283 = vector.broadcast %add3A_2282 : i32 to vector<16xi32>
    %add3A_2284 = arith.addi %mul3A_2265, %add3A_2283 : vector<16xi32>
    %gather3A_2285 = tpu.vector_load_idx %arg6[%add3A_2284] : memref<896xi32, #tpu.memory_space<vmem>>[vector<16xi32>], vector<16xi32>,
    %add3A_2286 = arith.constant 1 : i32
    %add3A_2287 = vector.broadcast %add3A_2286 : i32 to vector<16xi32>
    %add3A_2288 = arith.addi %mul3A_3, %add3A_2287 : vector<16xi32>
    %gather3A_2289 = tpu.vector_load_idx %arg7[%and3A_2268, %add3A_2288] : memref<4x7xf32, #tpu.memory_space<vmem>>[vector<16xi32>, vector<16xi32>], vector<16xf32>,
    %convert_element_type3A_2290 = arith.sitofp %gather3A_2285 : vector<16xi32> to vector<16xf32>
    %mul3A_2291 = arith.mulf %convert_element_type3A_2290, %gather3A_2289 : vector<16xf32>
    %add3A_2292 = arith.addf %add3A_2281, %mul3A_2291 : vector<16xf32>
    %add3A_2293 = arith.constant 2 : i32
    %add3A_2294 = vector.broadcast %add3A_2293 : i32 to vector<16xi32>
    %add3A_2295 = arith.addi %mul3A_2265, %add3A_2294 : vector<16xi32>
    %gather3A_2296 = tpu.vector_load_idx %arg6[%add3A_2295] : memref<896xi32, #tpu.memory_space<vmem>>[vector<16xi32>], vector<16xi32>,
    %add3A_2297 = arith.constant 2 : i32
    %add3A_2298 = vector.broadcast %add3A_2297 : i32 to vector<16xi32>
    %add3A_2299 = arith.addi %mul3A_3, %add3A_2298 : vector<16xi32>
    %gather3A_2300 = tpu.vector_load_idx %arg7[%and3A_2268, %add3A_2299] : memref<4x7xf32, #tpu.memory_space<vmem>>[vector<16xi32>, vector<16xi32>], vector<16xf32>,
    %convert_element_type3A_2301 = arith.sitofp %gather3A_2296 : vector<16xi32> to vector<16xf32>
    %mul3A_2302 = arith.mulf %convert_element_type3A_2301, %gather3A_2300 : vector<16xf32>
    %add3A_2303 = arith.addf %add3A_2292, %mul3A_2302 : vector<16xf32>
    %add3A_2304 = arith.constant 3 : i32
    %add3A_2305 = vector.broadcast %add3A_2304 : i32 to vector<16xi32>
    %add3A_2306 = arith.addi %mul3A_2265, %add3A_2305 : vector<16xi32>
    %gather3A_2307 = tpu.vector_load_idx %arg6[%add3A_2306] : memref<896xi32, #tpu.memory_space<vmem>>[vector<16xi32>], vector<16xi32>,
    %add3A_2308 = arith.constant 3 : i32
    %add3A_2309 = vector.broadcast %add3A_2308 : i32 to vector<16xi32>
    %add3A_2310 = arith.addi %mul3A_3, %add3A_2309 : vector<16xi32>
    %gather3A_2311 = tpu.vector_load_idx %arg7[%and3A_2268, %add3A_2310] : memref<4x7xf32, #tpu.memory_space<vmem>>[vector<16xi32>, vector<16xi32>], vector<16xf32>,
    %convert_element_type3A_2312 = arith.sitofp %gather3A_2307 : vector<16xi32> to vector<16xf32>
    %mul3A_2313 = arith.mulf %convert_element_type3A_2312, %gather3A_2311 : vector<16xf32>
    %add3A_2314 = arith.addf %add3A_2303, %mul3A_2313 : vector<16xf32>
    %add3A_2315 = arith.constant 4 : i32
    %add3A_2316 = vector.broadcast %add3A_2315 : i32 to vector<16xi32>
    %add3A_2317 = arith.addi %mul3A_2265, %add3A_2316 : vector<16xi32>
    %gather3A_2318 = tpu.vector_load_idx %arg6[%add3A_2317] : memref<896xi32, #tpu.memory_space<vmem>>[vector<16xi32>], vector<16xi32>,
    %add3A_2319 = arith.constant 4 : i32
    %add3A_2320 = vector.broadcast %add3A_2319 : i32 to vector<16xi32>
    %add3A_2321 = arith.addi %mul3A_3, %add3A_2320 : vector<16xi32>
    %gather3A_2322 = tpu.vector_load_idx %arg7[%and3A_2268, %add3A_2321] : memref<4x7xf32, #tpu.memory_space<vmem>>[vector<16xi32>, vector<16xi32>], vector<16xf32>,
    %convert_element_type3A_2323 = arith.sitofp %gather3A_2318 : vector<16xi32> to vector<16xf32>
    %mul3A_2324 = arith.mulf %convert_element_type3A_2323, %gather3A_2322 : vector<16xf32>
    %add3A_2325 = arith.addf %add3A_2314, %mul3A_2324 : vector<16xf32>
    %add3A_2326 = arith.constant 5 : i32
    %add3A_2327 = vector.broadcast %add3A_2326 : i32 to vector<16xi32>
    %add3A_2328 = arith.addi %mul3A_2265, %add3A_2327 : vector<16xi32>
    %gather3A_2329 = tpu.vector_load_idx %arg6[%add3A_2328] : memref<896xi32, #tpu.memory_space<vmem>>[vector<16xi32>], vector<16xi32>,
    %add3A_2330 = arith.constant 5 : i32
    %add3A_2331 = vector.broadcast %add3A_2330 : i32 to vector<16xi32>
    %add3A_2332 = arith.addi %mul3A_3, %add3A_2331 : vector<16xi32>
    %gather3A_2333 = tpu.vector_load_idx %arg7[%and3A_2268, %add3A_2332] : memref<4x7xf32, #tpu.memory_space<vmem>>[vector<16xi32>, vector<16xi32>], vector<16xf32>,
    %convert_element_type3A_2334 = arith.sitofp %gather3A_2329 : vector<16xi32> to vector<16xf32>
    %mul3A_2335 = arith.mulf %convert_element_type3A_2334, %gather3A_2333 : vector<16xf32>
    %add3A_2336 = arith.addf %add3A_2325, %mul3A_2335 : vector<16xf32>
    %add3A_2337 = arith.constant 6 : i32
    %add3A_2338 = vector.broadcast %add3A_2337 : i32 to vector<16xi32>
    %add3A_2339 = arith.addi %mul3A_2265, %add3A_2338 : vector<16xi32>
    %gather3A_2340 = tpu.vector_load_idx %arg6[%add3A_2339] : memref<896xi32, #tpu.memory_space<vmem>>[vector<16xi32>], vector<16xi32>,
    %add3A_2341 = arith.constant 6 : i32
    %add3A_2342 = vector.broadcast %add3A_2341 : i32 to vector<16xi32>
    %add3A_2343 = arith.addi %mul3A_3, %add3A_2342 : vector<16xi32>
    %gather3A_2344 = tpu.vector_load_idx %arg7[%and3A_2268, %add3A_2343] : memref<4x7xf32, #tpu.memory_space<vmem>>[vector<16xi32>, vector<16xi32>], vector<16xf32>,
    %convert_element_type3A_2345 = arith.sitofp %gather3A_2340 : vector<16xi32> to vector<16xf32>
    %mul3A_2346 = arith.mulf %convert_element_type3A_2345, %gather3A_2344 : vector<16xf32>
    %add3A_2347 = arith.addf %add3A_2336, %mul3A_2346 : vector<16xf32>
    %convert_element_type3A_2348 = arith.fptosi %add3A_2347 : vector<16xf32> to vector<16xi32>
    %swap3A_2349 = arith.constant 384 : index
    %swap3A_2350 = tpu.vector_load %arg8[%swap3A_2349] {strides = array<i32>} : memref<512xi32, #tpu.memory_space<vmem>>, vector<16xi32>,
    tpu.vector_store %arg8[%swap3A_2349], %convert_element_type3A_2348 {strides = array<i32>} : memref<512xi32, #tpu.memory_space<vmem>>, vector<16xi32>,
    %add3A_2351 = arith.constant 400 : i32
    %add3A_2352 = vector.broadcast %add3A_2351 : i32 to vector<16xi32>
    %add3A_2353 = arith.addi %iota3A, %add3A_2352 : vector<16xi32>
    %shift_right_arithmetic3A_2354 = arith.constant 2 : i32
    %shift_right_arithmetic3A_2355 = vector.broadcast %shift_right_arithmetic3A_2354 : i32 to vector<16xi32>
    %shift_right_arithmetic3A_2356 = arith.shrsi %add3A_2353, %shift_right_arithmetic3A_2355 : vector<16xi32>
    %mul3A_2357 = arith.constant 7 : i32
    %mul3A_2358 = vector.broadcast %mul3A_2357 : i32 to vector<16xi32>
    %mul3A_2359 = arith.muli %shift_right_arithmetic3A_2356, %mul3A_2358 : vector<16xi32>
    %and3A_2360 = arith.constant 3 : i32
    %and3A_2361 = vector.broadcast %and3A_2360 : i32 to vector<16xi32>
    %and3A_2362 = arith.andi %add3A_2353, %and3A_2361 : vector<16xi32>
    %broadcast_in_dim3A_2363 = arith.constant 0.000000e+00 : f32
    %broadcast_in_dim3A_2364 = vector.broadcast %broadcast_in_dim3A_2363 : f32 to vector<16xf32>
    %add3A_2365 = arith.constant 0 : i32
    %add3A_2366 = vector.broadcast %add3A_2365 : i32 to vector<16xi32>
    %add3A_2367 = arith.addi %mul3A_2359, %add3A_2366 : vector<16xi32>
    %gather3A_2368 = tpu.vector_load_idx %arg6[%add3A_2367] : memref<896xi32, #tpu.memory_space<vmem>>[vector<16xi32>], vector<16xi32>,
    %add3A_2369 = arith.constant 0 : i32
    %add3A_2370 = vector.broadcast %add3A_2369 : i32 to vector<16xi32>
    %add3A_2371 = arith.addi %mul3A_3, %add3A_2370 : vector<16xi32>
    %gather3A_2372 = tpu.vector_load_idx %arg7[%and3A_2362, %add3A_2371] : memref<4x7xf32, #tpu.memory_space<vmem>>[vector<16xi32>, vector<16xi32>], vector<16xf32>,
    %convert_element_type3A_2373 = arith.sitofp %gather3A_2368 : vector<16xi32> to vector<16xf32>
    %mul3A_2374 = arith.mulf %convert_element_type3A_2373, %gather3A_2372 : vector<16xf32>
    %add3A_2375 = arith.addf %broadcast_in_dim3A_2364, %mul3A_2374 : vector<16xf32>
    %add3A_2376 = arith.constant 1 : i32
    %add3A_2377 = vector.broadcast %add3A_2376 : i32 to vector<16xi32>
    %add3A_2378 = arith.addi %mul3A_2359, %add3A_2377 : vector<16xi32>
    %gather3A_2379 = tpu.vector_load_idx %arg6[%add3A_2378] : memref<896xi32, #tpu.memory_space<vmem>>[vector<16xi32>], vector<16xi32>,
    %add3A_2380 = arith.constant 1 : i32
    %add3A_2381 = vector.broadcast %add3A_2380 : i32 to vector<16xi32>
    %add3A_2382 = arith.addi %mul3A_3, %add3A_2381 : vector<16xi32>
    %gather3A_2383 = tpu.vector_load_idx %arg7[%and3A_2362, %add3A_2382] : memref<4x7xf32, #tpu.memory_space<vmem>>[vector<16xi32>, vector<16xi32>], vector<16xf32>,
    %convert_element_type3A_2384 = arith.sitofp %gather3A_2379 : vector<16xi32> to vector<16xf32>
    %mul3A_2385 = arith.mulf %convert_element_type3A_2384, %gather3A_2383 : vector<16xf32>
    %add3A_2386 = arith.addf %add3A_2375, %mul3A_2385 : vector<16xf32>
    %add3A_2387 = arith.constant 2 : i32
    %add3A_2388 = vector.broadcast %add3A_2387 : i32 to vector<16xi32>
    %add3A_2389 = arith.addi %mul3A_2359, %add3A_2388 : vector<16xi32>
    %gather3A_2390 = tpu.vector_load_idx %arg6[%add3A_2389] : memref<896xi32, #tpu.memory_space<vmem>>[vector<16xi32>], vector<16xi32>,
    %add3A_2391 = arith.constant 2 : i32
    %add3A_2392 = vector.broadcast %add3A_2391 : i32 to vector<16xi32>
    %add3A_2393 = arith.addi %mul3A_3, %add3A_2392 : vector<16xi32>
    %gather3A_2394 = tpu.vector_load_idx %arg7[%and3A_2362, %add3A_2393] : memref<4x7xf32, #tpu.memory_space<vmem>>[vector<16xi32>, vector<16xi32>], vector<16xf32>,
    %convert_element_type3A_2395 = arith.sitofp %gather3A_2390 : vector<16xi32> to vector<16xf32>
    %mul3A_2396 = arith.mulf %convert_element_type3A_2395, %gather3A_2394 : vector<16xf32>
    %add3A_2397 = arith.addf %add3A_2386, %mul3A_2396 : vector<16xf32>
    %add3A_2398 = arith.constant 3 : i32
    %add3A_2399 = vector.broadcast %add3A_2398 : i32 to vector<16xi32>
    %add3A_2400 = arith.addi %mul3A_2359, %add3A_2399 : vector<16xi32>
    %gather3A_2401 = tpu.vector_load_idx %arg6[%add3A_2400] : memref<896xi32, #tpu.memory_space<vmem>>[vector<16xi32>], vector<16xi32>,
    %add3A_2402 = arith.constant 3 : i32
    %add3A_2403 = vector.broadcast %add3A_2402 : i32 to vector<16xi32>
    %add3A_2404 = arith.addi %mul3A_3, %add3A_2403 : vector<16xi32>
    %gather3A_2405 = tpu.vector_load_idx %arg7[%and3A_2362, %add3A_2404] : memref<4x7xf32, #tpu.memory_space<vmem>>[vector<16xi32>, vector<16xi32>], vector<16xf32>,
    %convert_element_type3A_2406 = arith.sitofp %gather3A_2401 : vector<16xi32> to vector<16xf32>
    %mul3A_2407 = arith.mulf %convert_element_type3A_2406, %gather3A_2405 : vector<16xf32>
    %add3A_2408 = arith.addf %add3A_2397, %mul3A_2407 : vector<16xf32>
    %add3A_2409 = arith.constant 4 : i32
    %add3A_2410 = vector.broadcast %add3A_2409 : i32 to vector<16xi32>
    %add3A_2411 = arith.addi %mul3A_2359, %add3A_2410 : vector<16xi32>
    %gather3A_2412 = tpu.vector_load_idx %arg6[%add3A_2411] : memref<896xi32, #tpu.memory_space<vmem>>[vector<16xi32>], vector<16xi32>,
    %add3A_2413 = arith.constant 4 : i32
    %add3A_2414 = vector.broadcast %add3A_2413 : i32 to vector<16xi32>
    %add3A_2415 = arith.addi %mul3A_3, %add3A_2414 : vector<16xi32>
    %gather3A_2416 = tpu.vector_load_idx %arg7[%and3A_2362, %add3A_2415] : memref<4x7xf32, #tpu.memory_space<vmem>>[vector<16xi32>, vector<16xi32>], vector<16xf32>,
    %convert_element_type3A_2417 = arith.sitofp %gather3A_2412 : vector<16xi32> to vector<16xf32>
    %mul3A_2418 = arith.mulf %convert_element_type3A_2417, %gather3A_2416 : vector<16xf32>
    %add3A_2419 = arith.addf %add3A_2408, %mul3A_2418 : vector<16xf32>
    %add3A_2420 = arith.constant 5 : i32
    %add3A_2421 = vector.broadcast %add3A_2420 : i32 to vector<16xi32>
    %add3A_2422 = arith.addi %mul3A_2359, %add3A_2421 : vector<16xi32>
    %gather3A_2423 = tpu.vector_load_idx %arg6[%add3A_2422] : memref<896xi32, #tpu.memory_space<vmem>>[vector<16xi32>], vector<16xi32>,
    %add3A_2424 = arith.constant 5 : i32
    %add3A_2425 = vector.broadcast %add3A_2424 : i32 to vector<16xi32>
    %add3A_2426 = arith.addi %mul3A_3, %add3A_2425 : vector<16xi32>
    %gather3A_2427 = tpu.vector_load_idx %arg7[%and3A_2362, %add3A_2426] : memref<4x7xf32, #tpu.memory_space<vmem>>[vector<16xi32>, vector<16xi32>], vector<16xf32>,
    %convert_element_type3A_2428 = arith.sitofp %gather3A_2423 : vector<16xi32> to vector<16xf32>
    %mul3A_2429 = arith.mulf %convert_element_type3A_2428, %gather3A_2427 : vector<16xf32>
    %add3A_2430 = arith.addf %add3A_2419, %mul3A_2429 : vector<16xf32>
    %add3A_2431 = arith.constant 6 : i32
    %add3A_2432 = vector.broadcast %add3A_2431 : i32 to vector<16xi32>
    %add3A_2433 = arith.addi %mul3A_2359, %add3A_2432 : vector<16xi32>
    %gather3A_2434 = tpu.vector_load_idx %arg6[%add3A_2433] : memref<896xi32, #tpu.memory_space<vmem>>[vector<16xi32>], vector<16xi32>,
    %add3A_2435 = arith.constant 6 : i32
    %add3A_2436 = vector.broadcast %add3A_2435 : i32 to vector<16xi32>
    %add3A_2437 = arith.addi %mul3A_3, %add3A_2436 : vector<16xi32>
    %gather3A_2438 = tpu.vector_load_idx %arg7[%and3A_2362, %add3A_2437] : memref<4x7xf32, #tpu.memory_space<vmem>>[vector<16xi32>, vector<16xi32>], vector<16xf32>,
    %convert_element_type3A_2439 = arith.sitofp %gather3A_2434 : vector<16xi32> to vector<16xf32>
    %mul3A_2440 = arith.mulf %convert_element_type3A_2439, %gather3A_2438 : vector<16xf32>
    %add3A_2441 = arith.addf %add3A_2430, %mul3A_2440 : vector<16xf32>
    %convert_element_type3A_2442 = arith.fptosi %add3A_2441 : vector<16xf32> to vector<16xi32>
    %swap3A_2443 = arith.constant 400 : index
    %swap3A_2444 = tpu.vector_load %arg8[%swap3A_2443] {strides = array<i32>} : memref<512xi32, #tpu.memory_space<vmem>>, vector<16xi32>,
    tpu.vector_store %arg8[%swap3A_2443], %convert_element_type3A_2442 {strides = array<i32>} : memref<512xi32, #tpu.memory_space<vmem>>, vector<16xi32>,
    %add3A_2445 = arith.constant 416 : i32
    %add3A_2446 = vector.broadcast %add3A_2445 : i32 to vector<16xi32>
    %add3A_2447 = arith.addi %iota3A, %add3A_2446 : vector<16xi32>
    %shift_right_arithmetic3A_2448 = arith.constant 2 : i32
    %shift_right_arithmetic3A_2449 = vector.broadcast %shift_right_arithmetic3A_2448 : i32 to vector<16xi32>
    %shift_right_arithmetic3A_2450 = arith.shrsi %add3A_2447, %shift_right_arithmetic3A_2449 : vector<16xi32>
    %mul3A_2451 = arith.constant 7 : i32
    %mul3A_2452 = vector.broadcast %mul3A_2451 : i32 to vector<16xi32>
    %mul3A_2453 = arith.muli %shift_right_arithmetic3A_2450, %mul3A_2452 : vector<16xi32>
    %and3A_2454 = arith.constant 3 : i32
    %and3A_2455 = vector.broadcast %and3A_2454 : i32 to vector<16xi32>
    %and3A_2456 = arith.andi %add3A_2447, %and3A_2455 : vector<16xi32>
    %broadcast_in_dim3A_2457 = arith.constant 0.000000e+00 : f32
    %broadcast_in_dim3A_2458 = vector.broadcast %broadcast_in_dim3A_2457 : f32 to vector<16xf32>
    %add3A_2459 = arith.constant 0 : i32
    %add3A_2460 = vector.broadcast %add3A_2459 : i32 to vector<16xi32>
    %add3A_2461 = arith.addi %mul3A_2453, %add3A_2460 : vector<16xi32>
    %gather3A_2462 = tpu.vector_load_idx %arg6[%add3A_2461] : memref<896xi32, #tpu.memory_space<vmem>>[vector<16xi32>], vector<16xi32>,
    %add3A_2463 = arith.constant 0 : i32
    %add3A_2464 = vector.broadcast %add3A_2463 : i32 to vector<16xi32>
    %add3A_2465 = arith.addi %mul3A_3, %add3A_2464 : vector<16xi32>
    %gather3A_2466 = tpu.vector_load_idx %arg7[%and3A_2456, %add3A_2465] : memref<4x7xf32, #tpu.memory_space<vmem>>[vector<16xi32>, vector<16xi32>], vector<16xf32>,
    %convert_element_type3A_2467 = arith.sitofp %gather3A_2462 : vector<16xi32> to vector<16xf32>
    %mul3A_2468 = arith.mulf %convert_element_type3A_2467, %gather3A_2466 : vector<16xf32>
    %add3A_2469 = arith.addf %broadcast_in_dim3A_2458, %mul3A_2468 : vector<16xf32>
    %add3A_2470 = arith.constant 1 : i32
    %add3A_2471 = vector.broadcast %add3A_2470 : i32 to vector<16xi32>
    %add3A_2472 = arith.addi %mul3A_2453, %add3A_2471 : vector<16xi32>
    %gather3A_2473 = tpu.vector_load_idx %arg6[%add3A_2472] : memref<896xi32, #tpu.memory_space<vmem>>[vector<16xi32>], vector<16xi32>,
    %add3A_2474 = arith.constant 1 : i32
    %add3A_2475 = vector.broadcast %add3A_2474 : i32 to vector<16xi32>
    %add3A_2476 = arith.addi %mul3A_3, %add3A_2475 : vector<16xi32>
    %gather3A_2477 = tpu.vector_load_idx %arg7[%and3A_2456, %add3A_2476] : memref<4x7xf32, #tpu.memory_space<vmem>>[vector<16xi32>, vector<16xi32>], vector<16xf32>,
    %convert_element_type3A_2478 = arith.sitofp %gather3A_2473 : vector<16xi32> to vector<16xf32>
    %mul3A_2479 = arith.mulf %convert_element_type3A_2478, %gather3A_2477 : vector<16xf32>
    %add3A_2480 = arith.addf %add3A_2469, %mul3A_2479 : vector<16xf32>
    %add3A_2481 = arith.constant 2 : i32
    %add3A_2482 = vector.broadcast %add3A_2481 : i32 to vector<16xi32>
    %add3A_2483 = arith.addi %mul3A_2453, %add3A_2482 : vector<16xi32>
    %gather3A_2484 = tpu.vector_load_idx %arg6[%add3A_2483] : memref<896xi32, #tpu.memory_space<vmem>>[vector<16xi32>], vector<16xi32>,
    %add3A_2485 = arith.constant 2 : i32
    %add3A_2486 = vector.broadcast %add3A_2485 : i32 to vector<16xi32>
    %add3A_2487 = arith.addi %mul3A_3, %add3A_2486 : vector<16xi32>
    %gather3A_2488 = tpu.vector_load_idx %arg7[%and3A_2456, %add3A_2487] : memref<4x7xf32, #tpu.memory_space<vmem>>[vector<16xi32>, vector<16xi32>], vector<16xf32>,
    %convert_element_type3A_2489 = arith.sitofp %gather3A_2484 : vector<16xi32> to vector<16xf32>
    %mul3A_2490 = arith.mulf %convert_element_type3A_2489, %gather3A_2488 : vector<16xf32>
    %add3A_2491 = arith.addf %add3A_2480, %mul3A_2490 : vector<16xf32>
    %add3A_2492 = arith.constant 3 : i32
    %add3A_2493 = vector.broadcast %add3A_2492 : i32 to vector<16xi32>
    %add3A_2494 = arith.addi %mul3A_2453, %add3A_2493 : vector<16xi32>
    %gather3A_2495 = tpu.vector_load_idx %arg6[%add3A_2494] : memref<896xi32, #tpu.memory_space<vmem>>[vector<16xi32>], vector<16xi32>,
    %add3A_2496 = arith.constant 3 : i32
    %add3A_2497 = vector.broadcast %add3A_2496 : i32 to vector<16xi32>
    %add3A_2498 = arith.addi %mul3A_3, %add3A_2497 : vector<16xi32>
    %gather3A_2499 = tpu.vector_load_idx %arg7[%and3A_2456, %add3A_2498] : memref<4x7xf32, #tpu.memory_space<vmem>>[vector<16xi32>, vector<16xi32>], vector<16xf32>,
    %convert_element_type3A_2500 = arith.sitofp %gather3A_2495 : vector<16xi32> to vector<16xf32>
    %mul3A_2501 = arith.mulf %convert_element_type3A_2500, %gather3A_2499 : vector<16xf32>
    %add3A_2502 = arith.addf %add3A_2491, %mul3A_2501 : vector<16xf32>
    %add3A_2503 = arith.constant 4 : i32
    %add3A_2504 = vector.broadcast %add3A_2503 : i32 to vector<16xi32>
    %add3A_2505 = arith.addi %mul3A_2453, %add3A_2504 : vector<16xi32>
    %gather3A_2506 = tpu.vector_load_idx %arg6[%add3A_2505] : memref<896xi32, #tpu.memory_space<vmem>>[vector<16xi32>], vector<16xi32>,
    %add3A_2507 = arith.constant 4 : i32
    %add3A_2508 = vector.broadcast %add3A_2507 : i32 to vector<16xi32>
    %add3A_2509 = arith.addi %mul3A_3, %add3A_2508 : vector<16xi32>
    %gather3A_2510 = tpu.vector_load_idx %arg7[%and3A_2456, %add3A_2509] : memref<4x7xf32, #tpu.memory_space<vmem>>[vector<16xi32>, vector<16xi32>], vector<16xf32>,
    %convert_element_type3A_2511 = arith.sitofp %gather3A_2506 : vector<16xi32> to vector<16xf32>
    %mul3A_2512 = arith.mulf %convert_element_type3A_2511, %gather3A_2510 : vector<16xf32>
    %add3A_2513 = arith.addf %add3A_2502, %mul3A_2512 : vector<16xf32>
    %add3A_2514 = arith.constant 5 : i32
    %add3A_2515 = vector.broadcast %add3A_2514 : i32 to vector<16xi32>
    %add3A_2516 = arith.addi %mul3A_2453, %add3A_2515 : vector<16xi32>
    %gather3A_2517 = tpu.vector_load_idx %arg6[%add3A_2516] : memref<896xi32, #tpu.memory_space<vmem>>[vector<16xi32>], vector<16xi32>,
    %add3A_2518 = arith.constant 5 : i32
    %add3A_2519 = vector.broadcast %add3A_2518 : i32 to vector<16xi32>
    %add3A_2520 = arith.addi %mul3A_3, %add3A_2519 : vector<16xi32>
    %gather3A_2521 = tpu.vector_load_idx %arg7[%and3A_2456, %add3A_2520] : memref<4x7xf32, #tpu.memory_space<vmem>>[vector<16xi32>, vector<16xi32>], vector<16xf32>,
    %convert_element_type3A_2522 = arith.sitofp %gather3A_2517 : vector<16xi32> to vector<16xf32>
    %mul3A_2523 = arith.mulf %convert_element_type3A_2522, %gather3A_2521 : vector<16xf32>
    %add3A_2524 = arith.addf %add3A_2513, %mul3A_2523 : vector<16xf32>
    %add3A_2525 = arith.constant 6 : i32
    %add3A_2526 = vector.broadcast %add3A_2525 : i32 to vector<16xi32>
    %add3A_2527 = arith.addi %mul3A_2453, %add3A_2526 : vector<16xi32>
    %gather3A_2528 = tpu.vector_load_idx %arg6[%add3A_2527] : memref<896xi32, #tpu.memory_space<vmem>>[vector<16xi32>], vector<16xi32>,
    %add3A_2529 = arith.constant 6 : i32
    %add3A_2530 = vector.broadcast %add3A_2529 : i32 to vector<16xi32>
    %add3A_2531 = arith.addi %mul3A_3, %add3A_2530 : vector<16xi32>
    %gather3A_2532 = tpu.vector_load_idx %arg7[%and3A_2456, %add3A_2531] : memref<4x7xf32, #tpu.memory_space<vmem>>[vector<16xi32>, vector<16xi32>], vector<16xf32>,
    %convert_element_type3A_2533 = arith.sitofp %gather3A_2528 : vector<16xi32> to vector<16xf32>
    %mul3A_2534 = arith.mulf %convert_element_type3A_2533, %gather3A_2532 : vector<16xf32>
    %add3A_2535 = arith.addf %add3A_2524, %mul3A_2534 : vector<16xf32>
    %convert_element_type3A_2536 = arith.fptosi %add3A_2535 : vector<16xf32> to vector<16xi32>
    %swap3A_2537 = arith.constant 416 : index
    %swap3A_2538 = tpu.vector_load %arg8[%swap3A_2537] {strides = array<i32>} : memref<512xi32, #tpu.memory_space<vmem>>, vector<16xi32>,
    tpu.vector_store %arg8[%swap3A_2537], %convert_element_type3A_2536 {strides = array<i32>} : memref<512xi32, #tpu.memory_space<vmem>>, vector<16xi32>,
    %add3A_2539 = arith.constant 432 : i32
    %add3A_2540 = vector.broadcast %add3A_2539 : i32 to vector<16xi32>
    %add3A_2541 = arith.addi %iota3A, %add3A_2540 : vector<16xi32>
    %shift_right_arithmetic3A_2542 = arith.constant 2 : i32
    %shift_right_arithmetic3A_2543 = vector.broadcast %shift_right_arithmetic3A_2542 : i32 to vector<16xi32>
    %shift_right_arithmetic3A_2544 = arith.shrsi %add3A_2541, %shift_right_arithmetic3A_2543 : vector<16xi32>
    %mul3A_2545 = arith.constant 7 : i32
    %mul3A_2546 = vector.broadcast %mul3A_2545 : i32 to vector<16xi32>
    %mul3A_2547 = arith.muli %shift_right_arithmetic3A_2544, %mul3A_2546 : vector<16xi32>
    %and3A_2548 = arith.constant 3 : i32
    %and3A_2549 = vector.broadcast %and3A_2548 : i32 to vector<16xi32>
    %and3A_2550 = arith.andi %add3A_2541, %and3A_2549 : vector<16xi32>
    %broadcast_in_dim3A_2551 = arith.constant 0.000000e+00 : f32
    %broadcast_in_dim3A_2552 = vector.broadcast %broadcast_in_dim3A_2551 : f32 to vector<16xf32>
    %add3A_2553 = arith.constant 0 : i32
    %add3A_2554 = vector.broadcast %add3A_2553 : i32 to vector<16xi32>
    %add3A_2555 = arith.addi %mul3A_2547, %add3A_2554 : vector<16xi32>
    %gather3A_2556 = tpu.vector_load_idx %arg6[%add3A_2555] : memref<896xi32, #tpu.memory_space<vmem>>[vector<16xi32>], vector<16xi32>,
    %add3A_2557 = arith.constant 0 : i32
    %add3A_2558 = vector.broadcast %add3A_2557 : i32 to vector<16xi32>
    %add3A_2559 = arith.addi %mul3A_3, %add3A_2558 : vector<16xi32>
    %gather3A_2560 = tpu.vector_load_idx %arg7[%and3A_2550, %add3A_2559] : memref<4x7xf32, #tpu.memory_space<vmem>>[vector<16xi32>, vector<16xi32>], vector<16xf32>,
    %convert_element_type3A_2561 = arith.sitofp %gather3A_2556 : vector<16xi32> to vector<16xf32>
    %mul3A_2562 = arith.mulf %convert_element_type3A_2561, %gather3A_2560 : vector<16xf32>
    %add3A_2563 = arith.addf %broadcast_in_dim3A_2552, %mul3A_2562 : vector<16xf32>
    %add3A_2564 = arith.constant 1 : i32
    %add3A_2565 = vector.broadcast %add3A_2564 : i32 to vector<16xi32>
    %add3A_2566 = arith.addi %mul3A_2547, %add3A_2565 : vector<16xi32>
    %gather3A_2567 = tpu.vector_load_idx %arg6[%add3A_2566] : memref<896xi32, #tpu.memory_space<vmem>>[vector<16xi32>], vector<16xi32>,
    %add3A_2568 = arith.constant 1 : i32
    %add3A_2569 = vector.broadcast %add3A_2568 : i32 to vector<16xi32>
    %add3A_2570 = arith.addi %mul3A_3, %add3A_2569 : vector<16xi32>
    %gather3A_2571 = tpu.vector_load_idx %arg7[%and3A_2550, %add3A_2570] : memref<4x7xf32, #tpu.memory_space<vmem>>[vector<16xi32>, vector<16xi32>], vector<16xf32>,
    %convert_element_type3A_2572 = arith.sitofp %gather3A_2567 : vector<16xi32> to vector<16xf32>
    %mul3A_2573 = arith.mulf %convert_element_type3A_2572, %gather3A_2571 : vector<16xf32>
    %add3A_2574 = arith.addf %add3A_2563, %mul3A_2573 : vector<16xf32>
    %add3A_2575 = arith.constant 2 : i32
    %add3A_2576 = vector.broadcast %add3A_2575 : i32 to vector<16xi32>
    %add3A_2577 = arith.addi %mul3A_2547, %add3A_2576 : vector<16xi32>
    %gather3A_2578 = tpu.vector_load_idx %arg6[%add3A_2577] : memref<896xi32, #tpu.memory_space<vmem>>[vector<16xi32>], vector<16xi32>,
    %add3A_2579 = arith.constant 2 : i32
    %add3A_2580 = vector.broadcast %add3A_2579 : i32 to vector<16xi32>
    %add3A_2581 = arith.addi %mul3A_3, %add3A_2580 : vector<16xi32>
    %gather3A_2582 = tpu.vector_load_idx %arg7[%and3A_2550, %add3A_2581] : memref<4x7xf32, #tpu.memory_space<vmem>>[vector<16xi32>, vector<16xi32>], vector<16xf32>,
    %convert_element_type3A_2583 = arith.sitofp %gather3A_2578 : vector<16xi32> to vector<16xf32>
    %mul3A_2584 = arith.mulf %convert_element_type3A_2583, %gather3A_2582 : vector<16xf32>
    %add3A_2585 = arith.addf %add3A_2574, %mul3A_2584 : vector<16xf32>
    %add3A_2586 = arith.constant 3 : i32
    %add3A_2587 = vector.broadcast %add3A_2586 : i32 to vector<16xi32>
    %add3A_2588 = arith.addi %mul3A_2547, %add3A_2587 : vector<16xi32>
    %gather3A_2589 = tpu.vector_load_idx %arg6[%add3A_2588] : memref<896xi32, #tpu.memory_space<vmem>>[vector<16xi32>], vector<16xi32>,
    %add3A_2590 = arith.constant 3 : i32
    %add3A_2591 = vector.broadcast %add3A_2590 : i32 to vector<16xi32>
    %add3A_2592 = arith.addi %mul3A_3, %add3A_2591 : vector<16xi32>
    %gather3A_2593 = tpu.vector_load_idx %arg7[%and3A_2550, %add3A_2592] : memref<4x7xf32, #tpu.memory_space<vmem>>[vector<16xi32>, vector<16xi32>], vector<16xf32>,
    %convert_element_type3A_2594 = arith.sitofp %gather3A_2589 : vector<16xi32> to vector<16xf32>
    %mul3A_2595 = arith.mulf %convert_element_type3A_2594, %gather3A_2593 : vector<16xf32>
    %add3A_2596 = arith.addf %add3A_2585, %mul3A_2595 : vector<16xf32>
    %add3A_2597 = arith.constant 4 : i32
    %add3A_2598 = vector.broadcast %add3A_2597 : i32 to vector<16xi32>
    %add3A_2599 = arith.addi %mul3A_2547, %add3A_2598 : vector<16xi32>
    %gather3A_2600 = tpu.vector_load_idx %arg6[%add3A_2599] : memref<896xi32, #tpu.memory_space<vmem>>[vector<16xi32>], vector<16xi32>,
    %add3A_2601 = arith.constant 4 : i32
    %add3A_2602 = vector.broadcast %add3A_2601 : i32 to vector<16xi32>
    %add3A_2603 = arith.addi %mul3A_3, %add3A_2602 : vector<16xi32>
    %gather3A_2604 = tpu.vector_load_idx %arg7[%and3A_2550, %add3A_2603] : memref<4x7xf32, #tpu.memory_space<vmem>>[vector<16xi32>, vector<16xi32>], vector<16xf32>,
    %convert_element_type3A_2605 = arith.sitofp %gather3A_2600 : vector<16xi32> to vector<16xf32>
    %mul3A_2606 = arith.mulf %convert_element_type3A_2605, %gather3A_2604 : vector<16xf32>
    %add3A_2607 = arith.addf %add3A_2596, %mul3A_2606 : vector<16xf32>
    %add3A_2608 = arith.constant 5 : i32
    %add3A_2609 = vector.broadcast %add3A_2608 : i32 to vector<16xi32>
    %add3A_2610 = arith.addi %mul3A_2547, %add3A_2609 : vector<16xi32>
    %gather3A_2611 = tpu.vector_load_idx %arg6[%add3A_2610] : memref<896xi32, #tpu.memory_space<vmem>>[vector<16xi32>], vector<16xi32>,
    %add3A_2612 = arith.constant 5 : i32
    %add3A_2613 = vector.broadcast %add3A_2612 : i32 to vector<16xi32>
    %add3A_2614 = arith.addi %mul3A_3, %add3A_2613 : vector<16xi32>
    %gather3A_2615 = tpu.vector_load_idx %arg7[%and3A_2550, %add3A_2614] : memref<4x7xf32, #tpu.memory_space<vmem>>[vector<16xi32>, vector<16xi32>], vector<16xf32>,
    %convert_element_type3A_2616 = arith.sitofp %gather3A_2611 : vector<16xi32> to vector<16xf32>
    %mul3A_2617 = arith.mulf %convert_element_type3A_2616, %gather3A_2615 : vector<16xf32>
    %add3A_2618 = arith.addf %add3A_2607, %mul3A_2617 : vector<16xf32>
    %add3A_2619 = arith.constant 6 : i32
    %add3A_2620 = vector.broadcast %add3A_2619 : i32 to vector<16xi32>
    %add3A_2621 = arith.addi %mul3A_2547, %add3A_2620 : vector<16xi32>
    %gather3A_2622 = tpu.vector_load_idx %arg6[%add3A_2621] : memref<896xi32, #tpu.memory_space<vmem>>[vector<16xi32>], vector<16xi32>,
    %add3A_2623 = arith.constant 6 : i32
    %add3A_2624 = vector.broadcast %add3A_2623 : i32 to vector<16xi32>
    %add3A_2625 = arith.addi %mul3A_3, %add3A_2624 : vector<16xi32>
    %gather3A_2626 = tpu.vector_load_idx %arg7[%and3A_2550, %add3A_2625] : memref<4x7xf32, #tpu.memory_space<vmem>>[vector<16xi32>, vector<16xi32>], vector<16xf32>,
    %convert_element_type3A_2627 = arith.sitofp %gather3A_2622 : vector<16xi32> to vector<16xf32>
    %mul3A_2628 = arith.mulf %convert_element_type3A_2627, %gather3A_2626 : vector<16xf32>
    %add3A_2629 = arith.addf %add3A_2618, %mul3A_2628 : vector<16xf32>
    %convert_element_type3A_2630 = arith.fptosi %add3A_2629 : vector<16xf32> to vector<16xi32>
    %swap3A_2631 = arith.constant 432 : index
    %swap3A_2632 = tpu.vector_load %arg8[%swap3A_2631] {strides = array<i32>} : memref<512xi32, #tpu.memory_space<vmem>>, vector<16xi32>,
    tpu.vector_store %arg8[%swap3A_2631], %convert_element_type3A_2630 {strides = array<i32>} : memref<512xi32, #tpu.memory_space<vmem>>, vector<16xi32>,
    %add3A_2633 = arith.constant 448 : i32
    %add3A_2634 = vector.broadcast %add3A_2633 : i32 to vector<16xi32>
    %add3A_2635 = arith.addi %iota3A, %add3A_2634 : vector<16xi32>
    %shift_right_arithmetic3A_2636 = arith.constant 2 : i32
    %shift_right_arithmetic3A_2637 = vector.broadcast %shift_right_arithmetic3A_2636 : i32 to vector<16xi32>
    %shift_right_arithmetic3A_2638 = arith.shrsi %add3A_2635, %shift_right_arithmetic3A_2637 : vector<16xi32>
    %mul3A_2639 = arith.constant 7 : i32
    %mul3A_2640 = vector.broadcast %mul3A_2639 : i32 to vector<16xi32>
    %mul3A_2641 = arith.muli %shift_right_arithmetic3A_2638, %mul3A_2640 : vector<16xi32>
    %and3A_2642 = arith.constant 3 : i32
    %and3A_2643 = vector.broadcast %and3A_2642 : i32 to vector<16xi32>
    %and3A_2644 = arith.andi %add3A_2635, %and3A_2643 : vector<16xi32>
    %broadcast_in_dim3A_2645 = arith.constant 0.000000e+00 : f32
    %broadcast_in_dim3A_2646 = vector.broadcast %broadcast_in_dim3A_2645 : f32 to vector<16xf32>
    %add3A_2647 = arith.constant 0 : i32
    %add3A_2648 = vector.broadcast %add3A_2647 : i32 to vector<16xi32>
    %add3A_2649 = arith.addi %mul3A_2641, %add3A_2648 : vector<16xi32>
    %gather3A_2650 = tpu.vector_load_idx %arg6[%add3A_2649] : memref<896xi32, #tpu.memory_space<vmem>>[vector<16xi32>], vector<16xi32>,
    %add3A_2651 = arith.constant 0 : i32
    %add3A_2652 = vector.broadcast %add3A_2651 : i32 to vector<16xi32>
    %add3A_2653 = arith.addi %mul3A_3, %add3A_2652 : vector<16xi32>
    %gather3A_2654 = tpu.vector_load_idx %arg7[%and3A_2644, %add3A_2653] : memref<4x7xf32, #tpu.memory_space<vmem>>[vector<16xi32>, vector<16xi32>], vector<16xf32>,
    %convert_element_type3A_2655 = arith.sitofp %gather3A_2650 : vector<16xi32> to vector<16xf32>
    %mul3A_2656 = arith.mulf %convert_element_type3A_2655, %gather3A_2654 : vector<16xf32>
    %add3A_2657 = arith.addf %broadcast_in_dim3A_2646, %mul3A_2656 : vector<16xf32>
    %add3A_2658 = arith.constant 1 : i32
    %add3A_2659 = vector.broadcast %add3A_2658 : i32 to vector<16xi32>
    %add3A_2660 = arith.addi %mul3A_2641, %add3A_2659 : vector<16xi32>
    %gather3A_2661 = tpu.vector_load_idx %arg6[%add3A_2660] : memref<896xi32, #tpu.memory_space<vmem>>[vector<16xi32>], vector<16xi32>,
    %add3A_2662 = arith.constant 1 : i32
    %add3A_2663 = vector.broadcast %add3A_2662 : i32 to vector<16xi32>
    %add3A_2664 = arith.addi %mul3A_3, %add3A_2663 : vector<16xi32>
    %gather3A_2665 = tpu.vector_load_idx %arg7[%and3A_2644, %add3A_2664] : memref<4x7xf32, #tpu.memory_space<vmem>>[vector<16xi32>, vector<16xi32>], vector<16xf32>,
    %convert_element_type3A_2666 = arith.sitofp %gather3A_2661 : vector<16xi32> to vector<16xf32>
    %mul3A_2667 = arith.mulf %convert_element_type3A_2666, %gather3A_2665 : vector<16xf32>
    %add3A_2668 = arith.addf %add3A_2657, %mul3A_2667 : vector<16xf32>
    %add3A_2669 = arith.constant 2 : i32
    %add3A_2670 = vector.broadcast %add3A_2669 : i32 to vector<16xi32>
    %add3A_2671 = arith.addi %mul3A_2641, %add3A_2670 : vector<16xi32>
    %gather3A_2672 = tpu.vector_load_idx %arg6[%add3A_2671] : memref<896xi32, #tpu.memory_space<vmem>>[vector<16xi32>], vector<16xi32>,
    %add3A_2673 = arith.constant 2 : i32
    %add3A_2674 = vector.broadcast %add3A_2673 : i32 to vector<16xi32>
    %add3A_2675 = arith.addi %mul3A_3, %add3A_2674 : vector<16xi32>
    %gather3A_2676 = tpu.vector_load_idx %arg7[%and3A_2644, %add3A_2675] : memref<4x7xf32, #tpu.memory_space<vmem>>[vector<16xi32>, vector<16xi32>], vector<16xf32>,
    %convert_element_type3A_2677 = arith.sitofp %gather3A_2672 : vector<16xi32> to vector<16xf32>
    %mul3A_2678 = arith.mulf %convert_element_type3A_2677, %gather3A_2676 : vector<16xf32>
    %add3A_2679 = arith.addf %add3A_2668, %mul3A_2678 : vector<16xf32>
    %add3A_2680 = arith.constant 3 : i32
    %add3A_2681 = vector.broadcast %add3A_2680 : i32 to vector<16xi32>
    %add3A_2682 = arith.addi %mul3A_2641, %add3A_2681 : vector<16xi32>
    %gather3A_2683 = tpu.vector_load_idx %arg6[%add3A_2682] : memref<896xi32, #tpu.memory_space<vmem>>[vector<16xi32>], vector<16xi32>,
    %add3A_2684 = arith.constant 3 : i32
    %add3A_2685 = vector.broadcast %add3A_2684 : i32 to vector<16xi32>
    %add3A_2686 = arith.addi %mul3A_3, %add3A_2685 : vector<16xi32>
    %gather3A_2687 = tpu.vector_load_idx %arg7[%and3A_2644, %add3A_2686] : memref<4x7xf32, #tpu.memory_space<vmem>>[vector<16xi32>, vector<16xi32>], vector<16xf32>,
    %convert_element_type3A_2688 = arith.sitofp %gather3A_2683 : vector<16xi32> to vector<16xf32>
    %mul3A_2689 = arith.mulf %convert_element_type3A_2688, %gather3A_2687 : vector<16xf32>
    %add3A_2690 = arith.addf %add3A_2679, %mul3A_2689 : vector<16xf32>
    %add3A_2691 = arith.constant 4 : i32
    %add3A_2692 = vector.broadcast %add3A_2691 : i32 to vector<16xi32>
    %add3A_2693 = arith.addi %mul3A_2641, %add3A_2692 : vector<16xi32>
    %gather3A_2694 = tpu.vector_load_idx %arg6[%add3A_2693] : memref<896xi32, #tpu.memory_space<vmem>>[vector<16xi32>], vector<16xi32>,
    %add3A_2695 = arith.constant 4 : i32
    %add3A_2696 = vector.broadcast %add3A_2695 : i32 to vector<16xi32>
    %add3A_2697 = arith.addi %mul3A_3, %add3A_2696 : vector<16xi32>
    %gather3A_2698 = tpu.vector_load_idx %arg7[%and3A_2644, %add3A_2697] : memref<4x7xf32, #tpu.memory_space<vmem>>[vector<16xi32>, vector<16xi32>], vector<16xf32>,
    %convert_element_type3A_2699 = arith.sitofp %gather3A_2694 : vector<16xi32> to vector<16xf32>
    %mul3A_2700 = arith.mulf %convert_element_type3A_2699, %gather3A_2698 : vector<16xf32>
    %add3A_2701 = arith.addf %add3A_2690, %mul3A_2700 : vector<16xf32>
    %add3A_2702 = arith.constant 5 : i32
    %add3A_2703 = vector.broadcast %add3A_2702 : i32 to vector<16xi32>
    %add3A_2704 = arith.addi %mul3A_2641, %add3A_2703 : vector<16xi32>
    %gather3A_2705 = tpu.vector_load_idx %arg6[%add3A_2704] : memref<896xi32, #tpu.memory_space<vmem>>[vector<16xi32>], vector<16xi32>,
    %add3A_2706 = arith.constant 5 : i32
    %add3A_2707 = vector.broadcast %add3A_2706 : i32 to vector<16xi32>
    %add3A_2708 = arith.addi %mul3A_3, %add3A_2707 : vector<16xi32>
    %gather3A_2709 = tpu.vector_load_idx %arg7[%and3A_2644, %add3A_2708] : memref<4x7xf32, #tpu.memory_space<vmem>>[vector<16xi32>, vector<16xi32>], vector<16xf32>,
    %convert_element_type3A_2710 = arith.sitofp %gather3A_2705 : vector<16xi32> to vector<16xf32>
    %mul3A_2711 = arith.mulf %convert_element_type3A_2710, %gather3A_2709 : vector<16xf32>
    %add3A_2712 = arith.addf %add3A_2701, %mul3A_2711 : vector<16xf32>
    %add3A_2713 = arith.constant 6 : i32
    %add3A_2714 = vector.broadcast %add3A_2713 : i32 to vector<16xi32>
    %add3A_2715 = arith.addi %mul3A_2641, %add3A_2714 : vector<16xi32>
    %gather3A_2716 = tpu.vector_load_idx %arg6[%add3A_2715] : memref<896xi32, #tpu.memory_space<vmem>>[vector<16xi32>], vector<16xi32>,
    %add3A_2717 = arith.constant 6 : i32
    %add3A_2718 = vector.broadcast %add3A_2717 : i32 to vector<16xi32>
    %add3A_2719 = arith.addi %mul3A_3, %add3A_2718 : vector<16xi32>
    %gather3A_2720 = tpu.vector_load_idx %arg7[%and3A_2644, %add3A_2719] : memref<4x7xf32, #tpu.memory_space<vmem>>[vector<16xi32>, vector<16xi32>], vector<16xf32>,
    %convert_element_type3A_2721 = arith.sitofp %gather3A_2716 : vector<16xi32> to vector<16xf32>
    %mul3A_2722 = arith.mulf %convert_element_type3A_2721, %gather3A_2720 : vector<16xf32>
    %add3A_2723 = arith.addf %add3A_2712, %mul3A_2722 : vector<16xf32>
    %convert_element_type3A_2724 = arith.fptosi %add3A_2723 : vector<16xf32> to vector<16xi32>
    %swap3A_2725 = arith.constant 448 : index
    %swap3A_2726 = tpu.vector_load %arg8[%swap3A_2725] {strides = array<i32>} : memref<512xi32, #tpu.memory_space<vmem>>, vector<16xi32>,
    tpu.vector_store %arg8[%swap3A_2725], %convert_element_type3A_2724 {strides = array<i32>} : memref<512xi32, #tpu.memory_space<vmem>>, vector<16xi32>,
    %add3A_2727 = arith.constant 464 : i32
    %add3A_2728 = vector.broadcast %add3A_2727 : i32 to vector<16xi32>
    %add3A_2729 = arith.addi %iota3A, %add3A_2728 : vector<16xi32>
    %shift_right_arithmetic3A_2730 = arith.constant 2 : i32
    %shift_right_arithmetic3A_2731 = vector.broadcast %shift_right_arithmetic3A_2730 : i32 to vector<16xi32>
    %shift_right_arithmetic3A_2732 = arith.shrsi %add3A_2729, %shift_right_arithmetic3A_2731 : vector<16xi32>
    %mul3A_2733 = arith.constant 7 : i32
    %mul3A_2734 = vector.broadcast %mul3A_2733 : i32 to vector<16xi32>
    %mul3A_2735 = arith.muli %shift_right_arithmetic3A_2732, %mul3A_2734 : vector<16xi32>
    %and3A_2736 = arith.constant 3 : i32
    %and3A_2737 = vector.broadcast %and3A_2736 : i32 to vector<16xi32>
    %and3A_2738 = arith.andi %add3A_2729, %and3A_2737 : vector<16xi32>
    %broadcast_in_dim3A_2739 = arith.constant 0.000000e+00 : f32
    %broadcast_in_dim3A_2740 = vector.broadcast %broadcast_in_dim3A_2739 : f32 to vector<16xf32>
    %add3A_2741 = arith.constant 0 : i32
    %add3A_2742 = vector.broadcast %add3A_2741 : i32 to vector<16xi32>
    %add3A_2743 = arith.addi %mul3A_2735, %add3A_2742 : vector<16xi32>
    %gather3A_2744 = tpu.vector_load_idx %arg6[%add3A_2743] : memref<896xi32, #tpu.memory_space<vmem>>[vector<16xi32>], vector<16xi32>,
    %add3A_2745 = arith.constant 0 : i32
    %add3A_2746 = vector.broadcast %add3A_2745 : i32 to vector<16xi32>
    %add3A_2747 = arith.addi %mul3A_3, %add3A_2746 : vector<16xi32>
    %gather3A_2748 = tpu.vector_load_idx %arg7[%and3A_2738, %add3A_2747] : memref<4x7xf32, #tpu.memory_space<vmem>>[vector<16xi32>, vector<16xi32>], vector<16xf32>,
    %convert_element_type3A_2749 = arith.sitofp %gather3A_2744 : vector<16xi32> to vector<16xf32>
    %mul3A_2750 = arith.mulf %convert_element_type3A_2749, %gather3A_2748 : vector<16xf32>
    %add3A_2751 = arith.addf %broadcast_in_dim3A_2740, %mul3A_2750 : vector<16xf32>
    %add3A_2752 = arith.constant 1 : i32
    %add3A_2753 = vector.broadcast %add3A_2752 : i32 to vector<16xi32>
    %add3A_2754 = arith.addi %mul3A_2735, %add3A_2753 : vector<16xi32>
    %gather3A_2755 = tpu.vector_load_idx %arg6[%add3A_2754] : memref<896xi32, #tpu.memory_space<vmem>>[vector<16xi32>], vector<16xi32>,
    %add3A_2756 = arith.constant 1 : i32
    %add3A_2757 = vector.broadcast %add3A_2756 : i32 to vector<16xi32>
    %add3A_2758 = arith.addi %mul3A_3, %add3A_2757 : vector<16xi32>
    %gather3A_2759 = tpu.vector_load_idx %arg7[%and3A_2738, %add3A_2758] : memref<4x7xf32, #tpu.memory_space<vmem>>[vector<16xi32>, vector<16xi32>], vector<16xf32>,
    %convert_element_type3A_2760 = arith.sitofp %gather3A_2755 : vector<16xi32> to vector<16xf32>
    %mul3A_2761 = arith.mulf %convert_element_type3A_2760, %gather3A_2759 : vector<16xf32>
    %add3A_2762 = arith.addf %add3A_2751, %mul3A_2761 : vector<16xf32>
    %add3A_2763 = arith.constant 2 : i32
    %add3A_2764 = vector.broadcast %add3A_2763 : i32 to vector<16xi32>
    %add3A_2765 = arith.addi %mul3A_2735, %add3A_2764 : vector<16xi32>
    %gather3A_2766 = tpu.vector_load_idx %arg6[%add3A_2765] : memref<896xi32, #tpu.memory_space<vmem>>[vector<16xi32>], vector<16xi32>,
    %add3A_2767 = arith.constant 2 : i32
    %add3A_2768 = vector.broadcast %add3A_2767 : i32 to vector<16xi32>
    %add3A_2769 = arith.addi %mul3A_3, %add3A_2768 : vector<16xi32>
    %gather3A_2770 = tpu.vector_load_idx %arg7[%and3A_2738, %add3A_2769] : memref<4x7xf32, #tpu.memory_space<vmem>>[vector<16xi32>, vector<16xi32>], vector<16xf32>,
    %convert_element_type3A_2771 = arith.sitofp %gather3A_2766 : vector<16xi32> to vector<16xf32>
    %mul3A_2772 = arith.mulf %convert_element_type3A_2771, %gather3A_2770 : vector<16xf32>
    %add3A_2773 = arith.addf %add3A_2762, %mul3A_2772 : vector<16xf32>
    %add3A_2774 = arith.constant 3 : i32
    %add3A_2775 = vector.broadcast %add3A_2774 : i32 to vector<16xi32>
    %add3A_2776 = arith.addi %mul3A_2735, %add3A_2775 : vector<16xi32>
    %gather3A_2777 = tpu.vector_load_idx %arg6[%add3A_2776] : memref<896xi32, #tpu.memory_space<vmem>>[vector<16xi32>], vector<16xi32>,
    %add3A_2778 = arith.constant 3 : i32
    %add3A_2779 = vector.broadcast %add3A_2778 : i32 to vector<16xi32>
    %add3A_2780 = arith.addi %mul3A_3, %add3A_2779 : vector<16xi32>
    %gather3A_2781 = tpu.vector_load_idx %arg7[%and3A_2738, %add3A_2780] : memref<4x7xf32, #tpu.memory_space<vmem>>[vector<16xi32>, vector<16xi32>], vector<16xf32>,
    %convert_element_type3A_2782 = arith.sitofp %gather3A_2777 : vector<16xi32> to vector<16xf32>
    %mul3A_2783 = arith.mulf %convert_element_type3A_2782, %gather3A_2781 : vector<16xf32>
    %add3A_2784 = arith.addf %add3A_2773, %mul3A_2783 : vector<16xf32>
    %add3A_2785 = arith.constant 4 : i32
    %add3A_2786 = vector.broadcast %add3A_2785 : i32 to vector<16xi32>
    %add3A_2787 = arith.addi %mul3A_2735, %add3A_2786 : vector<16xi32>
    %gather3A_2788 = tpu.vector_load_idx %arg6[%add3A_2787] : memref<896xi32, #tpu.memory_space<vmem>>[vector<16xi32>], vector<16xi32>,
    %add3A_2789 = arith.constant 4 : i32
    %add3A_2790 = vector.broadcast %add3A_2789 : i32 to vector<16xi32>
    %add3A_2791 = arith.addi %mul3A_3, %add3A_2790 : vector<16xi32>
    %gather3A_2792 = tpu.vector_load_idx %arg7[%and3A_2738, %add3A_2791] : memref<4x7xf32, #tpu.memory_space<vmem>>[vector<16xi32>, vector<16xi32>], vector<16xf32>,
    %convert_element_type3A_2793 = arith.sitofp %gather3A_2788 : vector<16xi32> to vector<16xf32>
    %mul3A_2794 = arith.mulf %convert_element_type3A_2793, %gather3A_2792 : vector<16xf32>
    %add3A_2795 = arith.addf %add3A_2784, %mul3A_2794 : vector<16xf32>
    %add3A_2796 = arith.constant 5 : i32
    %add3A_2797 = vector.broadcast %add3A_2796 : i32 to vector<16xi32>
    %add3A_2798 = arith.addi %mul3A_2735, %add3A_2797 : vector<16xi32>
    %gather3A_2799 = tpu.vector_load_idx %arg6[%add3A_2798] : memref<896xi32, #tpu.memory_space<vmem>>[vector<16xi32>], vector<16xi32>,
    %add3A_2800 = arith.constant 5 : i32
    %add3A_2801 = vector.broadcast %add3A_2800 : i32 to vector<16xi32>
    %add3A_2802 = arith.addi %mul3A_3, %add3A_2801 : vector<16xi32>
    %gather3A_2803 = tpu.vector_load_idx %arg7[%and3A_2738, %add3A_2802] : memref<4x7xf32, #tpu.memory_space<vmem>>[vector<16xi32>, vector<16xi32>], vector<16xf32>,
    %convert_element_type3A_2804 = arith.sitofp %gather3A_2799 : vector<16xi32> to vector<16xf32>
    %mul3A_2805 = arith.mulf %convert_element_type3A_2804, %gather3A_2803 : vector<16xf32>
    %add3A_2806 = arith.addf %add3A_2795, %mul3A_2805 : vector<16xf32>
    %add3A_2807 = arith.constant 6 : i32
    %add3A_2808 = vector.broadcast %add3A_2807 : i32 to vector<16xi32>
    %add3A_2809 = arith.addi %mul3A_2735, %add3A_2808 : vector<16xi32>
    %gather3A_2810 = tpu.vector_load_idx %arg6[%add3A_2809] : memref<896xi32, #tpu.memory_space<vmem>>[vector<16xi32>], vector<16xi32>,
    %add3A_2811 = arith.constant 6 : i32
    %add3A_2812 = vector.broadcast %add3A_2811 : i32 to vector<16xi32>
    %add3A_2813 = arith.addi %mul3A_3, %add3A_2812 : vector<16xi32>
    %gather3A_2814 = tpu.vector_load_idx %arg7[%and3A_2738, %add3A_2813] : memref<4x7xf32, #tpu.memory_space<vmem>>[vector<16xi32>, vector<16xi32>], vector<16xf32>,
    %convert_element_type3A_2815 = arith.sitofp %gather3A_2810 : vector<16xi32> to vector<16xf32>
    %mul3A_2816 = arith.mulf %convert_element_type3A_2815, %gather3A_2814 : vector<16xf32>
    %add3A_2817 = arith.addf %add3A_2806, %mul3A_2816 : vector<16xf32>
    %convert_element_type3A_2818 = arith.fptosi %add3A_2817 : vector<16xf32> to vector<16xi32>
    %swap3A_2819 = arith.constant 464 : index
    %swap3A_2820 = tpu.vector_load %arg8[%swap3A_2819] {strides = array<i32>} : memref<512xi32, #tpu.memory_space<vmem>>, vector<16xi32>,
    tpu.vector_store %arg8[%swap3A_2819], %convert_element_type3A_2818 {strides = array<i32>} : memref<512xi32, #tpu.memory_space<vmem>>, vector<16xi32>,
    %add3A_2821 = arith.constant 480 : i32
    %add3A_2822 = vector.broadcast %add3A_2821 : i32 to vector<16xi32>
    %add3A_2823 = arith.addi %iota3A, %add3A_2822 : vector<16xi32>
    %shift_right_arithmetic3A_2824 = arith.constant 2 : i32
    %shift_right_arithmetic3A_2825 = vector.broadcast %shift_right_arithmetic3A_2824 : i32 to vector<16xi32>
    %shift_right_arithmetic3A_2826 = arith.shrsi %add3A_2823, %shift_right_arithmetic3A_2825 : vector<16xi32>
    %mul3A_2827 = arith.constant 7 : i32
    %mul3A_2828 = vector.broadcast %mul3A_2827 : i32 to vector<16xi32>
    %mul3A_2829 = arith.muli %shift_right_arithmetic3A_2826, %mul3A_2828 : vector<16xi32>
    %and3A_2830 = arith.constant 3 : i32
    %and3A_2831 = vector.broadcast %and3A_2830 : i32 to vector<16xi32>
    %and3A_2832 = arith.andi %add3A_2823, %and3A_2831 : vector<16xi32>
    %broadcast_in_dim3A_2833 = arith.constant 0.000000e+00 : f32
    %broadcast_in_dim3A_2834 = vector.broadcast %broadcast_in_dim3A_2833 : f32 to vector<16xf32>
    %add3A_2835 = arith.constant 0 : i32
    %add3A_2836 = vector.broadcast %add3A_2835 : i32 to vector<16xi32>
    %add3A_2837 = arith.addi %mul3A_2829, %add3A_2836 : vector<16xi32>
    %gather3A_2838 = tpu.vector_load_idx %arg6[%add3A_2837] : memref<896xi32, #tpu.memory_space<vmem>>[vector<16xi32>], vector<16xi32>,
    %add3A_2839 = arith.constant 0 : i32
    %add3A_2840 = vector.broadcast %add3A_2839 : i32 to vector<16xi32>
    %add3A_2841 = arith.addi %mul3A_3, %add3A_2840 : vector<16xi32>
    %gather3A_2842 = tpu.vector_load_idx %arg7[%and3A_2832, %add3A_2841] : memref<4x7xf32, #tpu.memory_space<vmem>>[vector<16xi32>, vector<16xi32>], vector<16xf32>,
    %convert_element_type3A_2843 = arith.sitofp %gather3A_2838 : vector<16xi32> to vector<16xf32>
    %mul3A_2844 = arith.mulf %convert_element_type3A_2843, %gather3A_2842 : vector<16xf32>
    %add3A_2845 = arith.addf %broadcast_in_dim3A_2834, %mul3A_2844 : vector<16xf32>
    %add3A_2846 = arith.constant 1 : i32
    %add3A_2847 = vector.broadcast %add3A_2846 : i32 to vector<16xi32>
    %add3A_2848 = arith.addi %mul3A_2829, %add3A_2847 : vector<16xi32>
    %gather3A_2849 = tpu.vector_load_idx %arg6[%add3A_2848] : memref<896xi32, #tpu.memory_space<vmem>>[vector<16xi32>], vector<16xi32>,
    %add3A_2850 = arith.constant 1 : i32
    %add3A_2851 = vector.broadcast %add3A_2850 : i32 to vector<16xi32>
    %add3A_2852 = arith.addi %mul3A_3, %add3A_2851 : vector<16xi32>
    %gather3A_2853 = tpu.vector_load_idx %arg7[%and3A_2832, %add3A_2852] : memref<4x7xf32, #tpu.memory_space<vmem>>[vector<16xi32>, vector<16xi32>], vector<16xf32>,
    %convert_element_type3A_2854 = arith.sitofp %gather3A_2849 : vector<16xi32> to vector<16xf32>
    %mul3A_2855 = arith.mulf %convert_element_type3A_2854, %gather3A_2853 : vector<16xf32>
    %add3A_2856 = arith.addf %add3A_2845, %mul3A_2855 : vector<16xf32>
    %add3A_2857 = arith.constant 2 : i32
    %add3A_2858 = vector.broadcast %add3A_2857 : i32 to vector<16xi32>
    %add3A_2859 = arith.addi %mul3A_2829, %add3A_2858 : vector<16xi32>
    %gather3A_2860 = tpu.vector_load_idx %arg6[%add3A_2859] : memref<896xi32, #tpu.memory_space<vmem>>[vector<16xi32>], vector<16xi32>,
    %add3A_2861 = arith.constant 2 : i32
    %add3A_2862 = vector.broadcast %add3A_2861 : i32 to vector<16xi32>
    %add3A_2863 = arith.addi %mul3A_3, %add3A_2862 : vector<16xi32>
    %gather3A_2864 = tpu.vector_load_idx %arg7[%and3A_2832, %add3A_2863] : memref<4x7xf32, #tpu.memory_space<vmem>>[vector<16xi32>, vector<16xi32>], vector<16xf32>,
    %convert_element_type3A_2865 = arith.sitofp %gather3A_2860 : vector<16xi32> to vector<16xf32>
    %mul3A_2866 = arith.mulf %convert_element_type3A_2865, %gather3A_2864 : vector<16xf32>
    %add3A_2867 = arith.addf %add3A_2856, %mul3A_2866 : vector<16xf32>
    %add3A_2868 = arith.constant 3 : i32
    %add3A_2869 = vector.broadcast %add3A_2868 : i32 to vector<16xi32>
    %add3A_2870 = arith.addi %mul3A_2829, %add3A_2869 : vector<16xi32>
    %gather3A_2871 = tpu.vector_load_idx %arg6[%add3A_2870] : memref<896xi32, #tpu.memory_space<vmem>>[vector<16xi32>], vector<16xi32>,
    %add3A_2872 = arith.constant 3 : i32
    %add3A_2873 = vector.broadcast %add3A_2872 : i32 to vector<16xi32>
    %add3A_2874 = arith.addi %mul3A_3, %add3A_2873 : vector<16xi32>
    %gather3A_2875 = tpu.vector_load_idx %arg7[%and3A_2832, %add3A_2874] : memref<4x7xf32, #tpu.memory_space<vmem>>[vector<16xi32>, vector<16xi32>], vector<16xf32>,
    %convert_element_type3A_2876 = arith.sitofp %gather3A_2871 : vector<16xi32> to vector<16xf32>
    %mul3A_2877 = arith.mulf %convert_element_type3A_2876, %gather3A_2875 : vector<16xf32>
    %add3A_2878 = arith.addf %add3A_2867, %mul3A_2877 : vector<16xf32>
    %add3A_2879 = arith.constant 4 : i32
    %add3A_2880 = vector.broadcast %add3A_2879 : i32 to vector<16xi32>
    %add3A_2881 = arith.addi %mul3A_2829, %add3A_2880 : vector<16xi32>
    %gather3A_2882 = tpu.vector_load_idx %arg6[%add3A_2881] : memref<896xi32, #tpu.memory_space<vmem>>[vector<16xi32>], vector<16xi32>,
    %add3A_2883 = arith.constant 4 : i32
    %add3A_2884 = vector.broadcast %add3A_2883 : i32 to vector<16xi32>
    %add3A_2885 = arith.addi %mul3A_3, %add3A_2884 : vector<16xi32>
    %gather3A_2886 = tpu.vector_load_idx %arg7[%and3A_2832, %add3A_2885] : memref<4x7xf32, #tpu.memory_space<vmem>>[vector<16xi32>, vector<16xi32>], vector<16xf32>,
    %convert_element_type3A_2887 = arith.sitofp %gather3A_2882 : vector<16xi32> to vector<16xf32>
    %mul3A_2888 = arith.mulf %convert_element_type3A_2887, %gather3A_2886 : vector<16xf32>
    %add3A_2889 = arith.addf %add3A_2878, %mul3A_2888 : vector<16xf32>
    %add3A_2890 = arith.constant 5 : i32
    %add3A_2891 = vector.broadcast %add3A_2890 : i32 to vector<16xi32>
    %add3A_2892 = arith.addi %mul3A_2829, %add3A_2891 : vector<16xi32>
    %gather3A_2893 = tpu.vector_load_idx %arg6[%add3A_2892] : memref<896xi32, #tpu.memory_space<vmem>>[vector<16xi32>], vector<16xi32>,
    %add3A_2894 = arith.constant 5 : i32
    %add3A_2895 = vector.broadcast %add3A_2894 : i32 to vector<16xi32>
    %add3A_2896 = arith.addi %mul3A_3, %add3A_2895 : vector<16xi32>
    %gather3A_2897 = tpu.vector_load_idx %arg7[%and3A_2832, %add3A_2896] : memref<4x7xf32, #tpu.memory_space<vmem>>[vector<16xi32>, vector<16xi32>], vector<16xf32>,
    %convert_element_type3A_2898 = arith.sitofp %gather3A_2893 : vector<16xi32> to vector<16xf32>
    %mul3A_2899 = arith.mulf %convert_element_type3A_2898, %gather3A_2897 : vector<16xf32>
    %add3A_2900 = arith.addf %add3A_2889, %mul3A_2899 : vector<16xf32>
    %add3A_2901 = arith.constant 6 : i32
    %add3A_2902 = vector.broadcast %add3A_2901 : i32 to vector<16xi32>
    %add3A_2903 = arith.addi %mul3A_2829, %add3A_2902 : vector<16xi32>
    %gather3A_2904 = tpu.vector_load_idx %arg6[%add3A_2903] : memref<896xi32, #tpu.memory_space<vmem>>[vector<16xi32>], vector<16xi32>,
    %add3A_2905 = arith.constant 6 : i32
    %add3A_2906 = vector.broadcast %add3A_2905 : i32 to vector<16xi32>
    %add3A_2907 = arith.addi %mul3A_3, %add3A_2906 : vector<16xi32>
    %gather3A_2908 = tpu.vector_load_idx %arg7[%and3A_2832, %add3A_2907] : memref<4x7xf32, #tpu.memory_space<vmem>>[vector<16xi32>, vector<16xi32>], vector<16xf32>,
    %convert_element_type3A_2909 = arith.sitofp %gather3A_2904 : vector<16xi32> to vector<16xf32>
    %mul3A_2910 = arith.mulf %convert_element_type3A_2909, %gather3A_2908 : vector<16xf32>
    %add3A_2911 = arith.addf %add3A_2900, %mul3A_2910 : vector<16xf32>
    %convert_element_type3A_2912 = arith.fptosi %add3A_2911 : vector<16xf32> to vector<16xi32>
    %swap3A_2913 = arith.constant 480 : index
    %swap3A_2914 = tpu.vector_load %arg8[%swap3A_2913] {strides = array<i32>} : memref<512xi32, #tpu.memory_space<vmem>>, vector<16xi32>,
    tpu.vector_store %arg8[%swap3A_2913], %convert_element_type3A_2912 {strides = array<i32>} : memref<512xi32, #tpu.memory_space<vmem>>, vector<16xi32>,
    %add3A_2915 = arith.constant 496 : i32
    %add3A_2916 = vector.broadcast %add3A_2915 : i32 to vector<16xi32>
    %add3A_2917 = arith.addi %iota3A, %add3A_2916 : vector<16xi32>
    %shift_right_arithmetic3A_2918 = arith.constant 2 : i32
    %shift_right_arithmetic3A_2919 = vector.broadcast %shift_right_arithmetic3A_2918 : i32 to vector<16xi32>
    %shift_right_arithmetic3A_2920 = arith.shrsi %add3A_2917, %shift_right_arithmetic3A_2919 : vector<16xi32>
    %mul3A_2921 = arith.constant 7 : i32
    %mul3A_2922 = vector.broadcast %mul3A_2921 : i32 to vector<16xi32>
    %mul3A_2923 = arith.muli %shift_right_arithmetic3A_2920, %mul3A_2922 : vector<16xi32>
    %and3A_2924 = arith.constant 3 : i32
    %and3A_2925 = vector.broadcast %and3A_2924 : i32 to vector<16xi32>
    %and3A_2926 = arith.andi %add3A_2917, %and3A_2925 : vector<16xi32>
    %broadcast_in_dim3A_2927 = arith.constant 0.000000e+00 : f32
    %broadcast_in_dim3A_2928 = vector.broadcast %broadcast_in_dim3A_2927 : f32 to vector<16xf32>
    %add3A_2929 = arith.constant 0 : i32
    %add3A_2930 = vector.broadcast %add3A_2929 : i32 to vector<16xi32>
    %add3A_2931 = arith.addi %mul3A_2923, %add3A_2930 : vector<16xi32>
    %gather3A_2932 = tpu.vector_load_idx %arg6[%add3A_2931] : memref<896xi32, #tpu.memory_space<vmem>>[vector<16xi32>], vector<16xi32>,
    %add3A_2933 = arith.constant 0 : i32
    %add3A_2934 = vector.broadcast %add3A_2933 : i32 to vector<16xi32>
    %add3A_2935 = arith.addi %mul3A_3, %add3A_2934 : vector<16xi32>
    %gather3A_2936 = tpu.vector_load_idx %arg7[%and3A_2926, %add3A_2935] : memref<4x7xf32, #tpu.memory_space<vmem>>[vector<16xi32>, vector<16xi32>], vector<16xf32>,
    %convert_element_type3A_2937 = arith.sitofp %gather3A_2932 : vector<16xi32> to vector<16xf32>
    %mul3A_2938 = arith.mulf %convert_element_type3A_2937, %gather3A_2936 : vector<16xf32>
    %add3A_2939 = arith.addf %broadcast_in_dim3A_2928, %mul3A_2938 : vector<16xf32>
    %add3A_2940 = arith.constant 1 : i32
    %add3A_2941 = vector.broadcast %add3A_2940 : i32 to vector<16xi32>
    %add3A_2942 = arith.addi %mul3A_2923, %add3A_2941 : vector<16xi32>
    %gather3A_2943 = tpu.vector_load_idx %arg6[%add3A_2942] : memref<896xi32, #tpu.memory_space<vmem>>[vector<16xi32>], vector<16xi32>,
    %add3A_2944 = arith.constant 1 : i32
    %add3A_2945 = vector.broadcast %add3A_2944 : i32 to vector<16xi32>
    %add3A_2946 = arith.addi %mul3A_3, %add3A_2945 : vector<16xi32>
    %gather3A_2947 = tpu.vector_load_idx %arg7[%and3A_2926, %add3A_2946] : memref<4x7xf32, #tpu.memory_space<vmem>>[vector<16xi32>, vector<16xi32>], vector<16xf32>,
    %convert_element_type3A_2948 = arith.sitofp %gather3A_2943 : vector<16xi32> to vector<16xf32>
    %mul3A_2949 = arith.mulf %convert_element_type3A_2948, %gather3A_2947 : vector<16xf32>
    %add3A_2950 = arith.addf %add3A_2939, %mul3A_2949 : vector<16xf32>
    %add3A_2951 = arith.constant 2 : i32
    %add3A_2952 = vector.broadcast %add3A_2951 : i32 to vector<16xi32>
    %add3A_2953 = arith.addi %mul3A_2923, %add3A_2952 : vector<16xi32>
    %gather3A_2954 = tpu.vector_load_idx %arg6[%add3A_2953] : memref<896xi32, #tpu.memory_space<vmem>>[vector<16xi32>], vector<16xi32>,
    %add3A_2955 = arith.constant 2 : i32
    %add3A_2956 = vector.broadcast %add3A_2955 : i32 to vector<16xi32>
    %add3A_2957 = arith.addi %mul3A_3, %add3A_2956 : vector<16xi32>
    %gather3A_2958 = tpu.vector_load_idx %arg7[%and3A_2926, %add3A_2957] : memref<4x7xf32, #tpu.memory_space<vmem>>[vector<16xi32>, vector<16xi32>], vector<16xf32>,
    %convert_element_type3A_2959 = arith.sitofp %gather3A_2954 : vector<16xi32> to vector<16xf32>
    %mul3A_2960 = arith.mulf %convert_element_type3A_2959, %gather3A_2958 : vector<16xf32>
    %add3A_2961 = arith.addf %add3A_2950, %mul3A_2960 : vector<16xf32>
    %add3A_2962 = arith.constant 3 : i32
    %add3A_2963 = vector.broadcast %add3A_2962 : i32 to vector<16xi32>
    %add3A_2964 = arith.addi %mul3A_2923, %add3A_2963 : vector<16xi32>
    %gather3A_2965 = tpu.vector_load_idx %arg6[%add3A_2964] : memref<896xi32, #tpu.memory_space<vmem>>[vector<16xi32>], vector<16xi32>,
    %add3A_2966 = arith.constant 3 : i32
    %add3A_2967 = vector.broadcast %add3A_2966 : i32 to vector<16xi32>
    %add3A_2968 = arith.addi %mul3A_3, %add3A_2967 : vector<16xi32>
    %gather3A_2969 = tpu.vector_load_idx %arg7[%and3A_2926, %add3A_2968] : memref<4x7xf32, #tpu.memory_space<vmem>>[vector<16xi32>, vector<16xi32>], vector<16xf32>,
    %convert_element_type3A_2970 = arith.sitofp %gather3A_2965 : vector<16xi32> to vector<16xf32>
    %mul3A_2971 = arith.mulf %convert_element_type3A_2970, %gather3A_2969 : vector<16xf32>
    %add3A_2972 = arith.addf %add3A_2961, %mul3A_2971 : vector<16xf32>
    %add3A_2973 = arith.constant 4 : i32
    %add3A_2974 = vector.broadcast %add3A_2973 : i32 to vector<16xi32>
    %add3A_2975 = arith.addi %mul3A_2923, %add3A_2974 : vector<16xi32>
    %gather3A_2976 = tpu.vector_load_idx %arg6[%add3A_2975] : memref<896xi32, #tpu.memory_space<vmem>>[vector<16xi32>], vector<16xi32>,
    %add3A_2977 = arith.constant 4 : i32
    %add3A_2978 = vector.broadcast %add3A_2977 : i32 to vector<16xi32>
    %add3A_2979 = arith.addi %mul3A_3, %add3A_2978 : vector<16xi32>
    %gather3A_2980 = tpu.vector_load_idx %arg7[%and3A_2926, %add3A_2979] : memref<4x7xf32, #tpu.memory_space<vmem>>[vector<16xi32>, vector<16xi32>], vector<16xf32>,
    %convert_element_type3A_2981 = arith.sitofp %gather3A_2976 : vector<16xi32> to vector<16xf32>
    %mul3A_2982 = arith.mulf %convert_element_type3A_2981, %gather3A_2980 : vector<16xf32>
    %add3A_2983 = arith.addf %add3A_2972, %mul3A_2982 : vector<16xf32>
    %add3A_2984 = arith.constant 5 : i32
    %add3A_2985 = vector.broadcast %add3A_2984 : i32 to vector<16xi32>
    %add3A_2986 = arith.addi %mul3A_2923, %add3A_2985 : vector<16xi32>
    %gather3A_2987 = tpu.vector_load_idx %arg6[%add3A_2986] : memref<896xi32, #tpu.memory_space<vmem>>[vector<16xi32>], vector<16xi32>,
    %add3A_2988 = arith.constant 5 : i32
    %add3A_2989 = vector.broadcast %add3A_2988 : i32 to vector<16xi32>
    %add3A_2990 = arith.addi %mul3A_3, %add3A_2989 : vector<16xi32>
    %gather3A_2991 = tpu.vector_load_idx %arg7[%and3A_2926, %add3A_2990] : memref<4x7xf32, #tpu.memory_space<vmem>>[vector<16xi32>, vector<16xi32>], vector<16xf32>,
    %convert_element_type3A_2992 = arith.sitofp %gather3A_2987 : vector<16xi32> to vector<16xf32>
    %mul3A_2993 = arith.mulf %convert_element_type3A_2992, %gather3A_2991 : vector<16xf32>
    %add3A_2994 = arith.addf %add3A_2983, %mul3A_2993 : vector<16xf32>
    %add3A_2995 = arith.constant 6 : i32
    %add3A_2996 = vector.broadcast %add3A_2995 : i32 to vector<16xi32>
    %add3A_2997 = arith.addi %mul3A_2923, %add3A_2996 : vector<16xi32>
    %gather3A_2998 = tpu.vector_load_idx %arg6[%add3A_2997] : memref<896xi32, #tpu.memory_space<vmem>>[vector<16xi32>], vector<16xi32>,
    %add3A_2999 = arith.constant 6 : i32
    %add3A_3000 = vector.broadcast %add3A_2999 : i32 to vector<16xi32>
    %add3A_3001 = arith.addi %mul3A_3, %add3A_3000 : vector<16xi32>
    %gather3A_3002 = tpu.vector_load_idx %arg7[%and3A_2926, %add3A_3001] : memref<4x7xf32, #tpu.memory_space<vmem>>[vector<16xi32>, vector<16xi32>], vector<16xf32>,
    %convert_element_type3A_3003 = arith.sitofp %gather3A_2998 : vector<16xi32> to vector<16xf32>
    %mul3A_3004 = arith.mulf %convert_element_type3A_3003, %gather3A_3002 : vector<16xf32>
    %add3A_3005 = arith.addf %add3A_2994, %mul3A_3004 : vector<16xf32>
    %convert_element_type3A_3006 = arith.fptosi %add3A_3005 : vector<16xf32> to vector<16xi32>
    %swap3A_3007 = arith.constant 496 : index
    %swap3A_3008 = tpu.vector_load %arg8[%swap3A_3007] {strides = array<i32>} : memref<512xi32, #tpu.memory_space<vmem>>, vector<16xi32>,
    tpu.vector_store %arg8[%swap3A_3007], %convert_element_type3A_3006 {strides = array<i32>} : memref<512xi32, #tpu.memory_space<vmem>>, vector<16xi32>,
    %add3A_3009 = arith.constant 0 : i32
    %add3A_3010 = vector.broadcast %add3A_3009 : i32 to vector<16xi32>
    %add3A_3011 = arith.addi %iota3A, %add3A_3010 : vector<16xi32>
    %mul3A_3012 = arith.constant 4 : i32
    %mul3A_3013 = vector.broadcast %mul3A_3012 : i32 to vector<16xi32>
    %mul3A_3014 = arith.muli %add3A_3011, %mul3A_3013 : vector<16xi32>
    %gather3A_3015 = tpu.vector_load_idx %arg8[%mul3A_3014] : memref<512xi32, #tpu.memory_space<vmem>>[vector<16xi32>], vector<16xi32>,
    %add3A_3016 = arith.constant 1 : i32
    %add3A_3017 = vector.broadcast %add3A_3016 : i32 to vector<16xi32>
    %add3A_3018 = arith.addi %mul3A_3014, %add3A_3017 : vector<16xi32>
    %gather3A_3019 = tpu.vector_load_idx %arg8[%add3A_3018] : memref<512xi32, #tpu.memory_space<vmem>>[vector<16xi32>], vector<16xi32>,
    %shift_left3A = arith.constant 8 : i32
    %shift_left3A_3020 = vector.broadcast %shift_left3A : i32 to vector<16xi32>
    %shift_left3A_3021 = arith.shli %gather3A_3019, %shift_left3A_3020 : vector<16xi32>
    %add3A_3022 = arith.addi %gather3A_3015, %shift_left3A_3021 : vector<16xi32>
    %add3A_3023 = arith.constant 2 : i32
    %add3A_3024 = vector.broadcast %add3A_3023 : i32 to vector<16xi32>
    %add3A_3025 = arith.addi %mul3A_3014, %add3A_3024 : vector<16xi32>
    %gather3A_3026 = tpu.vector_load_idx %arg8[%add3A_3025] : memref<512xi32, #tpu.memory_space<vmem>>[vector<16xi32>], vector<16xi32>,
    %shift_left3A_3027 = arith.constant 16 : i32
    %shift_left3A_3028 = vector.broadcast %shift_left3A_3027 : i32 to vector<16xi32>
    %shift_left3A_3029 = arith.shli %gather3A_3026, %shift_left3A_3028 : vector<16xi32>
    %add3A_3030 = arith.addi %add3A_3022, %shift_left3A_3029 : vector<16xi32>
    %add3A_3031 = arith.constant 3 : i32
    %add3A_3032 = vector.broadcast %add3A_3031 : i32 to vector<16xi32>
    %add3A_3033 = arith.addi %mul3A_3014, %add3A_3032 : vector<16xi32>
    %gather3A_3034 = tpu.vector_load_idx %arg8[%add3A_3033] : memref<512xi32, #tpu.memory_space<vmem>>[vector<16xi32>], vector<16xi32>,
    %shift_left3A_3035 = arith.constant 24 : i32
    %shift_left3A_3036 = vector.broadcast %shift_left3A_3035 : i32 to vector<16xi32>
    %shift_left3A_3037 = arith.shli %gather3A_3034, %shift_left3A_3036 : vector<16xi32>
    %add3A_3038 = arith.addi %add3A_3030, %shift_left3A_3037 : vector<16xi32>
    %swap3A_3039 = arith.constant 0 : index
    %swap3A_3040 = tpu.vector_load %arg9[%swap3A_3039] {strides = array<i32>} : memref<128xi32, #tpu.memory_space<vmem>>, vector<16xi32>,
    tpu.vector_store %arg9[%swap3A_3039], %add3A_3038 {strides = array<i32>} : memref<128xi32, #tpu.memory_space<vmem>>, vector<16xi32>,
    %add3A_3041 = arith.constant 16 : i32
    %add3A_3042 = vector.broadcast %add3A_3041 : i32 to vector<16xi32>
    %add3A_3043 = arith.addi %iota3A, %add3A_3042 : vector<16xi32>
    %mul3A_3044 = arith.constant 4 : i32
    %mul3A_3045 = vector.broadcast %mul3A_3044 : i32 to vector<16xi32>
    %mul3A_3046 = arith.muli %add3A_3043, %mul3A_3045 : vector<16xi32>
    %gather3A_3047 = tpu.vector_load_idx %arg8[%mul3A_3046] : memref<512xi32, #tpu.memory_space<vmem>>[vector<16xi32>], vector<16xi32>,
    %add3A_3048 = arith.constant 1 : i32
    %add3A_3049 = vector.broadcast %add3A_3048 : i32 to vector<16xi32>
    %add3A_3050 = arith.addi %mul3A_3046, %add3A_3049 : vector<16xi32>
    %gather3A_3051 = tpu.vector_load_idx %arg8[%add3A_3050] : memref<512xi32, #tpu.memory_space<vmem>>[vector<16xi32>], vector<16xi32>,
    %shift_left3A_3052 = arith.constant 8 : i32
    %shift_left3A_3053 = vector.broadcast %shift_left3A_3052 : i32 to vector<16xi32>
    %shift_left3A_3054 = arith.shli %gather3A_3051, %shift_left3A_3053 : vector<16xi32>
    %add3A_3055 = arith.addi %gather3A_3047, %shift_left3A_3054 : vector<16xi32>
    %add3A_3056 = arith.constant 2 : i32
    %add3A_3057 = vector.broadcast %add3A_3056 : i32 to vector<16xi32>
    %add3A_3058 = arith.addi %mul3A_3046, %add3A_3057 : vector<16xi32>
    %gather3A_3059 = tpu.vector_load_idx %arg8[%add3A_3058] : memref<512xi32, #tpu.memory_space<vmem>>[vector<16xi32>], vector<16xi32>,
    %shift_left3A_3060 = arith.constant 16 : i32
    %shift_left3A_3061 = vector.broadcast %shift_left3A_3060 : i32 to vector<16xi32>
    %shift_left3A_3062 = arith.shli %gather3A_3059, %shift_left3A_3061 : vector<16xi32>
    %add3A_3063 = arith.addi %add3A_3055, %shift_left3A_3062 : vector<16xi32>
    %add3A_3064 = arith.constant 3 : i32
    %add3A_3065 = vector.broadcast %add3A_3064 : i32 to vector<16xi32>
    %add3A_3066 = arith.addi %mul3A_3046, %add3A_3065 : vector<16xi32>
    %gather3A_3067 = tpu.vector_load_idx %arg8[%add3A_3066] : memref<512xi32, #tpu.memory_space<vmem>>[vector<16xi32>], vector<16xi32>,
    %shift_left3A_3068 = arith.constant 24 : i32
    %shift_left3A_3069 = vector.broadcast %shift_left3A_3068 : i32 to vector<16xi32>
    %shift_left3A_3070 = arith.shli %gather3A_3067, %shift_left3A_3069 : vector<16xi32>
    %add3A_3071 = arith.addi %add3A_3063, %shift_left3A_3070 : vector<16xi32>
    %swap3A_3072 = arith.constant 16 : index
    %swap3A_3073 = tpu.vector_load %arg9[%swap3A_3072] {strides = array<i32>} : memref<128xi32, #tpu.memory_space<vmem>>, vector<16xi32>,
    tpu.vector_store %arg9[%swap3A_3072], %add3A_3071 {strides = array<i32>} : memref<128xi32, #tpu.memory_space<vmem>>, vector<16xi32>,
    %add3A_3074 = arith.constant 32 : i32
    %add3A_3075 = vector.broadcast %add3A_3074 : i32 to vector<16xi32>
    %add3A_3076 = arith.addi %iota3A, %add3A_3075 : vector<16xi32>
    %mul3A_3077 = arith.constant 4 : i32
    %mul3A_3078 = vector.broadcast %mul3A_3077 : i32 to vector<16xi32>
    %mul3A_3079 = arith.muli %add3A_3076, %mul3A_3078 : vector<16xi32>
    %gather3A_3080 = tpu.vector_load_idx %arg8[%mul3A_3079] : memref<512xi32, #tpu.memory_space<vmem>>[vector<16xi32>], vector<16xi32>,
    %add3A_3081 = arith.constant 1 : i32
    %add3A_3082 = vector.broadcast %add3A_3081 : i32 to vector<16xi32>
    %add3A_3083 = arith.addi %mul3A_3079, %add3A_3082 : vector<16xi32>
    %gather3A_3084 = tpu.vector_load_idx %arg8[%add3A_3083] : memref<512xi32, #tpu.memory_space<vmem>>[vector<16xi32>], vector<16xi32>,
    %shift_left3A_3085 = arith.constant 8 : i32
    %shift_left3A_3086 = vector.broadcast %shift_left3A_3085 : i32 to vector<16xi32>
    %shift_left3A_3087 = arith.shli %gather3A_3084, %shift_left3A_3086 : vector<16xi32>
    %add3A_3088 = arith.addi %gather3A_3080, %shift_left3A_3087 : vector<16xi32>
    %add3A_3089 = arith.constant 2 : i32
    %add3A_3090 = vector.broadcast %add3A_3089 : i32 to vector<16xi32>
    %add3A_3091 = arith.addi %mul3A_3079, %add3A_3090 : vector<16xi32>
    %gather3A_3092 = tpu.vector_load_idx %arg8[%add3A_3091] : memref<512xi32, #tpu.memory_space<vmem>>[vector<16xi32>], vector<16xi32>,
    %shift_left3A_3093 = arith.constant 16 : i32
    %shift_left3A_3094 = vector.broadcast %shift_left3A_3093 : i32 to vector<16xi32>
    %shift_left3A_3095 = arith.shli %gather3A_3092, %shift_left3A_3094 : vector<16xi32>
    %add3A_3096 = arith.addi %add3A_3088, %shift_left3A_3095 : vector<16xi32>
    %add3A_3097 = arith.constant 3 : i32
    %add3A_3098 = vector.broadcast %add3A_3097 : i32 to vector<16xi32>
    %add3A_3099 = arith.addi %mul3A_3079, %add3A_3098 : vector<16xi32>
    %gather3A_3100 = tpu.vector_load_idx %arg8[%add3A_3099] : memref<512xi32, #tpu.memory_space<vmem>>[vector<16xi32>], vector<16xi32>,
    %shift_left3A_3101 = arith.constant 24 : i32
    %shift_left3A_3102 = vector.broadcast %shift_left3A_3101 : i32 to vector<16xi32>
    %shift_left3A_3103 = arith.shli %gather3A_3100, %shift_left3A_3102 : vector<16xi32>
    %add3A_3104 = arith.addi %add3A_3096, %shift_left3A_3103 : vector<16xi32>
    %swap3A_3105 = arith.constant 32 : index
    %swap3A_3106 = tpu.vector_load %arg9[%swap3A_3105] {strides = array<i32>} : memref<128xi32, #tpu.memory_space<vmem>>, vector<16xi32>,
    tpu.vector_store %arg9[%swap3A_3105], %add3A_3104 {strides = array<i32>} : memref<128xi32, #tpu.memory_space<vmem>>, vector<16xi32>,
    %add3A_3107 = arith.constant 48 : i32
    %add3A_3108 = vector.broadcast %add3A_3107 : i32 to vector<16xi32>
    %add3A_3109 = arith.addi %iota3A, %add3A_3108 : vector<16xi32>
    %mul3A_3110 = arith.constant 4 : i32
    %mul3A_3111 = vector.broadcast %mul3A_3110 : i32 to vector<16xi32>
    %mul3A_3112 = arith.muli %add3A_3109, %mul3A_3111 : vector<16xi32>
    %gather3A_3113 = tpu.vector_load_idx %arg8[%mul3A_3112] : memref<512xi32, #tpu.memory_space<vmem>>[vector<16xi32>], vector<16xi32>,
    %add3A_3114 = arith.constant 1 : i32
    %add3A_3115 = vector.broadcast %add3A_3114 : i32 to vector<16xi32>
    %add3A_3116 = arith.addi %mul3A_3112, %add3A_3115 : vector<16xi32>
    %gather3A_3117 = tpu.vector_load_idx %arg8[%add3A_3116] : memref<512xi32, #tpu.memory_space<vmem>>[vector<16xi32>], vector<16xi32>,
    %shift_left3A_3118 = arith.constant 8 : i32
    %shift_left3A_3119 = vector.broadcast %shift_left3A_3118 : i32 to vector<16xi32>
    %shift_left3A_3120 = arith.shli %gather3A_3117, %shift_left3A_3119 : vector<16xi32>
    %add3A_3121 = arith.addi %gather3A_3113, %shift_left3A_3120 : vector<16xi32>
    %add3A_3122 = arith.constant 2 : i32
    %add3A_3123 = vector.broadcast %add3A_3122 : i32 to vector<16xi32>
    %add3A_3124 = arith.addi %mul3A_3112, %add3A_3123 : vector<16xi32>
    %gather3A_3125 = tpu.vector_load_idx %arg8[%add3A_3124] : memref<512xi32, #tpu.memory_space<vmem>>[vector<16xi32>], vector<16xi32>,
    %shift_left3A_3126 = arith.constant 16 : i32
    %shift_left3A_3127 = vector.broadcast %shift_left3A_3126 : i32 to vector<16xi32>
    %shift_left3A_3128 = arith.shli %gather3A_3125, %shift_left3A_3127 : vector<16xi32>
    %add3A_3129 = arith.addi %add3A_3121, %shift_left3A_3128 : vector<16xi32>
    %add3A_3130 = arith.constant 3 : i32
    %add3A_3131 = vector.broadcast %add3A_3130 : i32 to vector<16xi32>
    %add3A_3132 = arith.addi %mul3A_3112, %add3A_3131 : vector<16xi32>
    %gather3A_3133 = tpu.vector_load_idx %arg8[%add3A_3132] : memref<512xi32, #tpu.memory_space<vmem>>[vector<16xi32>], vector<16xi32>,
    %shift_left3A_3134 = arith.constant 24 : i32
    %shift_left3A_3135 = vector.broadcast %shift_left3A_3134 : i32 to vector<16xi32>
    %shift_left3A_3136 = arith.shli %gather3A_3133, %shift_left3A_3135 : vector<16xi32>
    %add3A_3137 = arith.addi %add3A_3129, %shift_left3A_3136 : vector<16xi32>
    %swap3A_3138 = arith.constant 48 : index
    %swap3A_3139 = tpu.vector_load %arg9[%swap3A_3138] {strides = array<i32>} : memref<128xi32, #tpu.memory_space<vmem>>, vector<16xi32>,
    tpu.vector_store %arg9[%swap3A_3138], %add3A_3137 {strides = array<i32>} : memref<128xi32, #tpu.memory_space<vmem>>, vector<16xi32>,
    %add3A_3140 = arith.constant 64 : i32
    %add3A_3141 = vector.broadcast %add3A_3140 : i32 to vector<16xi32>
    %add3A_3142 = arith.addi %iota3A, %add3A_3141 : vector<16xi32>
    %mul3A_3143 = arith.constant 4 : i32
    %mul3A_3144 = vector.broadcast %mul3A_3143 : i32 to vector<16xi32>
    %mul3A_3145 = arith.muli %add3A_3142, %mul3A_3144 : vector<16xi32>
    %gather3A_3146 = tpu.vector_load_idx %arg8[%mul3A_3145] : memref<512xi32, #tpu.memory_space<vmem>>[vector<16xi32>], vector<16xi32>,
    %add3A_3147 = arith.constant 1 : i32
    %add3A_3148 = vector.broadcast %add3A_3147 : i32 to vector<16xi32>
    %add3A_3149 = arith.addi %mul3A_3145, %add3A_3148 : vector<16xi32>
    %gather3A_3150 = tpu.vector_load_idx %arg8[%add3A_3149] : memref<512xi32, #tpu.memory_space<vmem>>[vector<16xi32>], vector<16xi32>,
    %shift_left3A_3151 = arith.constant 8 : i32
    %shift_left3A_3152 = vector.broadcast %shift_left3A_3151 : i32 to vector<16xi32>
    %shift_left3A_3153 = arith.shli %gather3A_3150, %shift_left3A_3152 : vector<16xi32>
    %add3A_3154 = arith.addi %gather3A_3146, %shift_left3A_3153 : vector<16xi32>
    %add3A_3155 = arith.constant 2 : i32
    %add3A_3156 = vector.broadcast %add3A_3155 : i32 to vector<16xi32>
    %add3A_3157 = arith.addi %mul3A_3145, %add3A_3156 : vector<16xi32>
    %gather3A_3158 = tpu.vector_load_idx %arg8[%add3A_3157] : memref<512xi32, #tpu.memory_space<vmem>>[vector<16xi32>], vector<16xi32>,
    %shift_left3A_3159 = arith.constant 16 : i32
    %shift_left3A_3160 = vector.broadcast %shift_left3A_3159 : i32 to vector<16xi32>
    %shift_left3A_3161 = arith.shli %gather3A_3158, %shift_left3A_3160 : vector<16xi32>
    %add3A_3162 = arith.addi %add3A_3154, %shift_left3A_3161 : vector<16xi32>
    %add3A_3163 = arith.constant 3 : i32
    %add3A_3164 = vector.broadcast %add3A_3163 : i32 to vector<16xi32>
    %add3A_3165 = arith.addi %mul3A_3145, %add3A_3164 : vector<16xi32>
    %gather3A_3166 = tpu.vector_load_idx %arg8[%add3A_3165] : memref<512xi32, #tpu.memory_space<vmem>>[vector<16xi32>], vector<16xi32>,
    %shift_left3A_3167 = arith.constant 24 : i32
    %shift_left3A_3168 = vector.broadcast %shift_left3A_3167 : i32 to vector<16xi32>
    %shift_left3A_3169 = arith.shli %gather3A_3166, %shift_left3A_3168 : vector<16xi32>
    %add3A_3170 = arith.addi %add3A_3162, %shift_left3A_3169 : vector<16xi32>
    %swap3A_3171 = arith.constant 64 : index
    %swap3A_3172 = tpu.vector_load %arg9[%swap3A_3171] {strides = array<i32>} : memref<128xi32, #tpu.memory_space<vmem>>, vector<16xi32>,
    tpu.vector_store %arg9[%swap3A_3171], %add3A_3170 {strides = array<i32>} : memref<128xi32, #tpu.memory_space<vmem>>, vector<16xi32>,
    %add3A_3173 = arith.constant 80 : i32
    %add3A_3174 = vector.broadcast %add3A_3173 : i32 to vector<16xi32>
    %add3A_3175 = arith.addi %iota3A, %add3A_3174 : vector<16xi32>
    %mul3A_3176 = arith.constant 4 : i32
    %mul3A_3177 = vector.broadcast %mul3A_3176 : i32 to vector<16xi32>
    %mul3A_3178 = arith.muli %add3A_3175, %mul3A_3177 : vector<16xi32>
    %gather3A_3179 = tpu.vector_load_idx %arg8[%mul3A_3178] : memref<512xi32, #tpu.memory_space<vmem>>[vector<16xi32>], vector<16xi32>,
    %add3A_3180 = arith.constant 1 : i32
    %add3A_3181 = vector.broadcast %add3A_3180 : i32 to vector<16xi32>
    %add3A_3182 = arith.addi %mul3A_3178, %add3A_3181 : vector<16xi32>
    %gather3A_3183 = tpu.vector_load_idx %arg8[%add3A_3182] : memref<512xi32, #tpu.memory_space<vmem>>[vector<16xi32>], vector<16xi32>,
    %shift_left3A_3184 = arith.constant 8 : i32
    %shift_left3A_3185 = vector.broadcast %shift_left3A_3184 : i32 to vector<16xi32>
    %shift_left3A_3186 = arith.shli %gather3A_3183, %shift_left3A_3185 : vector<16xi32>
    %add3A_3187 = arith.addi %gather3A_3179, %shift_left3A_3186 : vector<16xi32>
    %add3A_3188 = arith.constant 2 : i32
    %add3A_3189 = vector.broadcast %add3A_3188 : i32 to vector<16xi32>
    %add3A_3190 = arith.addi %mul3A_3178, %add3A_3189 : vector<16xi32>
    %gather3A_3191 = tpu.vector_load_idx %arg8[%add3A_3190] : memref<512xi32, #tpu.memory_space<vmem>>[vector<16xi32>], vector<16xi32>,
    %shift_left3A_3192 = arith.constant 16 : i32
    %shift_left3A_3193 = vector.broadcast %shift_left3A_3192 : i32 to vector<16xi32>
    %shift_left3A_3194 = arith.shli %gather3A_3191, %shift_left3A_3193 : vector<16xi32>
    %add3A_3195 = arith.addi %add3A_3187, %shift_left3A_3194 : vector<16xi32>
    %add3A_3196 = arith.constant 3 : i32
    %add3A_3197 = vector.broadcast %add3A_3196 : i32 to vector<16xi32>
    %add3A_3198 = arith.addi %mul3A_3178, %add3A_3197 : vector<16xi32>
    %gather3A_3199 = tpu.vector_load_idx %arg8[%add3A_3198] : memref<512xi32, #tpu.memory_space<vmem>>[vector<16xi32>], vector<16xi32>,
    %shift_left3A_3200 = arith.constant 24 : i32
    %shift_left3A_3201 = vector.broadcast %shift_left3A_3200 : i32 to vector<16xi32>
    %shift_left3A_3202 = arith.shli %gather3A_3199, %shift_left3A_3201 : vector<16xi32>
    %add3A_3203 = arith.addi %add3A_3195, %shift_left3A_3202 : vector<16xi32>
    %swap3A_3204 = arith.constant 80 : index
    %swap3A_3205 = tpu.vector_load %arg9[%swap3A_3204] {strides = array<i32>} : memref<128xi32, #tpu.memory_space<vmem>>, vector<16xi32>,
    tpu.vector_store %arg9[%swap3A_3204], %add3A_3203 {strides = array<i32>} : memref<128xi32, #tpu.memory_space<vmem>>, vector<16xi32>,
    %add3A_3206 = arith.constant 96 : i32
    %add3A_3207 = vector.broadcast %add3A_3206 : i32 to vector<16xi32>
    %add3A_3208 = arith.addi %iota3A, %add3A_3207 : vector<16xi32>
    %mul3A_3209 = arith.constant 4 : i32
    %mul3A_3210 = vector.broadcast %mul3A_3209 : i32 to vector<16xi32>
    %mul3A_3211 = arith.muli %add3A_3208, %mul3A_3210 : vector<16xi32>
    %gather3A_3212 = tpu.vector_load_idx %arg8[%mul3A_3211] : memref<512xi32, #tpu.memory_space<vmem>>[vector<16xi32>], vector<16xi32>,
    %add3A_3213 = arith.constant 1 : i32
    %add3A_3214 = vector.broadcast %add3A_3213 : i32 to vector<16xi32>
    %add3A_3215 = arith.addi %mul3A_3211, %add3A_3214 : vector<16xi32>
    %gather3A_3216 = tpu.vector_load_idx %arg8[%add3A_3215] : memref<512xi32, #tpu.memory_space<vmem>>[vector<16xi32>], vector<16xi32>,
    %shift_left3A_3217 = arith.constant 8 : i32
    %shift_left3A_3218 = vector.broadcast %shift_left3A_3217 : i32 to vector<16xi32>
    %shift_left3A_3219 = arith.shli %gather3A_3216, %shift_left3A_3218 : vector<16xi32>
    %add3A_3220 = arith.addi %gather3A_3212, %shift_left3A_3219 : vector<16xi32>
    %add3A_3221 = arith.constant 2 : i32
    %add3A_3222 = vector.broadcast %add3A_3221 : i32 to vector<16xi32>
    %add3A_3223 = arith.addi %mul3A_3211, %add3A_3222 : vector<16xi32>
    %gather3A_3224 = tpu.vector_load_idx %arg8[%add3A_3223] : memref<512xi32, #tpu.memory_space<vmem>>[vector<16xi32>], vector<16xi32>,
    %shift_left3A_3225 = arith.constant 16 : i32
    %shift_left3A_3226 = vector.broadcast %shift_left3A_3225 : i32 to vector<16xi32>
    %shift_left3A_3227 = arith.shli %gather3A_3224, %shift_left3A_3226 : vector<16xi32>
    %add3A_3228 = arith.addi %add3A_3220, %shift_left3A_3227 : vector<16xi32>
    %add3A_3229 = arith.constant 3 : i32
    %add3A_3230 = vector.broadcast %add3A_3229 : i32 to vector<16xi32>
    %add3A_3231 = arith.addi %mul3A_3211, %add3A_3230 : vector<16xi32>
    %gather3A_3232 = tpu.vector_load_idx %arg8[%add3A_3231] : memref<512xi32, #tpu.memory_space<vmem>>[vector<16xi32>], vector<16xi32>,
    %shift_left3A_3233 = arith.constant 24 : i32
    %shift_left3A_3234 = vector.broadcast %shift_left3A_3233 : i32 to vector<16xi32>
    %shift_left3A_3235 = arith.shli %gather3A_3232, %shift_left3A_3234 : vector<16xi32>
    %add3A_3236 = arith.addi %add3A_3228, %shift_left3A_3235 : vector<16xi32>
    %swap3A_3237 = arith.constant 96 : index
    %swap3A_3238 = tpu.vector_load %arg9[%swap3A_3237] {strides = array<i32>} : memref<128xi32, #tpu.memory_space<vmem>>, vector<16xi32>,
    tpu.vector_store %arg9[%swap3A_3237], %add3A_3236 {strides = array<i32>} : memref<128xi32, #tpu.memory_space<vmem>>, vector<16xi32>,
    %add3A_3239 = arith.constant 112 : i32
    %add3A_3240 = vector.broadcast %add3A_3239 : i32 to vector<16xi32>
    %add3A_3241 = arith.addi %iota3A, %add3A_3240 : vector<16xi32>
    %mul3A_3242 = arith.constant 4 : i32
    %mul3A_3243 = vector.broadcast %mul3A_3242 : i32 to vector<16xi32>
    %mul3A_3244 = arith.muli %add3A_3241, %mul3A_3243 : vector<16xi32>
    %gather3A_3245 = tpu.vector_load_idx %arg8[%mul3A_3244] : memref<512xi32, #tpu.memory_space<vmem>>[vector<16xi32>], vector<16xi32>,
    %add3A_3246 = arith.constant 1 : i32
    %add3A_3247 = vector.broadcast %add3A_3246 : i32 to vector<16xi32>
    %add3A_3248 = arith.addi %mul3A_3244, %add3A_3247 : vector<16xi32>
    %gather3A_3249 = tpu.vector_load_idx %arg8[%add3A_3248] : memref<512xi32, #tpu.memory_space<vmem>>[vector<16xi32>], vector<16xi32>,
    %shift_left3A_3250 = arith.constant 8 : i32
    %shift_left3A_3251 = vector.broadcast %shift_left3A_3250 : i32 to vector<16xi32>
    %shift_left3A_3252 = arith.shli %gather3A_3249, %shift_left3A_3251 : vector<16xi32>
    %add3A_3253 = arith.addi %gather3A_3245, %shift_left3A_3252 : vector<16xi32>
    %add3A_3254 = arith.constant 2 : i32
    %add3A_3255 = vector.broadcast %add3A_3254 : i32 to vector<16xi32>
    %add3A_3256 = arith.addi %mul3A_3244, %add3A_3255 : vector<16xi32>
    %gather3A_3257 = tpu.vector_load_idx %arg8[%add3A_3256] : memref<512xi32, #tpu.memory_space<vmem>>[vector<16xi32>], vector<16xi32>,
    %shift_left3A_3258 = arith.constant 16 : i32
    %shift_left3A_3259 = vector.broadcast %shift_left3A_3258 : i32 to vector<16xi32>
    %shift_left3A_3260 = arith.shli %gather3A_3257, %shift_left3A_3259 : vector<16xi32>
    %add3A_3261 = arith.addi %add3A_3253, %shift_left3A_3260 : vector<16xi32>
    %add3A_3262 = arith.constant 3 : i32
    %add3A_3263 = vector.broadcast %add3A_3262 : i32 to vector<16xi32>
    %add3A_3264 = arith.addi %mul3A_3244, %add3A_3263 : vector<16xi32>
    %gather3A_3265 = tpu.vector_load_idx %arg8[%add3A_3264] : memref<512xi32, #tpu.memory_space<vmem>>[vector<16xi32>], vector<16xi32>,
    %shift_left3A_3266 = arith.constant 24 : i32
    %shift_left3A_3267 = vector.broadcast %shift_left3A_3266 : i32 to vector<16xi32>
    %shift_left3A_3268 = arith.shli %gather3A_3265, %shift_left3A_3267 : vector<16xi32>
    %add3A_3269 = arith.addi %add3A_3261, %shift_left3A_3268 : vector<16xi32>
    %swap3A_3270 = arith.constant 112 : index
    %swap3A_3271 = tpu.vector_load %arg9[%swap3A_3270] {strides = array<i32>} : memref<128xi32, #tpu.memory_space<vmem>>, vector<16xi32>,
    tpu.vector_store %arg9[%swap3A_3270], %add3A_3269 {strides = array<i32>} : memref<128xi32, #tpu.memory_space<vmem>>, vector<16xi32>,
    %dma_wait3A = tpu.memref_slice %arg2[%mul3A_5] : memref<262144xi32, #tpu.memory_space<hbm>> -> memref<8192xi32, #tpu.memory_space<hbm>>
    %dma_wait3A_3272 = tpu.memref_slice %arg2[%mul3A_5] : memref<262144xi32, #tpu.memory_space<hbm>> -> memref<8192xi32, #tpu.memory_space<hbm>>
    tpu.wait_dma2 semaphore(%arg12 : memref<!tpu.dma_semaphore, #tpu.memory_space<semaphore_mem>>) src(%dma_wait3A_3272 : memref<8192xi32, #tpu.memory_space<hbm>>) dst(%arg10 : memref<8192xi32, #tpu.memory_space<vmem>>)
    %parallel_loop3A = arith.constant 0 : i32
    %parallel_loop3A_3273 = arith.constant 256 : i32
    %parallel_loop3A_3274 = arith.constant 1 : i32
    scf.for %parallel_loop3A_3300 = %parallel_loop3A to %parallel_loop3A_3273 step %parallel_loop3A_3274  : i32 {
      %parallel_loop3A_3301 = arith.constant 16 : i32
      %parallel_loop3A_3302 = arith.muli %parallel_loop3A_3300, %parallel_loop3A_3301 : i32
      %parallel_loop3A_3303 = arith.index_cast %parallel_loop3A_3302 : i32 to index
      %parallel_loop3A_3304 = tpu.vector_load %arg10[%parallel_loop3A_3303] {strides = array<i32>} : memref<8192xi32, #tpu.memory_space<vmem>>, vector<16xi32>,
      %parallel_loop3A_3305 = tpu.vector_load_idx %arg9[%parallel_loop3A_3304] : memref<128xi32, #tpu.memory_space<vmem>>[vector<16xi32>], vector<16xi32>,
      %parallel_loop3A_3306 = arith.constant 3 : i32
      %parallel_loop3A_3307 = arith.shrsi %parallel_loop3A_3300, %parallel_loop3A_3306 : i32
      %parallel_loop3A_3308 = arith.constant 512 : i32
      %parallel_loop3A_3309 = arith.muli %parallel_loop3A_3307, %parallel_loop3A_3308 : i32
      %parallel_loop3A_3310 = arith.constant 7 : i32
      %parallel_loop3A_3311 = arith.andi %parallel_loop3A_3300, %parallel_loop3A_3310 : i32
      %parallel_loop3A_3312 = arith.constant 16 : i32
      %parallel_loop3A_3313 = arith.muli %parallel_loop3A_3311, %parallel_loop3A_3312 : i32
      %parallel_loop3A_3314 = arith.addi %parallel_loop3A_3309, %parallel_loop3A_3313 : i32
      %parallel_loop3A_3315 = arith.constant 0 : i32
      %parallel_loop3A_3316 = vector.broadcast %parallel_loop3A_3315 : i32 to vector<16xi32>
      %parallel_loop3A_3317 = arith.shrsi %parallel_loop3A_3305, %parallel_loop3A_3316 : vector<16xi32>
      %parallel_loop3A_3318 = arith.constant 255 : i32
      %parallel_loop3A_3319 = vector.broadcast %parallel_loop3A_3318 : i32 to vector<16xi32>
      %parallel_loop3A_3320 = arith.andi %parallel_loop3A_3317, %parallel_loop3A_3319 : vector<16xi32>
      %parallel_loop3A_3321 = arith.constant 0 : i32
      %parallel_loop3A_3322 = arith.addi %parallel_loop3A_3314, %parallel_loop3A_3321 : i32
      %parallel_loop3A_3323 = arith.index_cast %parallel_loop3A_3322 : i32 to index
      %parallel_loop3A_3324 = tpu.vector_load %arg11[%parallel_loop3A_3323] {strides = array<i32>} : memref<32768xi32, #tpu.memory_space<vmem>>, vector<16xi32>,
      tpu.vector_store %arg11[%parallel_loop3A_3323], %parallel_loop3A_3320 {strides = array<i32>} : memref<32768xi32, #tpu.memory_space<vmem>>, vector<16xi32>,
      %parallel_loop3A_3325 = arith.constant 8 : i32
      %parallel_loop3A_3326 = vector.broadcast %parallel_loop3A_3325 : i32 to vector<16xi32>
      %parallel_loop3A_3327 = arith.shrsi %parallel_loop3A_3305, %parallel_loop3A_3326 : vector<16xi32>
      %parallel_loop3A_3328 = arith.constant 255 : i32
      %parallel_loop3A_3329 = vector.broadcast %parallel_loop3A_3328 : i32 to vector<16xi32>
      %parallel_loop3A_3330 = arith.andi %parallel_loop3A_3327, %parallel_loop3A_3329 : vector<16xi32>
      %parallel_loop3A_3331 = arith.constant 128 : i32
      %parallel_loop3A_3332 = arith.addi %parallel_loop3A_3314, %parallel_loop3A_3331 : i32
      %parallel_loop3A_3333 = arith.index_cast %parallel_loop3A_3332 : i32 to index
      %parallel_loop3A_3334 = tpu.vector_load %arg11[%parallel_loop3A_3333] {strides = array<i32>} : memref<32768xi32, #tpu.memory_space<vmem>>, vector<16xi32>,
      tpu.vector_store %arg11[%parallel_loop3A_3333], %parallel_loop3A_3330 {strides = array<i32>} : memref<32768xi32, #tpu.memory_space<vmem>>, vector<16xi32>,
      %parallel_loop3A_3335 = arith.constant 16 : i32
      %parallel_loop3A_3336 = vector.broadcast %parallel_loop3A_3335 : i32 to vector<16xi32>
      %parallel_loop3A_3337 = arith.shrsi %parallel_loop3A_3305, %parallel_loop3A_3336 : vector<16xi32>
      %parallel_loop3A_3338 = arith.constant 255 : i32
      %parallel_loop3A_3339 = vector.broadcast %parallel_loop3A_3338 : i32 to vector<16xi32>
      %parallel_loop3A_3340 = arith.andi %parallel_loop3A_3337, %parallel_loop3A_3339 : vector<16xi32>
      %parallel_loop3A_3341 = arith.constant 256 : i32
      %parallel_loop3A_3342 = arith.addi %parallel_loop3A_3314, %parallel_loop3A_3341 : i32
      %parallel_loop3A_3343 = arith.index_cast %parallel_loop3A_3342 : i32 to index
      %parallel_loop3A_3344 = tpu.vector_load %arg11[%parallel_loop3A_3343] {strides = array<i32>} : memref<32768xi32, #tpu.memory_space<vmem>>, vector<16xi32>,
      tpu.vector_store %arg11[%parallel_loop3A_3343], %parallel_loop3A_3340 {strides = array<i32>} : memref<32768xi32, #tpu.memory_space<vmem>>, vector<16xi32>,
      %parallel_loop3A_3345 = arith.constant 24 : i32
      %parallel_loop3A_3346 = vector.broadcast %parallel_loop3A_3345 : i32 to vector<16xi32>
      %parallel_loop3A_3347 = arith.shrsi %parallel_loop3A_3305, %parallel_loop3A_3346 : vector<16xi32>
      %parallel_loop3A_3348 = arith.constant 255 : i32
      %parallel_loop3A_3349 = vector.broadcast %parallel_loop3A_3348 : i32 to vector<16xi32>
      %parallel_loop3A_3350 = arith.andi %parallel_loop3A_3347, %parallel_loop3A_3349 : vector<16xi32>
      %parallel_loop3A_3351 = arith.constant 384 : i32
      %parallel_loop3A_3352 = arith.addi %parallel_loop3A_3314, %parallel_loop3A_3351 : i32
      %parallel_loop3A_3353 = arith.index_cast %parallel_loop3A_3352 : i32 to index
      %parallel_loop3A_3354 = tpu.vector_load %arg11[%parallel_loop3A_3353] {strides = array<i32>} : memref<32768xi32, #tpu.memory_space<vmem>>, vector<16xi32>,
      tpu.vector_store %arg11[%parallel_loop3A_3353], %parallel_loop3A_3350 {strides = array<i32>} : memref<32768xi32, #tpu.memory_space<vmem>>, vector<16xi32>,
    } {sc.loop_unroll_factor = 16 : i64, sc.parallel_access}
    %mul3A_3275 = arith.constant 4 : i32
    %mul3A_3276 = arith.muli %add3A, %mul3A_3275 : i32
    %mul3A_3277 = arith.constant 8192 : i32
    %mul3A_3278 = arith.muli %mul3A_3276, %mul3A_3277 : i32
    %dma_start3A_3279 = arith.constant 0 : i32
    %dma_start3A_3280 = tpu.memref_slice %arg11[%dma_start3A_3279] : memref<32768xi32, #tpu.memory_space<vmem>> -> memref<16384xi32, #tpu.memory_space<vmem>>
    %dma_start3A_3281 = tpu.memref_slice %arg5[%mul3A_3278] : memref<1048576xi32, #tpu.memory_space<hbm>> -> memref<16384xi32, #tpu.memory_space<hbm>>
    %dma_start3A_3282 = tpu.memref_slice %arg5[%mul3A_3278] : memref<1048576xi32, #tpu.memory_space<hbm>> -> memref<16384xi32, #tpu.memory_space<hbm>>
    %dma_start3A_3283 = arith.constant 0 : i32
    %dma_start3A_3284 = tpu.memref_slice %arg11[%dma_start3A_3283] : memref<32768xi32, #tpu.memory_space<vmem>> -> memref<16384xi32, #tpu.memory_space<vmem>>
    tpu.enqueue_dma source(%dma_start3A_3284 : memref<16384xi32, #tpu.memory_space<vmem>>) target(%dma_start3A_3282 : memref<16384xi32, #tpu.memory_space<hbm>>) target_semaphore(%arg12 : memref<!tpu.dma_semaphore, #tpu.memory_space<semaphore_mem>>)
    %parallel_loop3A_3285 = arith.constant 256 : i32
    %parallel_loop3A_3286 = arith.constant 512 : i32
    %parallel_loop3A_3287 = arith.constant 1 : i32
    scf.for %parallel_loop3A_3300 = %parallel_loop3A_3285 to %parallel_loop3A_3286 step %parallel_loop3A_3287  : i32 {
      %parallel_loop3A_3301 = arith.constant 16 : i32
      %parallel_loop3A_3302 = arith.muli %parallel_loop3A_3300, %parallel_loop3A_3301 : i32
      %parallel_loop3A_3303 = arith.index_cast %parallel_loop3A_3302 : i32 to index
      %parallel_loop3A_3304 = tpu.vector_load %arg10[%parallel_loop3A_3303] {strides = array<i32>} : memref<8192xi32, #tpu.memory_space<vmem>>, vector<16xi32>,
      %parallel_loop3A_3305 = tpu.vector_load_idx %arg9[%parallel_loop3A_3304] : memref<128xi32, #tpu.memory_space<vmem>>[vector<16xi32>], vector<16xi32>,
      %parallel_loop3A_3306 = arith.constant 3 : i32
      %parallel_loop3A_3307 = arith.shrsi %parallel_loop3A_3300, %parallel_loop3A_3306 : i32
      %parallel_loop3A_3308 = arith.constant 512 : i32
      %parallel_loop3A_3309 = arith.muli %parallel_loop3A_3307, %parallel_loop3A_3308 : i32
      %parallel_loop3A_3310 = arith.constant 7 : i32
      %parallel_loop3A_3311 = arith.andi %parallel_loop3A_3300, %parallel_loop3A_3310 : i32
      %parallel_loop3A_3312 = arith.constant 16 : i32
      %parallel_loop3A_3313 = arith.muli %parallel_loop3A_3311, %parallel_loop3A_3312 : i32
      %parallel_loop3A_3314 = arith.addi %parallel_loop3A_3309, %parallel_loop3A_3313 : i32
      %parallel_loop3A_3315 = arith.constant 0 : i32
      %parallel_loop3A_3316 = vector.broadcast %parallel_loop3A_3315 : i32 to vector<16xi32>
      %parallel_loop3A_3317 = arith.shrsi %parallel_loop3A_3305, %parallel_loop3A_3316 : vector<16xi32>
      %parallel_loop3A_3318 = arith.constant 255 : i32
      %parallel_loop3A_3319 = vector.broadcast %parallel_loop3A_3318 : i32 to vector<16xi32>
      %parallel_loop3A_3320 = arith.andi %parallel_loop3A_3317, %parallel_loop3A_3319 : vector<16xi32>
      %parallel_loop3A_3321 = arith.constant 0 : i32
      %parallel_loop3A_3322 = arith.addi %parallel_loop3A_3314, %parallel_loop3A_3321 : i32
      %parallel_loop3A_3323 = arith.index_cast %parallel_loop3A_3322 : i32 to index
      %parallel_loop3A_3324 = tpu.vector_load %arg11[%parallel_loop3A_3323] {strides = array<i32>} : memref<32768xi32, #tpu.memory_space<vmem>>, vector<16xi32>,
      tpu.vector_store %arg11[%parallel_loop3A_3323], %parallel_loop3A_3320 {strides = array<i32>} : memref<32768xi32, #tpu.memory_space<vmem>>, vector<16xi32>,
      %parallel_loop3A_3325 = arith.constant 8 : i32
      %parallel_loop3A_3326 = vector.broadcast %parallel_loop3A_3325 : i32 to vector<16xi32>
      %parallel_loop3A_3327 = arith.shrsi %parallel_loop3A_3305, %parallel_loop3A_3326 : vector<16xi32>
      %parallel_loop3A_3328 = arith.constant 255 : i32
      %parallel_loop3A_3329 = vector.broadcast %parallel_loop3A_3328 : i32 to vector<16xi32>
      %parallel_loop3A_3330 = arith.andi %parallel_loop3A_3327, %parallel_loop3A_3329 : vector<16xi32>
      %parallel_loop3A_3331 = arith.constant 128 : i32
      %parallel_loop3A_3332 = arith.addi %parallel_loop3A_3314, %parallel_loop3A_3331 : i32
      %parallel_loop3A_3333 = arith.index_cast %parallel_loop3A_3332 : i32 to index
      %parallel_loop3A_3334 = tpu.vector_load %arg11[%parallel_loop3A_3333] {strides = array<i32>} : memref<32768xi32, #tpu.memory_space<vmem>>, vector<16xi32>,
      tpu.vector_store %arg11[%parallel_loop3A_3333], %parallel_loop3A_3330 {strides = array<i32>} : memref<32768xi32, #tpu.memory_space<vmem>>, vector<16xi32>,
      %parallel_loop3A_3335 = arith.constant 16 : i32
      %parallel_loop3A_3336 = vector.broadcast %parallel_loop3A_3335 : i32 to vector<16xi32>
      %parallel_loop3A_3337 = arith.shrsi %parallel_loop3A_3305, %parallel_loop3A_3336 : vector<16xi32>
      %parallel_loop3A_3338 = arith.constant 255 : i32
      %parallel_loop3A_3339 = vector.broadcast %parallel_loop3A_3338 : i32 to vector<16xi32>
      %parallel_loop3A_3340 = arith.andi %parallel_loop3A_3337, %parallel_loop3A_3339 : vector<16xi32>
      %parallel_loop3A_3341 = arith.constant 256 : i32
      %parallel_loop3A_3342 = arith.addi %parallel_loop3A_3314, %parallel_loop3A_3341 : i32
      %parallel_loop3A_3343 = arith.index_cast %parallel_loop3A_3342 : i32 to index
      %parallel_loop3A_3344 = tpu.vector_load %arg11[%parallel_loop3A_3343] {strides = array<i32>} : memref<32768xi32, #tpu.memory_space<vmem>>, vector<16xi32>,
      tpu.vector_store %arg11[%parallel_loop3A_3343], %parallel_loop3A_3340 {strides = array<i32>} : memref<32768xi32, #tpu.memory_space<vmem>>, vector<16xi32>,
      %parallel_loop3A_3345 = arith.constant 24 : i32
      %parallel_loop3A_3346 = vector.broadcast %parallel_loop3A_3345 : i32 to vector<16xi32>
      %parallel_loop3A_3347 = arith.shrsi %parallel_loop3A_3305, %parallel_loop3A_3346 : vector<16xi32>
      %parallel_loop3A_3348 = arith.constant 255 : i32
      %parallel_loop3A_3349 = vector.broadcast %parallel_loop3A_3348 : i32 to vector<16xi32>
      %parallel_loop3A_3350 = arith.andi %parallel_loop3A_3347, %parallel_loop3A_3349 : vector<16xi32>
      %parallel_loop3A_3351 = arith.constant 384 : i32
      %parallel_loop3A_3352 = arith.addi %parallel_loop3A_3314, %parallel_loop3A_3351 : i32
      %parallel_loop3A_3353 = arith.index_cast %parallel_loop3A_3352 : i32 to index
      %parallel_loop3A_3354 = tpu.vector_load %arg11[%parallel_loop3A_3353] {strides = array<i32>} : memref<32768xi32, #tpu.memory_space<vmem>>, vector<16xi32>,
      tpu.vector_store %arg11[%parallel_loop3A_3353], %parallel_loop3A_3350 {strides = array<i32>} : memref<32768xi32, #tpu.memory_space<vmem>>, vector<16xi32>,
    } {sc.loop_unroll_factor = 16 : i64, sc.parallel_access}
    %mul3A_3288 = arith.constant 4 : i32
    %mul3A_3289 = arith.muli %add3A, %mul3A_3288 : i32
    %mul3A_3290 = arith.constant 8192 : i32
    %mul3A_3291 = arith.muli %mul3A_3289, %mul3A_3290 : i32
    %add3A_3292 = arith.constant 16384 : i32
    %add3A_3293 = arith.addi %mul3A_3291, %add3A_3292 : i32
    "tpu.region"() ({
      %run_scoped3A = tpu.sem_alloc : memref<!tpu.dma_semaphore, #tpu.memory_space<semaphore_mem>>
      %dma_start3A_3300 = arith.constant 16384 : i32
      %dma_start3A_3301 = tpu.memref_slice %arg11[%dma_start3A_3300] : memref<32768xi32, #tpu.memory_space<vmem>> -> memref<16384xi32, #tpu.memory_space<vmem>>
      %dma_start3A_3302 = tpu.memref_slice %arg5[%add3A_3293] : memref<1048576xi32, #tpu.memory_space<hbm>> -> memref<16384xi32, #tpu.memory_space<hbm>>
      %dma_start3A_3303 = tpu.memref_slice %arg5[%add3A_3293] : memref<1048576xi32, #tpu.memory_space<hbm>> -> memref<16384xi32, #tpu.memory_space<hbm>>
      %dma_start3A_3304 = arith.constant 16384 : i32
      %dma_start3A_3305 = tpu.memref_slice %arg11[%dma_start3A_3304] : memref<32768xi32, #tpu.memory_space<vmem>> -> memref<16384xi32, #tpu.memory_space<vmem>>
      tpu.enqueue_dma source(%dma_start3A_3305 : memref<16384xi32, #tpu.memory_space<vmem>>) target(%dma_start3A_3303 : memref<16384xi32, #tpu.memory_space<hbm>>) target_semaphore(%run_scoped3A : memref<!tpu.dma_semaphore, #tpu.memory_space<semaphore_mem>>)
      %dma_wait3A_3306 = arith.constant 16384 : i32
      %dma_wait3A_3307 = tpu.memref_slice %arg11[%dma_wait3A_3306] : memref<32768xi32, #tpu.memory_space<vmem>> -> memref<16384xi32, #tpu.memory_space<vmem>>
      %dma_wait3A_3308 = tpu.memref_slice %arg5[%add3A_3293] : memref<1048576xi32, #tpu.memory_space<hbm>> -> memref<16384xi32, #tpu.memory_space<hbm>>
      %dma_wait3A_3309 = tpu.memref_slice %arg5[%add3A_3293] : memref<1048576xi32, #tpu.memory_space<hbm>> -> memref<16384xi32, #tpu.memory_space<hbm>>
      %dma_wait3A_3310 = arith.constant 16384 : i32
      %dma_wait3A_3311 = tpu.memref_slice %arg11[%dma_wait3A_3310] : memref<32768xi32, #tpu.memory_space<vmem>> -> memref<16384xi32, #tpu.memory_space<vmem>>
      tpu.wait_dma2 semaphore(%run_scoped3A : memref<!tpu.dma_semaphore, #tpu.memory_space<semaphore_mem>>) src(%dma_wait3A_3311 : memref<16384xi32, #tpu.memory_space<vmem>>) dst(%dma_wait3A_3309 : memref<16384xi32, #tpu.memory_space<hbm>>)
      tpu.yield
    }) : () -> ()
    %dma_wait3A_3294 = arith.constant 0 : i32
    %dma_wait3A_3295 = tpu.memref_slice %arg11[%dma_wait3A_3294] : memref<32768xi32, #tpu.memory_space<vmem>> -> memref<16384xi32, #tpu.memory_space<vmem>>
    %dma_wait3A_3296 = tpu.memref_slice %arg5[%mul3A_3278] : memref<1048576xi32, #tpu.memory_space<hbm>> -> memref<16384xi32, #tpu.memory_space<hbm>>
    %dma_wait3A_3297 = tpu.memref_slice %arg5[%mul3A_3278] : memref<1048576xi32, #tpu.memory_space<hbm>> -> memref<16384xi32, #tpu.memory_space<hbm>>
    %dma_wait3A_3298 = arith.constant 0 : i32
    %dma_wait3A_3299 = tpu.memref_slice %arg11[%dma_wait3A_3298] : memref<32768xi32, #tpu.memory_space<vmem>> -> memref<16384xi32, #tpu.memory_space<vmem>>
    tpu.wait_dma2 semaphore(%arg12 : memref<!tpu.dma_semaphore, #tpu.memory_space<semaphore_mem>>) src(%dma_wait3A_3299 : memref<16384xi32, #tpu.memory_space<vmem>>) dst(%dma_wait3A_3297 : memref<16384xi32, #tpu.memory_space<hbm>>)
    return
  }
}

module attributes {stable_mosaic.version = 14 : i64} {
  func.func @body(%arg0: i32, %arg1: memref<1x2048x128xi32, #tpu.memory_space<vmem>>, %arg2: memref<1x2048x128xi32, #tpu.memory_space<vmem>>, %arg3: memref<1x2048x128xi32, #tpu.memory_space<vmem>>, %arg4: memref<1x2048x128xi32, #tpu.memory_space<vmem>>, %arg5: memref<1x2048x128xi32, #tpu.memory_space<vmem>>, %arg6: memref<1x2048x128xi32, #tpu.memory_space<vmem>>, %arg7: memref<1x2048x128xi32, #tpu.memory_space<vmem>>, %arg8: memref<2048x128xi32, #tpu.memory_space<vmem>>) attributes {dimension_semantics = [#tpu.dimension_semantics<arbitrary>], iteration_bounds = array<i64: 1>, scalar_prefetch = 0 : i64, scratch_operands = 0 : i64, tpu.core_type = #tpu.core_type<tc>, window_params = [{transform_indices = @transform_0, window_bounds = array<i64: 1, 2048, 128>}, {transform_indices = @transform_1, window_bounds = array<i64: 1, 2048, 128>}, {transform_indices = @transform_2, window_bounds = array<i64: 1, 2048, 128>}, {transform_indices = @transform_3, window_bounds = array<i64: 1, 2048, 128>}, {transform_indices = @transform_4, window_bounds = array<i64: 1, 2048, 128>}, {transform_indices = @transform_5, window_bounds = array<i64: 1, 2048, 128>}, {transform_indices = @transform_6, window_bounds = array<i64: 1, 2048, 128>}, {transform_indices = @transform_7, window_bounds = array<i64: 2048, 128>}]} {
    %get3A = arith.constant 0 : index
    %get3A_0 = arith.constant 0 : index
    %get3A_1 = arith.constant 0 : index
    %get3A_2 = vector.load %arg1[%get3A, %get3A_0, %get3A_1] : memref<1x2048x128xi32, #tpu.memory_space<vmem>>, vector<1x2048x128xi32>
    %get3A_3 = vector.shape_cast %get3A_2 : vector<1x2048x128xi32> to vector<2048x128xi32>
    %get3A_4 = arith.constant 0 : index
    %get3A_5 = arith.constant 0 : index
    %get3A_6 = arith.constant 0 : index
    %get3A_7 = vector.load %arg2[%get3A_4, %get3A_5, %get3A_6] : memref<1x2048x128xi32, #tpu.memory_space<vmem>>, vector<1x2048x128xi32>
    %get3A_8 = vector.shape_cast %get3A_7 : vector<1x2048x128xi32> to vector<2048x128xi32>
    %shift_left3A = arith.constant 1 : i32
    %shift_left3A_9 = vector.broadcast %shift_left3A : i32 to vector<2048x128xi32>
    %shift_left3A_10 = arith.shli %get3A_8, %shift_left3A_9 : vector<2048x128xi32>
    %add3A = arith.addi %get3A_3, %shift_left3A_10 : vector<2048x128xi32>
    %get3A_11 = arith.constant 0 : index
    %get3A_12 = arith.constant 0 : index
    %get3A_13 = arith.constant 0 : index
    %get3A_14 = vector.load %arg3[%get3A_11, %get3A_12, %get3A_13] : memref<1x2048x128xi32, #tpu.memory_space<vmem>>, vector<1x2048x128xi32>
    %get3A_15 = vector.shape_cast %get3A_14 : vector<1x2048x128xi32> to vector<2048x128xi32>
    %shift_left3A_16 = arith.constant 2 : i32
    %shift_left3A_17 = vector.broadcast %shift_left3A_16 : i32 to vector<2048x128xi32>
    %shift_left3A_18 = arith.shli %get3A_15, %shift_left3A_17 : vector<2048x128xi32>
    %add3A_19 = arith.addi %add3A, %shift_left3A_18 : vector<2048x128xi32>
    %get3A_20 = arith.constant 0 : index
    %get3A_21 = arith.constant 0 : index
    %get3A_22 = arith.constant 0 : index
    %get3A_23 = vector.load %arg4[%get3A_20, %get3A_21, %get3A_22] : memref<1x2048x128xi32, #tpu.memory_space<vmem>>, vector<1x2048x128xi32>
    %get3A_24 = vector.shape_cast %get3A_23 : vector<1x2048x128xi32> to vector<2048x128xi32>
    %shift_left3A_25 = arith.constant 3 : i32
    %shift_left3A_26 = vector.broadcast %shift_left3A_25 : i32 to vector<2048x128xi32>
    %shift_left3A_27 = arith.shli %get3A_24, %shift_left3A_26 : vector<2048x128xi32>
    %add3A_28 = arith.addi %add3A_19, %shift_left3A_27 : vector<2048x128xi32>
    %get3A_29 = arith.constant 0 : index
    %get3A_30 = arith.constant 0 : index
    %get3A_31 = arith.constant 0 : index
    %get3A_32 = vector.load %arg5[%get3A_29, %get3A_30, %get3A_31] : memref<1x2048x128xi32, #tpu.memory_space<vmem>>, vector<1x2048x128xi32>
    %get3A_33 = vector.shape_cast %get3A_32 : vector<1x2048x128xi32> to vector<2048x128xi32>
    %shift_left3A_34 = arith.constant 4 : i32
    %shift_left3A_35 = vector.broadcast %shift_left3A_34 : i32 to vector<2048x128xi32>
    %shift_left3A_36 = arith.shli %get3A_33, %shift_left3A_35 : vector<2048x128xi32>
    %add3A_37 = arith.addi %add3A_28, %shift_left3A_36 : vector<2048x128xi32>
    %get3A_38 = arith.constant 0 : index
    %get3A_39 = arith.constant 0 : index
    %get3A_40 = arith.constant 0 : index
    %get3A_41 = vector.load %arg6[%get3A_38, %get3A_39, %get3A_40] : memref<1x2048x128xi32, #tpu.memory_space<vmem>>, vector<1x2048x128xi32>
    %get3A_42 = vector.shape_cast %get3A_41 : vector<1x2048x128xi32> to vector<2048x128xi32>
    %shift_left3A_43 = arith.constant 5 : i32
    %shift_left3A_44 = vector.broadcast %shift_left3A_43 : i32 to vector<2048x128xi32>
    %shift_left3A_45 = arith.shli %get3A_42, %shift_left3A_44 : vector<2048x128xi32>
    %add3A_46 = arith.addi %add3A_37, %shift_left3A_45 : vector<2048x128xi32>
    %get3A_47 = arith.constant 0 : index
    %get3A_48 = arith.constant 0 : index
    %get3A_49 = arith.constant 0 : index
    %get3A_50 = vector.load %arg7[%get3A_47, %get3A_48, %get3A_49] : memref<1x2048x128xi32, #tpu.memory_space<vmem>>, vector<1x2048x128xi32>
    %get3A_51 = vector.shape_cast %get3A_50 : vector<1x2048x128xi32> to vector<2048x128xi32>
    %shift_left3A_52 = arith.constant 6 : i32
    %shift_left3A_53 = vector.broadcast %shift_left3A_52 : i32 to vector<2048x128xi32>
    %shift_left3A_54 = arith.shli %get3A_51, %shift_left3A_53 : vector<2048x128xi32>
    %add3A_55 = arith.addi %add3A_46, %shift_left3A_54 : vector<2048x128xi32>
    %swap3A = arith.constant 0 : index
    %swap3A_56 = arith.constant 0 : index
    %swap3A_57 = vector.load %arg8[%swap3A, %swap3A_56] : memref<2048x128xi32, #tpu.memory_space<vmem>>, vector<2048x128xi32>
    tpu.vector_store %arg8[%swap3A, %swap3A_56], %add3A_55 {strides = array<i32>} : memref<2048x128xi32, #tpu.memory_space<vmem>>, vector<2048x128xi32>,
    return
  }
  func.func @transform_0(%arg0: i32) -> (i32, i32, i32) {
    %c0_i32 = arith.constant 0 : i32
    %c0_i32_0 = arith.constant 0 : i32
    %c0_i32_1 = arith.constant 0 : i32
    return %c0_i32, %arg0, %c0_i32_0 : i32, i32, i32
  }
  func.func @transform_1(%arg0: i32) -> (i32, i32, i32) {
    %c1_i32 = arith.constant 1 : i32
    %c0_i32 = arith.constant 0 : i32
    %c0_i32_0 = arith.constant 0 : i32
    return %c1_i32, %arg0, %c0_i32 : i32, i32, i32
  }
  func.func @transform_2(%arg0: i32) -> (i32, i32, i32) {
    %c2_i32 = arith.constant 2 : i32
    %c0_i32 = arith.constant 0 : i32
    %c0_i32_0 = arith.constant 0 : i32
    return %c2_i32, %arg0, %c0_i32 : i32, i32, i32
  }
  func.func @transform_3(%arg0: i32) -> (i32, i32, i32) {
    %c3_i32 = arith.constant 3 : i32
    %c0_i32 = arith.constant 0 : i32
    %c0_i32_0 = arith.constant 0 : i32
    return %c3_i32, %arg0, %c0_i32 : i32, i32, i32
  }
  func.func @transform_4(%arg0: i32) -> (i32, i32, i32) {
    %c4_i32 = arith.constant 4 : i32
    %c0_i32 = arith.constant 0 : i32
    %c0_i32_0 = arith.constant 0 : i32
    return %c4_i32, %arg0, %c0_i32 : i32, i32, i32
  }
  func.func @transform_5(%arg0: i32) -> (i32, i32, i32) {
    %c5_i32 = arith.constant 5 : i32
    %c0_i32 = arith.constant 0 : i32
    %c0_i32_0 = arith.constant 0 : i32
    return %c5_i32, %arg0, %c0_i32 : i32, i32, i32
  }
  func.func @transform_6(%arg0: i32) -> (i32, i32, i32) {
    %c6_i32 = arith.constant 6 : i32
    %c0_i32 = arith.constant 0 : i32
    %c0_i32_0 = arith.constant 0 : i32
    return %c6_i32, %arg0, %c0_i32 : i32, i32, i32
  }
  func.func @transform_7(%arg0: i32) -> (i32, i32) {
    %c0_i32 = arith.constant 0 : i32
    %c0_i32_0 = arith.constant 0 : i32
    return %arg0, %c0_i32 : i32, i32
  }
}

</mosaic_0001>

<sc_bundles>
// kernel: kernel.4.cloned.1.call-start
scs
__scs_entry_jumppad:
0x0: {  	(pc) =	sbr.rel $0x88, $3  }
0x1: {  	(tag) =	ssettag $0x0;
	lr =	simm.s32 $0x1  }
0x2: {  	[smem:$0x3F9F] =	sst lr;
	_ =	strace $0xD0000000  }
0x3: {  	_ = 	snop  }
0x4: {  	_ = 	snop  }
0x5: {  	_ = 	snop  }
0x6: {  	_ = 	snop  }
0x7: {  	_ = 	snop  }
__scs_overlays_trampoline_lowered:
0x8: {  	[smem:$0x3FAE] =	sst s0  }
0x9: {  	[smem:$0x3FAF] =	sst s1  }
0xa: {  	[smem:$0x3FB0] =	sst s2  }
0xb: {  	[smem:$0x3FB1] =	sst s3  }
0xc: {  	[smem:$0x3FB2] =	sst s4  }
0xd: {  	[smem:$0x3FB3] =	sst s5  }
0xe: {  	[smem:$0x3FB4] =	sst s6  }
0xf: {  	[smem:$0x3FB5] =	sst s7  }
0x10: {  	[smem:$0x3FB6] =	sst s8  }
0x11: {  	[smem:$0x3FB7] =	sst s9;
	s0 =	simm.s32 @!p0 $0x0  }
0x12: {  	s1 =	sld [smem:$0x3F9D];
	s0 =	simm.s32 @p0 $0x1  }
0x13: {  	[smem:$0x3FB8] =	sst s0;
	s0 =	simm.s32 @!p1 $0x0  }
0x14: {  	s2 =	sld [smem:$0x3F9C];
	s0 =	simm.s32 @p1 $0x1  }
0x15: {  	[smem:$0x3FB9] =	sst s0;
	s0 =	simm.s32 @!p2 $0x0  }
0x16: {  	s3 =	sld [smem:$0x3FDB];
	s0 =	simm.s32 @p2 $0x1  }
0x17: {  	s4 =	simm.s32 $0x1BF5;
	[smem:$0x3FBB] =	sst s0  }
0x18: {  	s0 =	sld [smem:$0x3F9E];
	_ =	swait.ge [sflag:s4], $0x0  }
0x19: {  	s7 =	sld [smem:$0x3F9F]  }
0x1a: {  	s8 =	sadd.s32 $0xFFFFE003, lr  }
0x1b: {  	s9 =	sadd.s32 $0xFFFFFEF7, lr;
	s5 =	simm.s32 $0xFFFFFFFF;
	p2 =	slt.u32 s8, $0xFFFFF086  }
0x1c: {  	p1 =	slt.u32 s9, $0xF7A;
	s5 =	simm.s32 @!p2 $0x0  }
0x1d: {  	s5 =	simm.s32 @p1 $0x1;
	p0 =	seq.s32 s7, s2  }
0x1e: {  	s7 =	smul.u32 @!p0 $0xF7A, s2;
	p2 =	seq.s32 @!p0 s5, $0x0  }
0x1f: {  	s9 =	smul.u32 $0xF7A, s1;
	s8 =	simm.s32 @!p0 $0x1BF5;
	p2 =	por !p2, p0  }
0x20: {  	[sflag:s8] =	ssyncset.s32 @!p0 $0xFFFFF086;
	s6 =	sadd.s32 @!p0 s3, s7;
	s7 =	simm.s32 @!p0 $0x108  }
0x21: {  	s3 =	sadd.s32 s3, s9;
	s6 =	sadd.s32 @!p0 $0x88, s6;
	s7 =	simm.s32 @p2 $0x1082  }
0x22: {  	[simem:s7], [sflag:s8] =	dma.local @!p0 [hbm:s6], $0xF7A  }
0x23: {  	s9 =	sor.u32 $0xD0000000, s2;
	s6 =	simm.s32 $0x108;
	_ =	swait.ge @!p0 [sflag:s8], $0x0  }
0x24: {  	s3 =	sadd.s32 $0x88, s3;
	s6 =	simm.s32 @!p1 $0x1082;
	[sflag:s4] =	ssyncset.s32 $0xFFFFF086  }
0x25: {  	[simem:s6], [sflag:s4] =	dma.local [hbm:s3], $0xF7A  }
0x26: {  	[smem:$0x3F9F] =	sst s1;
	(tag) =	ssettag s2;
	_ =	strace s9  }
0x27: {  	s1 =	sld [smem:$0x3FAF]  }
0x28: {  	s2 =	sld [smem:$0x3FB0]  }
0x29: {  	s4 =	sld [smem:$0x3FB2]  }
0x2a: {  	p0 =	seq.s32 s5, $0x0;
	s5 =	sld [smem:$0x3FB3]  }
0x2b: {  	s6 =	sld [smem:$0x3FB4]  }
0x2c: {  	s7 =	sld [smem:$0x3FB5]  }
0x2d: {  	s3 =	simm.s32 $0x108;
	s8 =	sld [smem:$0x3FB6]  }
0x2e: {  	s3 =	simm.s32 @!p0 $0x1082;
	s9 =	sld [smem:$0x3FB7]  }
0x2f: {  	lr =	sadd.s32 s0, s3;
	s0 =	sld [smem:$0x3FAE]  }
0x30: {  	s3 =	sld [smem:$0x3FB1]  }
0x31: {  	[smem:$0x3FBA] =	sst s10  }
0x32: {  	s10 =	sld [smem:$0x3FB8];
	_ =	sdelay $0x3  }
0x33: {  	p0 =	seq.s32 s10, $0x1;
	s10 =	sld [smem:$0x3FBA];
	_ =	sdelay $0x3  }
0x34: {  	[smem:$0x3FBA] =	sst s10  }
0x35: {  	s10 =	sld [smem:$0x3FB9];
	_ =	sdelay $0x3  }
0x36: {  	p1 =	seq.s32 s10, $0x1;
	s10 =	sld [smem:$0x3FBA];
	_ =	sdelay $0x3  }
0x37: {  	[smem:$0x3FBA] =	sst s10  }
0x38: {  	s10 =	sld [smem:$0x3FBB]  }
0x39: {  	_ = 	snop;
	(pc) =	sbr.ind lr, $3  }
0x3a: {  	_ = 	snop  }
0x3b: {  	_ = 	snop  }
0x3c: {  	p2 =	seq.s32 s10, $0x1;
	s10 =	sld [smem:$0x3FBA]  }
0x3d: {  	_ =	shalt  }
0x3e: {  	_ =	shalt  }
0x3f: {  	_ =	shalt  }
0x40: {  	_ =	shalt  }
0x41: {  	_ =	shalt  }
0x42: {  	_ =	shalt  }
0x43: {  	_ =	shalt  }
0x44: {  	_ =	shalt  }
0x45: {  	_ =	shalt  }
0x46: {  	_ =	shalt  }
0x47: {  	_ =	shalt  }
0x48: {  	_ =	shalt  }
0x49: {  	_ =	shalt  }
0x4a: {  	_ =	shalt  }
0x4b: {  	_ =	shalt  }
0x4c: {  	_ =	shalt  }
0x4d: {  	_ =	shalt  }
0x4e: {  	_ =	shalt  }
0x4f: {  	_ =	shalt  }
0x50: {  	_ =	shalt  }
0x51: {  	_ =	shalt  }
0x52: {  	_ =	shalt  }
0x53: {  	_ =	shalt  }
0x54: {  	_ =	shalt  }
0x55: {  	_ =	shalt  }
0x56: {  	_ =	shalt  }
0x57: {  	_ =	shalt  }
0x58: {  	_ =	shalt  }
0x59: {  	_ =	shalt  }
0x5a: {  	_ =	shalt  }
0x5b: {  	_ =	shalt  }
0x5c: {  	_ =	shalt  }
0x5d: {  	_ =	shalt  }
0x5e: {  	_ =	shalt  }
0x5f: {  	_ =	shalt  }
0x60: {  	_ =	shalt  }
0x61: {  	_ =	shalt  }
0x62: {  	_ =	shalt  }
0x63: {  	_ =	shalt  }
0x64: {  	_ =	shalt  }
0x65: {  	_ =	shalt  }
0x66: {  	_ =	shalt  }
0x67: {  	_ =	shalt  }
0x68: {  	_ =	shalt  }
0x69: {  	_ =	shalt  }
0x6a: {  	_ =	shalt  }
0x6b: {  	_ =	shalt  }
0x6c: {  	_ =	shalt  }
0x6d: {  	_ =	shalt  }
0x6e: {  	_ =	shalt  }
0x6f: {  	_ =	shalt  }
0x70: {  	_ =	shalt  }
0x71: {  	_ =	shalt  }
0x72: {  	_ =	shalt  }
0x73: {  	_ =	shalt  }
0x74: {  	_ =	shalt  }
0x75: {  	_ =	shalt  }
0x76: {  	_ =	shalt  }
0x77: {  	_ =	shalt  }
0x78: {  	_ =	shalt  }
0x79: {  	_ =	shalt  }
0x7a: {  	_ =	shalt  }
0x7b: {  	_ =	shalt  }
0x7c: {  	_ =	shalt  }
0x7d: {  	_ =	shalt  }
0x7e: {  	_ =	shalt  }
0x7f: {  	_ =	shalt  }
0x80: {  	_ =	shalt  }
0x81: {  	_ =	shalt  }
0x82: {  	_ =	shalt  }
0x83: {  	_ =	shalt  }
0x84: {  	_ =	shalt  }
0x85: {  	_ =	shalt  }
0x86: {  	_ =	shalt  }
0x87: {  	_ =	shalt  }
.Lfunc_end0:
.L_simem_size_0:
called_computation_lowered:
.L_overlay_start_0:
0x88: {  	s2 =	sld [smem:$0x3FD9]  }
0x89: {  	s3 =	sld [smem:$0x3FFE];
	_ =	sdelay $0x1  }
0x8a: {  	s1 =	srdreg.scid  }
0x8b: {  	s0 =	sand.u32 $0x1, s1  }
0x8c: {  	s17 =	sshll.u32 s0, $0xA;
	s2 =	sadd.s32 s3, s2  }
0x8d: {  	s2 =	sadd.s32 s2, s17  }
0x8e: {  	[smem:$0x3FC6] =	sst s2  }
0x8f: {  	_ = 	snop  }
0x90: {  	s2 =	sld [smem:$0x3FD0];
	(tm) =	ssettm $0x1  }
0x91: {  	s18 =	sld [smem:$0x3FFB];
	_ =	sdelay $0x3  }
0x92: {  	_ =	strace s18  }
0x93: {  	s3 =	sld [smem:$0x3FFC];
	_ =	sdelay $0x3  }
0x94: {  	_ =	strace s3  }
0x95: {  	s3 =	sld [smem:$0x3FFD];
	_ =	sdelay $0x3  }
0x96: {  	_ =	strace s3  }
0x97: {  	_ =	strace $0x8FFFFFFF  }
0x98: {  	s19 =	sld [smem:$0x3FDB];
	_ =	sdelay $0x1  }
0x99: {  	s4 =	simm.s32 $_scs_section_size  }
0x9a: {  	s5 =	simm.s32 $_size__tile_overlayer_lowered;
	s6 =	simm.s32 $_tile_overlayer_lowered  }
0x9b: {  	s22 =	simm.s32 $0x1BFF;
	s21 =	sshll.u32 s6, $0x1;
	s3 =	sadd.s32 s4, s19  }
0x9c: {  	s7 =	simm.s32 $0x0;
	s20 =	sshll.u32 s5, $0x1;
	s5 =	sadd.s32 s21, s3  }
0x9d: {  	[timem:s7], [sflag:s22] =	dma.local [hbm:s5], s20  }
0x9e: {  	_ =	swait.ge [sflag:s22], s20  }
0x9f: {  	s4 =	ssub.s32 $0x0, s20;
	[sflag:s22] =	ssyncset.done $0x0  }
0xa0: {  	[sflag:s22] =	ssyncadd.s32 s4;
	_ =	sdelay $0x1  }
0xa1: {  	s23 =	simm.s32 $0x1B8B  }
0xa2: {  	_ =	swait.ge [sflag:s23], $0x1  }
0xa3: {  	[sflag:s23] =	ssyncset.done $0x0  }
0xa4: {  	s25 =	simm.s32 $0x1B8E;
	s24 =	sld [smem:$0x3FFE];
	[sflag:s23] =	ssyncadd.s32 $0xFFFFFFFF  }
0xa5: {  	s26 =	simm.s32 $execute0_lowered;
	[smem:$0x3FD2] =	sst s25  }
0xa6: {  	s5 =	sshll.u32 s26, $0x1;
	_ =	strace $0x80000046;
	[dreg:$0x1] =	wrdreg $0xFFFFFFFF  }
0xa7: {  	s28 =	simm.s32 $_size_execute0_lowered;
	s3 =	sadd.s32 s3, s5;
	[dreg:$0x0] =	wrdreg $0x0  }
0xa8: {  	s5 =	sshll.u32 s28, $0x1;
	[dreg:$0x2] =	wrdreg s3  }
0xa9: {  	[dreg:$0x3] =	wrdreg s5  }
0xaa: {  	[dreg:$0x4] =	wrdreg $0xC0  }
0xab: {  	_ =	task [dreg:s7], $0x5FFFF  }
0xac: {  	[dreg:$0x1] =	wrdreg $0xFFFFFFFF  }
0xad: {  	[dreg:$0x0] =	wrdreg $0x60  }
0xae: {  	[dreg:$0x2] =	wrdreg s24  }
0xaf: {  	[dreg:$0x3] =	wrdreg s2  }
0xb0: {  	[dreg:$0x4] =	wrdreg $0x9  }
0xb1: {  	_ =	task.clear_ibuf [dreg:s7], $0x5FFFF;
	_ =	strace $0x90000046  }
0xb2: {  	s29 =	simm.s32 $0x9;
	_ =	strace $0x80000048  }
0xb3: {  	_ =	swait.ge [sflag:s29], $0x1  }
0xb4: {  	[sflag:s29] =	ssyncadd.s32 $0xFFFFFFFF  }
0xb5: {  	_ =	strace $0x90000048  }
0xb6: {  	_ =	sfence  }
0xb7: {  	s30 =	sld [smem:$0x0];
	_ =	sdelay $0x2  }
0xb8: {  	s31 =	sshll.u32 s1, $0xD;
	s1 =	sshrl.u32 s1, $0x2  }
0xb9: {  	s3 =	sand.u32 $0x4000, s31;
	s1 =	sadd.s32 s1, s30  }
0xba: {  	s0 =	sor.u32 s3, s0;
	s1 =	sshll.u32 s1, $0x11  }
0xbb: {  	s0 =	sor.u32 s1, s0  }
0xbc: {  	s0 =	sadd.s32 $0x8F2B, s0  }
0xbd: {  	[sflag:s0] =	ssyncadd.remote.s32 $0x1  }
0xbe: {  	_ =	sfence.sel $0xFFFF  }
0xbf: {  	[dreg:$0x0] =	wrdreg $0xFFFFFFFF;
	(pc) =	sbr.abs _section_cstart, $3  }
0xc0: {  	[dreg:$0x1] =	wrdreg $0xFFFFFFFF  }
0xc1: {  	_ =	task.clear_ibuf [dreg:s7], $0x2FFFF;
	_ =	strace $0x9FFFFFFF  }
0xc2: {  	(tm) =	ssettm $0x7FFFFFFF  }
0xc3: {  	_ =	shalt  }
tec
execute0_lowered:
.L_overlay_start_1:
0x0: {  	(tag) =	ssettag $0x1  }
0x1: {  	v2 =	vlaneseq.u32  }
0x2: {  	v0 =	vshrl.u32 v2, $0x2  }
0x3: {  	v1 =	vmul.u32 $0x7, v0  }
0x4: {  	v0 =	vand.u32 $0x3, v2  }
0x5: {  	v2 =	vmul.u32 $0x8, v0;
	v0 =	vadd.s32 $0x1, v1  }
0x6: {  	[tilespmem:$0x1FD90] =	vst v0;
	v0 =	vadd.s32 $0x2, v1  }
0x7: {  	[tilespmem:$0x1FDA0] =	vst v0;
	v0 =	vadd.s32 $0x3, v1  }
0x8: {  	[tilespmem:$0x1FDB0] =	vst v0;
	v0 =	vadd.s32 $0x4, v1  }
0x9: {  	[tilespmem:$0x1FDC0] =	vst v0;
	v0 =	vadd.s32 $0x5, v1  }
0xa: {  	[tilespmem:$0x1FDD0] =	vst v0;
	v0 =	vadd.s32 $0x6, v1  }
0xb: {  	[tilespmem:$0x1FDE0] =	vst v0;
	v0 =	vadd.s32 $0x1C, v1  }
0xc: {  	[tilespmem:$0x1FDF0] =	vst v0;
	v0 =	vadd.s32 $0x1D, v1  }
0xd: {  	[tilespmem:$0x1FE00] =	vst v0;
	v0 =	vadd.s32 $0x1E, v1  }
0xe: {  	[tilespmem:$0x1FE10] =	vst v0;
	v0 =	vadd.s32 $0x1F, v1  }
0xf: {  	[tilespmem:$0x1FE20] =	vst v0;
	v0 =	vor.u32 $0x20, v1  }
0x10: {  	[tilespmem:$0x1FE30] =	vst v0;
	v0 =	vadd.s32 $0x21, v1  }
0x11: {  	[tilespmem:$0x1FE40] =	vst v0;
	v0 =	vadd.s32 $0x22, v1  }
0x12: {  	[tilespmem:$0x1FE50] =	vst v0;
	v0 =	vadd.s32 $0x38, v1  }
0x13: {  	[tilespmem:$0x1FE60] =	vst v0;
	v0 =	vadd.s32 $0x39, v1  }
0x14: {  	[tilespmem:$0x1FE70] =	vst v0;
	v0 =	vadd.s32 $0x3A, v1  }
0x15: {  	[tilespmem:$0x1FE80] =	vst v0;
	v0 =	vadd.s32 $0x3B, v1  }
0x16: {  	[tilespmem:$0x1FE90] =	vst v0;
	v0 =	vadd.s32 $0x3C, v1  }
0x17: {  	[tilespmem:$0x1FEA0] =	vst v0;
	v0 =	vadd.s32 $0x3D, v1  }
0x18: {  	[tilespmem:$0x1FEB0] =	vst v0;
	v0 =	vadd.s32 $0x3E, v1  }
0x19: {  	[tilespmem:$0x1FEC0] =	vst v0;
	v0 =	vadd.s32 $0x54, v1  }
0x1a: {  	[tilespmem:$0x1FED0] =	vst v0;
	v0 =	vadd.s32 $0x55, v1  }
0x1b: {  	[tilespmem:$0x1FEE0] =	vst v0;
	v0 =	vadd.s32 $0x56, v1  }
0x1c: {  	[tilespmem:$0x1FEF0] =	vst v0;
	v0 =	vadd.s32 $0x57, v1  }
0x1d: {  	[tilespmem:$0x1FF00] =	vst v0;
	v0 =	vadd.s32 $0x58, v1  }
0x1e: {  	[tilespmem:$0x1FF10] =	vst v0;
	v0 =	vadd.s32 $0x59, v1  }
0x1f: {  	[tilespmem:$0x1FF20] =	vst v0;
	v0 =	vadd.s32 $0x5A, v1  }
0x20: {  	[tilespmem:$0x1FF30] =	vst v0;
	v0 =	vadd.s32 $0x70, v1  }
0x21: {  	[tilespmem:$0x1FF40] =	vst v0;
	v0 =	vadd.s32 $0x71, v1  }
0x22: {  	s4 =	rddreg [dreg:$0x0];
	s1 =	srdreg.scid;
	v48 =	vadd.s32 $0x91, v1;
	[tilespmem:$0x1FF50] =	vst v0;
	v0 =	vadd.s32 $0x72, v1  }
0x23: {  	s0 =	stileid.u32;
	s5 =	rddreg [dreg:$0x1];
	s2 =	simm.s32 $0x0;
	v49 =	vadd.s32 $0x92, v1;
	v50 =	vadd.s32 $0xA8, v1;
	[tilespmem:$0x1FF60] =	vst v0;
	v0 =	vadd.s32 $0x73, v1  }
0x24: {  	s10 =	simm.s32 $0x2;
	s11 =	simm.s32 $0x380;
	s12 =	simm.s32 $0x3A0;
	v51 =	vadd.s32 $0xA9, v1;
	v52 =	vadd.s32 $0xAA, v1;
	[tilespmem:$0x1FF70] =	vst v0;
	v0 =	vadd.s32 $0x74, v1  }
0x25: {  	s13 =	simm.s32 $0x1;
	s14 =	simm.s32 $0x5A0;
	s15 =	simm.s32 $0x2620;
	v53 =	vadd.s32 $0xAB, v1;
	v54 =	vadd.s32 $0xAC, v1;
	[tilespmem:$0x1FF80] =	vst v0;
	v0 =	vadd.s32 $0x75, v1  }
0x26: {  	s16 =	simm.s32 $0x6620;
	s3 =	sand.u32 $0x1, s1;
	s1 =	rddreg [dreg:$0x2];
	v55 =	vadd.s32 $0xAD, v1;
	v56 =	vadd.s32 $0xAE, v1;
	[tilespmem:$0x1FF90] =	vst v0;
	v0 =	vadd.s32 $0x76, v1  }
0x27: {  	s17 =	simm.s32 $0x0;
	s6 =	sshll.u32 s0, $0x1;
	[smem:$0x7FF] =	sst s2;
	v57 =	vadd.s32 $0xC4, v1;
	v58 =	vadd.s32 $0xC5, v1;
	[tilespmem:$0x1FFA0] =	vst v0;
	v0 =	vadd.s32 $0x8C, v1  }
0x28: {  	s6 =	sor.u32 s3, s6;
	s8 =	ssub.s32 $0x2, s3;
	v59 =	vadd.s32 $0xC6, v1;
	v60 =	vadd.s32 $0xC7, v1;
	_ =	strace $0x80000047;
	[tilespmem:$0x1FFB0] =	vst v0;
	v0 =	vadd.s32 $0x8D, v1  }
0x29: {  	s3 =	sadd.s32 $0xA00, s4;
	s7 =	sshll.u32 s6, $0xA;
	s9 =	sshrl.u32 s8, $0x1;
	v61 =	vadd.s32 $0xC8, v1;
	v62 =	vadd.s32 $0xC9, v1;
	[tilespmem:$0x1FFC0] =	vst v0;
	v0 =	vadd.s32 $0x8E, v1  }
0x2a: {  	s6 =	sshll.u32 s6, $0xC;
	s7 =	sadd.s32 s7, s4;
	s4 =	sadd.s32 $0x8C00, s4;
	v63 =	vadd.s32 $0xCA, v1;
	v4 =	vor.u32 $0x1, v2;
	[tilespmem:$0x1FFD0] =	vst v0;
	v0 =	vadd.s32 $0x8F, v1  }
0x2b: {  	s8 =	ssub.s32 s8, s9;
	s5 =	sadd.s32 s5, s6;
	s9 =	simm.s32 $0x620;
	v6 =	vor.u32 $0x2, v2;
	v8 =	vor.u32 $0x3, v2;
	[tilespmem:$0x1FFE0] =	vst v0;
	v0 =	vadd.s32 $0x90, v1  }
0x2c: {  	v10 =	vor.u32 $0x4, v2;
	v12 =	vor.u32 $0x5, v2;
	v14 =	vor.u32 $0x6, v2;
	s6 =	sadd.s32 $0xC00, s7;
	s7 =	sadd.s32 $0x800, s5;
	s8 =	smax.u32 s8, $0x1;
	[tilespmem:$0x1FFF0] =	vst v0  }
.LBB2_1:
0x2d: {  	[tilespmem:s9], [sflag:$0x1] =	stream.linear.gather [hbm4b:s6+s2], $0x2000, $0x38;
	[tilespmem:$0xA620] =	vst v63  }
0x2e: {  	_ = 	snop  }
0x2f: {  	[tilespmem:s2], [sflag:$0x2] =	stream.linear.gather [hbm4b:s4+s2], $0x380, $0x38;
	[tilespmem:$0xA620] =	vst v63  }
0x30: {  	_ =	swait.ge [sflag:s10], $0x380  }
0x31: {  	[sflag:s10] =	ssyncset.done $0x0  }
0x32: {  	[sflag:s10] =	ssyncadd.s32 $0xFFFFFC80  }
0x33: {  	[tilespmem:s11], [sflag:$0x2] =	stream.linear.gather [hbm4b:s3+s2], $0x20, $0x38;
	[tilespmem:$0xA620] =	vst v63  }
0x34: {  	_ =	swait.ge [sflag:s10], $0x20  }
0x35: {  	v5 =	vld [tilespmem:$0x1FD90];
	_ =	sdelay $0x1  }
0x36: {  	v9 =	vld [tilespmem:$0x1FDA0];
	_ =	sdelay $0x1  }
0x37: {  	[sflag:s10] =	ssyncset.done $0x0;
	v13 =	vld [tilespmem:$0x1FDB0]  }
0x38: {  	v15 =	vld [tilespmem:$0x1FDC0];
	[sflag:s10] =	ssyncadd.s32 $0xFFFFFFE0  }
0x39: {  	v0 =	vld.idx.msk [tilespmem:v1+s2+$0x0], $0xffff  }
0x3a: {  	v3 =	vld.idx.msk [tilespmem:v2+s11+$0x0], $0xffff  }
0x3b: {  	v5 =	vld.idx.msk [tilespmem:v5+s2+$0x0], $0xffff  }
0x3c: {  	v7 =	vld.idx.msk [tilespmem:v4+s11+$0x0], $0xffff  }
0x3d: {  	v9 =	vld.idx.msk [tilespmem:v9+s2+$0x0], $0xffff  }
0x3e: {  	v11 =	vld.idx.msk [tilespmem:v6+s11+$0x0], $0xffff;
	v0 =	vcvt.s32.f32 v0  }
0x3f: {  	v13 =	vld.idx.msk [tilespmem:v13+s2+$0x0], $0xffff  }
0x40: {  	v0 =	vmul.f32 v0, v3;
	v3 =	vcvt.s32.f32 v5  }
0x41: {  	v16 =	vld [tilespmem:$0x1FDD0]  }
0x42: {  	v0 =	vadd.f32 $0.0e+00, v0;
	v3 =	vmul.f32 v3, v7;
	v7 =	vcvt.s32.f32 v9;
	_ =	sdelay $0x1  }
0x43: {  	v0 =	vadd.f32 v3, v0;
	v3 =	vmul.f32 v7, v11;
	v7 =	vcvt.s32.f32 v13;
	v13 =	vld [tilespmem:$0x1FDE0];
	_ =	sdelay $0x2  }
0x44: {  	v15 =	vld.idx.msk [tilespmem:v15+s2+$0x0], $0xffff  }
0x45: {  	v5 =	vld.idx.msk [tilespmem:v8+s11+$0x0], $0xffff  }
0x46: {  	v16 =	vld.idx.msk [tilespmem:v16+s2+$0x0], $0xffff  }
0x47: {  	v9 =	vld.idx.msk [tilespmem:v10+s11+$0x0], $0xffff  }
0x48: {  	v11 =	vld.idx.msk [tilespmem:v12+s11+$0x0], $0xffff  }
0x49: {  	v13 =	vld.idx.msk [tilespmem:v13+s2+$0x0], $0xffff  }
0x4a: {  	v0 =	vadd.f32 v3, v0;
	v3 =	vmul.f32 v7, v5;
	v5 =	vcvt.s32.f32 v15  }
0x4b: {  	v7 =	vld.idx.msk [tilespmem:v14+s11+$0x0], $0xffff  }
0x4c: {  	v0 =	vadd.f32 v3, v0;
	v3 =	vmul.f32 v5, v9;
	v5 =	vcvt.s32.f32 v16;
	_ =	sdelay $0x1  }
0x4d: {  	v0 =	vadd.f32 v3, v0;
	v3 =	vmul.f32 v5, v11;
	v5 =	vcvt.s32.f32 v13;
	_ =	sdelay $0x1  }
0x4e: {  	v0 =	vadd.f32 v3, v0;
	v3 =	vmul.f32 v5, v7;
	_ =	sdelay $0x1  }
0x4f: {  	v0 =	vadd.f32 v3, v0;
	_ =	sdelay $0x1  }
0x50: {  	v0 =	vtrunc.f32 v0  }
0x51: {  	v0 =	vcvt.f32.s32 v0;
	_ =	sdelay $0x1  }
0x52: {  	[tilespmem:$0x3A0] =	vst v0;
	v0 =	vld [tilespmem:$0x1FDF0];
	_ =	sdelay $0x1  }
0x53: {  	v5 =	vld [tilespmem:$0x1FE00];
	_ =	sdelay $0x1  }
0x54: {  	v9 =	vld [tilespmem:$0x1FE10];
	_ =	sdelay $0x1  }
0x55: {  	v13 =	vld [tilespmem:$0x1FE20]  }
0x56: {  	v15 =	vld [tilespmem:$0x1FE30]  }
0x57: {  	v0 =	vld.idx.msk [tilespmem:v0+s2+$0x0], $0xffff  }
0x58: {  	v3 =	vld.idx.msk [tilespmem:v2+s11+$0x0], $0xffff  }
0x59: {  	v5 =	vld.idx.msk [tilespmem:v5+s2+$0x0], $0xffff  }
0x5a: {  	v7 =	vld.idx.msk [tilespmem:v4+s11+$0x0], $0xffff  }
0x5b: {  	v9 =	vld.idx.msk [tilespmem:v9+s2+$0x0], $0xffff  }
0x5c: {  	v11 =	vld.idx.msk [tilespmem:v6+s11+$0x0], $0xffff;
	v0 =	vcvt.s32.f32 v0  }
0x5d: {  	v13 =	vld.idx.msk [tilespmem:v13+s2+$0x0], $0xffff  }
0x5e: {  	v0 =	vmul.f32 v0, v3;
	v3 =	vcvt.s32.f32 v5  }
0x5f: {  	v16 =	vld [tilespmem:$0x1FE40]  }
0x60: {  	v0 =	vadd.f32 $0.0e+00, v0;
	v3 =	vmul.f32 v3, v7;
	v7 =	vcvt.s32.f32 v9;
	_ =	sdelay $0x1  }
0x61: {  	v0 =	vadd.f32 v3, v0;
	v3 =	vmul.f32 v7, v11;
	v7 =	vcvt.s32.f32 v13;
	v13 =	vld [tilespmem:$0x1FE50];
	_ =	sdelay $0x2  }
0x62: {  	v15 =	vld.idx.msk [tilespmem:v15+s2+$0x0], $0xffff  }
0x63: {  	v5 =	vld.idx.msk [tilespmem:v8+s11+$0x0], $0xffff  }
0x64: {  	v16 =	vld.idx.msk [tilespmem:v16+s2+$0x0], $0xffff  }
0x65: {  	v9 =	vld.idx.msk [tilespmem:v10+s11+$0x0], $0xffff  }
0x66: {  	v11 =	vld.idx.msk [tilespmem:v12+s11+$0x0], $0xffff  }
0x67: {  	v13 =	vld.idx.msk [tilespmem:v13+s2+$0x0], $0xffff  }
0x68: {  	v0 =	vadd.f32 v3, v0;
	v3 =	vmul.f32 v7, v5;
	v5 =	vcvt.s32.f32 v15  }
0x69: {  	v7 =	vld.idx.msk [tilespmem:v14+s11+$0x0], $0xffff  }
0x6a: {  	v0 =	vadd.f32 v3, v0;
	v3 =	vmul.f32 v5, v9;
	v5 =	vcvt.s32.f32 v16;
	_ =	sdelay $0x1  }
0x6b: {  	v0 =	vadd.f32 v3, v0;
	v3 =	vmul.f32 v5, v11;
	v5 =	vcvt.s32.f32 v13;
	_ =	sdelay $0x1  }
0x6c: {  	v0 =	vadd.f32 v3, v0;
	v3 =	vmul.f32 v5, v7;
	_ =	sdelay $0x1  }
0x6d: {  	v0 =	vadd.f32 v3, v0;
	_ =	sdelay $0x1  }
0x6e: {  	v0 =	vtrunc.f32 v0  }
0x6f: {  	v0 =	vcvt.f32.s32 v0;
	_ =	sdelay $0x1  }
0x70: {  	[tilespmem:$0x3B0] =	vst v0;
	v0 =	vld [tilespmem:$0x1FE60];
	_ =	sdelay $0x1  }
0x71: {  	v5 =	vld [tilespmem:$0x1FE70];
	_ =	sdelay $0x1  }
0x72: {  	v9 =	vld [tilespmem:$0x1FE80];
	_ =	sdelay $0x1  }
0x73: {  	v13 =	vld [tilespmem:$0x1FE90]  }
0x74: {  	v15 =	vld [tilespmem:$0x1FEA0]  }
0x75: {  	v0 =	vld.idx.msk [tilespmem:v0+s2+$0x0], $0xffff  }
0x76: {  	v3 =	vld.idx.msk [tilespmem:v2+s11+$0x0], $0xffff  }
0x77: {  	v5 =	vld.idx.msk [tilespmem:v5+s2+$0x0], $0xffff  }
0x78: {  	v7 =	vld.idx.msk [tilespmem:v4+s11+$0x0], $0xffff  }
0x79: {  	v9 =	vld.idx.msk [tilespmem:v9+s2+$0x0], $0xffff  }
0x7a: {  	v11 =	vld.idx.msk [tilespmem:v6+s11+$0x0], $0xffff;
	v0 =	vcvt.s32.f32 v0  }
0x7b: {  	v13 =	vld.idx.msk [tilespmem:v13+s2+$0x0], $0xffff  }
0x7c: {  	v0 =	vmul.f32 v0, v3;
	v3 =	vcvt.s32.f32 v5  }
0x7d: {  	v16 =	vld [tilespmem:$0x1FEB0]  }
0x7e: {  	v0 =	vadd.f32 $0.0e+00, v0;
	v3 =	vmul.f32 v3, v7;
	v7 =	vcvt.s32.f32 v9;
	_ =	sdelay $0x1  }
0x7f: {  	v0 =	vadd.f32 v3, v0;
	v3 =	vmul.f32 v7, v11;
	v7 =	vcvt.s32.f32 v13;
	v13 =	vld [tilespmem:$0x1FEC0];
	_ =	sdelay $0x2  }
0x80: {  	v15 =	vld.idx.msk [tilespmem:v15+s2+$0x0], $0xffff  }
0x81: {  	v5 =	vld.idx.msk [tilespmem:v8+s11+$0x0], $0xffff  }
0x82: {  	v16 =	vld.idx.msk [tilespmem:v16+s2+$0x0], $0xffff  }
0x83: {  	v9 =	vld.idx.msk [tilespmem:v10+s11+$0x0], $0xffff  }
0x84: {  	v11 =	vld.idx.msk [tilespmem:v12+s11+$0x0], $0xffff  }
0x85: {  	v13 =	vld.idx.msk [tilespmem:v13+s2+$0x0], $0xffff  }
0x86: {  	v0 =	vadd.f32 v3, v0;
	v3 =	vmul.f32 v7, v5;
	v5 =	vcvt.s32.f32 v15  }
0x87: {  	v7 =	vld.idx.msk [tilespmem:v14+s11+$0x0], $0xffff  }
0x88: {  	v0 =	vadd.f32 v3, v0;
	v3 =	vmul.f32 v5, v9;
	v5 =	vcvt.s32.f32 v16;
	_ =	sdelay $0x1  }
0x89: {  	v0 =	vadd.f32 v3, v0;
	v3 =	vmul.f32 v5, v11;
	v5 =	vcvt.s32.f32 v13;
	_ =	sdelay $0x1  }
0x8a: {  	v0 =	vadd.f32 v3, v0;
	v3 =	vmul.f32 v5, v7;
	_ =	sdelay $0x1  }
0x8b: {  	v0 =	vadd.f32 v3, v0;
	_ =	sdelay $0x1  }
0x8c: {  	v0 =	vtrunc.f32 v0  }
0x8d: {  	v0 =	vcvt.f32.s32 v0;
	_ =	sdelay $0x1  }
0x8e: {  	[tilespmem:$0x3C0] =	vst v0;
	v0 =	vld [tilespmem:$0x1FED0];
	_ =	sdelay $0x1  }
0x8f: {  	v5 =	vld [tilespmem:$0x1FEE0];
	_ =	sdelay $0x1  }
0x90: {  	v9 =	vld [tilespmem:$0x1FEF0];
	_ =	sdelay $0x1  }
0x91: {  	v13 =	vld [tilespmem:$0x1FF00]  }
0x92: {  	v15 =	vld [tilespmem:$0x1FF10]  }
0x93: {  	v0 =	vld.idx.msk [tilespmem:v0+s2+$0x0], $0xffff  }
0x94: {  	v3 =	vld.idx.msk [tilespmem:v2+s11+$0x0], $0xffff  }
0x95: {  	v5 =	vld.idx.msk [tilespmem:v5+s2+$0x0], $0xffff  }
0x96: {  	v7 =	vld.idx.msk [tilespmem:v4+s11+$0x0], $0xffff  }
0x97: {  	v9 =	vld.idx.msk [tilespmem:v9+s2+$0x0], $0xffff  }
0x98: {  	v11 =	vld.idx.msk [tilespmem:v6+s11+$0x0], $0xffff;
	v0 =	vcvt.s32.f32 v0  }
0x99: {  	v13 =	vld.idx.msk [tilespmem:v13+s2+$0x0], $0xffff  }
0x9a: {  	v0 =	vmul.f32 v0, v3;
	v3 =	vcvt.s32.f32 v5  }
0x9b: {  	v16 =	vld [tilespmem:$0x1FF20]  }
0x9c: {  	v0 =	vadd.f32 $0.0e+00, v0;
	v3 =	vmul.f32 v3, v7;
	v7 =	vcvt.s32.f32 v9;
	_ =	sdelay $0x1  }
0x9d: {  	v0 =	vadd.f32 v3, v0;
	v3 =	vmul.f32 v7, v11;
	v7 =	vcvt.s32.f32 v13;
	v13 =	vld [tilespmem:$0x1FF30];
	_ =	sdelay $0x2  }
0x9e: {  	v15 =	vld.idx.msk [tilespmem:v15+s2+$0x0], $0xffff  }
0x9f: {  	v5 =	vld.idx.msk [tilespmem:v8+s11+$0x0], $0xffff  }
0xa0: {  	v16 =	vld.idx.msk [tilespmem:v16+s2+$0x0], $0xffff  }
0xa1: {  	v9 =	vld.idx.msk [tilespmem:v10+s11+$0x0], $0xffff  }
0xa2: {  	v11 =	vld.idx.msk [tilespmem:v12+s11+$0x0], $0xffff  }
0xa3: {  	v13 =	vld.idx.msk [tilespmem:v13+s2+$0x0], $0xffff  }
0xa4: {  	v0 =	vadd.f32 v3, v0;
	v3 =	vmul.f32 v7, v5;
	v5 =	vcvt.s32.f32 v15  }
0xa5: {  	v7 =	vld.idx.msk [tilespmem:v14+s11+$0x0], $0xffff  }
0xa6: {  	v0 =	vadd.f32 v3, v0;
	v3 =	vmul.f32 v5, v9;
	v5 =	vcvt.s32.f32 v16;
	_ =	sdelay $0x1  }
0xa7: {  	v0 =	vadd.f32 v3, v0;
	v3 =	vmul.f32 v5, v11;
	v5 =	vcvt.s32.f32 v13;
	_ =	sdelay $0x1  }
0xa8: {  	v0 =	vadd.f32 v3, v0;
	v3 =	vmul.f32 v5, v7;
	_ =	sdelay $0x1  }
0xa9: {  	v0 =	vadd.f32 v3, v0;
	_ =	sdelay $0x1  }
0xaa: {  	v0 =	vtrunc.f32 v0  }
0xab: {  	v0 =	vcvt.f32.s32 v0;
	_ =	sdelay $0x1  }
0xac: {  	[tilespmem:$0x3D0] =	vst v0;
	v0 =	vld [tilespmem:$0x1FF40];
	_ =	sdelay $0x1  }
0xad: {  	v5 =	vld [tilespmem:$0x1FF50];
	_ =	sdelay $0x1  }
0xae: {  	v9 =	vld [tilespmem:$0x1FF60];
	_ =	sdelay $0x1  }
0xaf: {  	v13 =	vld [tilespmem:$0x1FF70]  }
0xb0: {  	v15 =	vld [tilespmem:$0x1FF80]  }
0xb1: {  	v0 =	vld.idx.msk [tilespmem:v0+s2+$0x0], $0xffff  }
0xb2: {  	v3 =	vld.idx.msk [tilespmem:v2+s11+$0x0], $0xffff  }
0xb3: {  	v5 =	vld.idx.msk [tilespmem:v5+s2+$0x0], $0xffff  }
0xb4: {  	v7 =	vld.idx.msk [tilespmem:v4+s11+$0x0], $0xffff  }
0xb5: {  	v9 =	vld.idx.msk [tilespmem:v9+s2+$0x0], $0xffff  }
0xb6: {  	v11 =	vld.idx.msk [tilespmem:v6+s11+$0x0], $0xffff;
	v0 =	vcvt.s32.f32 v0  }
0xb7: {  	v13 =	vld.idx.msk [tilespmem:v13+s2+$0x0], $0xffff  }
0xb8: {  	v0 =	vmul.f32 v0, v3;
	v3 =	vcvt.s32.f32 v5  }
0xb9: {  	v16 =	vld [tilespmem:$0x1FF90]  }
0xba: {  	v0 =	vadd.f32 $0.0e+00, v0;
	v3 =	vmul.f32 v3, v7;
	v7 =	vcvt.s32.f32 v9;
	_ =	sdelay $0x1  }
0xbb: {  	v0 =	vadd.f32 v3, v0;
	v3 =	vmul.f32 v7, v11;
	v7 =	vcvt.s32.f32 v13;
	v13 =	vld [tilespmem:$0x1FFA0];
	_ =	sdelay $0x2  }
0xbc: {  	v15 =	vld.idx.msk [tilespmem:v15+s2+$0x0], $0xffff  }
0xbd: {  	v5 =	vld.idx.msk [tilespmem:v8+s11+$0x0], $0xffff  }
0xbe: {  	v16 =	vld.idx.msk [tilespmem:v16+s2+$0x0], $0xffff  }
0xbf: {  	v9 =	vld.idx.msk [tilespmem:v10+s11+$0x0], $0xffff  }
0xc0: {  	v11 =	vld.idx.msk [tilespmem:v12+s11+$0x0], $0xffff  }
0xc1: {  	v13 =	vld.idx.msk [tilespmem:v13+s2+$0x0], $0xffff  }
0xc2: {  	v0 =	vadd.f32 v3, v0;
	v3 =	vmul.f32 v7, v5;
	v5 =	vcvt.s32.f32 v15  }
0xc3: {  	v7 =	vld.idx.msk [tilespmem:v14+s11+$0x0], $0xffff  }
0xc4: {  	v0 =	vadd.f32 v3, v0;
	v3 =	vmul.f32 v5, v9;
	v5 =	vcvt.s32.f32 v16;
	_ =	sdelay $0x1  }
0xc5: {  	v0 =	vadd.f32 v3, v0;
	v3 =	vmul.f32 v5, v11;
	v5 =	vcvt.s32.f32 v13;
	_ =	sdelay $0x1  }
0xc6: {  	v0 =	vadd.f32 v3, v0;
	v3 =	vmul.f32 v5, v7;
	_ =	sdelay $0x1  }
0xc7: {  	v0 =	vadd.f32 v3, v0;
	_ =	sdelay $0x1  }
0xc8: {  	v0 =	vtrunc.f32 v0  }
0xc9: {  	v0 =	vcvt.f32.s32 v0;
	_ =	sdelay $0x1  }
0xca: {  	[tilespmem:$0x3E0] =	vst v0;
	v0 =	vld [tilespmem:$0x1FFB0];
	_ =	sdelay $0x1  }
0xcb: {  	v5 =	vld [tilespmem:$0x1FFC0];
	_ =	sdelay $0x1  }
0xcc: {  	v9 =	vld [tilespmem:$0x1FFD0];
	_ =	sdelay $0x1  }
0xcd: {  	v13 =	vld [tilespmem:$0x1FFE0]  }
0xce: {  	v15 =	vld [tilespmem:$0x1FFF0]  }
0xcf: {  	v0 =	vld.idx.msk [tilespmem:v0+s2+$0x0], $0xffff  }
0xd0: {  	v3 =	vld.idx.msk [tilespmem:v2+s11+$0x0], $0xffff  }
0xd1: {  	v5 =	vld.idx.msk [tilespmem:v5+s2+$0x0], $0xffff  }
0xd2: {  	v7 =	vld.idx.msk [tilespmem:v4+s11+$0x0], $0xffff  }
0xd3: {  	v9 =	vld.idx.msk [tilespmem:v9+s2+$0x0], $0xffff  }
0xd4: {  	v11 =	vld.idx.msk [tilespmem:v6+s11+$0x0], $0xffff;
	v0 =	vcvt.s32.f32 v0  }
0xd5: {  	v13 =	vld.idx.msk [tilespmem:v13+s2+$0x0], $0xffff  }
0xd6: {  	v15 =	vld.idx.msk [tilespmem:v15+s2+$0x0], $0xffff;
	v0 =	vmul.f32 v0, v3;
	v3 =	vcvt.s32.f32 v5  }
0xd7: {  	v5 =	vld.idx.msk [tilespmem:v8+s11+$0x0], $0xffff  }
0xd8: {  	v16 =	vld.idx.msk [tilespmem:v48+s2+$0x0], $0xffff;
	v0 =	vadd.f32 $0.0e+00, v0;
	v3 =	vmul.f32 v3, v7;
	v7 =	vcvt.s32.f32 v9  }
0xd9: {  	v9 =	vld.idx.msk [tilespmem:v10+s11+$0x0], $0xffff  }
0xda: {  	v0 =	vadd.f32 v3, v0;
	v3 =	vmul.f32 v7, v11;
	v7 =	vcvt.s32.f32 v13;
	v11 =	vld.idx.msk [tilespmem:v12+s11+$0x0], $0xffff  }
0xdb: {  	v13 =	vld.idx.msk [tilespmem:v49+s2+$0x0], $0xffff  }
0xdc: {  	v0 =	vadd.f32 v3, v0;
	v3 =	vmul.f32 v7, v5;
	v5 =	vcvt.s32.f32 v15  }
0xdd: {  	v7 =	vld.idx.msk [tilespmem:v14+s11+$0x0], $0xffff  }
0xde: {  	v0 =	vadd.f32 v3, v0;
	v3 =	vmul.f32 v5, v9;
	v5 =	vcvt.s32.f32 v16;
	_ =	sdelay $0x1  }
0xdf: {  	v0 =	vadd.f32 v3, v0;
	v3 =	vmul.f32 v5, v11;
	v5 =	vcvt.s32.f32 v13;
	_ =	sdelay $0x1  }
0xe0: {  	v0 =	vadd.f32 v3, v0;
	v3 =	vmul.f32 v5, v7;
	_ =	sdelay $0x1  }
0xe1: {  	v0 =	vadd.f32 v3, v0;
	_ =	sdelay $0x1  }
0xe2: {  	v0 =	vtrunc.f32 v0  }
0xe3: {  	v0 =	vcvt.f32.s32 v0;
	_ =	sdelay $0x1  }
0xe4: {  	[tilespmem:$0x3F0] =	vst v0  }
0xe5: {  	v0 =	vld.idx.msk [tilespmem:v50+s2+$0x0], $0xffff  }
0xe6: {  	v3 =	vld.idx.msk [tilespmem:v2+s11+$0x0], $0xffff  }
0xe7: {  	v5 =	vld.idx.msk [tilespmem:v51+s2+$0x0], $0xffff  }
0xe8: {  	v7 =	vld.idx.msk [tilespmem:v4+s11+$0x0], $0xffff  }
0xe9: {  	v9 =	vld.idx.msk [tilespmem:v52+s2+$0x0], $0xffff  }
0xea: {  	v11 =	vld.idx.msk [tilespmem:v6+s11+$0x0], $0xffff;
	v0 =	vcvt.s32.f32 v0  }
0xeb: {  	v13 =	vld.idx.msk [tilespmem:v53+s2+$0x0], $0xffff  }
0xec: {  	v0 =	vmul.f32 v0, v3;
	v3 =	vcvt.s32.f32 v5;
	v5 =	vld.idx.msk [tilespmem:v8+s11+$0x0], $0xffff  }
0xed: {  	v15 =	vld.idx.msk [tilespmem:v54+s2+$0x0], $0xffff  }
0xee: {  	v16 =	vld.idx.msk [tilespmem:v55+s2+$0x0], $0xffff;
	v0 =	vadd.f32 $0.0e+00, v0;
	v3 =	vmul.f32 v3, v7;
	v7 =	vcvt.s32.f32 v9  }
0xef: {  	v9 =	vld.idx.msk [tilespmem:v10+s11+$0x0], $0xffff  }
0xf0: {  	v0 =	vadd.f32 v3, v0;
	v3 =	vmul.f32 v7, v11;
	v7 =	vcvt.s32.f32 v13;
	v11 =	vld.idx.msk [tilespmem:v12+s11+$0x0], $0xffff  }
0xf1: {  	v13 =	vld.idx.msk [tilespmem:v56+s2+$0x0], $0xffff  }
0xf2: {  	v0 =	vadd.f32 v3, v0;
	v3 =	vmul.f32 v7, v5;
	v5 =	vcvt.s32.f32 v15  }
0xf3: {  	v7 =	vld.idx.msk [tilespmem:v14+s11+$0x0], $0xffff  }
0xf4: {  	v0 =	vadd.f32 v3, v0;
	v3 =	vmul.f32 v5, v9;
	v5 =	vcvt.s32.f32 v16;
	_ =	sdelay $0x1  }
0xf5: {  	v0 =	vadd.f32 v3, v0;
	v3 =	vmul.f32 v5, v11;
	v5 =	vcvt.s32.f32 v13;
	_ =	sdelay $0x1  }
0xf6: {  	v0 =	vadd.f32 v3, v0;
	v3 =	vmul.f32 v5, v7;
	_ =	sdelay $0x1  }
0xf7: {  	v0 =	vadd.f32 v3, v0;
	_ =	sdelay $0x1  }
0xf8: {  	v0 =	vtrunc.f32 v0  }
0xf9: {  	v0 =	vcvt.f32.s32 v0;
	_ =	sdelay $0x1  }
0xfa: {  	[tilespmem:$0x400] =	vst v0  }
0xfb: {  	v0 =	vld.idx.msk [tilespmem:v57+s2+$0x0], $0xffff  }
0xfc: {  	v3 =	vld.idx.msk [tilespmem:v2+s11+$0x0], $0xffff  }
0xfd: {  	v5 =	vld.idx.msk [tilespmem:v58+s2+$0x0], $0xffff  }
0xfe: {  	v7 =	vld.idx.msk [tilespmem:v4+s11+$0x0], $0xffff  }
0xff: {  	v9 =	vld.idx.msk [tilespmem:v59+s2+$0x0], $0xffff  }
0x100: {  	v11 =	vld.idx.msk [tilespmem:v6+s11+$0x0], $0xffff;
	v0 =	vcvt.s32.f32 v0  }
0x101: {  	v13 =	vld.idx.msk [tilespmem:v60+s2+$0x0], $0xffff  }
0x102: {  	v15 =	vld.idx.msk [tilespmem:v61+s2+$0x0], $0xffff;
	v0 =	vmul.f32 v0, v3;
	v3 =	vcvt.s32.f32 v5  }
0x103: {  	v5 =	vld.idx.msk [tilespmem:v8+s11+$0x0], $0xffff  }
0x104: {  	v16 =	vld.idx.msk [tilespmem:v62+s2+$0x0], $0xffff;
	v0 =	vadd.f32 $0.0e+00, v0;
	v3 =	vmul.f32 v3, v7;
	v7 =	vcvt.s32.f32 v9  }
0x105: {  	v9 =	vld.idx.msk [tilespmem:v10+s11+$0x0], $0xffff  }
0x106: {  	v0 =	vadd.f32 v3, v0;
	v3 =	vmul.f32 v7, v11;
	v7 =	vcvt.s32.f32 v13;
	v11 =	vld.idx.msk [tilespmem:v12+s11+$0x0], $0xffff  }
0x107: {  	v13 =	vld.idx.msk [tilespmem:v63+s2+$0x0], $0xffff  }
0x108: {  	v0 =	vadd.f32 v3, v0;
	v3 =	vmul.f32 v7, v5;
	v5 =	vcvt.s32.f32 v15  }
0x109: {  	v7 =	vld.idx.msk [tilespmem:v14+s11+$0x0], $0xffff  }
0x10a: {  	v0 =	vadd.f32 v3, v0;
	v3 =	vmul.f32 v5, v9;
	v5 =	vcvt.s32.f32 v16;
	_ =	sdelay $0x1  }
0x10b: {  	v0 =	vadd.f32 v3, v0;
	v3 =	vmul.f32 v5, v11;
	v5 =	vcvt.s32.f32 v13;
	_ =	sdelay $0x1  }
0x10c: {  	v0 =	vadd.f32 v3, v0;
	v3 =	vmul.f32 v5, v7;
	_ =	sdelay $0x1  }
0x10d: {  	v0 =	vadd.f32 v3, v0  }
0x10e: {  	v3 =	vor.u32 $0xE0, v1  }
0x10f: {  	v0 =	vtrunc.f32 v0  }
0x110: {  	v5 =	vadd.s32 $0xE1, v1;
	v0 =	vcvt.f32.s32 v0;
	_ =	sdelay $0x1  }
0x111: {  	[tilespmem:$0x410] =	vst v0;
	v0 =	vadd.s32 $0xE2, v1  }
0x112: {  	v3 =	vld.idx.msk [tilespmem:v3+s2+$0x0], $0xffff  }
0x113: {  	v9 =	vadd.s32 $0xE3, v1;
	v7 =	vld.idx.msk [tilespmem:v2+s11+$0x0], $0xffff  }
0x114: {  	v13 =	vadd.s32 $0xE4, v1;
	v5 =	vld.idx.msk [tilespmem:v5+s2+$0x0], $0xffff  }
0x115: {  	v11 =	vld.idx.msk [tilespmem:v4+s11+$0x0], $0xffff  }
0x116: {  	v16 =	vadd.s32 $0xE5, v1;
	v0 =	vld.idx.msk [tilespmem:v0+s2+$0x0], $0xffff  }
0x117: {  	v15 =	vld.idx.msk [tilespmem:v6+s11+$0x0], $0xffff;
	v3 =	vcvt.s32.f32 v3  }
0x118: {  	v9 =	vld.idx.msk [tilespmem:v9+s2+$0x0], $0xffff  }
0x119: {  	v17 =	vadd.s32 $0xE6, v1;
	v13 =	vld.idx.msk [tilespmem:v13+s2+$0x0], $0xffff;
	v5 =	vcvt.s32.f32 v5;
	v3 =	vmul.f32 v3, v7  }
0x11a: {  	v7 =	vld.idx.msk [tilespmem:v8+s11+$0x0], $0xffff  }
0x11b: {  	v16 =	vld.idx.msk [tilespmem:v16+s2+$0x0], $0xffff;
	v5 =	vmul.f32 v5, v11;
	v3 =	vadd.f32 $0.0e+00, v3;
	v0 =	vcvt.s32.f32 v0  }
0x11c: {  	v11 =	vld.idx.msk [tilespmem:v10+s11+$0x0], $0xffff  }
0x11d: {  	v3 =	vadd.f32 v5, v3;
	v0 =	vmul.f32 v0, v15;
	v5 =	vcvt.s32.f32 v9;
	v9 =	vld.idx.msk [tilespmem:v12+s11+$0x0], $0xffff  }
0x11e: {  	v15 =	vld.idx.msk [tilespmem:v17+s2+$0x0], $0xffff  }
0x11f: {  	v0 =	vadd.f32 v0, v3;
	v3 =	vmul.f32 v5, v7;
	v5 =	vcvt.s32.f32 v13  }
0x120: {  	v7 =	vld.idx.msk [tilespmem:v14+s11+$0x0], $0xffff  }
0x121: {  	v0 =	vadd.f32 v3, v0;
	v3 =	vmul.f32 v5, v11;
	v5 =	vcvt.s32.f32 v16;
	_ =	sdelay $0x1  }
0x122: {  	v0 =	vadd.f32 v3, v0;
	v3 =	vmul.f32 v5, v9;
	v5 =	vcvt.s32.f32 v15;
	_ =	sdelay $0x1  }
0x123: {  	v0 =	vadd.f32 v3, v0;
	v3 =	vmul.f32 v5, v7;
	_ =	sdelay $0x1  }
0x124: {  	v0 =	vadd.f32 v3, v0  }
0x125: {  	v3 =	vadd.s32 $0xFC, v1  }
0x126: {  	v0 =	vtrunc.f32 v0  }
0x127: {  	v5 =	vadd.s32 $0xFD, v1;
	v0 =	vcvt.f32.s32 v0;
	_ =	sdelay $0x1  }
0x128: {  	[tilespmem:$0x420] =	vst v0;
	v0 =	vadd.s32 $0xFE, v1  }
0x129: {  	v3 =	vld.idx.msk [tilespmem:v3+s2+$0x0], $0xffff  }
0x12a: {  	v9 =	vadd.s32 $0xFF, v1;
	v7 =	vld.idx.msk [tilespmem:v2+s11+$0x0], $0xffff  }
0x12b: {  	v13 =	vor.u32 $0x100, v1;
	v5 =	vld.idx.msk [tilespmem:v5+s2+$0x0], $0xffff  }
0x12c: {  	v11 =	vld.idx.msk [tilespmem:v4+s11+$0x0], $0xffff  }
0x12d: {  	v16 =	vadd.s32 $0x101, v1;
	v0 =	vld.idx.msk [tilespmem:v0+s2+$0x0], $0xffff  }
0x12e: {  	v15 =	vld.idx.msk [tilespmem:v6+s11+$0x0], $0xffff;
	v3 =	vcvt.s32.f32 v3  }
0x12f: {  	v9 =	vld.idx.msk [tilespmem:v9+s2+$0x0], $0xffff  }
0x130: {  	v17 =	vadd.s32 $0x102, v1;
	v13 =	vld.idx.msk [tilespmem:v13+s2+$0x0], $0xffff;
	v5 =	vcvt.s32.f32 v5;
	v3 =	vmul.f32 v3, v7  }
0x131: {  	v7 =	vld.idx.msk [tilespmem:v8+s11+$0x0], $0xffff  }
0x132: {  	v16 =	vld.idx.msk [tilespmem:v16+s2+$0x0], $0xffff;
	v5 =	vmul.f32 v5, v11;
	v3 =	vadd.f32 $0.0e+00, v3;
	v0 =	vcvt.s32.f32 v0  }
0x133: {  	v11 =	vld.idx.msk [tilespmem:v10+s11+$0x0], $0xffff  }
0x134: {  	v3 =	vadd.f32 v5, v3;
	v0 =	vmul.f32 v0, v15;
	v5 =	vcvt.s32.f32 v9;
	v9 =	vld.idx.msk [tilespmem:v12+s11+$0x0], $0xffff  }
0x135: {  	v15 =	vld.idx.msk [tilespmem:v17+s2+$0x0], $0xffff  }
0x136: {  	v0 =	vadd.f32 v0, v3;
	v3 =	vmul.f32 v5, v7;
	v5 =	vcvt.s32.f32 v13  }
0x137: {  	v7 =	vld.idx.msk [tilespmem:v14+s11+$0x0], $0xffff  }
0x138: {  	v0 =	vadd.f32 v3, v0;
	v3 =	vmul.f32 v5, v11;
	v5 =	vcvt.s32.f32 v16;
	_ =	sdelay $0x1  }
0x139: {  	v0 =	vadd.f32 v3, v0;
	v3 =	vmul.f32 v5, v9;
	v5 =	vcvt.s32.f32 v15;
	_ =	sdelay $0x1  }
0x13a: {  	v0 =	vadd.f32 v3, v0;
	v3 =	vmul.f32 v5, v7;
	_ =	sdelay $0x1  }
0x13b: {  	v0 =	vadd.f32 v3, v0  }
0x13c: {  	v3 =	vadd.s32 $0x118, v1  }
0x13d: {  	v0 =	vtrunc.f32 v0  }
0x13e: {  	v5 =	vadd.s32 $0x119, v1;
	v0 =	vcvt.f32.s32 v0;
	_ =	sdelay $0x1  }
0x13f: {  	[tilespmem:$0x430] =	vst v0;
	v0 =	vadd.s32 $0x11A, v1  }
0x140: {  	v3 =	vld.idx.msk [tilespmem:v3+s2+$0x0], $0xffff  }
0x141: {  	v9 =	vadd.s32 $0x11B, v1;
	v7 =	vld.idx.msk [tilespmem:v2+s11+$0x0], $0xffff  }
0x142: {  	v13 =	vadd.s32 $0x11C, v1;
	v5 =	vld.idx.msk [tilespmem:v5+s2+$0x0], $0xffff  }
0x143: {  	v11 =	vld.idx.msk [tilespmem:v4+s11+$0x0], $0xffff  }
0x144: {  	v16 =	vadd.s32 $0x11D, v1;
	v0 =	vld.idx.msk [tilespmem:v0+s2+$0x0], $0xffff  }
0x145: {  	v15 =	vld.idx.msk [tilespmem:v6+s11+$0x0], $0xffff;
	v3 =	vcvt.s32.f32 v3  }
0x146: {  	v9 =	vld.idx.msk [tilespmem:v9+s2+$0x0], $0xffff  }
0x147: {  	v17 =	vadd.s32 $0x11E, v1;
	v13 =	vld.idx.msk [tilespmem:v13+s2+$0x0], $0xffff;
	v5 =	vcvt.s32.f32 v5;
	v3 =	vmul.f32 v3, v7  }
0x148: {  	v7 =	vld.idx.msk [tilespmem:v8+s11+$0x0], $0xffff  }
0x149: {  	v16 =	vld.idx.msk [tilespmem:v16+s2+$0x0], $0xffff;
	v5 =	vmul.f32 v5, v11;
	v3 =	vadd.f32 $0.0e+00, v3;
	v0 =	vcvt.s32.f32 v0  }
0x14a: {  	v11 =	vld.idx.msk [tilespmem:v10+s11+$0x0], $0xffff  }
0x14b: {  	v3 =	vadd.f32 v5, v3;
	v0 =	vmul.f32 v0, v15;
	v5 =	vcvt.s32.f32 v9;
	v9 =	vld.idx.msk [tilespmem:v12+s11+$0x0], $0xffff  }
0x14c: {  	v15 =	vld.idx.msk [tilespmem:v17+s2+$0x0], $0xffff  }
0x14d: {  	v0 =	vadd.f32 v0, v3;
	v3 =	vmul.f32 v5, v7;
	v5 =	vcvt.s32.f32 v13  }
0x14e: {  	v7 =	vld.idx.msk [tilespmem:v14+s11+$0x0], $0xffff  }
0x14f: {  	v0 =	vadd.f32 v3, v0;
	v3 =	vmul.f32 v5, v11;
	v5 =	vcvt.s32.f32 v16;
	_ =	sdelay $0x1  }
0x150: {  	v0 =	vadd.f32 v3, v0;
	v3 =	vmul.f32 v5, v9;
	v5 =	vcvt.s32.f32 v15;
	_ =	sdelay $0x1  }
0x151: {  	v0 =	vadd.f32 v3, v0;
	v3 =	vmul.f32 v5, v7;
	_ =	sdelay $0x1  }
0x152: {  	v0 =	vadd.f32 v3, v0  }
0x153: {  	v3 =	vadd.s32 $0x134, v1  }
0x154: {  	v0 =	vtrunc.f32 v0  }
0x155: {  	v5 =	vadd.s32 $0x135, v1;
	v0 =	vcvt.f32.s32 v0;
	_ =	sdelay $0x1  }
0x156: {  	[tilespmem:$0x440] =	vst v0;
	v0 =	vadd.s32 $0x136, v1  }
0x157: {  	v3 =	vld.idx.msk [tilespmem:v3+s2+$0x0], $0xffff  }
0x158: {  	v9 =	vadd.s32 $0x137, v1;
	v7 =	vld.idx.msk [tilespmem:v2+s11+$0x0], $0xffff  }
0x159: {  	v13 =	vadd.s32 $0x138, v1;
	v5 =	vld.idx.msk [tilespmem:v5+s2+$0x0], $0xffff  }
0x15a: {  	v11 =	vld.idx.msk [tilespmem:v4+s11+$0x0], $0xffff  }
0x15b: {  	v16 =	vadd.s32 $0x139, v1;
	v0 =	vld.idx.msk [tilespmem:v0+s2+$0x0], $0xffff  }
0x15c: {  	v15 =	vld.idx.msk [tilespmem:v6+s11+$0x0], $0xffff;
	v3 =	vcvt.s32.f32 v3  }
0x15d: {  	v9 =	vld.idx.msk [tilespmem:v9+s2+$0x0], $0xffff  }
0x15e: {  	v17 =	vadd.s32 $0x13A, v1;
	v13 =	vld.idx.msk [tilespmem:v13+s2+$0x0], $0xffff;
	v5 =	vcvt.s32.f32 v5;
	v3 =	vmul.f32 v3, v7  }
0x15f: {  	v7 =	vld.idx.msk [tilespmem:v8+s11+$0x0], $0xffff  }
0x160: {  	v16 =	vld.idx.msk [tilespmem:v16+s2+$0x0], $0xffff;
	v5 =	vmul.f32 v5, v11;
	v3 =	vadd.f32 $0.0e+00, v3;
	v0 =	vcvt.s32.f32 v0  }
0x161: {  	v11 =	vld.idx.msk [tilespmem:v10+s11+$0x0], $0xffff  }
0x162: {  	v3 =	vadd.f32 v5, v3;
	v0 =	vmul.f32 v0, v15;
	v5 =	vcvt.s32.f32 v9;
	v9 =	vld.idx.msk [tilespmem:v12+s11+$0x0], $0xffff  }
0x163: {  	v15 =	vld.idx.msk [tilespmem:v17+s2+$0x0], $0xffff  }
0x164: {  	v0 =	vadd.f32 v0, v3;
	v3 =	vmul.f32 v5, v7;
	v5 =	vcvt.s32.f32 v13  }
0x165: {  	v7 =	vld.idx.msk [tilespmem:v14+s11+$0x0], $0xffff  }
0x166: {  	v0 =	vadd.f32 v3, v0;
	v3 =	vmul.f32 v5, v11;
	v5 =	vcvt.s32.f32 v16;
	_ =	sdelay $0x1  }
0x167: {  	v0 =	vadd.f32 v3, v0;
	v3 =	vmul.f32 v5, v9;
	v5 =	vcvt.s32.f32 v15;
	_ =	sdelay $0x1  }
0x168: {  	v0 =	vadd.f32 v3, v0;
	v3 =	vmul.f32 v5, v7;
	_ =	sdelay $0x1  }
0x169: {  	v0 =	vadd.f32 v3, v0  }
0x16a: {  	v3 =	vadd.s32 $0x150, v1  }
0x16b: {  	v0 =	vtrunc.f32 v0  }
0x16c: {  	v5 =	vadd.s32 $0x151, v1;
	v0 =	vcvt.f32.s32 v0;
	_ =	sdelay $0x1  }
0x16d: {  	[tilespmem:$0x450] =	vst v0;
	v0 =	vadd.s32 $0x152, v1  }
0x16e: {  	v3 =	vld.idx.msk [tilespmem:v3+s2+$0x0], $0xffff  }
0x16f: {  	v9 =	vadd.s32 $0x153, v1;
	v7 =	vld.idx.msk [tilespmem:v2+s11+$0x0], $0xffff  }
0x170: {  	v13 =	vadd.s32 $0x154, v1;
	v5 =	vld.idx.msk [tilespmem:v5+s2+$0x0], $0xffff  }
0x171: {  	v11 =	vld.idx.msk [tilespmem:v4+s11+$0x0], $0xffff  }
0x172: {  	v16 =	vadd.s32 $0x155, v1;
	v0 =	vld.idx.msk [tilespmem:v0+s2+$0x0], $0xffff  }
0x173: {  	v15 =	vld.idx.msk [tilespmem:v6+s11+$0x0], $0xffff;
	v3 =	vcvt.s32.f32 v3  }
0x174: {  	v9 =	vld.idx.msk [tilespmem:v9+s2+$0x0], $0xffff  }
0x175: {  	v17 =	vadd.s32 $0x156, v1;
	v13 =	vld.idx.msk [tilespmem:v13+s2+$0x0], $0xffff;
	v5 =	vcvt.s32.f32 v5;
	v3 =	vmul.f32 v3, v7  }
0x176: {  	v7 =	vld.idx.msk [tilespmem:v8+s11+$0x0], $0xffff  }
0x177: {  	v16 =	vld.idx.msk [tilespmem:v16+s2+$0x0], $0xffff;
	v5 =	vmul.f32 v5, v11;
	v3 =	vadd.f32 $0.0e+00, v3;
	v0 =	vcvt.s32.f32 v0  }
0x178: {  	v11 =	vld.idx.msk [tilespmem:v10+s11+$0x0], $0xffff  }
0x179: {  	v3 =	vadd.f32 v5, v3;
	v0 =	vmul.f32 v0, v15;
	v5 =	vcvt.s32.f32 v9;
	v9 =	vld.idx.msk [tilespmem:v12+s11+$0x0], $0xffff  }
0x17a: {  	v15 =	vld.idx.msk [tilespmem:v17+s2+$0x0], $0xffff  }
0x17b: {  	v0 =	vadd.f32 v0, v3;
	v3 =	vmul.f32 v5, v7;
	v5 =	vcvt.s32.f32 v13  }
0x17c: {  	v7 =	vld.idx.msk [tilespmem:v14+s11+$0x0], $0xffff  }
0x17d: {  	v0 =	vadd.f32 v3, v0;
	v3 =	vmul.f32 v5, v11;
	v5 =	vcvt.s32.f32 v16;
	_ =	sdelay $0x1  }
0x17e: {  	v0 =	vadd.f32 v3, v0;
	v3 =	vmul.f32 v5, v9;
	v5 =	vcvt.s32.f32 v15;
	_ =	sdelay $0x1  }
0x17f: {  	v0 =	vadd.f32 v3, v0;
	v3 =	vmul.f32 v5, v7;
	_ =	sdelay $0x1  }
0x180: {  	v0 =	vadd.f32 v3, v0  }
0x181: {  	v3 =	vadd.s32 $0x16C, v1  }
0x182: {  	v0 =	vtrunc.f32 v0  }
0x183: {  	v5 =	vadd.s32 $0x16D, v1;
	v0 =	vcvt.f32.s32 v0;
	_ =	sdelay $0x1  }
0x184: {  	[tilespmem:$0x460] =	vst v0;
	v0 =	vadd.s32 $0x16E, v1  }
0x185: {  	v3 =	vld.idx.msk [tilespmem:v3+s2+$0x0], $0xffff  }
0x186: {  	v9 =	vadd.s32 $0x16F, v1;
	v7 =	vld.idx.msk [tilespmem:v2+s11+$0x0], $0xffff  }
0x187: {  	v13 =	vadd.s32 $0x170, v1;
	v5 =	vld.idx.msk [tilespmem:v5+s2+$0x0], $0xffff  }
0x188: {  	v11 =	vld.idx.msk [tilespmem:v4+s11+$0x0], $0xffff  }
0x189: {  	v16 =	vadd.s32 $0x171, v1;
	v0 =	vld.idx.msk [tilespmem:v0+s2+$0x0], $0xffff  }
0x18a: {  	v15 =	vld.idx.msk [tilespmem:v6+s11+$0x0], $0xffff;
	v3 =	vcvt.s32.f32 v3  }
0x18b: {  	v9 =	vld.idx.msk [tilespmem:v9+s2+$0x0], $0xffff  }
0x18c: {  	v17 =	vadd.s32 $0x172, v1;
	v13 =	vld.idx.msk [tilespmem:v13+s2+$0x0], $0xffff;
	v5 =	vcvt.s32.f32 v5;
	v3 =	vmul.f32 v3, v7  }
0x18d: {  	v7 =	vld.idx.msk [tilespmem:v8+s11+$0x0], $0xffff  }
0x18e: {  	v16 =	vld.idx.msk [tilespmem:v16+s2+$0x0], $0xffff;
	v5 =	vmul.f32 v5, v11;
	v3 =	vadd.f32 $0.0e+00, v3;
	v0 =	vcvt.s32.f32 v0  }
0x18f: {  	v11 =	vld.idx.msk [tilespmem:v10+s11+$0x0], $0xffff  }
0x190: {  	v3 =	vadd.f32 v5, v3;
	v0 =	vmul.f32 v0, v15;
	v5 =	vcvt.s32.f32 v9;
	v9 =	vld.idx.msk [tilespmem:v12+s11+$0x0], $0xffff  }
0x191: {  	v15 =	vld.idx.msk [tilespmem:v17+s2+$0x0], $0xffff  }
0x192: {  	v0 =	vadd.f32 v0, v3;
	v3 =	vmul.f32 v5, v7;
	v5 =	vcvt.s32.f32 v13  }
0x193: {  	v7 =	vld.idx.msk [tilespmem:v14+s11+$0x0], $0xffff  }
0x194: {  	v0 =	vadd.f32 v3, v0;
	v3 =	vmul.f32 v5, v11;
	v5 =	vcvt.s32.f32 v16;
	_ =	sdelay $0x1  }
0x195: {  	v0 =	vadd.f32 v3, v0;
	v3 =	vmul.f32 v5, v9;
	v5 =	vcvt.s32.f32 v15;
	_ =	sdelay $0x1  }
0x196: {  	v0 =	vadd.f32 v3, v0;
	v3 =	vmul.f32 v5, v7;
	_ =	sdelay $0x1  }
0x197: {  	v0 =	vadd.f32 v3, v0  }
0x198: {  	v3 =	vadd.s32 $0x188, v1  }
0x199: {  	v0 =	vtrunc.f32 v0  }
0x19a: {  	v5 =	vadd.s32 $0x189, v1;
	v0 =	vcvt.f32.s32 v0;
	_ =	sdelay $0x1  }
0x19b: {  	[tilespmem:$0x470] =	vst v0;
	v0 =	vadd.s32 $0x18A, v1  }
0x19c: {  	v3 =	vld.idx.msk [tilespmem:v3+s2+$0x0], $0xffff  }
0x19d: {  	v9 =	vadd.s32 $0x18B, v1;
	v7 =	vld.idx.msk [tilespmem:v2+s11+$0x0], $0xffff  }
0x19e: {  	v13 =	vadd.s32 $0x18C, v1;
	v5 =	vld.idx.msk [tilespmem:v5+s2+$0x0], $0xffff  }
0x19f: {  	v11 =	vld.idx.msk [tilespmem:v4+s11+$0x0], $0xffff  }
0x1a0: {  	v16 =	vadd.s32 $0x18D, v1;
	v0 =	vld.idx.msk [tilespmem:v0+s2+$0x0], $0xffff  }
0x1a1: {  	v15 =	vld.idx.msk [tilespmem:v6+s11+$0x0], $0xffff;
	v3 =	vcvt.s32.f32 v3  }
0x1a2: {  	v9 =	vld.idx.msk [tilespmem:v9+s2+$0x0], $0xffff  }
0x1a3: {  	v17 =	vadd.s32 $0x18E, v1;
	v13 =	vld.idx.msk [tilespmem:v13+s2+$0x0], $0xffff;
	v5 =	vcvt.s32.f32 v5;
	v3 =	vmul.f32 v3, v7  }
0x1a4: {  	v7 =	vld.idx.msk [tilespmem:v8+s11+$0x0], $0xffff  }
0x1a5: {  	v16 =	vld.idx.msk [tilespmem:v16+s2+$0x0], $0xffff;
	v5 =	vmul.f32 v5, v11;
	v3 =	vadd.f32 $0.0e+00, v3;
	v0 =	vcvt.s32.f32 v0  }
0x1a6: {  	v11 =	vld.idx.msk [tilespmem:v10+s11+$0x0], $0xffff  }
0x1a7: {  	v3 =	vadd.f32 v5, v3;
	v0 =	vmul.f32 v0, v15;
	v5 =	vcvt.s32.f32 v9;
	v9 =	vld.idx.msk [tilespmem:v12+s11+$0x0], $0xffff  }
0x1a8: {  	v15 =	vld.idx.msk [tilespmem:v17+s2+$0x0], $0xffff  }
0x1a9: {  	v0 =	vadd.f32 v0, v3;
	v3 =	vmul.f32 v5, v7;
	v5 =	vcvt.s32.f32 v13  }
0x1aa: {  	v7 =	vld.idx.msk [tilespmem:v14+s11+$0x0], $0xffff  }
0x1ab: {  	v0 =	vadd.f32 v3, v0;
	v3 =	vmul.f32 v5, v11;
	v5 =	vcvt.s32.f32 v16;
	_ =	sdelay $0x1  }
0x1ac: {  	v0 =	vadd.f32 v3, v0;
	v3 =	vmul.f32 v5, v9;
	v5 =	vcvt.s32.f32 v15;
	_ =	sdelay $0x1  }
0x1ad: {  	v0 =	vadd.f32 v3, v0;
	v3 =	vmul.f32 v5, v7;
	_ =	sdelay $0x1  }
0x1ae: {  	v0 =	vadd.f32 v3, v0  }
0x1af: {  	v3 =	vadd.s32 $0x1A4, v1  }
0x1b0: {  	v0 =	vtrunc.f32 v0  }
0x1b1: {  	v5 =	vadd.s32 $0x1A5, v1;
	v0 =	vcvt.f32.s32 v0;
	_ =	sdelay $0x1  }
0x1b2: {  	[tilespmem:$0x480] =	vst v0;
	v0 =	vadd.s32 $0x1A6, v1  }
0x1b3: {  	v3 =	vld.idx.msk [tilespmem:v3+s2+$0x0], $0xffff  }
0x1b4: {  	v9 =	vadd.s32 $0x1A7, v1;
	v7 =	vld.idx.msk [tilespmem:v2+s11+$0x0], $0xffff  }
0x1b5: {  	v13 =	vadd.s32 $0x1A8, v1;
	v5 =	vld.idx.msk [tilespmem:v5+s2+$0x0], $0xffff  }
0x1b6: {  	v11 =	vld.idx.msk [tilespmem:v4+s11+$0x0], $0xffff  }
0x1b7: {  	v16 =	vadd.s32 $0x1A9, v1;
	v0 =	vld.idx.msk [tilespmem:v0+s2+$0x0], $0xffff  }
0x1b8: {  	v15 =	vld.idx.msk [tilespmem:v6+s11+$0x0], $0xffff;
	v3 =	vcvt.s32.f32 v3  }
0x1b9: {  	v9 =	vld.idx.msk [tilespmem:v9+s2+$0x0], $0xffff  }
0x1ba: {  	v17 =	vadd.s32 $0x1AA, v1;
	v13 =	vld.idx.msk [tilespmem:v13+s2+$0x0], $0xffff;
	v5 =	vcvt.s32.f32 v5;
	v3 =	vmul.f32 v3, v7  }
0x1bb: {  	v7 =	vld.idx.msk [tilespmem:v8+s11+$0x0], $0xffff  }
0x1bc: {  	v16 =	vld.idx.msk [tilespmem:v16+s2+$0x0], $0xffff;
	v5 =	vmul.f32 v5, v11;
	v3 =	vadd.f32 $0.0e+00, v3;
	v0 =	vcvt.s32.f32 v0  }
0x1bd: {  	v11 =	vld.idx.msk [tilespmem:v10+s11+$0x0], $0xffff  }
0x1be: {  	v3 =	vadd.f32 v5, v3;
	v0 =	vmul.f32 v0, v15;
	v5 =	vcvt.s32.f32 v9;
	v9 =	vld.idx.msk [tilespmem:v12+s11+$0x0], $0xffff  }
0x1bf: {  	v15 =	vld.idx.msk [tilespmem:v17+s2+$0x0], $0xffff  }
0x1c0: {  	v0 =	vadd.f32 v0, v3;
	v3 =	vmul.f32 v5, v7;
	v5 =	vcvt.s32.f32 v13  }
0x1c1: {  	v7 =	vld.idx.msk [tilespmem:v14+s11+$0x0], $0xffff  }
0x1c2: {  	v0 =	vadd.f32 v3, v0;
	v3 =	vmul.f32 v5, v11;
	v5 =	vcvt.s32.f32 v16;
	_ =	sdelay $0x1  }
0x1c3: {  	v0 =	vadd.f32 v3, v0;
	v3 =	vmul.f32 v5, v9;
	v5 =	vcvt.s32.f32 v15;
	_ =	sdelay $0x1  }
0x1c4: {  	v0 =	vadd.f32 v3, v0;
	v3 =	vmul.f32 v5, v7;
	_ =	sdelay $0x1  }
0x1c5: {  	v0 =	vadd.f32 v3, v0  }
0x1c6: {  	v3 =	vor.u32 $0x1C0, v1  }
0x1c7: {  	v0 =	vtrunc.f32 v0  }
0x1c8: {  	v5 =	vadd.s32 $0x1C1, v1;
	v0 =	vcvt.f32.s32 v0;
	_ =	sdelay $0x1  }
0x1c9: {  	[tilespmem:$0x490] =	vst v0;
	v0 =	vadd.s32 $0x1C2, v1  }
0x1ca: {  	v3 =	vld.idx.msk [tilespmem:v3+s2+$0x0], $0xffff  }
0x1cb: {  	v9 =	vadd.s32 $0x1C3, v1;
	v7 =	vld.idx.msk [tilespmem:v2+s11+$0x0], $0xffff  }
0x1cc: {  	v13 =	vadd.s32 $0x1C4, v1;
	v5 =	vld.idx.msk [tilespmem:v5+s2+$0x0], $0xffff  }
0x1cd: {  	v11 =	vld.idx.msk [tilespmem:v4+s11+$0x0], $0xffff  }
0x1ce: {  	v16 =	vadd.s32 $0x1C5, v1;
	v0 =	vld.idx.msk [tilespmem:v0+s2+$0x0], $0xffff  }
0x1cf: {  	v15 =	vld.idx.msk [tilespmem:v6+s11+$0x0], $0xffff;
	v3 =	vcvt.s32.f32 v3  }
0x1d0: {  	v9 =	vld.idx.msk [tilespmem:v9+s2+$0x0], $0xffff  }
0x1d1: {  	v17 =	vadd.s32 $0x1C6, v1;
	v13 =	vld.idx.msk [tilespmem:v13+s2+$0x0], $0xffff;
	v5 =	vcvt.s32.f32 v5;
	v3 =	vmul.f32 v3, v7  }
0x1d2: {  	v7 =	vld.idx.msk [tilespmem:v8+s11+$0x0], $0xffff  }
0x1d3: {  	v16 =	vld.idx.msk [tilespmem:v16+s2+$0x0], $0xffff;
	v5 =	vmul.f32 v5, v11;
	v3 =	vadd.f32 $0.0e+00, v3;
	v0 =	vcvt.s32.f32 v0  }
0x1d4: {  	v11 =	vld.idx.msk [tilespmem:v10+s11+$0x0], $0xffff  }
0x1d5: {  	v3 =	vadd.f32 v5, v3;
	v0 =	vmul.f32 v0, v15;
	v5 =	vcvt.s32.f32 v9;
	v9 =	vld.idx.msk [tilespmem:v12+s11+$0x0], $0xffff  }
0x1d6: {  	v15 =	vld.idx.msk [tilespmem:v17+s2+$0x0], $0xffff  }
0x1d7: {  	v0 =	vadd.f32 v0, v3;
	v3 =	vmul.f32 v5, v7;
	v5 =	vcvt.s32.f32 v13  }
0x1d8: {  	v7 =	vld.idx.msk [tilespmem:v14+s11+$0x0], $0xffff  }
0x1d9: {  	v0 =	vadd.f32 v3, v0;
	v3 =	vmul.f32 v5, v11;
	v5 =	vcvt.s32.f32 v16;
	_ =	sdelay $0x1  }
0x1da: {  	v0 =	vadd.f32 v3, v0;
	v3 =	vmul.f32 v5, v9;
	v5 =	vcvt.s32.f32 v15;
	_ =	sdelay $0x1  }
0x1db: {  	v0 =	vadd.f32 v3, v0;
	v3 =	vmul.f32 v5, v7;
	_ =	sdelay $0x1  }
0x1dc: {  	v0 =	vadd.f32 v3, v0  }
0x1dd: {  	v3 =	vadd.s32 $0x1DC, v1  }
0x1de: {  	v0 =	vtrunc.f32 v0  }
0x1df: {  	v5 =	vadd.s32 $0x1DD, v1;
	v0 =	vcvt.f32.s32 v0;
	_ =	sdelay $0x1  }
0x1e0: {  	[tilespmem:$0x4A0] =	vst v0;
	v0 =	vadd.s32 $0x1DE, v1  }
0x1e1: {  	v3 =	vld.idx.msk [tilespmem:v3+s2+$0x0], $0xffff  }
0x1e2: {  	v9 =	vadd.s32 $0x1DF, v1;
	v7 =	vld.idx.msk [tilespmem:v2+s11+$0x0], $0xffff  }
0x1e3: {  	v13 =	vor.u32 $0x1E0, v1;
	v5 =	vld.idx.msk [tilespmem:v5+s2+$0x0], $0xffff  }
0x1e4: {  	v11 =	vld.idx.msk [tilespmem:v4+s11+$0x0], $0xffff  }
0x1e5: {  	v16 =	vadd.s32 $0x1E1, v1;
	v0 =	vld.idx.msk [tilespmem:v0+s2+$0x0], $0xffff  }
0x1e6: {  	v15 =	vld.idx.msk [tilespmem:v6+s11+$0x0], $0xffff;
	v3 =	vcvt.s32.f32 v3  }
0x1e7: {  	v9 =	vld.idx.msk [tilespmem:v9+s2+$0x0], $0xffff  }
0x1e8: {  	v17 =	vadd.s32 $0x1E2, v1;
	v13 =	vld.idx.msk [tilespmem:v13+s2+$0x0], $0xffff;
	v5 =	vcvt.s32.f32 v5;
	v3 =	vmul.f32 v3, v7  }
0x1e9: {  	v7 =	vld.idx.msk [tilespmem:v8+s11+$0x0], $0xffff  }
0x1ea: {  	v16 =	vld.idx.msk [tilespmem:v16+s2+$0x0], $0xffff;
	v5 =	vmul.f32 v5, v11;
	v3 =	vadd.f32 $0.0e+00, v3;
	v0 =	vcvt.s32.f32 v0  }
0x1eb: {  	v11 =	vld.idx.msk [tilespmem:v10+s11+$0x0], $0xffff  }
0x1ec: {  	v3 =	vadd.f32 v5, v3;
	v0 =	vmul.f32 v0, v15;
	v5 =	vcvt.s32.f32 v9;
	v9 =	vld.idx.msk [tilespmem:v12+s11+$0x0], $0xffff  }
0x1ed: {  	v15 =	vld.idx.msk [tilespmem:v17+s2+$0x0], $0xffff  }
0x1ee: {  	v0 =	vadd.f32 v0, v3;
	v3 =	vmul.f32 v5, v7;
	v5 =	vcvt.s32.f32 v13  }
0x1ef: {  	v7 =	vld.idx.msk [tilespmem:v14+s11+$0x0], $0xffff  }
0x1f0: {  	v0 =	vadd.f32 v3, v0;
	v3 =	vmul.f32 v5, v11;
	v5 =	vcvt.s32.f32 v16;
	_ =	sdelay $0x1  }
0x1f1: {  	v0 =	vadd.f32 v3, v0;
	v3 =	vmul.f32 v5, v9;
	v5 =	vcvt.s32.f32 v15;
	_ =	sdelay $0x1  }
0x1f2: {  	v0 =	vadd.f32 v3, v0;
	v3 =	vmul.f32 v5, v7;
	_ =	sdelay $0x1  }
0x1f3: {  	v0 =	vadd.f32 v3, v0  }
0x1f4: {  	v3 =	vadd.s32 $0x1F8, v1  }
0x1f5: {  	v0 =	vtrunc.f32 v0  }
0x1f6: {  	v5 =	vadd.s32 $0x1F9, v1;
	v0 =	vcvt.f32.s32 v0;
	_ =	sdelay $0x1  }
0x1f7: {  	[tilespmem:$0x4B0] =	vst v0;
	v0 =	vadd.s32 $0x1FA, v1  }
0x1f8: {  	v3 =	vld.idx.msk [tilespmem:v3+s2+$0x0], $0xffff  }
0x1f9: {  	v9 =	vadd.s32 $0x1FB, v1;
	v7 =	vld.idx.msk [tilespmem:v2+s11+$0x0], $0xffff  }
0x1fa: {  	v13 =	vadd.s32 $0x1FC, v1;
	v5 =	vld.idx.msk [tilespmem:v5+s2+$0x0], $0xffff  }
0x1fb: {  	v11 =	vld.idx.msk [tilespmem:v4+s11+$0x0], $0xffff  }
0x1fc: {  	v16 =	vadd.s32 $0x1FD, v1;
	v0 =	vld.idx.msk [tilespmem:v0+s2+$0x0], $0xffff  }
0x1fd: {  	v15 =	vld.idx.msk [tilespmem:v6+s11+$0x0], $0xffff;
	v3 =	vcvt.s32.f32 v3  }
0x1fe: {  	v9 =	vld.idx.msk [tilespmem:v9+s2+$0x0], $0xffff  }
0x1ff: {  	v17 =	vadd.s32 $0x1FE, v1;
	v13 =	vld.idx.msk [tilespmem:v13+s2+$0x0], $0xffff;
	v5 =	vcvt.s32.f32 v5;
	v3 =	vmul.f32 v3, v7  }
0x200: {  	v7 =	vld.idx.msk [tilespmem:v8+s11+$0x0], $0xffff  }
0x201: {  	v16 =	vld.idx.msk [tilespmem:v16+s2+$0x0], $0xffff;
	v5 =	vmul.f32 v5, v11;
	v3 =	vadd.f32 $0.0e+00, v3;
	v0 =	vcvt.s32.f32 v0  }
0x202: {  	v11 =	vld.idx.msk [tilespmem:v10+s11+$0x0], $0xffff  }
0x203: {  	v3 =	vadd.f32 v5, v3;
	v0 =	vmul.f32 v0, v15;
	v5 =	vcvt.s32.f32 v9;
	v9 =	vld.idx.msk [tilespmem:v12+s11+$0x0], $0xffff  }
0x204: {  	v15 =	vld.idx.msk [tilespmem:v17+s2+$0x0], $0xffff  }
0x205: {  	v0 =	vadd.f32 v0, v3;
	v3 =	vmul.f32 v5, v7;
	v5 =	vcvt.s32.f32 v13  }
0x206: {  	v7 =	vld.idx.msk [tilespmem:v14+s11+$0x0], $0xffff  }
0x207: {  	v0 =	vadd.f32 v3, v0;
	v3 =	vmul.f32 v5, v11;
	v5 =	vcvt.s32.f32 v16;
	_ =	sdelay $0x1  }
0x208: {  	v0 =	vadd.f32 v3, v0;
	v3 =	vmul.f32 v5, v9;
	v5 =	vcvt.s32.f32 v15;
	_ =	sdelay $0x1  }
0x209: {  	v0 =	vadd.f32 v3, v0;
	v3 =	vmul.f32 v5, v7;
	_ =	sdelay $0x1  }
0x20a: {  	v0 =	vadd.f32 v3, v0  }
0x20b: {  	v3 =	vadd.s32 $0x214, v1  }
0x20c: {  	v0 =	vtrunc.f32 v0  }
0x20d: {  	v5 =	vadd.s32 $0x215, v1;
	v0 =	vcvt.f32.s32 v0;
	_ =	sdelay $0x1  }
0x20e: {  	[tilespmem:$0x4C0] =	vst v0;
	v0 =	vadd.s32 $0x216, v1  }
0x20f: {  	v3 =	vld.idx.msk [tilespmem:v3+s2+$0x0], $0xffff  }
0x210: {  	v9 =	vadd.s32 $0x217, v1;
	v7 =	vld.idx.msk [tilespmem:v2+s11+$0x0], $0xffff  }
0x211: {  	v13 =	vadd.s32 $0x218, v1;
	v5 =	vld.idx.msk [tilespmem:v5+s2+$0x0], $0xffff  }
0x212: {  	v11 =	vld.idx.msk [tilespmem:v4+s11+$0x0], $0xffff  }
0x213: {  	v16 =	vadd.s32 $0x219, v1;
	v0 =	vld.idx.msk [tilespmem:v0+s2+$0x0], $0xffff  }
0x214: {  	v15 =	vld.idx.msk [tilespmem:v6+s11+$0x0], $0xffff;
	v3 =	vcvt.s32.f32 v3  }
0x215: {  	v9 =	vld.idx.msk [tilespmem:v9+s2+$0x0], $0xffff  }
0x216: {  	v17 =	vadd.s32 $0x21A, v1;
	v13 =	vld.idx.msk [tilespmem:v13+s2+$0x0], $0xffff;
	v5 =	vcvt.s32.f32 v5;
	v3 =	vmul.f32 v3, v7  }
0x217: {  	v7 =	vld.idx.msk [tilespmem:v8+s11+$0x0], $0xffff  }
0x218: {  	v16 =	vld.idx.msk [tilespmem:v16+s2+$0x0], $0xffff;
	v5 =	vmul.f32 v5, v11;
	v3 =	vadd.f32 $0.0e+00, v3;
	v0 =	vcvt.s32.f32 v0  }
0x219: {  	v11 =	vld.idx.msk [tilespmem:v10+s11+$0x0], $0xffff  }
0x21a: {  	v3 =	vadd.f32 v5, v3;
	v0 =	vmul.f32 v0, v15;
	v5 =	vcvt.s32.f32 v9;
	v9 =	vld.idx.msk [tilespmem:v12+s11+$0x0], $0xffff  }
0x21b: {  	v15 =	vld.idx.msk [tilespmem:v17+s2+$0x0], $0xffff  }
0x21c: {  	v0 =	vadd.f32 v0, v3;
	v3 =	vmul.f32 v5, v7;
	v5 =	vcvt.s32.f32 v13  }
0x21d: {  	v7 =	vld.idx.msk [tilespmem:v14+s11+$0x0], $0xffff  }
0x21e: {  	v0 =	vadd.f32 v3, v0;
	v3 =	vmul.f32 v5, v11;
	v5 =	vcvt.s32.f32 v16;
	_ =	sdelay $0x1  }
0x21f: {  	v0 =	vadd.f32 v3, v0;
	v3 =	vmul.f32 v5, v9;
	v5 =	vcvt.s32.f32 v15;
	_ =	sdelay $0x1  }
0x220: {  	v0 =	vadd.f32 v3, v0;
	v3 =	vmul.f32 v5, v7;
	_ =	sdelay $0x1  }
0x221: {  	v0 =	vadd.f32 v3, v0  }
0x222: {  	v3 =	vadd.s32 $0x230, v1  }
0x223: {  	v0 =	vtrunc.f32 v0  }
0x224: {  	v5 =	vadd.s32 $0x231, v1;
	v0 =	vcvt.f32.s32 v0;
	_ =	sdelay $0x1  }
0x225: {  	[tilespmem:$0x4D0] =	vst v0;
	v0 =	vadd.s32 $0x232, v1  }
0x226: {  	v3 =	vld.idx.msk [tilespmem:v3+s2+$0x0], $0xffff  }
0x227: {  	v9 =	vadd.s32 $0x233, v1;
	v7 =	vld.idx.msk [tilespmem:v2+s11+$0x0], $0xffff  }
0x228: {  	v13 =	vadd.s32 $0x234, v1;
	v5 =	vld.idx.msk [tilespmem:v5+s2+$0x0], $0xffff  }
0x229: {  	v11 =	vld.idx.msk [tilespmem:v4+s11+$0x0], $0xffff  }
0x22a: {  	v16 =	vadd.s32 $0x235, v1;
	v0 =	vld.idx.msk [tilespmem:v0+s2+$0x0], $0xffff  }
0x22b: {  	v15 =	vld.idx.msk [tilespmem:v6+s11+$0x0], $0xffff;
	v3 =	vcvt.s32.f32 v3  }
0x22c: {  	v9 =	vld.idx.msk [tilespmem:v9+s2+$0x0], $0xffff  }
0x22d: {  	v17 =	vadd.s32 $0x236, v1;
	v13 =	vld.idx.msk [tilespmem:v13+s2+$0x0], $0xffff;
	v5 =	vcvt.s32.f32 v5;
	v3 =	vmul.f32 v3, v7  }
0x22e: {  	v7 =	vld.idx.msk [tilespmem:v8+s11+$0x0], $0xffff  }
0x22f: {  	v16 =	vld.idx.msk [tilespmem:v16+s2+$0x0], $0xffff;
	v5 =	vmul.f32 v5, v11;
	v3 =	vadd.f32 $0.0e+00, v3;
	v0 =	vcvt.s32.f32 v0  }
0x230: {  	v11 =	vld.idx.msk [tilespmem:v10+s11+$0x0], $0xffff  }
0x231: {  	v3 =	vadd.f32 v5, v3;
	v0 =	vmul.f32 v0, v15;
	v5 =	vcvt.s32.f32 v9;
	v9 =	vld.idx.msk [tilespmem:v12+s11+$0x0], $0xffff  }
0x232: {  	v15 =	vld.idx.msk [tilespmem:v17+s2+$0x0], $0xffff  }
0x233: {  	v0 =	vadd.f32 v0, v3;
	v3 =	vmul.f32 v5, v7;
	v5 =	vcvt.s32.f32 v13  }
0x234: {  	v7 =	vld.idx.msk [tilespmem:v14+s11+$0x0], $0xffff  }
0x235: {  	v0 =	vadd.f32 v3, v0;
	v3 =	vmul.f32 v5, v11;
	v5 =	vcvt.s32.f32 v16;
	_ =	sdelay $0x1  }
0x236: {  	v0 =	vadd.f32 v3, v0;
	v3 =	vmul.f32 v5, v9;
	v5 =	vcvt.s32.f32 v15;
	_ =	sdelay $0x1  }
0x237: {  	v0 =	vadd.f32 v3, v0;
	v3 =	vmul.f32 v5, v7;
	_ =	sdelay $0x1  }
0x238: {  	v0 =	vadd.f32 v3, v0  }
0x239: {  	v3 =	vadd.s32 $0x24C, v1  }
0x23a: {  	v0 =	vtrunc.f32 v0  }
0x23b: {  	v5 =	vadd.s32 $0x24D, v1;
	v0 =	vcvt.f32.s32 v0;
	_ =	sdelay $0x1  }
0x23c: {  	[tilespmem:$0x4E0] =	vst v0;
	v0 =	vadd.s32 $0x24E, v1  }
0x23d: {  	v3 =	vld.idx.msk [tilespmem:v3+s2+$0x0], $0xffff  }
0x23e: {  	v9 =	vadd.s32 $0x24F, v1;
	v7 =	vld.idx.msk [tilespmem:v2+s11+$0x0], $0xffff  }
0x23f: {  	v13 =	vadd.s32 $0x250, v1;
	v5 =	vld.idx.msk [tilespmem:v5+s2+$0x0], $0xffff  }
0x240: {  	v11 =	vld.idx.msk [tilespmem:v4+s11+$0x0], $0xffff  }
0x241: {  	v16 =	vadd.s32 $0x251, v1;
	v0 =	vld.idx.msk [tilespmem:v0+s2+$0x0], $0xffff  }
0x242: {  	v15 =	vld.idx.msk [tilespmem:v6+s11+$0x0], $0xffff;
	v3 =	vcvt.s32.f32 v3  }
0x243: {  	v9 =	vld.idx.msk [tilespmem:v9+s2+$0x0], $0xffff  }
0x244: {  	v17 =	vadd.s32 $0x252, v1;
	v13 =	vld.idx.msk [tilespmem:v13+s2+$0x0], $0xffff;
	v5 =	vcvt.s32.f32 v5;
	v3 =	vmul.f32 v3, v7  }
0x245: {  	v7 =	vld.idx.msk [tilespmem:v8+s11+$0x0], $0xffff  }
0x246: {  	v16 =	vld.idx.msk [tilespmem:v16+s2+$0x0], $0xffff;
	v5 =	vmul.f32 v5, v11;
	v3 =	vadd.f32 $0.0e+00, v3;
	v0 =	vcvt.s32.f32 v0  }
0x247: {  	v11 =	vld.idx.msk [tilespmem:v10+s11+$0x0], $0xffff  }
0x248: {  	v3 =	vadd.f32 v5, v3;
	v0 =	vmul.f32 v0, v15;
	v5 =	vcvt.s32.f32 v9;
	v9 =	vld.idx.msk [tilespmem:v12+s11+$0x0], $0xffff  }
0x249: {  	v15 =	vld.idx.msk [tilespmem:v17+s2+$0x0], $0xffff  }
0x24a: {  	v0 =	vadd.f32 v0, v3;
	v3 =	vmul.f32 v5, v7;
	v5 =	vcvt.s32.f32 v13  }
0x24b: {  	v7 =	vld.idx.msk [tilespmem:v14+s11+$0x0], $0xffff  }
0x24c: {  	v0 =	vadd.f32 v3, v0;
	v3 =	vmul.f32 v5, v11;
	v5 =	vcvt.s32.f32 v16;
	_ =	sdelay $0x1  }
0x24d: {  	v0 =	vadd.f32 v3, v0;
	v3 =	vmul.f32 v5, v9;
	v5 =	vcvt.s32.f32 v15;
	_ =	sdelay $0x1  }
0x24e: {  	v0 =	vadd.f32 v3, v0;
	v3 =	vmul.f32 v5, v7;
	_ =	sdelay $0x1  }
0x24f: {  	v0 =	vadd.f32 v3, v0  }
0x250: {  	v3 =	vadd.s32 $0x268, v1  }
0x251: {  	v0 =	vtrunc.f32 v0  }
0x252: {  	v5 =	vadd.s32 $0x269, v1;
	v0 =	vcvt.f32.s32 v0;
	_ =	sdelay $0x1  }
0x253: {  	[tilespmem:$0x4F0] =	vst v0;
	v0 =	vadd.s32 $0x26A, v1  }
0x254: {  	v3 =	vld.idx.msk [tilespmem:v3+s2+$0x0], $0xffff  }
0x255: {  	v9 =	vadd.s32 $0x26B, v1;
	v7 =	vld.idx.msk [tilespmem:v2+s11+$0x0], $0xffff  }
0x256: {  	v13 =	vadd.s32 $0x26C, v1;
	v5 =	vld.idx.msk [tilespmem:v5+s2+$0x0], $0xffff  }
0x257: {  	v11 =	vld.idx.msk [tilespmem:v4+s11+$0x0], $0xffff  }
0x258: {  	v16 =	vadd.s32 $0x26D, v1;
	v0 =	vld.idx.msk [tilespmem:v0+s2+$0x0], $0xffff  }
0x259: {  	v15 =	vld.idx.msk [tilespmem:v6+s11+$0x0], $0xffff;
	v3 =	vcvt.s32.f32 v3  }
0x25a: {  	v9 =	vld.idx.msk [tilespmem:v9+s2+$0x0], $0xffff  }
0x25b: {  	v17 =	vadd.s32 $0x26E, v1;
	v13 =	vld.idx.msk [tilespmem:v13+s2+$0x0], $0xffff;
	v5 =	vcvt.s32.f32 v5;
	v3 =	vmul.f32 v3, v7  }
0x25c: {  	v7 =	vld.idx.msk [tilespmem:v8+s11+$0x0], $0xffff  }
0x25d: {  	v16 =	vld.idx.msk [tilespmem:v16+s2+$0x0], $0xffff;
	v5 =	vmul.f32 v5, v11;
	v3 =	vadd.f32 $0.0e+00, v3;
	v0 =	vcvt.s32.f32 v0  }
0x25e: {  	v11 =	vld.idx.msk [tilespmem:v10+s11+$0x0], $0xffff  }
0x25f: {  	v3 =	vadd.f32 v5, v3;
	v0 =	vmul.f32 v0, v15;
	v5 =	vcvt.s32.f32 v9;
	v9 =	vld.idx.msk [tilespmem:v12+s11+$0x0], $0xffff  }
0x260: {  	v15 =	vld.idx.msk [tilespmem:v17+s2+$0x0], $0xffff  }
0x261: {  	v0 =	vadd.f32 v0, v3;
	v3 =	vmul.f32 v5, v7;
	v5 =	vcvt.s32.f32 v13  }
0x262: {  	v7 =	vld.idx.msk [tilespmem:v14+s11+$0x0], $0xffff  }
0x263: {  	v0 =	vadd.f32 v3, v0;
	v3 =	vmul.f32 v5, v11;
	v5 =	vcvt.s32.f32 v16;
	_ =	sdelay $0x1  }
0x264: {  	v0 =	vadd.f32 v3, v0;
	v3 =	vmul.f32 v5, v9;
	v5 =	vcvt.s32.f32 v15;
	_ =	sdelay $0x1  }
0x265: {  	v0 =	vadd.f32 v3, v0;
	v3 =	vmul.f32 v5, v7;
	_ =	sdelay $0x1  }
0x266: {  	v0 =	vadd.f32 v3, v0  }
0x267: {  	v3 =	vadd.s32 $0x284, v1  }
0x268: {  	v0 =	vtrunc.f32 v0  }
0x269: {  	v5 =	vadd.s32 $0x285, v1;
	v0 =	vcvt.f32.s32 v0;
	_ =	sdelay $0x1  }
0x26a: {  	[tilespmem:$0x500] =	vst v0;
	v0 =	vadd.s32 $0x286, v1  }
0x26b: {  	v3 =	vld.idx.msk [tilespmem:v3+s2+$0x0], $0xffff  }
0x26c: {  	v9 =	vadd.s32 $0x287, v1;
	v7 =	vld.idx.msk [tilespmem:v2+s11+$0x0], $0xffff  }
0x26d: {  	v13 =	vadd.s32 $0x288, v1;
	v5 =	vld.idx.msk [tilespmem:v5+s2+$0x0], $0xffff  }
0x26e: {  	v11 =	vld.idx.msk [tilespmem:v4+s11+$0x0], $0xffff  }
0x26f: {  	v16 =	vadd.s32 $0x289, v1;
	v0 =	vld.idx.msk [tilespmem:v0+s2+$0x0], $0xffff  }
0x270: {  	v15 =	vld.idx.msk [tilespmem:v6+s11+$0x0], $0xffff;
	v3 =	vcvt.s32.f32 v3  }
0x271: {  	v9 =	vld.idx.msk [tilespmem:v9+s2+$0x0], $0xffff  }
0x272: {  	v17 =	vadd.s32 $0x28A, v1;
	v13 =	vld.idx.msk [tilespmem:v13+s2+$0x0], $0xffff;
	v5 =	vcvt.s32.f32 v5;
	v3 =	vmul.f32 v3, v7  }
0x273: {  	v7 =	vld.idx.msk [tilespmem:v8+s11+$0x0], $0xffff  }
0x274: {  	v16 =	vld.idx.msk [tilespmem:v16+s2+$0x0], $0xffff;
	v5 =	vmul.f32 v5, v11;
	v3 =	vadd.f32 $0.0e+00, v3;
	v0 =	vcvt.s32.f32 v0  }
0x275: {  	v11 =	vld.idx.msk [tilespmem:v10+s11+$0x0], $0xffff  }
0x276: {  	v3 =	vadd.f32 v5, v3;
	v0 =	vmul.f32 v0, v15;
	v5 =	vcvt.s32.f32 v9;
	v9 =	vld.idx.msk [tilespmem:v12+s11+$0x0], $0xffff  }
0x277: {  	v15 =	vld.idx.msk [tilespmem:v17+s2+$0x0], $0xffff  }
0x278: {  	v0 =	vadd.f32 v0, v3;
	v3 =	vmul.f32 v5, v7;
	v5 =	vcvt.s32.f32 v13  }
0x279: {  	v7 =	vld.idx.msk [tilespmem:v14+s11+$0x0], $0xffff  }
0x27a: {  	v0 =	vadd.f32 v3, v0;
	v3 =	vmul.f32 v5, v11;
	v5 =	vcvt.s32.f32 v16;
	_ =	sdelay $0x1  }
0x27b: {  	v0 =	vadd.f32 v3, v0;
	v3 =	vmul.f32 v5, v9;
	v5 =	vcvt.s32.f32 v15;
	_ =	sdelay $0x1  }
0x27c: {  	v0 =	vadd.f32 v3, v0;
	v3 =	vmul.f32 v5, v7;
	_ =	sdelay $0x1  }
0x27d: {  	v0 =	vadd.f32 v3, v0  }
0x27e: {  	v3 =	vor.u32 $0x2A0, v1  }
0x27f: {  	v0 =	vtrunc.f32 v0  }
0x280: {  	v5 =	vadd.s32 $0x2A1, v1;
	v0 =	vcvt.f32.s32 v0;
	_ =	sdelay $0x1  }
0x281: {  	[tilespmem:$0x510] =	vst v0;
	v0 =	vadd.s32 $0x2A2, v1  }
0x282: {  	v3 =	vld.idx.msk [tilespmem:v3+s2+$0x0], $0xffff  }
0x283: {  	v9 =	vadd.s32 $0x2A3, v1;
	v7 =	vld.idx.msk [tilespmem:v2+s11+$0x0], $0xffff  }
0x284: {  	v13 =	vadd.s32 $0x2A4, v1;
	v5 =	vld.idx.msk [tilespmem:v5+s2+$0x0], $0xffff  }
0x285: {  	v11 =	vld.idx.msk [tilespmem:v4+s11+$0x0], $0xffff  }
0x286: {  	v16 =	vadd.s32 $0x2A5, v1;
	v0 =	vld.idx.msk [tilespmem:v0+s2+$0x0], $0xffff  }
0x287: {  	v15 =	vld.idx.msk [tilespmem:v6+s11+$0x0], $0xffff;
	v3 =	vcvt.s32.f32 v3  }
0x288: {  	v9 =	vld.idx.msk [tilespmem:v9+s2+$0x0], $0xffff  }
0x289: {  	v17 =	vadd.s32 $0x2A6, v1;
	v13 =	vld.idx.msk [tilespmem:v13+s2+$0x0], $0xffff;
	v5 =	vcvt.s32.f32 v5;
	v3 =	vmul.f32 v3, v7  }
0x28a: {  	v7 =	vld.idx.msk [tilespmem:v8+s11+$0x0], $0xffff  }
0x28b: {  	v16 =	vld.idx.msk [tilespmem:v16+s2+$0x0], $0xffff;
	v5 =	vmul.f32 v5, v11;
	v3 =	vadd.f32 $0.0e+00, v3;
	v0 =	vcvt.s32.f32 v0  }
0x28c: {  	v11 =	vld.idx.msk [tilespmem:v10+s11+$0x0], $0xffff  }
0x28d: {  	v3 =	vadd.f32 v5, v3;
	v0 =	vmul.f32 v0, v15;
	v5 =	vcvt.s32.f32 v9;
	v9 =	vld.idx.msk [tilespmem:v12+s11+$0x0], $0xffff  }
0x28e: {  	v15 =	vld.idx.msk [tilespmem:v17+s2+$0x0], $0xffff  }
0x28f: {  	v0 =	vadd.f32 v0, v3;
	v3 =	vmul.f32 v5, v7;
	v5 =	vcvt.s32.f32 v13  }
0x290: {  	v7 =	vld.idx.msk [tilespmem:v14+s11+$0x0], $0xffff  }
0x291: {  	v0 =	vadd.f32 v3, v0;
	v3 =	vmul.f32 v5, v11;
	v5 =	vcvt.s32.f32 v16;
	_ =	sdelay $0x1  }
0x292: {  	v0 =	vadd.f32 v3, v0;
	v3 =	vmul.f32 v5, v9;
	v5 =	vcvt.s32.f32 v15;
	_ =	sdelay $0x1  }
0x293: {  	v0 =	vadd.f32 v3, v0;
	v3 =	vmul.f32 v5, v7;
	_ =	sdelay $0x1  }
0x294: {  	v0 =	vadd.f32 v3, v0  }
0x295: {  	v3 =	vadd.s32 $0x2BC, v1  }
0x296: {  	v0 =	vtrunc.f32 v0  }
0x297: {  	v5 =	vadd.s32 $0x2BD, v1;
	v0 =	vcvt.f32.s32 v0;
	_ =	sdelay $0x1  }
0x298: {  	[tilespmem:$0x520] =	vst v0;
	v0 =	vadd.s32 $0x2BE, v1  }
0x299: {  	v3 =	vld.idx.msk [tilespmem:v3+s2+$0x0], $0xffff  }
0x29a: {  	v9 =	vadd.s32 $0x2BF, v1;
	v7 =	vld.idx.msk [tilespmem:v2+s11+$0x0], $0xffff  }
0x29b: {  	v13 =	vor.u32 $0x2C0, v1;
	v5 =	vld.idx.msk [tilespmem:v5+s2+$0x0], $0xffff  }
0x29c: {  	v11 =	vld.idx.msk [tilespmem:v4+s11+$0x0], $0xffff  }
0x29d: {  	v16 =	vadd.s32 $0x2C1, v1;
	v0 =	vld.idx.msk [tilespmem:v0+s2+$0x0], $0xffff  }
0x29e: {  	v15 =	vld.idx.msk [tilespmem:v6+s11+$0x0], $0xffff;
	v3 =	vcvt.s32.f32 v3  }
0x29f: {  	v9 =	vld.idx.msk [tilespmem:v9+s2+$0x0], $0xffff  }
0x2a0: {  	v17 =	vadd.s32 $0x2C2, v1;
	v13 =	vld.idx.msk [tilespmem:v13+s2+$0x0], $0xffff;
	v5 =	vcvt.s32.f32 v5;
	v3 =	vmul.f32 v3, v7  }
0x2a1: {  	v7 =	vld.idx.msk [tilespmem:v8+s11+$0x0], $0xffff  }
0x2a2: {  	v16 =	vld.idx.msk [tilespmem:v16+s2+$0x0], $0xffff;
	v5 =	vmul.f32 v5, v11;
	v3 =	vadd.f32 $0.0e+00, v3;
	v0 =	vcvt.s32.f32 v0  }
0x2a3: {  	v11 =	vld.idx.msk [tilespmem:v10+s11+$0x0], $0xffff  }
0x2a4: {  	v3 =	vadd.f32 v5, v3;
	v0 =	vmul.f32 v0, v15;
	v5 =	vcvt.s32.f32 v9;
	v9 =	vld.idx.msk [tilespmem:v12+s11+$0x0], $0xffff  }
0x2a5: {  	v15 =	vld.idx.msk [tilespmem:v17+s2+$0x0], $0xffff  }
0x2a6: {  	v0 =	vadd.f32 v0, v3;
	v3 =	vmul.f32 v5, v7;
	v5 =	vcvt.s32.f32 v13  }
0x2a7: {  	v7 =	vld.idx.msk [tilespmem:v14+s11+$0x0], $0xffff  }
0x2a8: {  	v0 =	vadd.f32 v3, v0;
	v3 =	vmul.f32 v5, v11;
	v5 =	vcvt.s32.f32 v16;
	_ =	sdelay $0x1  }
0x2a9: {  	v0 =	vadd.f32 v3, v0;
	v3 =	vmul.f32 v5, v9;
	v5 =	vcvt.s32.f32 v15;
	_ =	sdelay $0x1  }
0x2aa: {  	v0 =	vadd.f32 v3, v0;
	v3 =	vmul.f32 v5, v7;
	_ =	sdelay $0x1  }
0x2ab: {  	v0 =	vadd.f32 v3, v0  }
0x2ac: {  	v3 =	vadd.s32 $0x2D8, v1  }
0x2ad: {  	v0 =	vtrunc.f32 v0  }
0x2ae: {  	v5 =	vadd.s32 $0x2D9, v1;
	v0 =	vcvt.f32.s32 v0;
	_ =	sdelay $0x1  }
0x2af: {  	[tilespmem:$0x530] =	vst v0;
	v0 =	vadd.s32 $0x2DA, v1  }
0x2b0: {  	v3 =	vld.idx.msk [tilespmem:v3+s2+$0x0], $0xffff  }
0x2b1: {  	v9 =	vadd.s32 $0x2DB, v1;
	v7 =	vld.idx.msk [tilespmem:v2+s11+$0x0], $0xffff  }
0x2b2: {  	v13 =	vadd.s32 $0x2DC, v1;
	v5 =	vld.idx.msk [tilespmem:v5+s2+$0x0], $0xffff  }
0x2b3: {  	v11 =	vld.idx.msk [tilespmem:v4+s11+$0x0], $0xffff  }
0x2b4: {  	v16 =	vadd.s32 $0x2DD, v1;
	v0 =	vld.idx.msk [tilespmem:v0+s2+$0x0], $0xffff  }
0x2b5: {  	v15 =	vld.idx.msk [tilespmem:v6+s11+$0x0], $0xffff;
	v3 =	vcvt.s32.f32 v3  }
0x2b6: {  	v9 =	vld.idx.msk [tilespmem:v9+s2+$0x0], $0xffff  }
0x2b7: {  	v17 =	vadd.s32 $0x2DE, v1;
	v13 =	vld.idx.msk [tilespmem:v13+s2+$0x0], $0xffff;
	v5 =	vcvt.s32.f32 v5;
	v3 =	vmul.f32 v3, v7  }
0x2b8: {  	v7 =	vld.idx.msk [tilespmem:v8+s11+$0x0], $0xffff  }
0x2b9: {  	v16 =	vld.idx.msk [tilespmem:v16+s2+$0x0], $0xffff;
	v5 =	vmul.f32 v5, v11;
	v3 =	vadd.f32 $0.0e+00, v3;
	v0 =	vcvt.s32.f32 v0  }
0x2ba: {  	v11 =	vld.idx.msk [tilespmem:v10+s11+$0x0], $0xffff  }
0x2bb: {  	v3 =	vadd.f32 v5, v3;
	v0 =	vmul.f32 v0, v15;
	v5 =	vcvt.s32.f32 v9;
	v9 =	vld.idx.msk [tilespmem:v12+s11+$0x0], $0xffff  }
0x2bc: {  	v15 =	vld.idx.msk [tilespmem:v17+s2+$0x0], $0xffff  }
0x2bd: {  	v0 =	vadd.f32 v0, v3;
	v3 =	vmul.f32 v5, v7;
	v5 =	vcvt.s32.f32 v13  }
0x2be: {  	v7 =	vld.idx.msk [tilespmem:v14+s11+$0x0], $0xffff  }
0x2bf: {  	v0 =	vadd.f32 v3, v0;
	v3 =	vmul.f32 v5, v11;
	v5 =	vcvt.s32.f32 v16;
	_ =	sdelay $0x1  }
0x2c0: {  	v0 =	vadd.f32 v3, v0;
	v3 =	vmul.f32 v5, v9;
	v5 =	vcvt.s32.f32 v15;
	_ =	sdelay $0x1  }
0x2c1: {  	v0 =	vadd.f32 v3, v0;
	v3 =	vmul.f32 v5, v7;
	_ =	sdelay $0x1  }
0x2c2: {  	v0 =	vadd.f32 v3, v0  }
0x2c3: {  	v3 =	vadd.s32 $0x2F4, v1  }
0x2c4: {  	v0 =	vtrunc.f32 v0  }
0x2c5: {  	v5 =	vadd.s32 $0x2F5, v1;
	v0 =	vcvt.f32.s32 v0;
	_ =	sdelay $0x1  }
0x2c6: {  	[tilespmem:$0x540] =	vst v0;
	v0 =	vadd.s32 $0x2F6, v1  }
0x2c7: {  	v3 =	vld.idx.msk [tilespmem:v3+s2+$0x0], $0xffff  }
0x2c8: {  	v9 =	vadd.s32 $0x2F7, v1;
	v7 =	vld.idx.msk [tilespmem:v2+s11+$0x0], $0xffff  }
0x2c9: {  	v13 =	vadd.s32 $0x2F8, v1;
	v5 =	vld.idx.msk [tilespmem:v5+s2+$0x0], $0xffff  }
0x2ca: {  	v11 =	vld.idx.msk [tilespmem:v4+s11+$0x0], $0xffff  }
0x2cb: {  	v16 =	vadd.s32 $0x2F9, v1;
	v0 =	vld.idx.msk [tilespmem:v0+s2+$0x0], $0xffff  }
0x2cc: {  	v15 =	vld.idx.msk [tilespmem:v6+s11+$0x0], $0xffff;
	v3 =	vcvt.s32.f32 v3  }
0x2cd: {  	v9 =	vld.idx.msk [tilespmem:v9+s2+$0x0], $0xffff  }
0x2ce: {  	v17 =	vadd.s32 $0x2FA, v1;
	v13 =	vld.idx.msk [tilespmem:v13+s2+$0x0], $0xffff;
	v5 =	vcvt.s32.f32 v5;
	v3 =	vmul.f32 v3, v7  }
0x2cf: {  	v7 =	vld.idx.msk [tilespmem:v8+s11+$0x0], $0xffff  }
0x2d0: {  	v16 =	vld.idx.msk [tilespmem:v16+s2+$0x0], $0xffff;
	v5 =	vmul.f32 v5, v11;
	v3 =	vadd.f32 $0.0e+00, v3;
	v0 =	vcvt.s32.f32 v0  }
0x2d1: {  	v11 =	vld.idx.msk [tilespmem:v10+s11+$0x0], $0xffff  }
0x2d2: {  	v3 =	vadd.f32 v5, v3;
	v0 =	vmul.f32 v0, v15;
	v5 =	vcvt.s32.f32 v9;
	v9 =	vld.idx.msk [tilespmem:v12+s11+$0x0], $0xffff  }
0x2d3: {  	v15 =	vld.idx.msk [tilespmem:v17+s2+$0x0], $0xffff  }
0x2d4: {  	v0 =	vadd.f32 v0, v3;
	v3 =	vmul.f32 v5, v7;
	v5 =	vcvt.s32.f32 v13  }
0x2d5: {  	v7 =	vld.idx.msk [tilespmem:v14+s11+$0x0], $0xffff  }
0x2d6: {  	v0 =	vadd.f32 v3, v0;
	v3 =	vmul.f32 v5, v11;
	v5 =	vcvt.s32.f32 v16;
	_ =	sdelay $0x1  }
0x2d7: {  	v0 =	vadd.f32 v3, v0;
	v3 =	vmul.f32 v5, v9;
	v5 =	vcvt.s32.f32 v15;
	_ =	sdelay $0x1  }
0x2d8: {  	v0 =	vadd.f32 v3, v0;
	v3 =	vmul.f32 v5, v7;
	_ =	sdelay $0x1  }
0x2d9: {  	v0 =	vadd.f32 v3, v0  }
0x2da: {  	v3 =	vadd.s32 $0x310, v1  }
0x2db: {  	v0 =	vtrunc.f32 v0  }
0x2dc: {  	v5 =	vadd.s32 $0x311, v1;
	v0 =	vcvt.f32.s32 v0;
	_ =	sdelay $0x1  }
0x2dd: {  	[tilespmem:$0x550] =	vst v0;
	v0 =	vadd.s32 $0x312, v1  }
0x2de: {  	v3 =	vld.idx.msk [tilespmem:v3+s2+$0x0], $0xffff  }
0x2df: {  	v9 =	vadd.s32 $0x313, v1;
	v7 =	vld.idx.msk [tilespmem:v2+s11+$0x0], $0xffff  }
0x2e0: {  	v13 =	vadd.s32 $0x314, v1;
	v5 =	vld.idx.msk [tilespmem:v5+s2+$0x0], $0xffff  }
0x2e1: {  	v11 =	vld.idx.msk [tilespmem:v4+s11+$0x0], $0xffff  }
0x2e2: {  	v16 =	vadd.s32 $0x315, v1;
	v0 =	vld.idx.msk [tilespmem:v0+s2+$0x0], $0xffff  }
0x2e3: {  	v15 =	vld.idx.msk [tilespmem:v6+s11+$0x0], $0xffff;
	v3 =	vcvt.s32.f32 v3  }
0x2e4: {  	v9 =	vld.idx.msk [tilespmem:v9+s2+$0x0], $0xffff  }
0x2e5: {  	v17 =	vadd.s32 $0x316, v1;
	v13 =	vld.idx.msk [tilespmem:v13+s2+$0x0], $0xffff;
	v5 =	vcvt.s32.f32 v5;
	v3 =	vmul.f32 v3, v7  }
0x2e6: {  	v7 =	vld.idx.msk [tilespmem:v8+s11+$0x0], $0xffff  }
0x2e7: {  	v16 =	vld.idx.msk [tilespmem:v16+s2+$0x0], $0xffff;
	v5 =	vmul.f32 v5, v11;
	v3 =	vadd.f32 $0.0e+00, v3;
	v0 =	vcvt.s32.f32 v0  }
0x2e8: {  	v11 =	vld.idx.msk [tilespmem:v10+s11+$0x0], $0xffff  }
0x2e9: {  	v3 =	vadd.f32 v5, v3;
	v0 =	vmul.f32 v0, v15;
	v5 =	vcvt.s32.f32 v9;
	v9 =	vld.idx.msk [tilespmem:v12+s11+$0x0], $0xffff  }
0x2ea: {  	v15 =	vld.idx.msk [tilespmem:v17+s2+$0x0], $0xffff  }
0x2eb: {  	v0 =	vadd.f32 v0, v3;
	v3 =	vmul.f32 v5, v7;
	v5 =	vcvt.s32.f32 v13  }
0x2ec: {  	v7 =	vld.idx.msk [tilespmem:v14+s11+$0x0], $0xffff  }
0x2ed: {  	v0 =	vadd.f32 v3, v0;
	v3 =	vmul.f32 v5, v11;
	v5 =	vcvt.s32.f32 v16;
	_ =	sdelay $0x1  }
0x2ee: {  	v0 =	vadd.f32 v3, v0;
	v3 =	vmul.f32 v5, v9;
	v5 =	vcvt.s32.f32 v15;
	_ =	sdelay $0x1  }
0x2ef: {  	v0 =	vadd.f32 v3, v0;
	v3 =	vmul.f32 v5, v7;
	_ =	sdelay $0x1  }
0x2f0: {  	v0 =	vadd.f32 v3, v0  }
0x2f1: {  	v3 =	vadd.s32 $0x32C, v1  }
0x2f2: {  	v0 =	vtrunc.f32 v0  }
0x2f3: {  	v5 =	vadd.s32 $0x32D, v1;
	v0 =	vcvt.f32.s32 v0;
	_ =	sdelay $0x1  }
0x2f4: {  	[tilespmem:$0x560] =	vst v0;
	v0 =	vadd.s32 $0x32E, v1  }
0x2f5: {  	v3 =	vld.idx.msk [tilespmem:v3+s2+$0x0], $0xffff  }
0x2f6: {  	v9 =	vadd.s32 $0x32F, v1;
	v7 =	vld.idx.msk [tilespmem:v2+s11+$0x0], $0xffff  }
0x2f7: {  	v13 =	vadd.s32 $0x330, v1;
	v5 =	vld.idx.msk [tilespmem:v5+s2+$0x0], $0xffff  }
0x2f8: {  	v11 =	vld.idx.msk [tilespmem:v4+s11+$0x0], $0xffff  }
0x2f9: {  	v16 =	vadd.s32 $0x331, v1;
	v0 =	vld.idx.msk [tilespmem:v0+s2+$0x0], $0xffff  }
0x2fa: {  	v15 =	vld.idx.msk [tilespmem:v6+s11+$0x0], $0xffff;
	v3 =	vcvt.s32.f32 v3  }
0x2fb: {  	v9 =	vld.idx.msk [tilespmem:v9+s2+$0x0], $0xffff  }
0x2fc: {  	v17 =	vadd.s32 $0x332, v1;
	v13 =	vld.idx.msk [tilespmem:v13+s2+$0x0], $0xffff;
	v5 =	vcvt.s32.f32 v5;
	v3 =	vmul.f32 v3, v7  }
0x2fd: {  	v7 =	vld.idx.msk [tilespmem:v8+s11+$0x0], $0xffff  }
0x2fe: {  	v16 =	vld.idx.msk [tilespmem:v16+s2+$0x0], $0xffff;
	v5 =	vmul.f32 v5, v11;
	v3 =	vadd.f32 $0.0e+00, v3;
	v0 =	vcvt.s32.f32 v0  }
0x2ff: {  	v11 =	vld.idx.msk [tilespmem:v10+s11+$0x0], $0xffff  }
0x300: {  	v3 =	vadd.f32 v5, v3;
	v0 =	vmul.f32 v0, v15;
	v5 =	vcvt.s32.f32 v9;
	v9 =	vld.idx.msk [tilespmem:v12+s11+$0x0], $0xffff  }
0x301: {  	v15 =	vld.idx.msk [tilespmem:v17+s2+$0x0], $0xffff  }
0x302: {  	v0 =	vadd.f32 v0, v3;
	v3 =	vmul.f32 v5, v7;
	v5 =	vcvt.s32.f32 v13  }
0x303: {  	v7 =	vld.idx.msk [tilespmem:v14+s11+$0x0], $0xffff  }
0x304: {  	v0 =	vadd.f32 v3, v0;
	v3 =	vmul.f32 v5, v11;
	v5 =	vcvt.s32.f32 v16;
	_ =	sdelay $0x1  }
0x305: {  	v0 =	vadd.f32 v3, v0;
	v3 =	vmul.f32 v5, v9;
	v5 =	vcvt.s32.f32 v15;
	_ =	sdelay $0x1  }
0x306: {  	v0 =	vadd.f32 v3, v0;
	v3 =	vmul.f32 v5, v7;
	_ =	sdelay $0x1  }
0x307: {  	v0 =	vadd.f32 v3, v0  }
0x308: {  	v3 =	vadd.s32 $0x348, v1  }
0x309: {  	v0 =	vtrunc.f32 v0  }
0x30a: {  	v5 =	vadd.s32 $0x349, v1;
	v0 =	vcvt.f32.s32 v0;
	_ =	sdelay $0x1  }
0x30b: {  	[tilespmem:$0x570] =	vst v0;
	v0 =	vadd.s32 $0x34A, v1  }
0x30c: {  	v3 =	vld.idx.msk [tilespmem:v3+s2+$0x0], $0xffff  }
0x30d: {  	v9 =	vadd.s32 $0x34B, v1;
	v7 =	vld.idx.msk [tilespmem:v2+s11+$0x0], $0xffff  }
0x30e: {  	v13 =	vadd.s32 $0x34C, v1;
	v5 =	vld.idx.msk [tilespmem:v5+s2+$0x0], $0xffff  }
0x30f: {  	v11 =	vld.idx.msk [tilespmem:v4+s11+$0x0], $0xffff  }
0x310: {  	v16 =	vadd.s32 $0x34D, v1;
	v0 =	vld.idx.msk [tilespmem:v0+s2+$0x0], $0xffff  }
0x311: {  	v15 =	vld.idx.msk [tilespmem:v6+s11+$0x0], $0xffff;
	v3 =	vcvt.s32.f32 v3  }
0x312: {  	v9 =	vld.idx.msk [tilespmem:v9+s2+$0x0], $0xffff  }
0x313: {  	v17 =	vadd.s32 $0x34E, v1;
	v13 =	vld.idx.msk [tilespmem:v13+s2+$0x0], $0xffff;
	v5 =	vcvt.s32.f32 v5;
	v3 =	vmul.f32 v3, v7  }
0x314: {  	v7 =	vld.idx.msk [tilespmem:v8+s11+$0x0], $0xffff  }
0x315: {  	v16 =	vld.idx.msk [tilespmem:v16+s2+$0x0], $0xffff;
	v5 =	vmul.f32 v5, v11;
	v3 =	vadd.f32 $0.0e+00, v3;
	v0 =	vcvt.s32.f32 v0  }
0x316: {  	v11 =	vld.idx.msk [tilespmem:v10+s11+$0x0], $0xffff  }
0x317: {  	v3 =	vadd.f32 v5, v3;
	v0 =	vmul.f32 v0, v15;
	v5 =	vcvt.s32.f32 v9;
	v9 =	vld.idx.msk [tilespmem:v12+s11+$0x0], $0xffff  }
0x318: {  	v15 =	vld.idx.msk [tilespmem:v17+s2+$0x0], $0xffff  }
0x319: {  	v0 =	vadd.f32 v0, v3;
	v3 =	vmul.f32 v5, v7;
	v5 =	vcvt.s32.f32 v13  }
0x31a: {  	v7 =	vld.idx.msk [tilespmem:v14+s11+$0x0], $0xffff  }
0x31b: {  	v0 =	vadd.f32 v3, v0;
	v3 =	vmul.f32 v5, v11;
	v5 =	vcvt.s32.f32 v16;
	_ =	sdelay $0x1  }
0x31c: {  	v0 =	vadd.f32 v3, v0;
	v3 =	vmul.f32 v5, v9;
	v5 =	vcvt.s32.f32 v15;
	_ =	sdelay $0x1  }
0x31d: {  	v0 =	vadd.f32 v3, v0;
	v3 =	vmul.f32 v5, v7;
	_ =	sdelay $0x1  }
0x31e: {  	v0 =	vadd.f32 v3, v0  }
0x31f: {  	v3 =	vadd.s32 $0x364, v1  }
0x320: {  	v0 =	vtrunc.f32 v0  }
0x321: {  	v5 =	vadd.s32 $0x365, v1;
	v0 =	vcvt.f32.s32 v0;
	_ =	sdelay $0x1  }
0x322: {  	[tilespmem:$0x580] =	vst v0;
	v0 =	vadd.s32 $0x366, v1  }
0x323: {  	v3 =	vld.idx.msk [tilespmem:v3+s2+$0x0], $0xffff  }
0x324: {  	v9 =	vadd.s32 $0x367, v1;
	v7 =	vld.idx.msk [tilespmem:v2+s11+$0x0], $0xffff  }
0x325: {  	v13 =	vadd.s32 $0x368, v1;
	v5 =	vld.idx.msk [tilespmem:v5+s2+$0x0], $0xffff  }
0x326: {  	v11 =	vld.idx.msk [tilespmem:v4+s11+$0x0], $0xffff  }
0x327: {  	v16 =	vadd.s32 $0x369, v1;
	v0 =	vld.idx.msk [tilespmem:v0+s2+$0x0], $0xffff  }
0x328: {  	v15 =	vld.idx.msk [tilespmem:v6+s11+$0x0], $0xffff;
	v3 =	vcvt.s32.f32 v3  }
0x329: {  	v9 =	vld.idx.msk [tilespmem:v9+s2+$0x0], $0xffff  }
0x32a: {  	v17 =	vadd.s32 $0x36A, v1;
	v13 =	vld.idx.msk [tilespmem:v13+s2+$0x0], $0xffff;
	v5 =	vcvt.s32.f32 v5;
	v3 =	vmul.f32 v3, v7  }
0x32b: {  	v7 =	vld.idx.msk [tilespmem:v8+s11+$0x0], $0xffff  }
0x32c: {  	v16 =	vld.idx.msk [tilespmem:v16+s2+$0x0], $0xffff;
	v5 =	vmul.f32 v5, v11;
	v3 =	vadd.f32 $0.0e+00, v3;
	v0 =	vcvt.s32.f32 v0  }
0x32d: {  	v11 =	vld.idx.msk [tilespmem:v10+s11+$0x0], $0xffff  }
0x32e: {  	v3 =	vadd.f32 v5, v3;
	v0 =	vmul.f32 v0, v15;
	v5 =	vcvt.s32.f32 v9;
	v9 =	vld.idx.msk [tilespmem:v12+s11+$0x0], $0xffff  }
0x32f: {  	v15 =	vld.idx.msk [tilespmem:v17+s2+$0x0], $0xffff  }
0x330: {  	v0 =	vadd.f32 v0, v3;
	v3 =	vmul.f32 v5, v7;
	v5 =	vcvt.s32.f32 v13  }
0x331: {  	v7 =	vld.idx.msk [tilespmem:v14+s11+$0x0], $0xffff  }
0x332: {  	v0 =	vadd.f32 v3, v0;
	v3 =	vmul.f32 v5, v11;
	v5 =	vcvt.s32.f32 v16;
	_ =	sdelay $0x1  }
0x333: {  	v0 =	vadd.f32 v3, v0;
	v3 =	vmul.f32 v5, v9;
	v5 =	vcvt.s32.f32 v15;
	_ =	sdelay $0x1  }
0x334: {  	v0 =	vadd.f32 v3, v0;
	v3 =	vmul.f32 v5, v7;
	_ =	sdelay $0x1  }
0x335: {  	v0 =	vadd.f32 v3, v0;
	v3 =	vlaneseq.u32  }
0x336: {  	v3 =	vmul.u32 $0x4, v3;
	_ =	sdelay $0x1  }
0x337: {  	v0 =	vtrunc.f32 v0;
	v5 =	vor.u32 $0x1, v3  }
0x338: {  	v0 =	vcvt.f32.s32 v0;
	v7 =	vor.u32 $0x2, v3  }
0x339: {  	v9 =	vor.u32 $0x3, v3  }
0x33a: {  	[tilespmem:$0x590] =	vst v0  }
0x33b: {  	v0 =	vld.idx.msk [tilespmem:v3+s12+$0x0], $0xffff  }
0x33c: {  	v5 =	vld.idx.msk [tilespmem:v5+s12+$0x0], $0xffff  }
0x33d: {  	v7 =	vld.idx.msk [tilespmem:v7+s12+$0x0], $0xffff  }
0x33e: {  	v9 =	vld.idx.msk [tilespmem:v9+s12+$0x0], $0xffff;
	_ =	sdelay $0x2  }
0x33f: {  	v11 =	vor.u32 $0x40, v3;
	v5 =	vshll.u32 v5, $0x8  }
0x340: {  	v0 =	vadd.s32 v0, v5;
	v5 =	vshll.u32 v7, $0x10;
	v7 =	vor.u32 $0x41, v3  }
0x341: {  	v0 =	vadd.s32 v5, v0;
	v5 =	vshll.u32 v9, $0x18;
	v9 =	vor.u32 $0x42, v3  }
0x342: {  	v0 =	vadd.s32 v5, v0;
	v5 =	vor.u32 $0x43, v3  }
0x343: {  	[tilespmem:$0x5A0] =	vst v0  }
0x344: {  	v0 =	vld.idx.msk [tilespmem:v11+s12+$0x0], $0xffff  }
0x345: {  	v7 =	vld.idx.msk [tilespmem:v7+s12+$0x0], $0xffff  }
0x346: {  	v9 =	vld.idx.msk [tilespmem:v9+s12+$0x0], $0xffff  }
0x347: {  	v5 =	vld.idx.msk [tilespmem:v5+s12+$0x0], $0xffff;
	_ =	sdelay $0x2  }
0x348: {  	v11 =	vor.u32 $0x80, v3;
	v7 =	vshll.u32 v7, $0x8  }
0x349: {  	v0 =	vadd.s32 v0, v7;
	v7 =	vshll.u32 v9, $0x10;
	v9 =	vor.u32 $0x81, v3  }
0x34a: {  	v0 =	vadd.s32 v7, v0;
	v5 =	vshll.u32 v5, $0x18;
	v7 =	vor.u32 $0x82, v3  }
0x34b: {  	v0 =	vadd.s32 v5, v0;
	v5 =	vor.u32 $0x83, v3  }
0x34c: {  	[tilespmem:$0x5B0] =	vst v0  }
0x34d: {  	v0 =	vld.idx.msk [tilespmem:v11+s12+$0x0], $0xffff  }
0x34e: {  	v9 =	vld.idx.msk [tilespmem:v9+s12+$0x0], $0xffff  }
0x34f: {  	v7 =	vld.idx.msk [tilespmem:v7+s12+$0x0], $0xffff  }
0x350: {  	v5 =	vld.idx.msk [tilespmem:v5+s12+$0x0], $0xffff;
	_ =	sdelay $0x2  }
0x351: {  	v11 =	vor.u32 $0xC0, v3;
	v9 =	vshll.u32 v9, $0x8  }
0x352: {  	v0 =	vadd.s32 v0, v9;
	v7 =	vshll.u32 v7, $0x10;
	v9 =	vor.u32 $0xC1, v3  }
0x353: {  	v0 =	vadd.s32 v7, v0;
	v5 =	vshll.u32 v5, $0x18;
	v7 =	vor.u32 $0xC2, v3  }
0x354: {  	v0 =	vadd.s32 v5, v0;
	v5 =	vor.u32 $0xC3, v3  }
0x355: {  	[tilespmem:$0x5C0] =	vst v0  }
0x356: {  	v0 =	vld.idx.msk [tilespmem:v11+s12+$0x0], $0xffff  }
0x357: {  	v9 =	vld.idx.msk [tilespmem:v9+s12+$0x0], $0xffff  }
0x358: {  	v7 =	vld.idx.msk [tilespmem:v7+s12+$0x0], $0xffff  }
0x359: {  	v5 =	vld.idx.msk [tilespmem:v5+s12+$0x0], $0xffff;
	_ =	sdelay $0x2  }
0x35a: {  	v11 =	vor.u32 $0x100, v3;
	v9 =	vshll.u32 v9, $0x8  }
0x35b: {  	v0 =	vadd.s32 v0, v9;
	v7 =	vshll.u32 v7, $0x10;
	v9 =	vor.u32 $0x101, v3  }
0x35c: {  	v0 =	vadd.s32 v7, v0;
	v5 =	vshll.u32 v5, $0x18;
	v7 =	vor.u32 $0x102, v3  }
0x35d: {  	v0 =	vadd.s32 v5, v0;
	v5 =	vor.u32 $0x103, v3  }
0x35e: {  	[tilespmem:$0x5D0] =	vst v0  }
0x35f: {  	v0 =	vld.idx.msk [tilespmem:v11+s12+$0x0], $0xffff  }
0x360: {  	v9 =	vld.idx.msk [tilespmem:v9+s12+$0x0], $0xffff  }
0x361: {  	v7 =	vld.idx.msk [tilespmem:v7+s12+$0x0], $0xffff  }
0x362: {  	v5 =	vld.idx.msk [tilespmem:v5+s12+$0x0], $0xffff;
	_ =	sdelay $0x2  }
0x363: {  	v11 =	vor.u32 $0x140, v3;
	v9 =	vshll.u32 v9, $0x8  }
0x364: {  	v0 =	vadd.s32 v0, v9;
	v7 =	vshll.u32 v7, $0x10;
	v9 =	vor.u32 $0x141, v3  }
0x365: {  	v0 =	vadd.s32 v7, v0;
	v5 =	vshll.u32 v5, $0x18;
	v7 =	vor.u32 $0x142, v3  }
0x366: {  	v0 =	vadd.s32 v5, v0;
	v5 =	vor.u32 $0x143, v3  }
0x367: {  	[tilespmem:$0x5E0] =	vst v0  }
0x368: {  	v0 =	vld.idx.msk [tilespmem:v11+s12+$0x0], $0xffff  }
0x369: {  	v9 =	vld.idx.msk [tilespmem:v9+s12+$0x0], $0xffff  }
0x36a: {  	v7 =	vld.idx.msk [tilespmem:v7+s12+$0x0], $0xffff  }
0x36b: {  	v5 =	vld.idx.msk [tilespmem:v5+s12+$0x0], $0xffff;
	_ =	sdelay $0x2  }
0x36c: {  	v11 =	vor.u32 $0x180, v3;
	v9 =	vshll.u32 v9, $0x8  }
0x36d: {  	v0 =	vadd.s32 v0, v9;
	v7 =	vshll.u32 v7, $0x10;
	v9 =	vor.u32 $0x181, v3  }
0x36e: {  	v0 =	vadd.s32 v7, v0;
	v5 =	vshll.u32 v5, $0x18;
	v7 =	vor.u32 $0x182, v3  }
0x36f: {  	v0 =	vadd.s32 v5, v0;
	v5 =	vor.u32 $0x183, v3  }
0x370: {  	[tilespmem:$0x5F0] =	vst v0  }
0x371: {  	v0 =	vld.idx.msk [tilespmem:v11+s12+$0x0], $0xffff  }
0x372: {  	v9 =	vld.idx.msk [tilespmem:v9+s12+$0x0], $0xffff  }
0x373: {  	v7 =	vld.idx.msk [tilespmem:v7+s12+$0x0], $0xffff  }
0x374: {  	v5 =	vld.idx.msk [tilespmem:v5+s12+$0x0], $0xffff;
	_ =	sdelay $0x2  }
0x375: {  	v11 =	vor.u32 $0x1C0, v3;
	v9 =	vshll.u32 v9, $0x8  }
0x376: {  	v0 =	vadd.s32 v0, v9;
	v7 =	vshll.u32 v7, $0x10;
	v9 =	vor.u32 $0x1C1, v3  }
0x377: {  	v0 =	vadd.s32 v7, v0;
	v5 =	vshll.u32 v5, $0x18;
	v7 =	vor.u32 $0x1C2, v3  }
0x378: {  	v3 =	vor.u32 $0x1C3, v3;
	v0 =	vadd.s32 v5, v0  }
0x379: {  	[tilespmem:$0x600] =	vst v0  }
0x37a: {  	v0 =	vld.idx.msk [tilespmem:v11+s12+$0x0], $0xffff  }
0x37b: {  	v5 =	vld.idx.msk [tilespmem:v9+s12+$0x0], $0xffff  }
0x37c: {  	v7 =	vld.idx.msk [tilespmem:v7+s12+$0x0], $0xffff  }
0x37d: {  	v3 =	vld.idx.msk [tilespmem:v3+s12+$0x0], $0xffff;
	_ =	sdelay $0x2  }
0x37e: {  	v5 =	vshll.u32 v5, $0x8  }
0x37f: {  	v0 =	vadd.s32 v0, v5;
	v5 =	vshll.u32 v7, $0x10  }
0x380: {  	v3 =	vshll.u32 v3, $0x18;
	v0 =	vadd.s32 v5, v0  }
0x381: {  	v0 =	vadd.s32 v3, v0  }
0x382: {  	[tilespmem:$0x610] =	vst v0  }
0x383: {  	_ =	swait.ge [sflag:s13], $0x2000  }
0x384: {  	[sflag:s13] =	ssyncset.done $0x0  }
0x385: {  	s19 =	simm.s32 $0x6A0;
	[sflag:s13] =	ssyncadd.s32 $0xFFFFE000  }
0x386: {  	v0 =	vld [tilespmem:s19+$0x70];
	_ =	sdelay $0x1  }
0x387: {  	v9 =	vld [tilespmem:s19+$0xFFFFFFB0];
	_ =	sdelay $0x2  }
0x388: {  	v3 =	vld [tilespmem:s19+$0xFFFFFF90];
	_ =	sdelay $0x1  }
0x389: {  	v5 =	vld [tilespmem:s19+$0xFFFFFFA0]  }
0x38a: {  	v7 =	vld.idx.msk [tilespmem:v0+s14+$0x0], $0xffff;
	_ =	sdelay $0x1  }
0x38b: {  	v9 =	vld.idx.msk [tilespmem:v9+s14+$0x0], $0xffff  }
0x38c: {  	v11 =	vld [tilespmem:s19+$0xFFFFFFC0]  }
0x38d: {  	v13 =	vld [tilespmem:s19+$0xFFFFFF80]  }
0x38e: {  	s18 =	simm.s32 $0x2820;
	v0 =	vld.idx.msk [tilespmem:v3+s14+$0x0], $0xffff;
	v17 =	vand.u32 $0xFF, v7  }
0x38f: {  	v15 =	vshrl.u32 v7, $0x10;
	v16 =	vshrl.u32 v7, $0x8;
	v7 =	vshrl.u32 v7, $0x18;
	[tilespmem:s18+$0x70] =	vst v17  }
0x390: {  	v33 =	vand.u32 $0xFF, v9;
	[tilespmem:s18+$0x1F0] =	vst v7  }
0x391: {  	v5 =	vld.idx.msk [tilespmem:v5+s14+$0x0], $0xffff;
	v15 =	vand.u32 $0xFF, v15;
	[tilespmem:s18+$0xFFFFFE30] =	vst v33  }
0x392: {  	v16 =	vand.u32 $0xFF, v16;
	[tilespmem:s18+$0x170] =	vst v15  }
0x393: {  	v3 =	vld [tilespmem:s19+$0xFFFFFFD0];
	v17 =	vand.u32 $0xFF, v0;
	[tilespmem:s18+$0xF0] =	vst v16  }
0x394: {  	v18 =	vshrl.u32 v0, $0x8;
	v7 =	vld.idx.msk [tilespmem:v11+s14+$0x0], $0xffff;
	v11 =	vshrl.u32 v0, $0x10;
	v0 =	vshrl.u32 v0, $0x18;
	[tilespmem:s18+$0xFFFFFE10] =	vst v17  }
0x395: {  	v13 =	vld.idx.msk [tilespmem:v13+s14+$0x0], $0xffff;
	v17 =	vand.u32 $0xFF, v18;
	[tilespmem:s18+$0xFFFFFF90] =	vst v0  }
0x396: {  	v15 =	vld [tilespmem:s19+$0xFFFFFFE0];
	v18 =	vshrl.u32 v5, $0x8;
	v11 =	vand.u32 $0xFF, v11;
	[tilespmem:s18+$0xFFFFFE90] =	vst v17  }
0x397: {  	v19 =	vshrl.u32 v5, $0x10;
	v16 =	vld [tilespmem:s19+$0xFFFFFFF0];
	[tilespmem:s18+$0xFFFFFF10] =	vst v11;
	v11 =	vand.u32 $0xFF, v18  }
0x398: {  	v17 =	vld [tilespmem:s19+$0x0];
	[tilespmem:s18+$0xFFFFFEA0] =	vst v11;
	v11 =	vand.u32 $0xFF, v19  }
0x399: {  	v20 =	vshrl.u32 v9, $0x8;
	v19 =	vshrl.u32 v9, $0x10;
	v9 =	vshrl.u32 v9, $0x18;
	[tilespmem:s18+$0xFFFFFF20] =	vst v11  }
0x39a: {  	v18 =	vld [tilespmem:s19+$0x10];
	v11 =	vand.u32 $0xFF, v20;
	[tilespmem:s18+$0xFFFFFFB0] =	vst v9  }
0x39b: {  	v3 =	vld.idx.msk [tilespmem:v3+s14+$0x0], $0xffff;
	[tilespmem:s18+$0xFFFFFEB0] =	vst v11;
	v11 =	vand.u32 $0xFF, v19  }
0x39c: {  	v20 =	vld [tilespmem:s19+$0x20];
	v21 =	vshrl.u32 v7, $0x8;
	v34 =	vand.u32 $0xFF, v7;
	[tilespmem:s18+$0xFFFFFF30] =	vst v11  }
0x39d: {  	v19 =	vshrl.u32 v13, $0x8;
	v11 =	vand.u32 $0xFF, v21;
	v21 =	vld [tilespmem:s19+$0x30];
	[tilespmem:s18+$0xFFFFFE40] =	vst v34  }
0x39e: {  	v22 =	vshrl.u32 v13, $0x10;
	v19 =	vand.u32 $0xFF, v19;
	[tilespmem:s18+$0xFFFFFEC0] =	vst v11;
	v15 =	vld.idx.msk [tilespmem:v15+s14+$0x0], $0xffff  }
0x39f: {  	[tilespmem:s18+$0xFFFFFE80] =	vst v19;
	v19 =	vand.u32 $0xFF, v22;
	v11 =	vld.idx.msk [tilespmem:v16+s14+$0x0], $0xffff  }
0x3a0: {  	[tilespmem:s18+$0xFFFFFF00] =	vst v19;
	v16 =	vshrl.u32 v7, $0x10;
	v7 =	vshrl.u32 v7, $0x18;
	v17 =	vld.idx.msk [tilespmem:v17+s14+$0x0], $0xffff  }
0x3a1: {  	v22 =	vld [tilespmem:s19+$0x40];
	v23 =	vshrl.u32 v3, $0x8;
	v16 =	vand.u32 $0xFF, v16;
	[tilespmem:s18+$0xFFFFFFC0] =	vst v7  }
0x3a2: {  	v19 =	vshrl.u32 v3, $0x10;
	[tilespmem:s18+$0xFFFFFF40] =	vst v16;
	v16 =	vand.u32 $0xFF, v23  }
0x3a3: {  	v18 =	vld.idx.msk [tilespmem:v18+s14+$0x0], $0xffff;
	[tilespmem:s18+$0xFFFFFED0] =	vst v16;
	v16 =	vand.u32 $0xFF, v19;
	v24 =	vshrl.u32 v15, $0x8  }
0x3a4: {  	v23 =	vld [tilespmem:s19+$0x50];
	[tilespmem:s18+$0xFFFFFF50] =	vst v16;
	v19 =	vshrl.u32 v15, $0x10;
	v16 =	vand.u32 $0xFF, v24  }
0x3a5: {  	v28 =	vld.idx.msk [tilespmem:v20+s14+$0x0], $0xffff;
	v20 =	vshrl.u32 v17, $0x8;
	[tilespmem:s18+$0xFFFFFEE0] =	vst v16;
	v16 =	vand.u32 $0xFF, v19  }
0x3a6: {  	v25 =	vshrl.u32 v11, $0x8;
	v29 =	vld.idx.msk [tilespmem:v21+s14+$0x0], $0xffff;
	v20 =	vand.u32 $0xFF, v20;
	[tilespmem:s18+$0xFFFFFF60] =	vst v16  }
0x3a7: {  	v19 =	vshrl.u32 v11, $0x10;
	v16 =	vand.u32 $0xFF, v25;
	[tilespmem:s18+$0x80] =	vst v20  }
0x3a8: {  	v24 =	vld [tilespmem:s19+$0x60];
	v19 =	vand.u32 $0xFF, v19;
	v20 =	vshrl.u32 v18, $0x10;
	[tilespmem:s18+$0xFFFFFEF0] =	vst v16  }
0x3a9: {  	v30 =	vld.idx.msk [tilespmem:v22+s14+$0x0], $0xffff;
	v16 =	vshrl.u32 v17, $0x10;
	[tilespmem:s18+$0xFFFFFF70] =	vst v19;
	v20 =	vand.u32 $0xFF, v20  }
0x3aa: {  	v19 =	vshrl.u32 v18, $0x8;
	v16 =	vand.u32 $0xFF, v16;
	[tilespmem:s18+$0x110] =	vst v20  }
0x3ab: {  	v19 =	vand.u32 $0xFF, v19;
	v20 =	vshrl.u32 v29, $0x8;
	[tilespmem:s18+$0x100] =	vst v16  }
0x3ac: {  	v31 =	vld.idx.msk [tilespmem:v23+s14+$0x0], $0xffff;
	v16 =	vshrl.u32 v28, $0x8;
	[tilespmem:s18+$0x90] =	vst v19;
	v20 =	vand.u32 $0xFF, v20  }
0x3ad: {  	v19 =	vshrl.u32 v28, $0x10;
	v16 =	vand.u32 $0xFF, v16;
	[tilespmem:s18+$0xB0] =	vst v20  }
0x3ae: {  	v27 =	vand.u32 $0xFF, v3;
	v19 =	vand.u32 $0xFF, v19;
	v20 =	vshrl.u32 v30, $0x10;
	[tilespmem:s18+$0xA0] =	vst v16  }
0x3af: {  	v26 =	vand.u32 $0xFF, v15;
	v16 =	vshrl.u32 v29, $0x10;
	[tilespmem:s18+$0x120] =	vst v19;
	v20 =	vand.u32 $0xFF, v20  }
0x3b0: {  	v22 =	vand.u32 $0xFF, v11;
	v19 =	vshrl.u32 v30, $0x8;
	v32 =	vld.idx.msk [tilespmem:v24+s14+$0x0], $0xffff;
	v16 =	vand.u32 $0xFF, v16;
	[tilespmem:s18+$0x140] =	vst v20  }
0x3b1: {  	v21 =	vand.u32 $0xFF, v17;
	v19 =	vand.u32 $0xFF, v19;
	[tilespmem:s18+$0x130] =	vst v16;
	v16 =	vshrl.u32 v31, $0x8  }
0x3b2: {  	v25 =	vshrl.u32 v3, $0x18;
	[tilespmem:s18+$0xC0] =	vst v19;
	v19 =	vshrl.u32 v31, $0x10;
	v16 =	vand.u32 $0xFF, v16  }
0x3b3: {  	v23 =	vshrl.u32 v11, $0x18;
	v11 =	vshrl.u32 v29, $0x18;
	v19 =	vand.u32 $0xFF, v19;
	[tilespmem:s18+$0xD0] =	vst v16  }
0x3b4: {  	v3 =	vshrl.u32 v30, $0x18;
	v24 =	vshrl.u32 v15, $0x18;
	[tilespmem:s18+$0x150] =	vst v19;
	v19 =	vand.u32 $0xFF, v13  }
0x3b5: {  	v15 =	vand.u32 $0xFF, v29;
	v13 =	vshrl.u32 v13, $0x18;
	[tilespmem:s18+$0xFFFFFE00] =	vst v19;
	v20 =	vshrl.u32 v32, $0x8  }
0x3b6: {  	v0 =	vand.u32 $0xFF, v31;
	[tilespmem:s18+$0xFFFFFF80] =	vst v13;
	v16 =	vshrl.u32 v32, $0x10;
	v20 =	vand.u32 $0xFF, v20  }
0x3b7: {  	v19 =	vshrl.u32 v17, $0x18;
	v17 =	vshrl.u32 v28, $0x18;
	v16 =	vand.u32 $0xFF, v16;
	[tilespmem:s18+$0xE0] =	vst v20  }
0x3b8: {  	v13 =	vshrl.u32 v31, $0x18;
	v7 =	vand.u32 $0xFF, v32;
	[tilespmem:s18+$0x160] =	vst v16;
	v16 =	vand.u32 $0xFF, v5  }
0x3b9: {  	v9 =	vshrl.u32 v32, $0x18;
	v5 =	vshrl.u32 v5, $0x18;
	v20 =	vand.u32 $0xFF, v18;
	[tilespmem:s18+$0xFFFFFE20] =	vst v16  }
0x3ba: {  	s20 =	simm.s32 $0x0;
	s21 =	simm.s32 $0x7A0;
	s19 =	simm.s32 $0x2820;
	v18 =	vshrl.u32 v18, $0x18;
	[tilespmem:s18+$0xFFFFFFA0] =	vst v5;
	v16 =	vand.u32 $0xFF, v28;
	v5 =	vand.u32 $0xFF, v30  }
.LBB2_2:
0x3bb: {  	v28 =	vld [tilespmem:s21+$0x70];
	s20 =	sadd.s32 $0x10, s20;
	[tilespmem:s18+$0xFFFFFE50] =	vst v27  }
0x3bc: {  	v27 =	vld [tilespmem:s21+$0xFFFFFF90];
	p0 =	slt.u32 s20, $0xF0;
	[tilespmem:s18+$0xFFFFFFD0] =	vst v25  }
0x3bd: {  	v25 =	vld [tilespmem:s21+$0xFFFFFFA0];
	[tilespmem:s18+$0xFFFFFE60] =	vst v26  }
0x3be: {  	v26 =	vld [tilespmem:s21+$0xFFFFFFB0];
	[tilespmem:s18+$0xFFFFFFE0] =	vst v24  }
0x3bf: {  	v24 =	vld [tilespmem:s21+$0xFFFFFFC0];
	[tilespmem:s18+$0xFFFFFE70] =	vst v22  }
0x3c0: {  	v22 =	vld [tilespmem:s21+$0xFFFFFFD0];
	[tilespmem:s18+$0xFFFFFFF0] =	vst v23  }
0x3c1: {  	v23 =	vld [tilespmem:s21+$0xFFFFFFE0];
	[tilespmem:s18+$0x0] =	vst v21  }
0x3c2: {  	v21 =	vld [tilespmem:s21+$0xFFFFFFF0];
	[tilespmem:s18+$0x180] =	vst v19  }
0x3c3: {  	v19 =	vld.idx.msk [tilespmem:v28+s14+$0x0], $0xffff;
	[tilespmem:s18+$0x10] =	vst v20  }
0x3c4: {  	v20 =	vld [tilespmem:s21+$0x0];
	[tilespmem:s18+$0x190] =	vst v18  }
0x3c5: {  	v18 =	vld [tilespmem:s21+$0x10];
	[tilespmem:s18+$0x20] =	vst v16  }
0x3c6: {  	v16 =	vld [tilespmem:s21+$0x20];
	[tilespmem:s18+$0x1A0] =	vst v17  }
0x3c7: {  	v17 =	vld [tilespmem:s21+$0x30];
	[tilespmem:s18+$0x30] =	vst v15  }
0x3c8: {  	v15 =	vld [tilespmem:s21+$0x40];
	[tilespmem:s18+$0x1B0] =	vst v11  }
0x3c9: {  	v29 =	vand.u32 $0xFF, v19;
	v11 =	vshrl.u32 v19, $0x8;
	v30 =	vshrl.u32 v19, $0x10;
	v28 =	vld [tilespmem:s21+$0x50];
	[tilespmem:s18+$0x40] =	vst v5  }
0x3ca: {  	v19 =	vshrl.u32 v19, $0x18;
	v5 =	vand.u32 $0xFF, v11;
	v11 =	vand.u32 $0xFF, v30;
	s18 =	sadd.s32 $0x400, s18;
	v31 =	vld [tilespmem:s21+$0x60];
	[tilespmem:s19+$0x1C0] =	vst v3  }
0x3cb: {  	v30 =	vld [tilespmem:s21+$0xFFFFFF80];
	[tilespmem:s18+$0x170] =	vst v11  }
0x3cc: {  	v3 =	vld.idx.msk [tilespmem:v27+s14+$0x0], $0xffff;
	[tilespmem:s18+$0xF0] =	vst v5  }
0x3cd: {  	v11 =	vld.idx.msk [tilespmem:v25+s14+$0x0], $0xffff;
	[tilespmem:s19+$0x50] =	vst v0  }
0x3ce: {  	v5 =	vld.idx.msk [tilespmem:v26+s14+$0x0], $0xffff;
	[tilespmem:s19+$0x1D0] =	vst v13  }
0x3cf: {  	v0 =	vld.idx.msk [tilespmem:v24+s14+$0x0], $0xffff;
	[tilespmem:s19+$0x60] =	vst v7  }
0x3d0: {  	v7 =	vld.idx.msk [tilespmem:v22+s14+$0x0], $0xffff;
	[tilespmem:s19+$0x1E0] =	vst v9;
	s19 =	smov.u32 s18  }
0x3d1: {  	v9 =	vld.idx.msk [tilespmem:v23+s14+$0x0], $0xffff;
	[tilespmem:s18+$0x70] =	vst v29  }
0x3d2: {  	v22 =	vand.u32 $0xFF, v3;
	v23 =	vshrl.u32 v3, $0x8;
	v24 =	vshrl.u32 v3, $0x10;
	v13 =	vld.idx.msk [tilespmem:v21+s14+$0x0], $0xffff;
	[tilespmem:s18+$0x1F0] =	vst v19  }
0x3d3: {  	v21 =	vand.u32 $0xFF, v23;
	v23 =	vshrl.u32 v11, $0x10;
	v19 =	vld.idx.msk [tilespmem:v30+s14+$0x0], $0xffff;
	[tilespmem:s18+$0xFFFFFE10] =	vst v22;
	v22 =	vshrl.u32 v11, $0x8  }
0x3d4: {  	v25 =	vshrl.u32 v5, $0x10;
	[tilespmem:s18+$0xFFFFFE90] =	vst v21;
	v21 =	vand.u32 $0xFF, v24;
	v24 =	vshrl.u32 v5, $0x8;
	v20 =	vld.idx.msk [tilespmem:v20+s14+$0x0], $0xffff  }
0x3d5: {  	v26 =	vshrl.u32 v0, $0x10;
	[tilespmem:s18+$0xFFFFFF10] =	vst v21;
	v21 =	vand.u32 $0xFF, v22;
	v22 =	vshrl.u32 v0, $0x8;
	v18 =	vld.idx.msk [tilespmem:v18+s14+$0x0], $0xffff  }
0x3d6: {  	v27 =	vshrl.u32 v7, $0x10;
	[tilespmem:s18+$0xFFFFFEA0] =	vst v21;
	v21 =	vand.u32 $0xFF, v23;
	v23 =	vshrl.u32 v7, $0x8;
	v29 =	vld.idx.msk [tilespmem:v16+s14+$0x0], $0xffff  }
0x3d7: {  	v16 =	vand.u32 $0xFF, v24;
	v24 =	vshrl.u32 v9, $0x10;
	[tilespmem:s18+$0xFFFFFF20] =	vst v21;
	v21 =	vshrl.u32 v9, $0x8;
	v30 =	vld.idx.msk [tilespmem:v17+s14+$0x0], $0xffff  }
0x3d8: {  	v17 =	vshrl.u32 v13, $0x8;
	[tilespmem:s18+$0xFFFFFEB0] =	vst v16;
	v16 =	vand.u32 $0xFF, v25;
	v25 =	vshrl.u32 v13, $0x10;
	v32 =	vld.idx.msk [tilespmem:v15+s14+$0x0], $0xffff  }
0x3d9: {  	v15 =	vshrl.u32 v19, $0x8;
	v33 =	vshrl.u32 v19, $0x10;
	[tilespmem:s18+$0xFFFFFF30] =	vst v16;
	v16 =	vand.u32 $0xFF, v22;
	v28 =	vld.idx.msk [tilespmem:v28+s14+$0x0], $0xffff  }
0x3da: {  	v15 =	vand.u32 $0xFF, v15;
	v22 =	vshrl.u32 v20, $0x10;
	[tilespmem:s18+$0xFFFFFEC0] =	vst v16;
	v16 =	vshrl.u32 v20, $0x8;
	v31 =	vld.idx.msk [tilespmem:v31+s14+$0x0], $0xffff  }
0x3db: {  	v34 =	vshrl.u32 v18, $0x10;
	[tilespmem:s18+$0xFFFFFE80] =	vst v15;
	v15 =	vand.u32 $0xFF, v33;
	v33 =	vshrl.u32 v18, $0x8  }
0x3dc: {  	v35 =	vshrl.u32 v29, $0x10;
	[tilespmem:s18+$0xFFFFFF00] =	vst v15;
	v15 =	vand.u32 $0xFF, v26;
	v26 =	vshrl.u32 v29, $0x8  }
0x3dd: {  	v36 =	vshrl.u32 v30, $0x10;
	[tilespmem:s18+$0xFFFFFF40] =	vst v15;
	v15 =	vand.u32 $0xFF, v23;
	v23 =	vshrl.u32 v30, $0x8  }
0x3de: {  	v37 =	vshrl.u32 v32, $0x10;
	[tilespmem:s18+$0xFFFFFED0] =	vst v15;
	v15 =	vand.u32 $0xFF, v27;
	v27 =	vshrl.u32 v32, $0x8  }
0x3df: {  	v38 =	vshrl.u32 v28, $0x10;
	[tilespmem:s18+$0xFFFFFF50] =	vst v15;
	v15 =	vand.u32 $0xFF, v21;
	v21 =	vshrl.u32 v28, $0x8  }
0x3e0: {  	v39 =	vshrl.u32 v31, $0x10;
	[tilespmem:s18+$0xFFFFFEE0] =	vst v15;
	v15 =	vand.u32 $0xFF, v24;
	v24 =	vshrl.u32 v31, $0x8  }
0x3e1: {  	v16 =	vand.u32 $0xFF, v16;
	[tilespmem:s18+$0xFFFFFF60] =	vst v15;
	v15 =	vand.u32 $0xFF, v17;
	v17 =	vand.u32 $0xFF, v25  }
0x3e2: {  	v25 =	vand.u32 $0xFF, v34;
	[tilespmem:s18+$0xFFFFFEF0] =	vst v15;
	v15 =	vand.u32 $0xFF, v22;
	v22 =	vand.u32 $0xFF, v33  }
0x3e3: {  	v23 =	vand.u32 $0xFF, v23;
	[tilespmem:s18+$0xFFFFFF70] =	vst v17;
	v17 =	vand.u32 $0xFF, v26;
	v26 =	vand.u32 $0xFF, v35  }
0x3e4: {  	v34 =	vand.u32 $0xFF, v37;
	v33 =	vand.u32 $0xFF, v27;
	[tilespmem:s18+$0x80] =	vst v16;
	v16 =	vand.u32 $0xFF, v36  }
0x3e5: {  	v37 =	vand.u32 $0xFF, v24;
	v35 =	vand.u32 $0xFF, v21;
	v36 =	vand.u32 $0xFF, v38;
	[tilespmem:s18+$0x100] =	vst v15  }
0x3e6: {  	v40 =	vshrl.u32 v19, $0x18;
	v39 =	vand.u32 $0xFF, v39;
	v38 =	vand.u32 $0xFF, v19;
	[tilespmem:s18+$0x90] =	vst v22  }
0x3e7: {  	v41 =	vshrl.u32 v3, $0x18;
	v42 =	vand.u32 $0xFF, v11;
	v43 =	vshrl.u32 v11, $0x18;
	[tilespmem:s18+$0x110] =	vst v25  }
0x3e8: {  	v44 =	vand.u32 $0xFF, v5;
	v45 =	vshrl.u32 v5, $0x18;
	v46 =	vand.u32 $0xFF, v0;
	[tilespmem:s18+$0xA0] =	vst v17  }
0x3e9: {  	v47 =	vshrl.u32 v0, $0x18;
	v27 =	vand.u32 $0xFF, v7;
	v25 =	vshrl.u32 v7, $0x18;
	[tilespmem:s18+$0x120] =	vst v26  }
0x3ea: {  	v24 =	vshrl.u32 v9, $0x18;
	v22 =	vand.u32 $0xFF, v13;
	v26 =	vand.u32 $0xFF, v9;
	[tilespmem:s18+$0xB0] =	vst v23  }
0x3eb: {  	v21 =	vand.u32 $0xFF, v20;
	v19 =	vshrl.u32 v20, $0x18;
	v23 =	vshrl.u32 v13, $0x18;
	[tilespmem:s18+$0x130] =	vst v16  }
0x3ec: {  	v20 =	vand.u32 $0xFF, v18;
	v18 =	vshrl.u32 v18, $0x18;
	v16 =	vand.u32 $0xFF, v29;
	[tilespmem:s18+$0xC0] =	vst v33  }
0x3ed: {  	v11 =	vshrl.u32 v30, $0x18;
	v15 =	vand.u32 $0xFF, v30;
	v17 =	vshrl.u32 v29, $0x18;
	[tilespmem:s18+$0x140] =	vst v34  }
0x3ee: {  	v5 =	vand.u32 $0xFF, v32;
	v3 =	vshrl.u32 v32, $0x18;
	v0 =	vand.u32 $0xFF, v28;
	[tilespmem:s18+$0xD0] =	vst v35  }
0x3ef: {  	v7 =	vand.u32 $0xFF, v31;
	v9 =	vshrl.u32 v31, $0x18;
	v13 =	vshrl.u32 v28, $0x18;
	[tilespmem:s18+$0x150] =	vst v36  }
0x3f0: {  	[tilespmem:s18+$0xE0] =	vst v37  }
0x3f1: {  	[tilespmem:s18+$0x160] =	vst v39  }
0x3f2: {  	[tilespmem:s18+$0xFFFFFE00] =	vst v38  }
0x3f3: {  	[tilespmem:s18+$0xFFFFFF80] =	vst v40  }
0x3f4: {  	[tilespmem:s18+$0xFFFFFF90] =	vst v41  }
0x3f5: {  	[tilespmem:s18+$0xFFFFFE20] =	vst v42  }
.Ltmp0:
0x3f6: {  	[tilespmem:s18+$0xFFFFFFA0] =	vst v43;
	(pc) =	sbr.rel @p0 .LBB2_2-.Ltmp0, $4  }
0x3f7: {  	[tilespmem:s18+$0xFFFFFE30] =	vst v44  }
0x3f8: {  	[tilespmem:s18+$0xFFFFFFB0] =	vst v45  }
0x3f9: {  	[tilespmem:s18+$0xFFFFFE40] =	vst v46  }
0x3fa: {  	s21 =	sadd.s32 $0x100, s21;
	[tilespmem:s18+$0xFFFFFFC0] =	vst v47  }
0x3fb: {  	[tilespmem:s18+$0xFFFFFE50] =	vst v27  }
0x3fc: {  	[tilespmem:s18+$0xFFFFFFD0] =	vst v25  }
0x3fd: {  	[tilespmem:s18+$0xFFFFFE60] =	vst v26  }
0x3fe: {  	[tilespmem:s18+$0xFFFFFFE0] =	vst v24  }
0x3ff: {  	[tilespmem:s18+$0xFFFFFE70] =	vst v22  }
0x400: {  	[tilespmem:s18+$0xFFFFFFF0] =	vst v23  }
0x401: {  	[tilespmem:s18+$0x0] =	vst v21  }
0x402: {  	[tilespmem:s18+$0x180] =	vst v19  }
0x403: {  	[tilespmem:s18+$0x10] =	vst v20  }
0x404: {  	[tilespmem:s18+$0x190] =	vst v18  }
0x405: {  	[tilespmem:s18+$0x20] =	vst v16  }
0x406: {  	[tilespmem:s18+$0x1A0] =	vst v17  }
0x407: {  	[tilespmem:s18+$0x30] =	vst v15  }
0x408: {  	[tilespmem:s18+$0x1B0] =	vst v11  }
0x409: {  	[tilespmem:s18+$0x40] =	vst v5  }
0x40a: {  	[tilespmem:s19+$0x50] =	vst v0  }
0x40b: {  	[tilespmem:s19+$0x1D0] =	vst v13  }
0x40c: {  	[tilespmem:s19+$0x60] =	vst v7  }
0x40d: {  	[tilespmem:s19+$0x1E0] =	vst v9  }
0x40e: {  	s31 =	simm.s32 $0x1710;
	[tilespmem:s19+$0x1C0] =	vst v3  }
0x40f: {  	[hbm4b:s5+s2] =	stream.linear.scatter [tilespmem:s15], [sflag:$0x1], $0x4000, $0x38;
	[tilespmem:$0xA620] =	vst v63  }
0x410: {  	v0 =	vld [tilespmem:s31+$0x0];
	_ =	sdelay $0x1  }
0x411: {  	v9 =	vld [tilespmem:s31+$0xFFFFFF40];
	_ =	sdelay $0x2  }
0x412: {  	v3 =	vld [tilespmem:s31+$0xFFFFFF20];
	_ =	sdelay $0x1  }
0x413: {  	v5 =	vld [tilespmem:s31+$0xFFFFFF30]  }
0x414: {  	v7 =	vld.idx.msk [tilespmem:v0+s14+$0x0], $0xffff;
	_ =	sdelay $0x1  }
0x415: {  	v9 =	vld.idx.msk [tilespmem:v9+s14+$0x0], $0xffff  }
0x416: {  	v11 =	vld [tilespmem:s31+$0xFFFFFF50];
	_ =	sdelay $0x1  }
0x417: {  	s18 =	simm.s32 $0x6A10;
	v0 =	vld.idx.msk [tilespmem:v3+s14+$0x0], $0xffff;
	v17 =	vand.u32 $0xFF, v7  }
0x418: {  	v15 =	vshrl.u32 v7, $0x10;
	v16 =	vshrl.u32 v7, $0x8;
	v7 =	vshrl.u32 v7, $0x18;
	[tilespmem:s18+$0xFFFFFE80] =	vst v17  }
0x419: {  	v13 =	vld [tilespmem:s31+$0xFFFFFF10];
	v33 =	vand.u32 $0xFF, v9;
	[tilespmem:s18+$0x0] =	vst v7  }
0x41a: {  	v5 =	vld.idx.msk [tilespmem:v5+s14+$0x0], $0xffff;
	v15 =	vand.u32 $0xFF, v15;
	[tilespmem:s18+$0xFFFFFC40] =	vst v33  }
0x41b: {  	v16 =	vand.u32 $0xFF, v16;
	[tilespmem:s18+$0xFFFFFF80] =	vst v15  }
0x41c: {  	v3 =	vld [tilespmem:s31+$0xFFFFFF60];
	v17 =	vand.u32 $0xFF, v0;
	[tilespmem:s18+$0xFFFFFF00] =	vst v16  }
0x41d: {  	v18 =	vshrl.u32 v0, $0x8;
	v7 =	vld.idx.msk [tilespmem:v11+s14+$0x0], $0xffff;
	v11 =	vshrl.u32 v0, $0x10;
	v0 =	vshrl.u32 v0, $0x18;
	[tilespmem:s18+$0xFFFFFC20] =	vst v17  }
0x41e: {  	v17 =	vand.u32 $0xFF, v18;
	[tilespmem:s18+$0xFFFFFDA0] =	vst v0  }
0x41f: {  	v15 =	vld [tilespmem:s31+$0xFFFFFF70];
	v18 =	vshrl.u32 v5, $0x8;
	v11 =	vand.u32 $0xFF, v11;
	[tilespmem:s18+$0xFFFFFCA0] =	vst v17  }
0x420: {  	v19 =	vshrl.u32 v5, $0x10;
	v16 =	vld [tilespmem:s31+$0xFFFFFF80];
	[tilespmem:s18+$0xFFFFFD20] =	vst v11;
	v11 =	vand.u32 $0xFF, v18  }
0x421: {  	v17 =	vld [tilespmem:s31+$0xFFFFFF90];
	[tilespmem:s18+$0xFFFFFCB0] =	vst v11;
	v11 =	vand.u32 $0xFF, v19  }
0x422: {  	v13 =	vld.idx.msk [tilespmem:v13+s14+$0x0], $0xffff;
	v20 =	vshrl.u32 v9, $0x8;
	v19 =	vshrl.u32 v9, $0x10;
	v9 =	vshrl.u32 v9, $0x18;
	[tilespmem:s18+$0xFFFFFD30] =	vst v11  }
0x423: {  	v18 =	vld [tilespmem:s31+$0xFFFFFFA0];
	v11 =	vand.u32 $0xFF, v20;
	[tilespmem:s18+$0xFFFFFDC0] =	vst v9  }
0x424: {  	v3 =	vld.idx.msk [tilespmem:v3+s14+$0x0], $0xffff;
	[tilespmem:s18+$0xFFFFFCC0] =	vst v11;
	v11 =	vand.u32 $0xFF, v19  }
0x425: {  	v20 =	vld [tilespmem:s31+$0xFFFFFFB0];
	v21 =	vshrl.u32 v7, $0x8;
	v34 =	vand.u32 $0xFF, v7;
	[tilespmem:s18+$0xFFFFFD40] =	vst v11  }
0x426: {  	v35 =	vshrl.u32 v7, $0x18;
	v11 =	vand.u32 $0xFF, v21;
	v21 =	vld [tilespmem:s31+$0xFFFFFFC0];
	[tilespmem:s18+$0xFFFFFC50] =	vst v34  }
0x427: {  	v19 =	vshrl.u32 v13, $0x8;
	[tilespmem:s18+$0xFFFFFDD0] =	vst v35;
	v15 =	vld.idx.msk [tilespmem:v15+s14+$0x0], $0xffff  }
0x428: {  	v22 =	vshrl.u32 v13, $0x10;
	v19 =	vand.u32 $0xFF, v19;
	[tilespmem:s18+$0xFFFFFCD0] =	vst v11;
	v11 =	vld.idx.msk [tilespmem:v16+s14+$0x0], $0xffff  }
0x429: {  	[tilespmem:s18+$0xFFFFFC90] =	vst v19;
	v19 =	vand.u32 $0xFF, v22;
	v16 =	vshrl.u32 v7, $0x10;
	v17 =	vld.idx.msk [tilespmem:v17+s14+$0x0], $0xffff  }
0x42a: {  	v22 =	vld [tilespmem:s31+$0xFFFFFFD0];
	v23 =	vshrl.u32 v3, $0x8;
	[tilespmem:s18+$0xFFFFFD10] =	vst v19;
	v16 =	vand.u32 $0xFF, v16  }
0x42b: {  	v19 =	vshrl.u32 v3, $0x10;
	[tilespmem:s18+$0xFFFFFD50] =	vst v16;
	v16 =	vand.u32 $0xFF, v23  }
0x42c: {  	v18 =	vld.idx.msk [tilespmem:v18+s14+$0x0], $0xffff;
	[tilespmem:s18+$0xFFFFFCE0] =	vst v16;
	v16 =	vand.u32 $0xFF, v19;
	v24 =	vshrl.u32 v15, $0x8  }
0x42d: {  	v23 =	vld [tilespmem:s31+$0xFFFFFFE0];
	[tilespmem:s18+$0xFFFFFD60] =	vst v16;
	v19 =	vshrl.u32 v15, $0x10;
	v16 =	vand.u32 $0xFF, v24  }
0x42e: {  	v28 =	vld.idx.msk [tilespmem:v20+s14+$0x0], $0xffff;
	v20 =	vshrl.u32 v17, $0x8;
	[tilespmem:s18+$0xFFFFFCF0] =	vst v16;
	v16 =	vand.u32 $0xFF, v19  }
0x42f: {  	v25 =	vshrl.u32 v11, $0x8;
	v29 =	vld.idx.msk [tilespmem:v21+s14+$0x0], $0xffff;
	v20 =	vand.u32 $0xFF, v20;
	[tilespmem:s18+$0xFFFFFD70] =	vst v16  }
0x430: {  	v19 =	vshrl.u32 v11, $0x10;
	v16 =	vand.u32 $0xFF, v25;
	[tilespmem:s18+$0xFFFFFE90] =	vst v20  }
0x431: {  	v24 =	vld [tilespmem:s31+$0xFFFFFFF0];
	v19 =	vand.u32 $0xFF, v19;
	v20 =	vshrl.u32 v18, $0x10;
	[tilespmem:s18+$0xFFFFFD00] =	vst v16  }
0x432: {  	v30 =	vld.idx.msk [tilespmem:v22+s14+$0x0], $0xffff;
	v16 =	vshrl.u32 v17, $0x10;
	[tilespmem:s18+$0xFFFFFD80] =	vst v19;
	v20 =	vand.u32 $0xFF, v20  }
0x433: {  	v19 =	vshrl.u32 v18, $0x8;
	v16 =	vand.u32 $0xFF, v16;
	[tilespmem:s18+$0xFFFFFF20] =	vst v20  }
0x434: {  	v19 =	vand.u32 $0xFF, v19;
	v20 =	vshrl.u32 v29, $0x8;
	[tilespmem:s18+$0xFFFFFF10] =	vst v16  }
0x435: {  	v31 =	vld.idx.msk [tilespmem:v23+s14+$0x0], $0xffff;
	v16 =	vshrl.u32 v28, $0x8;
	[tilespmem:s18+$0xFFFFFEA0] =	vst v19;
	v20 =	vand.u32 $0xFF, v20  }
0x436: {  	v19 =	vshrl.u32 v28, $0x10;
	v16 =	vand.u32 $0xFF, v16;
	[tilespmem:s18+$0xFFFFFEC0] =	vst v20  }
0x437: {  	v27 =	vand.u32 $0xFF, v3;
	v19 =	vand.u32 $0xFF, v19;
	v20 =	vshrl.u32 v30, $0x10;
	[tilespmem:s18+$0xFFFFFEB0] =	vst v16  }
0x438: {  	v26 =	vand.u32 $0xFF, v15;
	v16 =	vshrl.u32 v29, $0x10;
	[tilespmem:s18+$0xFFFFFF30] =	vst v19;
	v20 =	vand.u32 $0xFF, v20  }
0x439: {  	v22 =	vand.u32 $0xFF, v11;
	v19 =	vshrl.u32 v30, $0x8;
	v32 =	vld.idx.msk [tilespmem:v24+s14+$0x0], $0xffff;
	v16 =	vand.u32 $0xFF, v16;
	[tilespmem:s18+$0xFFFFFF50] =	vst v20  }
0x43a: {  	v21 =	vand.u32 $0xFF, v17;
	v19 =	vand.u32 $0xFF, v19;
	[tilespmem:s18+$0xFFFFFF40] =	vst v16;
	v16 =	vshrl.u32 v31, $0x8  }
0x43b: {  	v25 =	vshrl.u32 v3, $0x18;
	[tilespmem:s18+$0xFFFFFED0] =	vst v19;
	v19 =	vshrl.u32 v31, $0x10;
	v16 =	vand.u32 $0xFF, v16  }
0x43c: {  	v23 =	vshrl.u32 v11, $0x18;
	v11 =	vshrl.u32 v29, $0x18;
	v19 =	vand.u32 $0xFF, v19;
	[tilespmem:s18+$0xFFFFFEE0] =	vst v16  }
0x43d: {  	v3 =	vshrl.u32 v30, $0x18;
	v24 =	vshrl.u32 v15, $0x18;
	[tilespmem:s18+$0xFFFFFF60] =	vst v19;
	v19 =	vand.u32 $0xFF, v13  }
0x43e: {  	v15 =	vand.u32 $0xFF, v29;
	v13 =	vshrl.u32 v13, $0x18;
	[tilespmem:s18+$0xFFFFFC10] =	vst v19;
	v20 =	vshrl.u32 v32, $0x8  }
0x43f: {  	v0 =	vand.u32 $0xFF, v31;
	[tilespmem:s18+$0xFFFFFD90] =	vst v13;
	v16 =	vshrl.u32 v32, $0x10;
	v20 =	vand.u32 $0xFF, v20  }
0x440: {  	v19 =	vshrl.u32 v17, $0x18;
	v17 =	vshrl.u32 v28, $0x18;
	v16 =	vand.u32 $0xFF, v16;
	[tilespmem:s18+$0xFFFFFEF0] =	vst v20  }
0x441: {  	v13 =	vshrl.u32 v31, $0x18;
	v7 =	vand.u32 $0xFF, v32;
	[tilespmem:s18+$0xFFFFFF70] =	vst v16;
	v16 =	vand.u32 $0xFF, v5  }
0x442: {  	v9 =	vshrl.u32 v32, $0x18;
	v5 =	vshrl.u32 v5, $0x18;
	v20 =	vand.u32 $0xFF, v18;
	[tilespmem:s18+$0xFFFFFC30] =	vst v16  }
0x443: {  	s20 =	simm.s32 $0x100;
	s21 =	simm.s32 $0x1810;
	s19 =	simm.s32 $0x6A10;
	v18 =	vshrl.u32 v18, $0x18;
	[tilespmem:s18+$0xFFFFFDB0] =	vst v5;
	v16 =	vand.u32 $0xFF, v28;
	v5 =	vand.u32 $0xFF, v30  }
.LBB2_4:
0x444: {  	v28 =	vld [tilespmem:s21+$0x0];
	s20 =	sadd.s32 $0x10, s20;
	[tilespmem:s18+$0xFFFFFC60] =	vst v27  }
0x445: {  	v27 =	vld [tilespmem:s21+$0xFFFFFF20];
	p0 =	slt.u32 s20, $0x1F0;
	[tilespmem:s18+$0xFFFFFDE0] =	vst v25  }
0x446: {  	v25 =	vld [tilespmem:s21+$0xFFFFFF30];
	[tilespmem:s18+$0xFFFFFC70] =	vst v26  }
0x447: {  	v26 =	vld [tilespmem:s21+$0xFFFFFF40];
	[tilespmem:s18+$0xFFFFFDF0] =	vst v24  }
0x448: {  	v24 =	vld [tilespmem:s21+$0xFFFFFF50];
	[tilespmem:s18+$0xFFFFFC80] =	vst v22  }
0x449: {  	v22 =	vld [tilespmem:s21+$0xFFFFFF60];
	[tilespmem:s18+$0xFFFFFE00] =	vst v23  }
0x44a: {  	v23 =	vld [tilespmem:s21+$0xFFFFFF70];
	[tilespmem:s18+$0xFFFFFE10] =	vst v21  }
0x44b: {  	v21 =	vld [tilespmem:s21+$0xFFFFFF80];
	[tilespmem:s18+$0xFFFFFF90] =	vst v19  }
0x44c: {  	v19 =	vld.idx.msk [tilespmem:v28+s14+$0x0], $0xffff;
	[tilespmem:s18+$0xFFFFFE20] =	vst v20  }
0x44d: {  	v20 =	vld [tilespmem:s21+$0xFFFFFF90];
	[tilespmem:s18+$0xFFFFFFA0] =	vst v18  }
0x44e: {  	v18 =	vld [tilespmem:s21+$0xFFFFFFA0];
	[tilespmem:s18+$0xFFFFFE30] =	vst v16  }
0x44f: {  	v16 =	vld [tilespmem:s21+$0xFFFFFFB0];
	[tilespmem:s18+$0xFFFFFFB0] =	vst v17  }
0x450: {  	v17 =	vld [tilespmem:s21+$0xFFFFFFC0];
	[tilespmem:s18+$0xFFFFFE40] =	vst v15  }
0x451: {  	v15 =	vld [tilespmem:s21+$0xFFFFFFD0];
	[tilespmem:s18+$0xFFFFFFC0] =	vst v11  }
0x452: {  	v29 =	vand.u32 $0xFF, v19;
	v11 =	vshrl.u32 v19, $0x8;
	v30 =	vshrl.u32 v19, $0x10;
	v28 =	vld [tilespmem:s21+$0xFFFFFFE0];
	[tilespmem:s18+$0xFFFFFE50] =	vst v5  }
0x453: {  	v19 =	vshrl.u32 v19, $0x18;
	v5 =	vand.u32 $0xFF, v11;
	v11 =	vand.u32 $0xFF, v30;
	s18 =	sadd.s32 $0x400, s18;
	v31 =	vld [tilespmem:s21+$0xFFFFFFF0];
	[tilespmem:s19+$0xFFFFFFD0] =	vst v3  }
0x454: {  	v30 =	vld [tilespmem:s21+$0xFFFFFF10];
	[tilespmem:s18+$0xFFFFFF80] =	vst v11  }
0x455: {  	v3 =	vld.idx.msk [tilespmem:v27+s14+$0x0], $0xffff;
	[tilespmem:s18+$0xFFFFFF00] =	vst v5  }
0x456: {  	v11 =	vld.idx.msk [tilespmem:v25+s14+$0x0], $0xffff;
	[tilespmem:s19+$0xFFFFFE60] =	vst v0  }
0x457: {  	v5 =	vld.idx.msk [tilespmem:v26+s14+$0x0], $0xffff;
	[tilespmem:s19+$0xFFFFFFE0] =	vst v13  }
0x458: {  	v0 =	vld.idx.msk [tilespmem:v24+s14+$0x0], $0xffff;
	[tilespmem:s19+$0xFFFFFE70] =	vst v7  }
0x459: {  	v7 =	vld.idx.msk [tilespmem:v22+s14+$0x0], $0xffff;
	[tilespmem:s19+$0xFFFFFFF0] =	vst v9;
	s19 =	smov.u32 s18  }
0x45a: {  	v9 =	vld.idx.msk [tilespmem:v23+s14+$0x0], $0xffff;
	[tilespmem:s18+$0xFFFFFE80] =	vst v29  }
0x45b: {  	v22 =	vand.u32 $0xFF, v3;
	v23 =	vshrl.u32 v3, $0x8;
	v24 =	vshrl.u32 v3, $0x10;
	v13 =	vld.idx.msk [tilespmem:v21+s14+$0x0], $0xffff;
	[tilespmem:s18+$0x0] =	vst v19  }
0x45c: {  	v21 =	vand.u32 $0xFF, v23;
	v23 =	vshrl.u32 v11, $0x10;
	v19 =	vld.idx.msk [tilespmem:v30+s14+$0x0], $0xffff;
	[tilespmem:s18+$0xFFFFFC20] =	vst v22;
	v22 =	vshrl.u32 v11, $0x8  }
0x45d: {  	v25 =	vshrl.u32 v5, $0x10;
	[tilespmem:s18+$0xFFFFFCA0] =	vst v21;
	v21 =	vand.u32 $0xFF, v24;
	v24 =	vshrl.u32 v5, $0x8;
	v20 =	vld.idx.msk [tilespmem:v20+s14+$0x0], $0xffff  }
0x45e: {  	v26 =	vshrl.u32 v0, $0x10;
	[tilespmem:s18+$0xFFFFFD20] =	vst v21;
	v21 =	vand.u32 $0xFF, v22;
	v22 =	vshrl.u32 v0, $0x8;
	v18 =	vld.idx.msk [tilespmem:v18+s14+$0x0], $0xffff  }
0x45f: {  	v27 =	vshrl.u32 v7, $0x10;
	[tilespmem:s18+$0xFFFFFCB0] =	vst v21;
	v21 =	vand.u32 $0xFF, v23;
	v23 =	vshrl.u32 v7, $0x8;
	v29 =	vld.idx.msk [tilespmem:v16+s14+$0x0], $0xffff  }
0x460: {  	v16 =	vand.u32 $0xFF, v24;
	v24 =	vshrl.u32 v9, $0x10;
	[tilespmem:s18+$0xFFFFFD30] =	vst v21;
	v21 =	vshrl.u32 v9, $0x8;
	v30 =	vld.idx.msk [tilespmem:v17+s14+$0x0], $0xffff  }
0x461: {  	v17 =	vshrl.u32 v13, $0x8;
	[tilespmem:s18+$0xFFFFFCC0] =	vst v16;
	v16 =	vand.u32 $0xFF, v25;
	v25 =	vshrl.u32 v13, $0x10;
	v32 =	vld.idx.msk [tilespmem:v15+s14+$0x0], $0xffff  }
0x462: {  	v15 =	vshrl.u32 v19, $0x8;
	v33 =	vshrl.u32 v19, $0x10;
	[tilespmem:s18+$0xFFFFFD40] =	vst v16;
	v16 =	vand.u32 $0xFF, v22;
	v28 =	vld.idx.msk [tilespmem:v28+s14+$0x0], $0xffff  }
0x463: {  	v15 =	vand.u32 $0xFF, v15;
	v22 =	vshrl.u32 v20, $0x10;
	[tilespmem:s18+$0xFFFFFCD0] =	vst v16;
	v16 =	vshrl.u32 v20, $0x8;
	v31 =	vld.idx.msk [tilespmem:v31+s14+$0x0], $0xffff  }
0x464: {  	v34 =	vshrl.u32 v18, $0x10;
	[tilespmem:s18+$0xFFFFFC90] =	vst v15;
	v15 =	vand.u32 $0xFF, v33;
	v33 =	vshrl.u32 v18, $0x8  }
0x465: {  	v35 =	vshrl.u32 v29, $0x10;
	[tilespmem:s18+$0xFFFFFD10] =	vst v15;
	v15 =	vand.u32 $0xFF, v26;
	v26 =	vshrl.u32 v29, $0x8  }
0x466: {  	v36 =	vshrl.u32 v30, $0x10;
	[tilespmem:s18+$0xFFFFFD50] =	vst v15;
	v15 =	vand.u32 $0xFF, v23;
	v23 =	vshrl.u32 v30, $0x8  }
0x467: {  	v37 =	vshrl.u32 v32, $0x10;
	[tilespmem:s18+$0xFFFFFCE0] =	vst v15;
	v15 =	vand.u32 $0xFF, v27;
	v27 =	vshrl.u32 v32, $0x8  }
0x468: {  	v38 =	vshrl.u32 v28, $0x10;
	[tilespmem:s18+$0xFFFFFD60] =	vst v15;
	v15 =	vand.u32 $0xFF, v21;
	v21 =	vshrl.u32 v28, $0x8  }
0x469: {  	v39 =	vshrl.u32 v31, $0x10;
	[tilespmem:s18+$0xFFFFFCF0] =	vst v15;
	v15 =	vand.u32 $0xFF, v24;
	v24 =	vshrl.u32 v31, $0x8  }
0x46a: {  	v16 =	vand.u32 $0xFF, v16;
	[tilespmem:s18+$0xFFFFFD70] =	vst v15;
	v15 =	vand.u32 $0xFF, v17;
	v17 =	vand.u32 $0xFF, v25  }
0x46b: {  	v25 =	vand.u32 $0xFF, v34;
	[tilespmem:s18+$0xFFFFFD00] =	vst v15;
	v15 =	vand.u32 $0xFF, v22;
	v22 =	vand.u32 $0xFF, v33  }
0x46c: {  	v23 =	vand.u32 $0xFF, v23;
	[tilespmem:s18+$0xFFFFFD80] =	vst v17;
	v17 =	vand.u32 $0xFF, v26;
	v26 =	vand.u32 $0xFF, v35  }
0x46d: {  	v34 =	vand.u32 $0xFF, v37;
	v33 =	vand.u32 $0xFF, v27;
	[tilespmem:s18+$0xFFFFFE90] =	vst v16;
	v16 =	vand.u32 $0xFF, v36  }
0x46e: {  	v37 =	vand.u32 $0xFF, v24;
	v35 =	vand.u32 $0xFF, v21;
	v36 =	vand.u32 $0xFF, v38;
	[tilespmem:s18+$0xFFFFFF10] =	vst v15  }
0x46f: {  	v40 =	vshrl.u32 v19, $0x18;
	v39 =	vand.u32 $0xFF, v39;
	v38 =	vand.u32 $0xFF, v19;
	[tilespmem:s18+$0xFFFFFEA0] =	vst v22  }
0x470: {  	v41 =	vshrl.u32 v3, $0x18;
	v42 =	vand.u32 $0xFF, v11;
	v43 =	vshrl.u32 v11, $0x18;
	[tilespmem:s18+$0xFFFFFF20] =	vst v25  }
0x471: {  	v44 =	vand.u32 $0xFF, v5;
	v45 =	vshrl.u32 v5, $0x18;
	v46 =	vand.u32 $0xFF, v0;
	[tilespmem:s18+$0xFFFFFEB0] =	vst v17  }
0x472: {  	v47 =	vshrl.u32 v0, $0x18;
	v27 =	vand.u32 $0xFF, v7;
	v25 =	vshrl.u32 v7, $0x18;
	[tilespmem:s18+$0xFFFFFF30] =	vst v26  }
0x473: {  	v24 =	vshrl.u32 v9, $0x18;
	v22 =	vand.u32 $0xFF, v13;
	v26 =	vand.u32 $0xFF, v9;
	[tilespmem:s18+$0xFFFFFEC0] =	vst v23  }
0x474: {  	v21 =	vand.u32 $0xFF, v20;
	v19 =	vshrl.u32 v20, $0x18;
	v23 =	vshrl.u32 v13, $0x18;
	[tilespmem:s18+$0xFFFFFF40] =	vst v16  }
0x475: {  	v20 =	vand.u32 $0xFF, v18;
	v18 =	vshrl.u32 v18, $0x18;
	v16 =	vand.u32 $0xFF, v29;
	[tilespmem:s18+$0xFFFFFED0] =	vst v33  }
0x476: {  	v11 =	vshrl.u32 v30, $0x18;
	v15 =	vand.u32 $0xFF, v30;
	v17 =	vshrl.u32 v29, $0x18;
	[tilespmem:s18+$0xFFFFFF50] =	vst v34  }
0x477: {  	v5 =	vand.u32 $0xFF, v32;
	v3 =	vshrl.u32 v32, $0x18;
	v0 =	vand.u32 $0xFF, v28;
	[tilespmem:s18+$0xFFFFFEE0] =	vst v35  }
0x478: {  	v7 =	vand.u32 $0xFF, v31;
	v9 =	vshrl.u32 v31, $0x18;
	v13 =	vshrl.u32 v28, $0x18;
	[tilespmem:s18+$0xFFFFFF60] =	vst v36  }
0x479: {  	[tilespmem:s18+$0xFFFFFEF0] =	vst v37  }
0x47a: {  	[tilespmem:s18+$0xFFFFFF70] =	vst v39  }
0x47b: {  	[tilespmem:s18+$0xFFFFFC10] =	vst v38  }
0x47c: {  	[tilespmem:s18+$0xFFFFFD90] =	vst v40  }
0x47d: {  	[tilespmem:s18+$0xFFFFFDA0] =	vst v41  }
0x47e: {  	[tilespmem:s18+$0xFFFFFC30] =	vst v42  }
.Ltmp1:
0x47f: {  	[tilespmem:s18+$0xFFFFFDB0] =	vst v43;
	(pc) =	sbr.rel @p0 .LBB2_4-.Ltmp1, $4  }
0x480: {  	[tilespmem:s18+$0xFFFFFC40] =	vst v44  }
0x481: {  	[tilespmem:s18+$0xFFFFFDC0] =	vst v45  }
0x482: {  	[tilespmem:s18+$0xFFFFFC50] =	vst v46  }
0x483: {  	s21 =	sadd.s32 $0x100, s21;
	[tilespmem:s18+$0xFFFFFDD0] =	vst v47  }
0x484: {  	[tilespmem:s18+$0xFFFFFC60] =	vst v27  }
0x485: {  	[tilespmem:s18+$0xFFFFFDE0] =	vst v25  }
0x486: {  	[tilespmem:s18+$0xFFFFFC70] =	vst v26  }
0x487: {  	[tilespmem:s18+$0xFFFFFDF0] =	vst v24  }
0x488: {  	[tilespmem:s18+$0xFFFFFC80] =	vst v22  }
0x489: {  	[tilespmem:s18+$0xFFFFFE00] =	vst v23  }
0x48a: {  	[tilespmem:s18+$0xFFFFFE10] =	vst v21  }
0x48b: {  	[tilespmem:s18+$0xFFFFFF90] =	vst v19  }
0x48c: {  	[tilespmem:s18+$0xFFFFFE20] =	vst v20  }
0x48d: {  	[tilespmem:s18+$0xFFFFFFA0] =	vst v18  }
0x48e: {  	[tilespmem:s18+$0xFFFFFE30] =	vst v16  }
0x48f: {  	[tilespmem:s18+$0xFFFFFFB0] =	vst v17  }
0x490: {  	[tilespmem:s18+$0xFFFFFE40] =	vst v15  }
0x491: {  	[tilespmem:s18+$0xFFFFFFC0] =	vst v11  }
0x492: {  	[tilespmem:s18+$0xFFFFFE50] =	vst v5  }
0x493: {  	[tilespmem:s19+$0xFFFFFE60] =	vst v0  }
0x494: {  	[tilespmem:s19+$0xFFFFFFE0] =	vst v13  }
0x495: {  	[tilespmem:s19+$0xFFFFFE70] =	vst v7  }
0x496: {  	[tilespmem:s19+$0xFFFFFFF0] =	vst v9  }
0x497: {  	s17 =	sadd.s32 $0x1, s17;
	[tilespmem:s19+$0xFFFFFFD0] =	vst v3  }
0x498: {  	[hbm4b:s7+s2] =	stream.linear.scatter [tilespmem:s16], [sflag:$0x2], $0x4000, $0x38;
	[tilespmem:$0xA620] =	vst v63  }
0x499: {  	p0 =	sne.s32 s17, s8;
	_ =	swait.ge [sflag:s10], $0x4000  }
.Ltmp2:
0x49a: {  	[sflag:s10] =	ssyncset.done $0x0;
	(pc) =	sbr.rel @p0 .LBB2_1-.Ltmp2, $4  }
0x49b: {  	[sflag:s10] =	ssyncadd.s32 $0xFFFFC000  }
0x49c: {  	_ =	swait.ge [sflag:s13], $0x4000  }
0x49d: {  	[sflag:s13] =	ssyncset.done $0x0  }
0x49e: {  	[sflag:s13] =	ssyncadd.s32 $0xFFFFC000  }
0x49f: {  	_ =	sfence.sel $0x180000  }
0x4a0: {  	[bflag:$0x0] =	sbarrier.arrive $0xFFFF  }
0x4a1: {  	p0 =	sne.s32 s0, $0x0;
	_ =	strace $0x90000047  }
0x4a2: {  	s0 =	sadd.s32 @!p0 $0x100000, s1;
	[bflag:$0x2] =	sbarrier.arrive $0xFFFF  }
0x4a3: {  	[sflag:s0] =	ssyncadd.tile.s32 @!p0 $0x1;
	_ =	shalt  }
.Lfunc_end2:
_tile_overlayer_lowered:
.L_overlay_start_2:
0x4a4: {  	(tag) =	ssettag $0x2  }
0x4a5: {  	s0 =	rddreg [dreg:$0x0];
	s2 =	stileid.u32  }
0x4a6: {  	s1 =	rddreg [dreg:$0x1];
	p0 =	sne.s32 s2, $0x0  }
0x4a7: {  	s3 =	rddreg [dreg:$0x2];
	[bflag:$0x3] =	sbarrier.arrive $0xFFFF;
	s2 =	simm.s32 @!p0 $0x1C02  }
0x4a8: {  	[timem:s3], [sflag:s2] =	dma.local @!p0 [hbm:s0], s1  }
0x4a9: {  	s0 =	simm.s32 @!p0 $0x2  }
0x4aa: {  	_ =	swait.ge @!p0 [sflag:s0], s1  }
0x4ab: {  	s1 =	ssub.s32 @!p0 $0x0, s1;
	[sflag:s0] =	ssyncset.done @!p0 $0x0  }
0x4ac: {  	[sflag:s0] =	ssyncadd.s32 @!p0 s1  }
0x4ad: {  	[bflag:$0x3] =	sbarrier.arrive $0xFFFF  }
0x4ae: {  	_ =	shalt  }

</sc_bundles>
